<compile_context>
chip_gen: v7x
topology: tpu7x:2x2x1
jax: 0.10.2.dev20260603
libtpu: 0.0.44.dev20260713+nightly
codegen_flags: <defaults>
</compile_context>

<pallas_src>
import functools

import jax
import jax.numpy as jnp
from jax import lax
from jax.experimental import pallas as pl
from jax.experimental.pallas import tpu as pltpu
from jax.experimental.pallas import tpu_sc as plsc

K_TOP = 16
CHUNK = 128
NC = 2
NS = 16
NW = NC * NS


def _relayout_body(xt_ref, lin_ref, m_ref):
    d = xt_ref[0]
    hb, c, w = d.shape
    d = jnp.transpose(d, (0, 2, 1))
    g = hb * w // 4
    d3 = d.reshape(g, 4, c)
    r0, r1, r2, r3 = d3[:, 0], d3[:, 1], d3[:, 2], d3[:, 3]
    o0 = jnp.concatenate([r0, r1[:, 0:32]], axis=1)
    o1 = jnp.concatenate([r1[:, 32:96], r2[:, 0:64]], axis=1)
    o2 = jnp.concatenate([r2[:, 64:96], r3], axis=1)
    out = jnp.stack([o0, o1, o2], axis=1)
    lin = out.reshape(3 * g, CHUNK)
    lin_ref[...] = lin
    m_ref[...] = jnp.max(lin.reshape(3 * g // 128, 128, CHUNK), axis=2)[None]


def _merge_desc_into_asc(s_asc, v_desc):
    return jnp.maximum(s_asc, v_desc)


def _sc_body(m_hbm, x_hbm, out_hbm, m_v, idx_v, rows_v, out_v, sem,
             *, rows_per_w, n_chunks):
    wid = lax.axis_index("s") * NC + lax.axis_index("c")
    iota = lax.iota(jnp.int32, 16)
    n_mvec = (n_chunks + 15) // 16
    tail = n_chunks - (n_mvec - 1) * 16
    neg = jnp.float32(-jnp.inf)

    def row_body(t, carry):
        r = wid * rows_per_w + t
        pltpu.sync_copy(m_hbm.at[pl.ds(r * n_chunks, n_chunks)],
                        m_v.at[pl.ds(0, n_chunks)])

        sk, sv = plsc.sort_key_val(m_v[pl.ds(0, 16)], iota)
        for j in range(1, n_mvec):
            v = m_v[pl.ds(j * 16, 16)]
            if j == n_mvec - 1 and tail < 16:
                v = jnp.where(iota < tail, v, neg)
            vk, vv = plsc.sort_key_val(v, iota + (j * 16), descending=True)
            cond = sk >= vk
            nk = jnp.where(cond, sk, vk)
            nv = jnp.where(cond, sv, vv)
            sk, sv = plsc.sort_key_val(nk, nv)

        gidx = lax.rev(sv, (0,)) + r * n_chunks
        idx_v[...] = gidx
        pltpu.async_copy(x_hbm.at[idx_v], rows_v, sem).wait()

        s = lax.sort(rows_v[0, pl.ds(0, 16)])
        smin = jnp.min(s)

        def merge(s, smin, v):
            vd, _ = plsc.sort_key_val(v, iota, descending=True)
            sb = _merge_desc_into_asc(s, vd)
            return lax.sort(sb), jnp.min(sb)

        def skip(s, smin, v):
            return s, smin

        for i in range(K_TOP):
            for j in range(CHUNK // 16):
                if i == 0 and j == 0:
                    continue
                v = rows_v[i, pl.ds(j * 16, 16)]
                mx = jnp.max(v)
                s, smin = lax.cond(mx > smin, merge, skip, s, smin, v)

        mean = jnp.sum(s) * (1.0 / K_TOP)
        out_v[t] = jnp.full((16,), mean, jnp.float32)
        return carry

    lax.fori_loop(0, rows_per_w, row_body, jnp.int32(0))
    pltpu.sync_copy(out_v, out_hbm.at[pl.ds(wid * rows_per_w, rows_per_w)])


def kernel(inputs):
    b, h, w, c = inputs.shape
    hw = h * w
    rows = b * c
    assert hw % CHUNK == 0 and rows % NW == 0
    n_chunks = hw // CHUNK
    m_pad = ((n_chunks + 15) // 16) * 16
    rows_per_w = rows // NW
    n_total = rows * n_chunks

    xt = inputs.transpose(0, 1, 3, 2)
    hb = 16
    n_blk = hb * w * c // CHUNK
    grid_h = h // hb
    n_grid = b * grid_h
    lin, m3 = pl.pallas_call(
        _relayout_body,
        grid=(b, grid_h),
        in_specs=[pl.BlockSpec((1, hb, c, w), lambda i, j: (i, j, 0, 0))],
        out_specs=[
            pl.BlockSpec((n_blk, CHUNK), lambda i, j, gh=grid_h: (i * gh + j, 0)),
            pl.BlockSpec((1, n_blk // 128, 128),
                         lambda i, j, gh=grid_h: (i * gh + j, 0, 0)),
        ],
        out_shape=[
            jax.ShapeDtypeStruct((n_total, CHUNK), jnp.float32),
            jax.ShapeDtypeStruct((n_grid, n_blk // 128, 128), jnp.float32),
        ],
    )(xt)

    mesh = plsc.VectorSubcoreMesh(
        core_axis_name="c", subcore_axis_name="s",
        num_cores=NC, num_subcores=NS)
    sc = pl.kernel(
        functools.partial(_sc_body, rows_per_w=rows_per_w,
                          n_chunks=n_chunks),
        out_type=jax.ShapeDtypeStruct((rows, 16), jnp.float32),
        mesh=mesh,
        scratch_types=[
            pltpu.VMEM((m_pad,), jnp.float32),
            pltpu.VMEM((16,), jnp.int32),
            pltpu.VMEM((K_TOP, CHUNK), jnp.float32),
            pltpu.VMEM((rows_per_w, 16), jnp.float32),
            pltpu.SemaphoreType.DMA,
        ],
        compiler_params=pltpu.CompilerParams(needs_layout_passes=False),
    )
    out16 = sc(m3.reshape(n_total), lin)
    return out16[:, 0].reshape(b, c)

# --- scband reference (transcript-rebuilt; emitter-appended) ---
"""Pipeline reference for scband-global-kmax-pooling2-d-16449724744944 (READ-ONLY COPY).

The authoritative reference and input builder live on the scoring server;
editing this copy changes nothing except your own understanding.
"""

import jax, jax.numpy as jnp
import numpy as np

K_TOPK = 16

def setup_inputs(seed: int = 0) -> dict:
    key = jax.random.key(seed)
    x = jax.random.normal(key, (8, 224, 224, 96), dtype=jnp.float32)
    return {"inputs": x}

def reference(inputs):
    # Faithful translation of GlobalKMaxPooling2D.call (channels_last path).
    # Note: the original uses tf.reshape (NOT transpose) to go from
    # [B, H*W, C] to [B, C, H*W]; we replicate that exactly.
    b = inputs.shape[0]
    c = inputs.shape[3]
    input_reshaped = jnp.reshape(inputs, (b, -1, c))          # [B, H*W, C]
    hw = input_reshaped.shape[1]
    input_reshaped = jnp.reshape(input_reshaped, (b, c, hw))  # [B, C, H*W] via reshape (as in original)
    top_k_vals = jax.lax.top_k(input_reshaped, K_TOPK)[0]     # [B, C, k], sorted descending
    mean = jnp.mean(top_k_vals, axis=2)                        # [B, C]
    return mean

if __name__ == "__main__":
    import jax
    _d = setup_inputs()
    print(jax.jit(kernel)(*tuple(_d.values())))

</pallas_src>

<mosaic_0001>
#map = affine_map<(d0, d1) -> (0)>
#map1 = affine_map<(d0, d1) -> (0, 0)>
module attributes {stable_mosaic.version = 14 : i64} {
  func.func @_sc_body(%arg0: i32, %arg1: i32, %arg2: memref<301056xf32, #tpu.memory_space<hbm>>, %arg3: memref<301056x128xf32, #tpu.memory_space<hbm>>, %arg4: memref<768x16xf32, #tpu.memory_space<hbm>>, %arg5: memref<400xf32, #tpu.memory_space<vmem>>, %arg6: memref<16xi32, #tpu.memory_space<vmem>>, %arg7: memref<16x128xf32, #tpu.memory_space<vmem>>, %arg8: memref<24x16xf32, #tpu.memory_space<vmem>>, %arg9: memref<!tpu.dma_semaphore, #tpu.memory_space<semaphore_mem>>) attributes {dimension_semantics = [#tpu.dimension_semantics<core_parallel>, #tpu.dimension_semantics<subcore_parallel>], iteration_bounds = array<i64: 2, 16>, scalar_prefetch = 0 : i64, scratch_operands = 5 : i64, tpu.core_type = #tpu.core_type<sc_vector_subcore>, window_params = [{transform_indices = #map}, {transform_indices = #map1}, {transform_indices = #map1}]} {
    %mul3A = arith.constant 2 : i32
    %mul3A_0 = arith.muli %arg1, %mul3A : i32
    %add3A = arith.addi %mul3A_0, %arg0 : i32
    %iota3A = tpu.iota {dimensions = array<i32: 0>} : vector<16xi32>
    %scan3A = arith.constant 0 : i32
    %scan3A_1 = arith.constant 0xFF800000 : f32
    %scan3A_2 = arith.constant 0 : i32
    %scan3A_3 = arith.constant 24 : i32
    %scan3A_4 = arith.addi %scan3A_2, %scan3A_3 : i32
    %scan3A_5 = arith.constant 1 : i32
    scf.for %scan3A_9 = %scan3A_2 to %scan3A_4 step %scan3A_5  : i32 {
      %mul3A_10 = arith.constant 24 : i32
      %mul3A_11 = arith.muli %add3A, %mul3A_10 : i32
      %add3A_12 = arith.addi %mul3A_11, %scan3A_9 : i32
      %mul3A_13 = arith.constant 392 : i32
      %mul3A_14 = arith.muli %add3A_12, %mul3A_13 : i32
      "tpu.region"() ({
        %run_scoped3A = tpu.sem_alloc : memref<!tpu.dma_semaphore, #tpu.memory_space<semaphore_mem>>
        %dma_start3A_2083 = arith.constant 0 : i32
        %dma_start3A_2084 = tpu.memref_slice %arg5[%dma_start3A_2083] : memref<400xf32, #tpu.memory_space<vmem>> -> memref<392xf32, #tpu.memory_space<vmem>>
        %dma_start3A_2085 = tpu.memref_slice %arg2[%mul3A_14] : memref<301056xf32, #tpu.memory_space<hbm>> -> memref<392xf32, #tpu.memory_space<hbm>>
        %dma_start3A_2086 = arith.constant 0 : i32
        %dma_start3A_2087 = tpu.memref_slice %arg5[%dma_start3A_2086] : memref<400xf32, #tpu.memory_space<vmem>> -> memref<392xf32, #tpu.memory_space<vmem>>
        %dma_start3A_2088 = tpu.memref_slice %arg2[%mul3A_14] : memref<301056xf32, #tpu.memory_space<hbm>> -> memref<392xf32, #tpu.memory_space<hbm>>
        tpu.enqueue_dma source(%dma_start3A_2088 : memref<392xf32, #tpu.memory_space<hbm>>) target(%dma_start3A_2087 : memref<392xf32, #tpu.memory_space<vmem>>) target_semaphore(%run_scoped3A : memref<!tpu.dma_semaphore, #tpu.memory_space<semaphore_mem>>)
        %dma_wait3A_2089 = arith.constant 0 : i32
        %dma_wait3A_2090 = tpu.memref_slice %arg5[%dma_wait3A_2089] : memref<400xf32, #tpu.memory_space<vmem>> -> memref<392xf32, #tpu.memory_space<vmem>>
        %dma_wait3A_2091 = tpu.memref_slice %arg2[%mul3A_14] : memref<301056xf32, #tpu.memory_space<hbm>> -> memref<392xf32, #tpu.memory_space<hbm>>
        %dma_wait3A_2092 = arith.constant 0 : i32
        %dma_wait3A_2093 = tpu.memref_slice %arg5[%dma_wait3A_2092] : memref<400xf32, #tpu.memory_space<vmem>> -> memref<392xf32, #tpu.memory_space<vmem>>
        %dma_wait3A_2094 = tpu.memref_slice %arg2[%mul3A_14] : memref<301056xf32, #tpu.memory_space<hbm>> -> memref<392xf32, #tpu.memory_space<hbm>>
        tpu.wait_dma2 semaphore(%run_scoped3A : memref<!tpu.dma_semaphore, #tpu.memory_space<semaphore_mem>>) src(%dma_wait3A_2094 : memref<392xf32, #tpu.memory_space<hbm>>) dst(%dma_wait3A_2093 : memref<392xf32, #tpu.memory_space<vmem>>)
        tpu.yield
      }) : () -> ()
      %get3A = arith.constant 0 : index
      %get3A_15 = tpu.vector_load %arg5[%get3A] {strides = array<i32>} : memref<400xf32, #tpu.memory_space<vmem>>, vector<16xf32>,
      %masked_sort3A = arith.constant dense<true> : vector<16xi1>
      %masked_sort3A_16, %masked_sort3A_17, %masked_sort3A_18 = tpu.sort %get3A_15, %iota3A masked %masked_sort3A : (vector<16xf32>, vector<16xi32>, vector<16xi1>) -> (vector<16xi1>, vector<16xf32>, vector<16xi32>)
      %get3A_19 = arith.constant 16 : index
      %get3A_20 = tpu.vector_load %arg5[%get3A_19] {strides = array<i32>} : memref<400xf32, #tpu.memory_space<vmem>>, vector<16xf32>,
      %add3A_21 = arith.constant 16 : i32
      %add3A_22 = vector.broadcast %add3A_21 : i32 to vector<16xi32>
      %add3A_23 = arith.addi %iota3A, %add3A_22 : vector<16xi32>
      %masked_sort3A_24 = arith.constant dense<true> : vector<16xi1>
      %masked_sort3A_25, %masked_sort3A_26, %masked_sort3A_27 = tpu.sort %get3A_20, %add3A_23 masked %masked_sort3A_24 {descending = true} : (vector<16xf32>, vector<16xi32>, vector<16xi1>) -> (vector<16xi1>, vector<16xf32>, vector<16xi32>)
      %ge3A = arith.cmpf oge, %masked_sort3A_17, %masked_sort3A_26 : vector<16xf32>
      %select_n3A = arith.select %ge3A, %masked_sort3A_17, %masked_sort3A_26 : vector<16xi1>, vector<16xf32>
      %select_n3A_28 = arith.select %ge3A, %masked_sort3A_18, %masked_sort3A_27 : vector<16xi1>, vector<16xi32>
      %masked_sort3A_29 = arith.constant dense<true> : vector<16xi1>
      %masked_sort3A_30, %masked_sort3A_31, %masked_sort3A_32 = tpu.sort %select_n3A, %select_n3A_28 masked %masked_sort3A_29 : (vector<16xf32>, vector<16xi32>, vector<16xi1>) -> (vector<16xi1>, vector<16xf32>, vector<16xi32>)
      %get3A_33 = arith.constant 32 : index
      %get3A_34 = tpu.vector_load %arg5[%get3A_33] {strides = array<i32>} : memref<400xf32, #tpu.memory_space<vmem>>, vector<16xf32>,
      %add3A_35 = arith.constant 32 : i32
      %add3A_36 = vector.broadcast %add3A_35 : i32 to vector<16xi32>
      %add3A_37 = arith.addi %iota3A, %add3A_36 : vector<16xi32>
      %masked_sort3A_38 = arith.constant dense<true> : vector<16xi1>
      %masked_sort3A_39, %masked_sort3A_40, %masked_sort3A_41 = tpu.sort %get3A_34, %add3A_37 masked %masked_sort3A_38 {descending = true} : (vector<16xf32>, vector<16xi32>, vector<16xi1>) -> (vector<16xi1>, vector<16xf32>, vector<16xi32>)
      %ge3A_42 = arith.cmpf oge, %masked_sort3A_31, %masked_sort3A_40 : vector<16xf32>
      %select_n3A_43 = arith.select %ge3A_42, %masked_sort3A_31, %masked_sort3A_40 : vector<16xi1>, vector<16xf32>
      %select_n3A_44 = arith.select %ge3A_42, %masked_sort3A_32, %masked_sort3A_41 : vector<16xi1>, vector<16xi32>
      %masked_sort3A_45 = arith.constant dense<true> : vector<16xi1>
      %masked_sort3A_46, %masked_sort3A_47, %masked_sort3A_48 = tpu.sort %select_n3A_43, %select_n3A_44 masked %masked_sort3A_45 : (vector<16xf32>, vector<16xi32>, vector<16xi1>) -> (vector<16xi1>, vector<16xf32>, vector<16xi32>)
      %get3A_49 = arith.constant 48 : index
      %get3A_50 = tpu.vector_load %arg5[%get3A_49] {strides = array<i32>} : memref<400xf32, #tpu.memory_space<vmem>>, vector<16xf32>,
      %add3A_51 = arith.constant 48 : i32
      %add3A_52 = vector.broadcast %add3A_51 : i32 to vector<16xi32>
      %add3A_53 = arith.addi %iota3A, %add3A_52 : vector<16xi32>
      %masked_sort3A_54 = arith.constant dense<true> : vector<16xi1>
      %masked_sort3A_55, %masked_sort3A_56, %masked_sort3A_57 = tpu.sort %get3A_50, %add3A_53 masked %masked_sort3A_54 {descending = true} : (vector<16xf32>, vector<16xi32>, vector<16xi1>) -> (vector<16xi1>, vector<16xf32>, vector<16xi32>)
      %ge3A_58 = arith.cmpf oge, %masked_sort3A_47, %masked_sort3A_56 : vector<16xf32>
      %select_n3A_59 = arith.select %ge3A_58, %masked_sort3A_47, %masked_sort3A_56 : vector<16xi1>, vector<16xf32>
      %select_n3A_60 = arith.select %ge3A_58, %masked_sort3A_48, %masked_sort3A_57 : vector<16xi1>, vector<16xi32>
      %masked_sort3A_61 = arith.constant dense<true> : vector<16xi1>
      %masked_sort3A_62, %masked_sort3A_63, %masked_sort3A_64 = tpu.sort %select_n3A_59, %select_n3A_60 masked %masked_sort3A_61 : (vector<16xf32>, vector<16xi32>, vector<16xi1>) -> (vector<16xi1>, vector<16xf32>, vector<16xi32>)
      %get3A_65 = arith.constant 64 : index
      %get3A_66 = tpu.vector_load %arg5[%get3A_65] {strides = array<i32>} : memref<400xf32, #tpu.memory_space<vmem>>, vector<16xf32>,
      %add3A_67 = arith.constant 64 : i32
      %add3A_68 = vector.broadcast %add3A_67 : i32 to vector<16xi32>
      %add3A_69 = arith.addi %iota3A, %add3A_68 : vector<16xi32>
      %masked_sort3A_70 = arith.constant dense<true> : vector<16xi1>
      %masked_sort3A_71, %masked_sort3A_72, %masked_sort3A_73 = tpu.sort %get3A_66, %add3A_69 masked %masked_sort3A_70 {descending = true} : (vector<16xf32>, vector<16xi32>, vector<16xi1>) -> (vector<16xi1>, vector<16xf32>, vector<16xi32>)
      %ge3A_74 = arith.cmpf oge, %masked_sort3A_63, %masked_sort3A_72 : vector<16xf32>
      %select_n3A_75 = arith.select %ge3A_74, %masked_sort3A_63, %masked_sort3A_72 : vector<16xi1>, vector<16xf32>
      %select_n3A_76 = arith.select %ge3A_74, %masked_sort3A_64, %masked_sort3A_73 : vector<16xi1>, vector<16xi32>
      %masked_sort3A_77 = arith.constant dense<true> : vector<16xi1>
      %masked_sort3A_78, %masked_sort3A_79, %masked_sort3A_80 = tpu.sort %select_n3A_75, %select_n3A_76 masked %masked_sort3A_77 : (vector<16xf32>, vector<16xi32>, vector<16xi1>) -> (vector<16xi1>, vector<16xf32>, vector<16xi32>)
      %get3A_81 = arith.constant 80 : index
      %get3A_82 = tpu.vector_load %arg5[%get3A_81] {strides = array<i32>} : memref<400xf32, #tpu.memory_space<vmem>>, vector<16xf32>,
      %add3A_83 = arith.constant 80 : i32
      %add3A_84 = vector.broadcast %add3A_83 : i32 to vector<16xi32>
      %add3A_85 = arith.addi %iota3A, %add3A_84 : vector<16xi32>
      %masked_sort3A_86 = arith.constant dense<true> : vector<16xi1>
      %masked_sort3A_87, %masked_sort3A_88, %masked_sort3A_89 = tpu.sort %get3A_82, %add3A_85 masked %masked_sort3A_86 {descending = true} : (vector<16xf32>, vector<16xi32>, vector<16xi1>) -> (vector<16xi1>, vector<16xf32>, vector<16xi32>)
      %ge3A_90 = arith.cmpf oge, %masked_sort3A_79, %masked_sort3A_88 : vector<16xf32>
      %select_n3A_91 = arith.select %ge3A_90, %masked_sort3A_79, %masked_sort3A_88 : vector<16xi1>, vector<16xf32>
      %select_n3A_92 = arith.select %ge3A_90, %masked_sort3A_80, %masked_sort3A_89 : vector<16xi1>, vector<16xi32>
      %masked_sort3A_93 = arith.constant dense<true> : vector<16xi1>
      %masked_sort3A_94, %masked_sort3A_95, %masked_sort3A_96 = tpu.sort %select_n3A_91, %select_n3A_92 masked %masked_sort3A_93 : (vector<16xf32>, vector<16xi32>, vector<16xi1>) -> (vector<16xi1>, vector<16xf32>, vector<16xi32>)
      %get3A_97 = arith.constant 96 : index
      %get3A_98 = tpu.vector_load %arg5[%get3A_97] {strides = array<i32>} : memref<400xf32, #tpu.memory_space<vmem>>, vector<16xf32>,
      %add3A_99 = arith.constant 96 : i32
      %add3A_100 = vector.broadcast %add3A_99 : i32 to vector<16xi32>
      %add3A_101 = arith.addi %iota3A, %add3A_100 : vector<16xi32>
      %masked_sort3A_102 = arith.constant dense<true> : vector<16xi1>
      %masked_sort3A_103, %masked_sort3A_104, %masked_sort3A_105 = tpu.sort %get3A_98, %add3A_101 masked %masked_sort3A_102 {descending = true} : (vector<16xf32>, vector<16xi32>, vector<16xi1>) -> (vector<16xi1>, vector<16xf32>, vector<16xi32>)
      %ge3A_106 = arith.cmpf oge, %masked_sort3A_95, %masked_sort3A_104 : vector<16xf32>
      %select_n3A_107 = arith.select %ge3A_106, %masked_sort3A_95, %masked_sort3A_104 : vector<16xi1>, vector<16xf32>
      %select_n3A_108 = arith.select %ge3A_106, %masked_sort3A_96, %masked_sort3A_105 : vector<16xi1>, vector<16xi32>
      %masked_sort3A_109 = arith.constant dense<true> : vector<16xi1>
      %masked_sort3A_110, %masked_sort3A_111, %masked_sort3A_112 = tpu.sort %select_n3A_107, %select_n3A_108 masked %masked_sort3A_109 : (vector<16xf32>, vector<16xi32>, vector<16xi1>) -> (vector<16xi1>, vector<16xf32>, vector<16xi32>)
      %get3A_113 = arith.constant 112 : index
      %get3A_114 = tpu.vector_load %arg5[%get3A_113] {strides = array<i32>} : memref<400xf32, #tpu.memory_space<vmem>>, vector<16xf32>,
      %add3A_115 = arith.constant 112 : i32
      %add3A_116 = vector.broadcast %add3A_115 : i32 to vector<16xi32>
      %add3A_117 = arith.addi %iota3A, %add3A_116 : vector<16xi32>
      %masked_sort3A_118 = arith.constant dense<true> : vector<16xi1>
      %masked_sort3A_119, %masked_sort3A_120, %masked_sort3A_121 = tpu.sort %get3A_114, %add3A_117 masked %masked_sort3A_118 {descending = true} : (vector<16xf32>, vector<16xi32>, vector<16xi1>) -> (vector<16xi1>, vector<16xf32>, vector<16xi32>)
      %ge3A_122 = arith.cmpf oge, %masked_sort3A_111, %masked_sort3A_120 : vector<16xf32>
      %select_n3A_123 = arith.select %ge3A_122, %masked_sort3A_111, %masked_sort3A_120 : vector<16xi1>, vector<16xf32>
      %select_n3A_124 = arith.select %ge3A_122, %masked_sort3A_112, %masked_sort3A_121 : vector<16xi1>, vector<16xi32>
      %masked_sort3A_125 = arith.constant dense<true> : vector<16xi1>
      %masked_sort3A_126, %masked_sort3A_127, %masked_sort3A_128 = tpu.sort %select_n3A_123, %select_n3A_124 masked %masked_sort3A_125 : (vector<16xf32>, vector<16xi32>, vector<16xi1>) -> (vector<16xi1>, vector<16xf32>, vector<16xi32>)
      %get3A_129 = arith.constant 128 : index
      %get3A_130 = tpu.vector_load %arg5[%get3A_129] {strides = array<i32>} : memref<400xf32, #tpu.memory_space<vmem>>, vector<16xf32>,
      %add3A_131 = arith.constant 128 : i32
      %add3A_132 = vector.broadcast %add3A_131 : i32 to vector<16xi32>
      %add3A_133 = arith.addi %iota3A, %add3A_132 : vector<16xi32>
      %masked_sort3A_134 = arith.constant dense<true> : vector<16xi1>
      %masked_sort3A_135, %masked_sort3A_136, %masked_sort3A_137 = tpu.sort %get3A_130, %add3A_133 masked %masked_sort3A_134 {descending = true} : (vector<16xf32>, vector<16xi32>, vector<16xi1>) -> (vector<16xi1>, vector<16xf32>, vector<16xi32>)
      %ge3A_138 = arith.cmpf oge, %masked_sort3A_127, %masked_sort3A_136 : vector<16xf32>
      %select_n3A_139 = arith.select %ge3A_138, %masked_sort3A_127, %masked_sort3A_136 : vector<16xi1>, vector<16xf32>
      %select_n3A_140 = arith.select %ge3A_138, %masked_sort3A_128, %masked_sort3A_137 : vector<16xi1>, vector<16xi32>
      %masked_sort3A_141 = arith.constant dense<true> : vector<16xi1>
      %masked_sort3A_142, %masked_sort3A_143, %masked_sort3A_144 = tpu.sort %select_n3A_139, %select_n3A_140 masked %masked_sort3A_141 : (vector<16xf32>, vector<16xi32>, vector<16xi1>) -> (vector<16xi1>, vector<16xf32>, vector<16xi32>)
      %get3A_145 = arith.constant 144 : index
      %get3A_146 = tpu.vector_load %arg5[%get3A_145] {strides = array<i32>} : memref<400xf32, #tpu.memory_space<vmem>>, vector<16xf32>,
      %add3A_147 = arith.constant 144 : i32
      %add3A_148 = vector.broadcast %add3A_147 : i32 to vector<16xi32>
      %add3A_149 = arith.addi %iota3A, %add3A_148 : vector<16xi32>
      %masked_sort3A_150 = arith.constant dense<true> : vector<16xi1>
      %masked_sort3A_151, %masked_sort3A_152, %masked_sort3A_153 = tpu.sort %get3A_146, %add3A_149 masked %masked_sort3A_150 {descending = true} : (vector<16xf32>, vector<16xi32>, vector<16xi1>) -> (vector<16xi1>, vector<16xf32>, vector<16xi32>)
      %ge3A_154 = arith.cmpf oge, %masked_sort3A_143, %masked_sort3A_152 : vector<16xf32>
      %select_n3A_155 = arith.select %ge3A_154, %masked_sort3A_143, %masked_sort3A_152 : vector<16xi1>, vector<16xf32>
      %select_n3A_156 = arith.select %ge3A_154, %masked_sort3A_144, %masked_sort3A_153 : vector<16xi1>, vector<16xi32>
      %masked_sort3A_157 = arith.constant dense<true> : vector<16xi1>
      %masked_sort3A_158, %masked_sort3A_159, %masked_sort3A_160 = tpu.sort %select_n3A_155, %select_n3A_156 masked %masked_sort3A_157 : (vector<16xf32>, vector<16xi32>, vector<16xi1>) -> (vector<16xi1>, vector<16xf32>, vector<16xi32>)
      %get3A_161 = arith.constant 160 : index
      %get3A_162 = tpu.vector_load %arg5[%get3A_161] {strides = array<i32>} : memref<400xf32, #tpu.memory_space<vmem>>, vector<16xf32>,
      %add3A_163 = arith.constant 160 : i32
      %add3A_164 = vector.broadcast %add3A_163 : i32 to vector<16xi32>
      %add3A_165 = arith.addi %iota3A, %add3A_164 : vector<16xi32>
      %masked_sort3A_166 = arith.constant dense<true> : vector<16xi1>
      %masked_sort3A_167, %masked_sort3A_168, %masked_sort3A_169 = tpu.sort %get3A_162, %add3A_165 masked %masked_sort3A_166 {descending = true} : (vector<16xf32>, vector<16xi32>, vector<16xi1>) -> (vector<16xi1>, vector<16xf32>, vector<16xi32>)
      %ge3A_170 = arith.cmpf oge, %masked_sort3A_159, %masked_sort3A_168 : vector<16xf32>
      %select_n3A_171 = arith.select %ge3A_170, %masked_sort3A_159, %masked_sort3A_168 : vector<16xi1>, vector<16xf32>
      %select_n3A_172 = arith.select %ge3A_170, %masked_sort3A_160, %masked_sort3A_169 : vector<16xi1>, vector<16xi32>
      %masked_sort3A_173 = arith.constant dense<true> : vector<16xi1>
      %masked_sort3A_174, %masked_sort3A_175, %masked_sort3A_176 = tpu.sort %select_n3A_171, %select_n3A_172 masked %masked_sort3A_173 : (vector<16xf32>, vector<16xi32>, vector<16xi1>) -> (vector<16xi1>, vector<16xf32>, vector<16xi32>)
      %get3A_177 = arith.constant 176 : index
      %get3A_178 = tpu.vector_load %arg5[%get3A_177] {strides = array<i32>} : memref<400xf32, #tpu.memory_space<vmem>>, vector<16xf32>,
      %add3A_179 = arith.constant 176 : i32
      %add3A_180 = vector.broadcast %add3A_179 : i32 to vector<16xi32>
      %add3A_181 = arith.addi %iota3A, %add3A_180 : vector<16xi32>
      %masked_sort3A_182 = arith.constant dense<true> : vector<16xi1>
      %masked_sort3A_183, %masked_sort3A_184, %masked_sort3A_185 = tpu.sort %get3A_178, %add3A_181 masked %masked_sort3A_182 {descending = true} : (vector<16xf32>, vector<16xi32>, vector<16xi1>) -> (vector<16xi1>, vector<16xf32>, vector<16xi32>)
      %ge3A_186 = arith.cmpf oge, %masked_sort3A_175, %masked_sort3A_184 : vector<16xf32>
      %select_n3A_187 = arith.select %ge3A_186, %masked_sort3A_175, %masked_sort3A_184 : vector<16xi1>, vector<16xf32>
      %select_n3A_188 = arith.select %ge3A_186, %masked_sort3A_176, %masked_sort3A_185 : vector<16xi1>, vector<16xi32>
      %masked_sort3A_189 = arith.constant dense<true> : vector<16xi1>
      %masked_sort3A_190, %masked_sort3A_191, %masked_sort3A_192 = tpu.sort %select_n3A_187, %select_n3A_188 masked %masked_sort3A_189 : (vector<16xf32>, vector<16xi32>, vector<16xi1>) -> (vector<16xi1>, vector<16xf32>, vector<16xi32>)
      %get3A_193 = arith.constant 192 : index
      %get3A_194 = tpu.vector_load %arg5[%get3A_193] {strides = array<i32>} : memref<400xf32, #tpu.memory_space<vmem>>, vector<16xf32>,
      %add3A_195 = arith.constant 192 : i32
      %add3A_196 = vector.broadcast %add3A_195 : i32 to vector<16xi32>
      %add3A_197 = arith.addi %iota3A, %add3A_196 : vector<16xi32>
      %masked_sort3A_198 = arith.constant dense<true> : vector<16xi1>
      %masked_sort3A_199, %masked_sort3A_200, %masked_sort3A_201 = tpu.sort %get3A_194, %add3A_197 masked %masked_sort3A_198 {descending = true} : (vector<16xf32>, vector<16xi32>, vector<16xi1>) -> (vector<16xi1>, vector<16xf32>, vector<16xi32>)
      %ge3A_202 = arith.cmpf oge, %masked_sort3A_191, %masked_sort3A_200 : vector<16xf32>
      %select_n3A_203 = arith.select %ge3A_202, %masked_sort3A_191, %masked_sort3A_200 : vector<16xi1>, vector<16xf32>
      %select_n3A_204 = arith.select %ge3A_202, %masked_sort3A_192, %masked_sort3A_201 : vector<16xi1>, vector<16xi32>
      %masked_sort3A_205 = arith.constant dense<true> : vector<16xi1>
      %masked_sort3A_206, %masked_sort3A_207, %masked_sort3A_208 = tpu.sort %select_n3A_203, %select_n3A_204 masked %masked_sort3A_205 : (vector<16xf32>, vector<16xi32>, vector<16xi1>) -> (vector<16xi1>, vector<16xf32>, vector<16xi32>)
      %get3A_209 = arith.constant 208 : index
      %get3A_210 = tpu.vector_load %arg5[%get3A_209] {strides = array<i32>} : memref<400xf32, #tpu.memory_space<vmem>>, vector<16xf32>,
      %add3A_211 = arith.constant 208 : i32
      %add3A_212 = vector.broadcast %add3A_211 : i32 to vector<16xi32>
      %add3A_213 = arith.addi %iota3A, %add3A_212 : vector<16xi32>
      %masked_sort3A_214 = arith.constant dense<true> : vector<16xi1>
      %masked_sort3A_215, %masked_sort3A_216, %masked_sort3A_217 = tpu.sort %get3A_210, %add3A_213 masked %masked_sort3A_214 {descending = true} : (vector<16xf32>, vector<16xi32>, vector<16xi1>) -> (vector<16xi1>, vector<16xf32>, vector<16xi32>)
      %ge3A_218 = arith.cmpf oge, %masked_sort3A_207, %masked_sort3A_216 : vector<16xf32>
      %select_n3A_219 = arith.select %ge3A_218, %masked_sort3A_207, %masked_sort3A_216 : vector<16xi1>, vector<16xf32>
      %select_n3A_220 = arith.select %ge3A_218, %masked_sort3A_208, %masked_sort3A_217 : vector<16xi1>, vector<16xi32>
      %masked_sort3A_221 = arith.constant dense<true> : vector<16xi1>
      %masked_sort3A_222, %masked_sort3A_223, %masked_sort3A_224 = tpu.sort %select_n3A_219, %select_n3A_220 masked %masked_sort3A_221 : (vector<16xf32>, vector<16xi32>, vector<16xi1>) -> (vector<16xi1>, vector<16xf32>, vector<16xi32>)
      %get3A_225 = arith.constant 224 : index
      %get3A_226 = tpu.vector_load %arg5[%get3A_225] {strides = array<i32>} : memref<400xf32, #tpu.memory_space<vmem>>, vector<16xf32>,
      %add3A_227 = arith.constant 224 : i32
      %add3A_228 = vector.broadcast %add3A_227 : i32 to vector<16xi32>
      %add3A_229 = arith.addi %iota3A, %add3A_228 : vector<16xi32>
      %masked_sort3A_230 = arith.constant dense<true> : vector<16xi1>
      %masked_sort3A_231, %masked_sort3A_232, %masked_sort3A_233 = tpu.sort %get3A_226, %add3A_229 masked %masked_sort3A_230 {descending = true} : (vector<16xf32>, vector<16xi32>, vector<16xi1>) -> (vector<16xi1>, vector<16xf32>, vector<16xi32>)
      %ge3A_234 = arith.cmpf oge, %masked_sort3A_223, %masked_sort3A_232 : vector<16xf32>
      %select_n3A_235 = arith.select %ge3A_234, %masked_sort3A_223, %masked_sort3A_232 : vector<16xi1>, vector<16xf32>
      %select_n3A_236 = arith.select %ge3A_234, %masked_sort3A_224, %masked_sort3A_233 : vector<16xi1>, vector<16xi32>
      %masked_sort3A_237 = arith.constant dense<true> : vector<16xi1>
      %masked_sort3A_238, %masked_sort3A_239, %masked_sort3A_240 = tpu.sort %select_n3A_235, %select_n3A_236 masked %masked_sort3A_237 : (vector<16xf32>, vector<16xi32>, vector<16xi1>) -> (vector<16xi1>, vector<16xf32>, vector<16xi32>)
      %get3A_241 = arith.constant 240 : index
      %get3A_242 = tpu.vector_load %arg5[%get3A_241] {strides = array<i32>} : memref<400xf32, #tpu.memory_space<vmem>>, vector<16xf32>,
      %add3A_243 = arith.constant 240 : i32
      %add3A_244 = vector.broadcast %add3A_243 : i32 to vector<16xi32>
      %add3A_245 = arith.addi %iota3A, %add3A_244 : vector<16xi32>
      %masked_sort3A_246 = arith.constant dense<true> : vector<16xi1>
      %masked_sort3A_247, %masked_sort3A_248, %masked_sort3A_249 = tpu.sort %get3A_242, %add3A_245 masked %masked_sort3A_246 {descending = true} : (vector<16xf32>, vector<16xi32>, vector<16xi1>) -> (vector<16xi1>, vector<16xf32>, vector<16xi32>)
      %ge3A_250 = arith.cmpf oge, %masked_sort3A_239, %masked_sort3A_248 : vector<16xf32>
      %select_n3A_251 = arith.select %ge3A_250, %masked_sort3A_239, %masked_sort3A_248 : vector<16xi1>, vector<16xf32>
      %select_n3A_252 = arith.select %ge3A_250, %masked_sort3A_240, %masked_sort3A_249 : vector<16xi1>, vector<16xi32>
      %masked_sort3A_253 = arith.constant dense<true> : vector<16xi1>
      %masked_sort3A_254, %masked_sort3A_255, %masked_sort3A_256 = tpu.sort %select_n3A_251, %select_n3A_252 masked %masked_sort3A_253 : (vector<16xf32>, vector<16xi32>, vector<16xi1>) -> (vector<16xi1>, vector<16xf32>, vector<16xi32>)
      %get3A_257 = arith.constant 256 : index
      %get3A_258 = tpu.vector_load %arg5[%get3A_257] {strides = array<i32>} : memref<400xf32, #tpu.memory_space<vmem>>, vector<16xf32>,
      %add3A_259 = arith.constant 256 : i32
      %add3A_260 = vector.broadcast %add3A_259 : i32 to vector<16xi32>
      %add3A_261 = arith.addi %iota3A, %add3A_260 : vector<16xi32>
      %masked_sort3A_262 = arith.constant dense<true> : vector<16xi1>
      %masked_sort3A_263, %masked_sort3A_264, %masked_sort3A_265 = tpu.sort %get3A_258, %add3A_261 masked %masked_sort3A_262 {descending = true} : (vector<16xf32>, vector<16xi32>, vector<16xi1>) -> (vector<16xi1>, vector<16xf32>, vector<16xi32>)
      %ge3A_266 = arith.cmpf oge, %masked_sort3A_255, %masked_sort3A_264 : vector<16xf32>
      %select_n3A_267 = arith.select %ge3A_266, %masked_sort3A_255, %masked_sort3A_264 : vector<16xi1>, vector<16xf32>
      %select_n3A_268 = arith.select %ge3A_266, %masked_sort3A_256, %masked_sort3A_265 : vector<16xi1>, vector<16xi32>
      %masked_sort3A_269 = arith.constant dense<true> : vector<16xi1>
      %masked_sort3A_270, %masked_sort3A_271, %masked_sort3A_272 = tpu.sort %select_n3A_267, %select_n3A_268 masked %masked_sort3A_269 : (vector<16xf32>, vector<16xi32>, vector<16xi1>) -> (vector<16xi1>, vector<16xf32>, vector<16xi32>)
      %get3A_273 = arith.constant 272 : index
      %get3A_274 = tpu.vector_load %arg5[%get3A_273] {strides = array<i32>} : memref<400xf32, #tpu.memory_space<vmem>>, vector<16xf32>,
      %add3A_275 = arith.constant 272 : i32
      %add3A_276 = vector.broadcast %add3A_275 : i32 to vector<16xi32>
      %add3A_277 = arith.addi %iota3A, %add3A_276 : vector<16xi32>
      %masked_sort3A_278 = arith.constant dense<true> : vector<16xi1>
      %masked_sort3A_279, %masked_sort3A_280, %masked_sort3A_281 = tpu.sort %get3A_274, %add3A_277 masked %masked_sort3A_278 {descending = true} : (vector<16xf32>, vector<16xi32>, vector<16xi1>) -> (vector<16xi1>, vector<16xf32>, vector<16xi32>)
      %ge3A_282 = arith.cmpf oge, %masked_sort3A_271, %masked_sort3A_280 : vector<16xf32>
      %select_n3A_283 = arith.select %ge3A_282, %masked_sort3A_271, %masked_sort3A_280 : vector<16xi1>, vector<16xf32>
      %select_n3A_284 = arith.select %ge3A_282, %masked_sort3A_272, %masked_sort3A_281 : vector<16xi1>, vector<16xi32>
      %masked_sort3A_285 = arith.constant dense<true> : vector<16xi1>
      %masked_sort3A_286, %masked_sort3A_287, %masked_sort3A_288 = tpu.sort %select_n3A_283, %select_n3A_284 masked %masked_sort3A_285 : (vector<16xf32>, vector<16xi32>, vector<16xi1>) -> (vector<16xi1>, vector<16xf32>, vector<16xi32>)
      %get3A_289 = arith.constant 288 : index
      %get3A_290 = tpu.vector_load %arg5[%get3A_289] {strides = array<i32>} : memref<400xf32, #tpu.memory_space<vmem>>, vector<16xf32>,
      %add3A_291 = arith.constant 288 : i32
      %add3A_292 = vector.broadcast %add3A_291 : i32 to vector<16xi32>
      %add3A_293 = arith.addi %iota3A, %add3A_292 : vector<16xi32>
      %masked_sort3A_294 = arith.constant dense<true> : vector<16xi1>
      %masked_sort3A_295, %masked_sort3A_296, %masked_sort3A_297 = tpu.sort %get3A_290, %add3A_293 masked %masked_sort3A_294 {descending = true} : (vector<16xf32>, vector<16xi32>, vector<16xi1>) -> (vector<16xi1>, vector<16xf32>, vector<16xi32>)
      %ge3A_298 = arith.cmpf oge, %masked_sort3A_287, %masked_sort3A_296 : vector<16xf32>
      %select_n3A_299 = arith.select %ge3A_298, %masked_sort3A_287, %masked_sort3A_296 : vector<16xi1>, vector<16xf32>
      %select_n3A_300 = arith.select %ge3A_298, %masked_sort3A_288, %masked_sort3A_297 : vector<16xi1>, vector<16xi32>
      %masked_sort3A_301 = arith.constant dense<true> : vector<16xi1>
      %masked_sort3A_302, %masked_sort3A_303, %masked_sort3A_304 = tpu.sort %select_n3A_299, %select_n3A_300 masked %masked_sort3A_301 : (vector<16xf32>, vector<16xi32>, vector<16xi1>) -> (vector<16xi1>, vector<16xf32>, vector<16xi32>)
      %get3A_305 = arith.constant 304 : index
      %get3A_306 = tpu.vector_load %arg5[%get3A_305] {strides = array<i32>} : memref<400xf32, #tpu.memory_space<vmem>>, vector<16xf32>,
      %add3A_307 = arith.constant 304 : i32
      %add3A_308 = vector.broadcast %add3A_307 : i32 to vector<16xi32>
      %add3A_309 = arith.addi %iota3A, %add3A_308 : vector<16xi32>
      %masked_sort3A_310 = arith.constant dense<true> : vector<16xi1>
      %masked_sort3A_311, %masked_sort3A_312, %masked_sort3A_313 = tpu.sort %get3A_306, %add3A_309 masked %masked_sort3A_310 {descending = true} : (vector<16xf32>, vector<16xi32>, vector<16xi1>) -> (vector<16xi1>, vector<16xf32>, vector<16xi32>)
      %ge3A_314 = arith.cmpf oge, %masked_sort3A_303, %masked_sort3A_312 : vector<16xf32>
      %select_n3A_315 = arith.select %ge3A_314, %masked_sort3A_303, %masked_sort3A_312 : vector<16xi1>, vector<16xf32>
      %select_n3A_316 = arith.select %ge3A_314, %masked_sort3A_304, %masked_sort3A_313 : vector<16xi1>, vector<16xi32>
      %masked_sort3A_317 = arith.constant dense<true> : vector<16xi1>
      %masked_sort3A_318, %masked_sort3A_319, %masked_sort3A_320 = tpu.sort %select_n3A_315, %select_n3A_316 masked %masked_sort3A_317 : (vector<16xf32>, vector<16xi32>, vector<16xi1>) -> (vector<16xi1>, vector<16xf32>, vector<16xi32>)
      %get3A_321 = arith.constant 320 : index
      %get3A_322 = tpu.vector_load %arg5[%get3A_321] {strides = array<i32>} : memref<400xf32, #tpu.memory_space<vmem>>, vector<16xf32>,
      %add3A_323 = arith.constant 320 : i32
      %add3A_324 = vector.broadcast %add3A_323 : i32 to vector<16xi32>
      %add3A_325 = arith.addi %iota3A, %add3A_324 : vector<16xi32>
      %masked_sort3A_326 = arith.constant dense<true> : vector<16xi1>
      %masked_sort3A_327, %masked_sort3A_328, %masked_sort3A_329 = tpu.sort %get3A_322, %add3A_325 masked %masked_sort3A_326 {descending = true} : (vector<16xf32>, vector<16xi32>, vector<16xi1>) -> (vector<16xi1>, vector<16xf32>, vector<16xi32>)
      %ge3A_330 = arith.cmpf oge, %masked_sort3A_319, %masked_sort3A_328 : vector<16xf32>
      %select_n3A_331 = arith.select %ge3A_330, %masked_sort3A_319, %masked_sort3A_328 : vector<16xi1>, vector<16xf32>
      %select_n3A_332 = arith.select %ge3A_330, %masked_sort3A_320, %masked_sort3A_329 : vector<16xi1>, vector<16xi32>
      %masked_sort3A_333 = arith.constant dense<true> : vector<16xi1>
      %masked_sort3A_334, %masked_sort3A_335, %masked_sort3A_336 = tpu.sort %select_n3A_331, %select_n3A_332 masked %masked_sort3A_333 : (vector<16xf32>, vector<16xi32>, vector<16xi1>) -> (vector<16xi1>, vector<16xf32>, vector<16xi32>)
      %get3A_337 = arith.constant 336 : index
      %get3A_338 = tpu.vector_load %arg5[%get3A_337] {strides = array<i32>} : memref<400xf32, #tpu.memory_space<vmem>>, vector<16xf32>,
      %add3A_339 = arith.constant 336 : i32
      %add3A_340 = vector.broadcast %add3A_339 : i32 to vector<16xi32>
      %add3A_341 = arith.addi %iota3A, %add3A_340 : vector<16xi32>
      %masked_sort3A_342 = arith.constant dense<true> : vector<16xi1>
      %masked_sort3A_343, %masked_sort3A_344, %masked_sort3A_345 = tpu.sort %get3A_338, %add3A_341 masked %masked_sort3A_342 {descending = true} : (vector<16xf32>, vector<16xi32>, vector<16xi1>) -> (vector<16xi1>, vector<16xf32>, vector<16xi32>)
      %ge3A_346 = arith.cmpf oge, %masked_sort3A_335, %masked_sort3A_344 : vector<16xf32>
      %select_n3A_347 = arith.select %ge3A_346, %masked_sort3A_335, %masked_sort3A_344 : vector<16xi1>, vector<16xf32>
      %select_n3A_348 = arith.select %ge3A_346, %masked_sort3A_336, %masked_sort3A_345 : vector<16xi1>, vector<16xi32>
      %masked_sort3A_349 = arith.constant dense<true> : vector<16xi1>
      %masked_sort3A_350, %masked_sort3A_351, %masked_sort3A_352 = tpu.sort %select_n3A_347, %select_n3A_348 masked %masked_sort3A_349 : (vector<16xf32>, vector<16xi32>, vector<16xi1>) -> (vector<16xi1>, vector<16xf32>, vector<16xi32>)
      %get3A_353 = arith.constant 352 : index
      %get3A_354 = tpu.vector_load %arg5[%get3A_353] {strides = array<i32>} : memref<400xf32, #tpu.memory_space<vmem>>, vector<16xf32>,
      %add3A_355 = arith.constant 352 : i32
      %add3A_356 = vector.broadcast %add3A_355 : i32 to vector<16xi32>
      %add3A_357 = arith.addi %iota3A, %add3A_356 : vector<16xi32>
      %masked_sort3A_358 = arith.constant dense<true> : vector<16xi1>
      %masked_sort3A_359, %masked_sort3A_360, %masked_sort3A_361 = tpu.sort %get3A_354, %add3A_357 masked %masked_sort3A_358 {descending = true} : (vector<16xf32>, vector<16xi32>, vector<16xi1>) -> (vector<16xi1>, vector<16xf32>, vector<16xi32>)
      %ge3A_362 = arith.cmpf oge, %masked_sort3A_351, %masked_sort3A_360 : vector<16xf32>
      %select_n3A_363 = arith.select %ge3A_362, %masked_sort3A_351, %masked_sort3A_360 : vector<16xi1>, vector<16xf32>
      %select_n3A_364 = arith.select %ge3A_362, %masked_sort3A_352, %masked_sort3A_361 : vector<16xi1>, vector<16xi32>
      %masked_sort3A_365 = arith.constant dense<true> : vector<16xi1>
      %masked_sort3A_366, %masked_sort3A_367, %masked_sort3A_368 = tpu.sort %select_n3A_363, %select_n3A_364 masked %masked_sort3A_365 : (vector<16xf32>, vector<16xi32>, vector<16xi1>) -> (vector<16xi1>, vector<16xf32>, vector<16xi32>)
      %get3A_369 = arith.constant 368 : index
      %get3A_370 = tpu.vector_load %arg5[%get3A_369] {strides = array<i32>} : memref<400xf32, #tpu.memory_space<vmem>>, vector<16xf32>,
      %add3A_371 = arith.constant 368 : i32
      %add3A_372 = vector.broadcast %add3A_371 : i32 to vector<16xi32>
      %add3A_373 = arith.addi %iota3A, %add3A_372 : vector<16xi32>
      %masked_sort3A_374 = arith.constant dense<true> : vector<16xi1>
      %masked_sort3A_375, %masked_sort3A_376, %masked_sort3A_377 = tpu.sort %get3A_370, %add3A_373 masked %masked_sort3A_374 {descending = true} : (vector<16xf32>, vector<16xi32>, vector<16xi1>) -> (vector<16xi1>, vector<16xf32>, vector<16xi32>)
      %ge3A_378 = arith.cmpf oge, %masked_sort3A_367, %masked_sort3A_376 : vector<16xf32>
      %select_n3A_379 = arith.select %ge3A_378, %masked_sort3A_367, %masked_sort3A_376 : vector<16xi1>, vector<16xf32>
      %select_n3A_380 = arith.select %ge3A_378, %masked_sort3A_368, %masked_sort3A_377 : vector<16xi1>, vector<16xi32>
      %masked_sort3A_381 = arith.constant dense<true> : vector<16xi1>
      %masked_sort3A_382, %masked_sort3A_383, %masked_sort3A_384 = tpu.sort %select_n3A_379, %select_n3A_380 masked %masked_sort3A_381 : (vector<16xf32>, vector<16xi32>, vector<16xi1>) -> (vector<16xi1>, vector<16xf32>, vector<16xi32>)
      %get3A_385 = arith.constant 384 : index
      %get3A_386 = tpu.vector_load %arg5[%get3A_385] {strides = array<i32>} : memref<400xf32, #tpu.memory_space<vmem>>, vector<16xf32>,
      %lt3A = arith.constant 8 : i32
      %lt3A_387 = vector.broadcast %lt3A : i32 to vector<16xi32>
      %lt3A_388 = arith.cmpi slt, %iota3A, %lt3A_387 : vector<16xi32>
      %broadcast_in_dim3A = vector.broadcast %scan3A_1 : f32 to vector<16xf32>
      %select_n3A_389 = arith.select %lt3A_388, %get3A_386, %broadcast_in_dim3A : vector<16xi1>, vector<16xf32>
      %add3A_390 = arith.constant 384 : i32
      %add3A_391 = vector.broadcast %add3A_390 : i32 to vector<16xi32>
      %add3A_392 = arith.addi %iota3A, %add3A_391 : vector<16xi32>
      %masked_sort3A_393 = arith.constant dense<true> : vector<16xi1>
      %masked_sort3A_394, %masked_sort3A_395, %masked_sort3A_396 = tpu.sort %select_n3A_389, %add3A_392 masked %masked_sort3A_393 {descending = true} : (vector<16xf32>, vector<16xi32>, vector<16xi1>) -> (vector<16xi1>, vector<16xf32>, vector<16xi32>)
      %ge3A_397 = arith.cmpf oge, %masked_sort3A_383, %masked_sort3A_395 : vector<16xf32>
      %select_n3A_398 = arith.select %ge3A_397, %masked_sort3A_383, %masked_sort3A_395 : vector<16xi1>, vector<16xf32>
      %select_n3A_399 = arith.select %ge3A_397, %masked_sort3A_384, %masked_sort3A_396 : vector<16xi1>, vector<16xi32>
      %masked_sort3A_400 = arith.constant dense<true> : vector<16xi1>
      %masked_sort3A_401, %masked_sort3A_402, %masked_sort3A_403 = tpu.sort %select_n3A_398, %select_n3A_399 masked %masked_sort3A_400 : (vector<16xf32>, vector<16xi32>, vector<16xi1>) -> (vector<16xi1>, vector<16xf32>, vector<16xi32>)
      %rev3A = arith.constant 15 : i32
      %rev3A_404 = vector.broadcast %rev3A : i32 to vector<16xi32>
      %rev3A_405 = tpu.iota {dimensions = array<i32: 0>} : vector<16xi32>
      %rev3A_406 = arith.subi %rev3A_404, %rev3A_405 : vector<16xi32>
      %rev3A_407 = tpu.dynamic_gather %masked_sort3A_403[%rev3A_406] in [0] : vector<16xi32>, vector<16xi32> -> vector<16xi32>
      %mul3A_408 = arith.constant 392 : i32
      %mul3A_409 = arith.muli %add3A_12, %mul3A_408 : i32
      %add3A_410 = vector.broadcast %mul3A_409 : i32 to vector<16xi32>
      %add3A_411 = arith.addi %rev3A_407, %add3A_410 : vector<16xi32>
      %swap3A = arith.constant 0 : index
      %swap3A_412 = tpu.vector_load %arg6[%swap3A] {strides = array<i32>} : memref<16xi32, #tpu.memory_space<vmem>>, vector<16xi32>,
      tpu.vector_store %arg6[%swap3A], %add3A_411 {strides = array<i32>} : memref<16xi32, #tpu.memory_space<vmem>>, vector<16xi32>,
      %dma_start3A = arith.constant 0 : i32
      %dma_start3A_413 = arith.constant 0 : i32
      %dma_start3A_414 = tpu.memref_slice %arg3[%dma_start3A, %dma_start3A_413] : memref<301056x128xf32, #tpu.memory_space<hbm>> -> memref<301056x128xf32, #tpu.memory_space<hbm>>
      tpu.enqueue_indirect_dma source(%dma_start3A_414 : memref<301056x128xf32, #tpu.memory_space<hbm>>) target(%arg7 : memref<16x128xf32, #tpu.memory_space<vmem>>) offsets(%arg6 : memref<16xi32, #tpu.memory_space<vmem>>) semaphore(%arg9 : memref<!tpu.dma_semaphore, #tpu.memory_space<semaphore_mem>>)
      %dma_wait3A = arith.constant 0 : i32
      %dma_wait3A_415 = arith.constant 0 : i32
      %dma_wait3A_416 = tpu.memref_slice %arg3[%dma_wait3A, %dma_wait3A_415] : memref<301056x128xf32, #tpu.memory_space<hbm>> -> memref<301056x128xf32, #tpu.memory_space<hbm>>
      tpu.wait_indirect_dma semaphore(%arg9 : memref<!tpu.dma_semaphore, #tpu.memory_space<semaphore_mem>>) src(%dma_wait3A_416 : memref<301056x128xf32, #tpu.memory_space<hbm>>) dst(%arg7 : memref<16x128xf32, #tpu.memory_space<vmem>>)
      %get3A_417 = arith.constant 0 : i32
      %get3A_418 = arith.index_cast %get3A_417 : i32 to index
      %get3A_419 = arith.constant 0 : index
      %get3A_420 = tpu.vector_load %arg7[%get3A_418, %get3A_419] {strides = array<i32>} : memref<16x128xf32, #tpu.memory_space<vmem>>, vector<16xf32>,
      %sort3A = arith.constant dense<true> : vector<16xi1>
      %sort3A_421, %sort3A_422, %sort3A_423 = tpu.sort %get3A_420, %get3A_420 masked %sort3A : (vector<16xf32>, vector<16xf32>, vector<16xi1>) -> (vector<16xi1>, vector<16xf32>, vector<16xf32>)
      %reduce_min3A = arith.constant true
      %reduce_min3A_424 = vector.broadcast %reduce_min3A : i1 to vector<16xi1>
      %reduce_min3A_425 = tpu.scan <min>, %sort3A_422 masked %reduce_min3A_424 : vector<16xf32>, vector<16xi1> -> vector<16xf32>
      %reduce_min3A_426 = vector.extract %reduce_min3A_425[15] : f32 from vector<16xf32>
      %get3A_427 = arith.constant 0 : i32
      %get3A_428 = arith.index_cast %get3A_427 : i32 to index
      %get3A_429 = arith.constant 16 : index
      %get3A_430 = tpu.vector_load %arg7[%get3A_428, %get3A_429] {strides = array<i32>} : memref<16x128xf32, #tpu.memory_space<vmem>>, vector<16xf32>,
      %reduce_max3A = arith.constant true
      %reduce_max3A_431 = vector.broadcast %reduce_max3A : i1 to vector<16xi1>
      %reduce_max3A_432 = tpu.scan <max>, %get3A_430 masked %reduce_max3A_431 : vector<16xf32>, vector<16xi1> -> vector<16xf32>
      %reduce_max3A_433 = vector.extract %reduce_max3A_432[15] : f32 from vector<16xf32>
      %gt3A = arith.cmpf ogt, %reduce_max3A_433, %reduce_min3A_426 : f32
      %convert_element_type3A = arith.extui %gt3A : i1 to i32
      %cond3A = arith.constant 0 : i32
      %cond3A_434 = arith.cmpi ne, %convert_element_type3A, %cond3A : i32
      %cond3A_435:2 = scf.if %cond3A_434 -> (vector<16xf32>, f32) {
        %masked_sort3A_2083 = arith.constant dense<true> : vector<16xi1>
        %masked_sort3A_2084, %masked_sort3A_2085, %masked_sort3A_2086 = tpu.sort %get3A_430, %iota3A masked %masked_sort3A_2083 {descending = true} : (vector<16xf32>, vector<16xi32>, vector<16xi1>) -> (vector<16xi1>, vector<16xf32>, vector<16xi32>)
        %max3A = arith.maximumf %sort3A_422, %masked_sort3A_2085 : vector<16xf32>
        %sort3A_2087 = arith.constant dense<true> : vector<16xi1>
        %sort3A_2088, %sort3A_2089, %sort3A_2090 = tpu.sort %max3A, %max3A masked %sort3A_2087 : (vector<16xf32>, vector<16xf32>, vector<16xi1>) -> (vector<16xi1>, vector<16xf32>, vector<16xf32>)
        %reduce_min3A_2091 = arith.constant true
        %reduce_min3A_2092 = vector.broadcast %reduce_min3A_2091 : i1 to vector<16xi1>
        %reduce_min3A_2093 = tpu.scan <min>, %max3A masked %reduce_min3A_2092 : vector<16xf32>, vector<16xi1> -> vector<16xf32>
        %reduce_min3A_2094 = vector.extract %reduce_min3A_2093[15] : f32 from vector<16xf32>
        scf.yield %sort3A_2089, %reduce_min3A_2094 : vector<16xf32>, f32
      } else {
        scf.yield %sort3A_422, %reduce_min3A_426 : vector<16xf32>, f32
      }
      %get3A_436 = arith.constant 0 : i32
      %get3A_437 = arith.index_cast %get3A_436 : i32 to index
      %get3A_438 = arith.constant 32 : index
      %get3A_439 = tpu.vector_load %arg7[%get3A_437, %get3A_438] {strides = array<i32>} : memref<16x128xf32, #tpu.memory_space<vmem>>, vector<16xf32>,
      %reduce_max3A_440 = arith.constant true
      %reduce_max3A_441 = vector.broadcast %reduce_max3A_440 : i1 to vector<16xi1>
      %reduce_max3A_442 = tpu.scan <max>, %get3A_439 masked %reduce_max3A_441 : vector<16xf32>, vector<16xi1> -> vector<16xf32>
      %reduce_max3A_443 = vector.extract %reduce_max3A_442[15] : f32 from vector<16xf32>
      %gt3A_444 = arith.cmpf ogt, %reduce_max3A_443, %cond3A_435#1 : f32
      %convert_element_type3A_445 = arith.extui %gt3A_444 : i1 to i32
      %cond3A_446 = arith.constant 0 : i32
      %cond3A_447 = arith.cmpi ne, %convert_element_type3A_445, %cond3A_446 : i32
      %cond3A_448:2 = scf.if %cond3A_447 -> (vector<16xf32>, f32) {
        %masked_sort3A_2083 = arith.constant dense<true> : vector<16xi1>
        %masked_sort3A_2084, %masked_sort3A_2085, %masked_sort3A_2086 = tpu.sort %get3A_439, %iota3A masked %masked_sort3A_2083 {descending = true} : (vector<16xf32>, vector<16xi32>, vector<16xi1>) -> (vector<16xi1>, vector<16xf32>, vector<16xi32>)
        %max3A = arith.maximumf %cond3A_435#0, %masked_sort3A_2085 : vector<16xf32>
        %sort3A_2087 = arith.constant dense<true> : vector<16xi1>
        %sort3A_2088, %sort3A_2089, %sort3A_2090 = tpu.sort %max3A, %max3A masked %sort3A_2087 : (vector<16xf32>, vector<16xf32>, vector<16xi1>) -> (vector<16xi1>, vector<16xf32>, vector<16xf32>)
        %reduce_min3A_2091 = arith.constant true
        %reduce_min3A_2092 = vector.broadcast %reduce_min3A_2091 : i1 to vector<16xi1>
        %reduce_min3A_2093 = tpu.scan <min>, %max3A masked %reduce_min3A_2092 : vector<16xf32>, vector<16xi1> -> vector<16xf32>
        %reduce_min3A_2094 = vector.extract %reduce_min3A_2093[15] : f32 from vector<16xf32>
        scf.yield %sort3A_2089, %reduce_min3A_2094 : vector<16xf32>, f32
      } else {
        scf.yield %cond3A_435#0, %cond3A_435#1 : vector<16xf32>, f32
      }
      %get3A_449 = arith.constant 0 : i32
      %get3A_450 = arith.index_cast %get3A_449 : i32 to index
      %get3A_451 = arith.constant 48 : index
      %get3A_452 = tpu.vector_load %arg7[%get3A_450, %get3A_451] {strides = array<i32>} : memref<16x128xf32, #tpu.memory_space<vmem>>, vector<16xf32>,
      %reduce_max3A_453 = arith.constant true
      %reduce_max3A_454 = vector.broadcast %reduce_max3A_453 : i1 to vector<16xi1>
      %reduce_max3A_455 = tpu.scan <max>, %get3A_452 masked %reduce_max3A_454 : vector<16xf32>, vector<16xi1> -> vector<16xf32>
      %reduce_max3A_456 = vector.extract %reduce_max3A_455[15] : f32 from vector<16xf32>
      %gt3A_457 = arith.cmpf ogt, %reduce_max3A_456, %cond3A_448#1 : f32
      %convert_element_type3A_458 = arith.extui %gt3A_457 : i1 to i32
      %cond3A_459 = arith.constant 0 : i32
      %cond3A_460 = arith.cmpi ne, %convert_element_type3A_458, %cond3A_459 : i32
      %cond3A_461:2 = scf.if %cond3A_460 -> (vector<16xf32>, f32) {
        %masked_sort3A_2083 = arith.constant dense<true> : vector<16xi1>
        %masked_sort3A_2084, %masked_sort3A_2085, %masked_sort3A_2086 = tpu.sort %get3A_452, %iota3A masked %masked_sort3A_2083 {descending = true} : (vector<16xf32>, vector<16xi32>, vector<16xi1>) -> (vector<16xi1>, vector<16xf32>, vector<16xi32>)
        %max3A = arith.maximumf %cond3A_448#0, %masked_sort3A_2085 : vector<16xf32>
        %sort3A_2087 = arith.constant dense<true> : vector<16xi1>
        %sort3A_2088, %sort3A_2089, %sort3A_2090 = tpu.sort %max3A, %max3A masked %sort3A_2087 : (vector<16xf32>, vector<16xf32>, vector<16xi1>) -> (vector<16xi1>, vector<16xf32>, vector<16xf32>)
        %reduce_min3A_2091 = arith.constant true
        %reduce_min3A_2092 = vector.broadcast %reduce_min3A_2091 : i1 to vector<16xi1>
        %reduce_min3A_2093 = tpu.scan <min>, %max3A masked %reduce_min3A_2092 : vector<16xf32>, vector<16xi1> -> vector<16xf32>
        %reduce_min3A_2094 = vector.extract %reduce_min3A_2093[15] : f32 from vector<16xf32>
        scf.yield %sort3A_2089, %reduce_min3A_2094 : vector<16xf32>, f32
      } else {
        scf.yield %cond3A_448#0, %cond3A_448#1 : vector<16xf32>, f32
      }
      %get3A_462 = arith.constant 0 : i32
      %get3A_463 = arith.index_cast %get3A_462 : i32 to index
      %get3A_464 = arith.constant 64 : index
      %get3A_465 = tpu.vector_load %arg7[%get3A_463, %get3A_464] {strides = array<i32>} : memref<16x128xf32, #tpu.memory_space<vmem>>, vector<16xf32>,
      %reduce_max3A_466 = arith.constant true
      %reduce_max3A_467 = vector.broadcast %reduce_max3A_466 : i1 to vector<16xi1>
      %reduce_max3A_468 = tpu.scan <max>, %get3A_465 masked %reduce_max3A_467 : vector<16xf32>, vector<16xi1> -> vector<16xf32>
      %reduce_max3A_469 = vector.extract %reduce_max3A_468[15] : f32 from vector<16xf32>
      %gt3A_470 = arith.cmpf ogt, %reduce_max3A_469, %cond3A_461#1 : f32
      %convert_element_type3A_471 = arith.extui %gt3A_470 : i1 to i32
      %cond3A_472 = arith.constant 0 : i32
      %cond3A_473 = arith.cmpi ne, %convert_element_type3A_471, %cond3A_472 : i32
      %cond3A_474:2 = scf.if %cond3A_473 -> (vector<16xf32>, f32) {
        %masked_sort3A_2083 = arith.constant dense<true> : vector<16xi1>
        %masked_sort3A_2084, %masked_sort3A_2085, %masked_sort3A_2086 = tpu.sort %get3A_465, %iota3A masked %masked_sort3A_2083 {descending = true} : (vector<16xf32>, vector<16xi32>, vector<16xi1>) -> (vector<16xi1>, vector<16xf32>, vector<16xi32>)
        %max3A = arith.maximumf %cond3A_461#0, %masked_sort3A_2085 : vector<16xf32>
        %sort3A_2087 = arith.constant dense<true> : vector<16xi1>
        %sort3A_2088, %sort3A_2089, %sort3A_2090 = tpu.sort %max3A, %max3A masked %sort3A_2087 : (vector<16xf32>, vector<16xf32>, vector<16xi1>) -> (vector<16xi1>, vector<16xf32>, vector<16xf32>)
        %reduce_min3A_2091 = arith.constant true
        %reduce_min3A_2092 = vector.broadcast %reduce_min3A_2091 : i1 to vector<16xi1>
        %reduce_min3A_2093 = tpu.scan <min>, %max3A masked %reduce_min3A_2092 : vector<16xf32>, vector<16xi1> -> vector<16xf32>
        %reduce_min3A_2094 = vector.extract %reduce_min3A_2093[15] : f32 from vector<16xf32>
        scf.yield %sort3A_2089, %reduce_min3A_2094 : vector<16xf32>, f32
      } else {
        scf.yield %cond3A_461#0, %cond3A_461#1 : vector<16xf32>, f32
      }
      %get3A_475 = arith.constant 0 : i32
      %get3A_476 = arith.index_cast %get3A_475 : i32 to index
      %get3A_477 = arith.constant 80 : index
      %get3A_478 = tpu.vector_load %arg7[%get3A_476, %get3A_477] {strides = array<i32>} : memref<16x128xf32, #tpu.memory_space<vmem>>, vector<16xf32>,
      %reduce_max3A_479 = arith.constant true
      %reduce_max3A_480 = vector.broadcast %reduce_max3A_479 : i1 to vector<16xi1>
      %reduce_max3A_481 = tpu.scan <max>, %get3A_478 masked %reduce_max3A_480 : vector<16xf32>, vector<16xi1> -> vector<16xf32>
      %reduce_max3A_482 = vector.extract %reduce_max3A_481[15] : f32 from vector<16xf32>
      %gt3A_483 = arith.cmpf ogt, %reduce_max3A_482, %cond3A_474#1 : f32
      %convert_element_type3A_484 = arith.extui %gt3A_483 : i1 to i32
      %cond3A_485 = arith.constant 0 : i32
      %cond3A_486 = arith.cmpi ne, %convert_element_type3A_484, %cond3A_485 : i32
      %cond3A_487:2 = scf.if %cond3A_486 -> (vector<16xf32>, f32) {
        %masked_sort3A_2083 = arith.constant dense<true> : vector<16xi1>
        %masked_sort3A_2084, %masked_sort3A_2085, %masked_sort3A_2086 = tpu.sort %get3A_478, %iota3A masked %masked_sort3A_2083 {descending = true} : (vector<16xf32>, vector<16xi32>, vector<16xi1>) -> (vector<16xi1>, vector<16xf32>, vector<16xi32>)
        %max3A = arith.maximumf %cond3A_474#0, %masked_sort3A_2085 : vector<16xf32>
        %sort3A_2087 = arith.constant dense<true> : vector<16xi1>
        %sort3A_2088, %sort3A_2089, %sort3A_2090 = tpu.sort %max3A, %max3A masked %sort3A_2087 : (vector<16xf32>, vector<16xf32>, vector<16xi1>) -> (vector<16xi1>, vector<16xf32>, vector<16xf32>)
        %reduce_min3A_2091 = arith.constant true
        %reduce_min3A_2092 = vector.broadcast %reduce_min3A_2091 : i1 to vector<16xi1>
        %reduce_min3A_2093 = tpu.scan <min>, %max3A masked %reduce_min3A_2092 : vector<16xf32>, vector<16xi1> -> vector<16xf32>
        %reduce_min3A_2094 = vector.extract %reduce_min3A_2093[15] : f32 from vector<16xf32>
        scf.yield %sort3A_2089, %reduce_min3A_2094 : vector<16xf32>, f32
      } else {
        scf.yield %cond3A_474#0, %cond3A_474#1 : vector<16xf32>, f32
      }
      %get3A_488 = arith.constant 0 : i32
      %get3A_489 = arith.index_cast %get3A_488 : i32 to index
      %get3A_490 = arith.constant 96 : index
      %get3A_491 = tpu.vector_load %arg7[%get3A_489, %get3A_490] {strides = array<i32>} : memref<16x128xf32, #tpu.memory_space<vmem>>, vector<16xf32>,
      %reduce_max3A_492 = arith.constant true
      %reduce_max3A_493 = vector.broadcast %reduce_max3A_492 : i1 to vector<16xi1>
      %reduce_max3A_494 = tpu.scan <max>, %get3A_491 masked %reduce_max3A_493 : vector<16xf32>, vector<16xi1> -> vector<16xf32>
      %reduce_max3A_495 = vector.extract %reduce_max3A_494[15] : f32 from vector<16xf32>
      %gt3A_496 = arith.cmpf ogt, %reduce_max3A_495, %cond3A_487#1 : f32
      %convert_element_type3A_497 = arith.extui %gt3A_496 : i1 to i32
      %cond3A_498 = arith.constant 0 : i32
      %cond3A_499 = arith.cmpi ne, %convert_element_type3A_497, %cond3A_498 : i32
      %cond3A_500:2 = scf.if %cond3A_499 -> (vector<16xf32>, f32) {
        %masked_sort3A_2083 = arith.constant dense<true> : vector<16xi1>
        %masked_sort3A_2084, %masked_sort3A_2085, %masked_sort3A_2086 = tpu.sort %get3A_491, %iota3A masked %masked_sort3A_2083 {descending = true} : (vector<16xf32>, vector<16xi32>, vector<16xi1>) -> (vector<16xi1>, vector<16xf32>, vector<16xi32>)
        %max3A = arith.maximumf %cond3A_487#0, %masked_sort3A_2085 : vector<16xf32>
        %sort3A_2087 = arith.constant dense<true> : vector<16xi1>
        %sort3A_2088, %sort3A_2089, %sort3A_2090 = tpu.sort %max3A, %max3A masked %sort3A_2087 : (vector<16xf32>, vector<16xf32>, vector<16xi1>) -> (vector<16xi1>, vector<16xf32>, vector<16xf32>)
        %reduce_min3A_2091 = arith.constant true
        %reduce_min3A_2092 = vector.broadcast %reduce_min3A_2091 : i1 to vector<16xi1>
        %reduce_min3A_2093 = tpu.scan <min>, %max3A masked %reduce_min3A_2092 : vector<16xf32>, vector<16xi1> -> vector<16xf32>
        %reduce_min3A_2094 = vector.extract %reduce_min3A_2093[15] : f32 from vector<16xf32>
        scf.yield %sort3A_2089, %reduce_min3A_2094 : vector<16xf32>, f32
      } else {
        scf.yield %cond3A_487#0, %cond3A_487#1 : vector<16xf32>, f32
      }
      %get3A_501 = arith.constant 0 : i32
      %get3A_502 = arith.index_cast %get3A_501 : i32 to index
      %get3A_503 = arith.constant 112 : index
      %get3A_504 = tpu.vector_load %arg7[%get3A_502, %get3A_503] {strides = array<i32>} : memref<16x128xf32, #tpu.memory_space<vmem>>, vector<16xf32>,
      %reduce_max3A_505 = arith.constant true
      %reduce_max3A_506 = vector.broadcast %reduce_max3A_505 : i1 to vector<16xi1>
      %reduce_max3A_507 = tpu.scan <max>, %get3A_504 masked %reduce_max3A_506 : vector<16xf32>, vector<16xi1> -> vector<16xf32>
      %reduce_max3A_508 = vector.extract %reduce_max3A_507[15] : f32 from vector<16xf32>
      %gt3A_509 = arith.cmpf ogt, %reduce_max3A_508, %cond3A_500#1 : f32
      %convert_element_type3A_510 = arith.extui %gt3A_509 : i1 to i32
      %cond3A_511 = arith.constant 0 : i32
      %cond3A_512 = arith.cmpi ne, %convert_element_type3A_510, %cond3A_511 : i32
      %cond3A_513:2 = scf.if %cond3A_512 -> (vector<16xf32>, f32) {
        %masked_sort3A_2083 = arith.constant dense<true> : vector<16xi1>
        %masked_sort3A_2084, %masked_sort3A_2085, %masked_sort3A_2086 = tpu.sort %get3A_504, %iota3A masked %masked_sort3A_2083 {descending = true} : (vector<16xf32>, vector<16xi32>, vector<16xi1>) -> (vector<16xi1>, vector<16xf32>, vector<16xi32>)
        %max3A = arith.maximumf %cond3A_500#0, %masked_sort3A_2085 : vector<16xf32>
        %sort3A_2087 = arith.constant dense<true> : vector<16xi1>
        %sort3A_2088, %sort3A_2089, %sort3A_2090 = tpu.sort %max3A, %max3A masked %sort3A_2087 : (vector<16xf32>, vector<16xf32>, vector<16xi1>) -> (vector<16xi1>, vector<16xf32>, vector<16xf32>)
        %reduce_min3A_2091 = arith.constant true
        %reduce_min3A_2092 = vector.broadcast %reduce_min3A_2091 : i1 to vector<16xi1>
        %reduce_min3A_2093 = tpu.scan <min>, %max3A masked %reduce_min3A_2092 : vector<16xf32>, vector<16xi1> -> vector<16xf32>
        %reduce_min3A_2094 = vector.extract %reduce_min3A_2093[15] : f32 from vector<16xf32>
        scf.yield %sort3A_2089, %reduce_min3A_2094 : vector<16xf32>, f32
      } else {
        scf.yield %cond3A_500#0, %cond3A_500#1 : vector<16xf32>, f32
      }
      %get3A_514 = arith.constant 1 : i32
      %get3A_515 = arith.index_cast %get3A_514 : i32 to index
      %get3A_516 = arith.constant 0 : index
      %get3A_517 = tpu.vector_load %arg7[%get3A_515, %get3A_516] {strides = array<i32>} : memref<16x128xf32, #tpu.memory_space<vmem>>, vector<16xf32>,
      %reduce_max3A_518 = arith.constant true
      %reduce_max3A_519 = vector.broadcast %reduce_max3A_518 : i1 to vector<16xi1>
      %reduce_max3A_520 = tpu.scan <max>, %get3A_517 masked %reduce_max3A_519 : vector<16xf32>, vector<16xi1> -> vector<16xf32>
      %reduce_max3A_521 = vector.extract %reduce_max3A_520[15] : f32 from vector<16xf32>
      %gt3A_522 = arith.cmpf ogt, %reduce_max3A_521, %cond3A_513#1 : f32
      %convert_element_type3A_523 = arith.extui %gt3A_522 : i1 to i32
      %cond3A_524 = arith.constant 0 : i32
      %cond3A_525 = arith.cmpi ne, %convert_element_type3A_523, %cond3A_524 : i32
      %cond3A_526:2 = scf.if %cond3A_525 -> (vector<16xf32>, f32) {
        %masked_sort3A_2083 = arith.constant dense<true> : vector<16xi1>
        %masked_sort3A_2084, %masked_sort3A_2085, %masked_sort3A_2086 = tpu.sort %get3A_517, %iota3A masked %masked_sort3A_2083 {descending = true} : (vector<16xf32>, vector<16xi32>, vector<16xi1>) -> (vector<16xi1>, vector<16xf32>, vector<16xi32>)
        %max3A = arith.maximumf %cond3A_513#0, %masked_sort3A_2085 : vector<16xf32>
        %sort3A_2087 = arith.constant dense<true> : vector<16xi1>
        %sort3A_2088, %sort3A_2089, %sort3A_2090 = tpu.sort %max3A, %max3A masked %sort3A_2087 : (vector<16xf32>, vector<16xf32>, vector<16xi1>) -> (vector<16xi1>, vector<16xf32>, vector<16xf32>)
        %reduce_min3A_2091 = arith.constant true
        %reduce_min3A_2092 = vector.broadcast %reduce_min3A_2091 : i1 to vector<16xi1>
        %reduce_min3A_2093 = tpu.scan <min>, %max3A masked %reduce_min3A_2092 : vector<16xf32>, vector<16xi1> -> vector<16xf32>
        %reduce_min3A_2094 = vector.extract %reduce_min3A_2093[15] : f32 from vector<16xf32>
        scf.yield %sort3A_2089, %reduce_min3A_2094 : vector<16xf32>, f32
      } else {
        scf.yield %cond3A_513#0, %cond3A_513#1 : vector<16xf32>, f32
      }
      %get3A_527 = arith.constant 1 : i32
      %get3A_528 = arith.index_cast %get3A_527 : i32 to index
      %get3A_529 = arith.constant 16 : index
      %get3A_530 = tpu.vector_load %arg7[%get3A_528, %get3A_529] {strides = array<i32>} : memref<16x128xf32, #tpu.memory_space<vmem>>, vector<16xf32>,
      %reduce_max3A_531 = arith.constant true
      %reduce_max3A_532 = vector.broadcast %reduce_max3A_531 : i1 to vector<16xi1>
      %reduce_max3A_533 = tpu.scan <max>, %get3A_530 masked %reduce_max3A_532 : vector<16xf32>, vector<16xi1> -> vector<16xf32>
      %reduce_max3A_534 = vector.extract %reduce_max3A_533[15] : f32 from vector<16xf32>
      %gt3A_535 = arith.cmpf ogt, %reduce_max3A_534, %cond3A_526#1 : f32
      %convert_element_type3A_536 = arith.extui %gt3A_535 : i1 to i32
      %cond3A_537 = arith.constant 0 : i32
      %cond3A_538 = arith.cmpi ne, %convert_element_type3A_536, %cond3A_537 : i32
      %cond3A_539:2 = scf.if %cond3A_538 -> (vector<16xf32>, f32) {
        %masked_sort3A_2083 = arith.constant dense<true> : vector<16xi1>
        %masked_sort3A_2084, %masked_sort3A_2085, %masked_sort3A_2086 = tpu.sort %get3A_530, %iota3A masked %masked_sort3A_2083 {descending = true} : (vector<16xf32>, vector<16xi32>, vector<16xi1>) -> (vector<16xi1>, vector<16xf32>, vector<16xi32>)
        %max3A = arith.maximumf %cond3A_526#0, %masked_sort3A_2085 : vector<16xf32>
        %sort3A_2087 = arith.constant dense<true> : vector<16xi1>
        %sort3A_2088, %sort3A_2089, %sort3A_2090 = tpu.sort %max3A, %max3A masked %sort3A_2087 : (vector<16xf32>, vector<16xf32>, vector<16xi1>) -> (vector<16xi1>, vector<16xf32>, vector<16xf32>)
        %reduce_min3A_2091 = arith.constant true
        %reduce_min3A_2092 = vector.broadcast %reduce_min3A_2091 : i1 to vector<16xi1>
        %reduce_min3A_2093 = tpu.scan <min>, %max3A masked %reduce_min3A_2092 : vector<16xf32>, vector<16xi1> -> vector<16xf32>
        %reduce_min3A_2094 = vector.extract %reduce_min3A_2093[15] : f32 from vector<16xf32>
        scf.yield %sort3A_2089, %reduce_min3A_2094 : vector<16xf32>, f32
      } else {
        scf.yield %cond3A_526#0, %cond3A_526#1 : vector<16xf32>, f32
      }
      %get3A_540 = arith.constant 1 : i32
      %get3A_541 = arith.index_cast %get3A_540 : i32 to index
      %get3A_542 = arith.constant 32 : index
      %get3A_543 = tpu.vector_load %arg7[%get3A_541, %get3A_542] {strides = array<i32>} : memref<16x128xf32, #tpu.memory_space<vmem>>, vector<16xf32>,
      %reduce_max3A_544 = arith.constant true
      %reduce_max3A_545 = vector.broadcast %reduce_max3A_544 : i1 to vector<16xi1>
      %reduce_max3A_546 = tpu.scan <max>, %get3A_543 masked %reduce_max3A_545 : vector<16xf32>, vector<16xi1> -> vector<16xf32>
      %reduce_max3A_547 = vector.extract %reduce_max3A_546[15] : f32 from vector<16xf32>
      %gt3A_548 = arith.cmpf ogt, %reduce_max3A_547, %cond3A_539#1 : f32
      %convert_element_type3A_549 = arith.extui %gt3A_548 : i1 to i32
      %cond3A_550 = arith.constant 0 : i32
      %cond3A_551 = arith.cmpi ne, %convert_element_type3A_549, %cond3A_550 : i32
      %cond3A_552:2 = scf.if %cond3A_551 -> (vector<16xf32>, f32) {
        %masked_sort3A_2083 = arith.constant dense<true> : vector<16xi1>
        %masked_sort3A_2084, %masked_sort3A_2085, %masked_sort3A_2086 = tpu.sort %get3A_543, %iota3A masked %masked_sort3A_2083 {descending = true} : (vector<16xf32>, vector<16xi32>, vector<16xi1>) -> (vector<16xi1>, vector<16xf32>, vector<16xi32>)
        %max3A = arith.maximumf %cond3A_539#0, %masked_sort3A_2085 : vector<16xf32>
        %sort3A_2087 = arith.constant dense<true> : vector<16xi1>
        %sort3A_2088, %sort3A_2089, %sort3A_2090 = tpu.sort %max3A, %max3A masked %sort3A_2087 : (vector<16xf32>, vector<16xf32>, vector<16xi1>) -> (vector<16xi1>, vector<16xf32>, vector<16xf32>)
        %reduce_min3A_2091 = arith.constant true
        %reduce_min3A_2092 = vector.broadcast %reduce_min3A_2091 : i1 to vector<16xi1>
        %reduce_min3A_2093 = tpu.scan <min>, %max3A masked %reduce_min3A_2092 : vector<16xf32>, vector<16xi1> -> vector<16xf32>
        %reduce_min3A_2094 = vector.extract %reduce_min3A_2093[15] : f32 from vector<16xf32>
        scf.yield %sort3A_2089, %reduce_min3A_2094 : vector<16xf32>, f32
      } else {
        scf.yield %cond3A_539#0, %cond3A_539#1 : vector<16xf32>, f32
      }
      %get3A_553 = arith.constant 1 : i32
      %get3A_554 = arith.index_cast %get3A_553 : i32 to index
      %get3A_555 = arith.constant 48 : index
      %get3A_556 = tpu.vector_load %arg7[%get3A_554, %get3A_555] {strides = array<i32>} : memref<16x128xf32, #tpu.memory_space<vmem>>, vector<16xf32>,
      %reduce_max3A_557 = arith.constant true
      %reduce_max3A_558 = vector.broadcast %reduce_max3A_557 : i1 to vector<16xi1>
      %reduce_max3A_559 = tpu.scan <max>, %get3A_556 masked %reduce_max3A_558 : vector<16xf32>, vector<16xi1> -> vector<16xf32>
      %reduce_max3A_560 = vector.extract %reduce_max3A_559[15] : f32 from vector<16xf32>
      %gt3A_561 = arith.cmpf ogt, %reduce_max3A_560, %cond3A_552#1 : f32
      %convert_element_type3A_562 = arith.extui %gt3A_561 : i1 to i32
      %cond3A_563 = arith.constant 0 : i32
      %cond3A_564 = arith.cmpi ne, %convert_element_type3A_562, %cond3A_563 : i32
      %cond3A_565:2 = scf.if %cond3A_564 -> (vector<16xf32>, f32) {
        %masked_sort3A_2083 = arith.constant dense<true> : vector<16xi1>
        %masked_sort3A_2084, %masked_sort3A_2085, %masked_sort3A_2086 = tpu.sort %get3A_556, %iota3A masked %masked_sort3A_2083 {descending = true} : (vector<16xf32>, vector<16xi32>, vector<16xi1>) -> (vector<16xi1>, vector<16xf32>, vector<16xi32>)
        %max3A = arith.maximumf %cond3A_552#0, %masked_sort3A_2085 : vector<16xf32>
        %sort3A_2087 = arith.constant dense<true> : vector<16xi1>
        %sort3A_2088, %sort3A_2089, %sort3A_2090 = tpu.sort %max3A, %max3A masked %sort3A_2087 : (vector<16xf32>, vector<16xf32>, vector<16xi1>) -> (vector<16xi1>, vector<16xf32>, vector<16xf32>)
        %reduce_min3A_2091 = arith.constant true
        %reduce_min3A_2092 = vector.broadcast %reduce_min3A_2091 : i1 to vector<16xi1>
        %reduce_min3A_2093 = tpu.scan <min>, %max3A masked %reduce_min3A_2092 : vector<16xf32>, vector<16xi1> -> vector<16xf32>
        %reduce_min3A_2094 = vector.extract %reduce_min3A_2093[15] : f32 from vector<16xf32>
        scf.yield %sort3A_2089, %reduce_min3A_2094 : vector<16xf32>, f32
      } else {
        scf.yield %cond3A_552#0, %cond3A_552#1 : vector<16xf32>, f32
      }
      %get3A_566 = arith.constant 1 : i32
      %get3A_567 = arith.index_cast %get3A_566 : i32 to index
      %get3A_568 = arith.constant 64 : index
      %get3A_569 = tpu.vector_load %arg7[%get3A_567, %get3A_568] {strides = array<i32>} : memref<16x128xf32, #tpu.memory_space<vmem>>, vector<16xf32>,
      %reduce_max3A_570 = arith.constant true
      %reduce_max3A_571 = vector.broadcast %reduce_max3A_570 : i1 to vector<16xi1>
      %reduce_max3A_572 = tpu.scan <max>, %get3A_569 masked %reduce_max3A_571 : vector<16xf32>, vector<16xi1> -> vector<16xf32>
      %reduce_max3A_573 = vector.extract %reduce_max3A_572[15] : f32 from vector<16xf32>
      %gt3A_574 = arith.cmpf ogt, %reduce_max3A_573, %cond3A_565#1 : f32
      %convert_element_type3A_575 = arith.extui %gt3A_574 : i1 to i32
      %cond3A_576 = arith.constant 0 : i32
      %cond3A_577 = arith.cmpi ne, %convert_element_type3A_575, %cond3A_576 : i32
      %cond3A_578:2 = scf.if %cond3A_577 -> (vector<16xf32>, f32) {
        %masked_sort3A_2083 = arith.constant dense<true> : vector<16xi1>
        %masked_sort3A_2084, %masked_sort3A_2085, %masked_sort3A_2086 = tpu.sort %get3A_569, %iota3A masked %masked_sort3A_2083 {descending = true} : (vector<16xf32>, vector<16xi32>, vector<16xi1>) -> (vector<16xi1>, vector<16xf32>, vector<16xi32>)
        %max3A = arith.maximumf %cond3A_565#0, %masked_sort3A_2085 : vector<16xf32>
        %sort3A_2087 = arith.constant dense<true> : vector<16xi1>
        %sort3A_2088, %sort3A_2089, %sort3A_2090 = tpu.sort %max3A, %max3A masked %sort3A_2087 : (vector<16xf32>, vector<16xf32>, vector<16xi1>) -> (vector<16xi1>, vector<16xf32>, vector<16xf32>)
        %reduce_min3A_2091 = arith.constant true
        %reduce_min3A_2092 = vector.broadcast %reduce_min3A_2091 : i1 to vector<16xi1>
        %reduce_min3A_2093 = tpu.scan <min>, %max3A masked %reduce_min3A_2092 : vector<16xf32>, vector<16xi1> -> vector<16xf32>
        %reduce_min3A_2094 = vector.extract %reduce_min3A_2093[15] : f32 from vector<16xf32>
        scf.yield %sort3A_2089, %reduce_min3A_2094 : vector<16xf32>, f32
      } else {
        scf.yield %cond3A_565#0, %cond3A_565#1 : vector<16xf32>, f32
      }
      %get3A_579 = arith.constant 1 : i32
      %get3A_580 = arith.index_cast %get3A_579 : i32 to index
      %get3A_581 = arith.constant 80 : index
      %get3A_582 = tpu.vector_load %arg7[%get3A_580, %get3A_581] {strides = array<i32>} : memref<16x128xf32, #tpu.memory_space<vmem>>, vector<16xf32>,
      %reduce_max3A_583 = arith.constant true
      %reduce_max3A_584 = vector.broadcast %reduce_max3A_583 : i1 to vector<16xi1>
      %reduce_max3A_585 = tpu.scan <max>, %get3A_582 masked %reduce_max3A_584 : vector<16xf32>, vector<16xi1> -> vector<16xf32>
      %reduce_max3A_586 = vector.extract %reduce_max3A_585[15] : f32 from vector<16xf32>
      %gt3A_587 = arith.cmpf ogt, %reduce_max3A_586, %cond3A_578#1 : f32
      %convert_element_type3A_588 = arith.extui %gt3A_587 : i1 to i32
      %cond3A_589 = arith.constant 0 : i32
      %cond3A_590 = arith.cmpi ne, %convert_element_type3A_588, %cond3A_589 : i32
      %cond3A_591:2 = scf.if %cond3A_590 -> (vector<16xf32>, f32) {
        %masked_sort3A_2083 = arith.constant dense<true> : vector<16xi1>
        %masked_sort3A_2084, %masked_sort3A_2085, %masked_sort3A_2086 = tpu.sort %get3A_582, %iota3A masked %masked_sort3A_2083 {descending = true} : (vector<16xf32>, vector<16xi32>, vector<16xi1>) -> (vector<16xi1>, vector<16xf32>, vector<16xi32>)
        %max3A = arith.maximumf %cond3A_578#0, %masked_sort3A_2085 : vector<16xf32>
        %sort3A_2087 = arith.constant dense<true> : vector<16xi1>
        %sort3A_2088, %sort3A_2089, %sort3A_2090 = tpu.sort %max3A, %max3A masked %sort3A_2087 : (vector<16xf32>, vector<16xf32>, vector<16xi1>) -> (vector<16xi1>, vector<16xf32>, vector<16xf32>)
        %reduce_min3A_2091 = arith.constant true
        %reduce_min3A_2092 = vector.broadcast %reduce_min3A_2091 : i1 to vector<16xi1>
        %reduce_min3A_2093 = tpu.scan <min>, %max3A masked %reduce_min3A_2092 : vector<16xf32>, vector<16xi1> -> vector<16xf32>
        %reduce_min3A_2094 = vector.extract %reduce_min3A_2093[15] : f32 from vector<16xf32>
        scf.yield %sort3A_2089, %reduce_min3A_2094 : vector<16xf32>, f32
      } else {
        scf.yield %cond3A_578#0, %cond3A_578#1 : vector<16xf32>, f32
      }
      %get3A_592 = arith.constant 1 : i32
      %get3A_593 = arith.index_cast %get3A_592 : i32 to index
      %get3A_594 = arith.constant 96 : index
      %get3A_595 = tpu.vector_load %arg7[%get3A_593, %get3A_594] {strides = array<i32>} : memref<16x128xf32, #tpu.memory_space<vmem>>, vector<16xf32>,
      %reduce_max3A_596 = arith.constant true
      %reduce_max3A_597 = vector.broadcast %reduce_max3A_596 : i1 to vector<16xi1>
      %reduce_max3A_598 = tpu.scan <max>, %get3A_595 masked %reduce_max3A_597 : vector<16xf32>, vector<16xi1> -> vector<16xf32>
      %reduce_max3A_599 = vector.extract %reduce_max3A_598[15] : f32 from vector<16xf32>
      %gt3A_600 = arith.cmpf ogt, %reduce_max3A_599, %cond3A_591#1 : f32
      %convert_element_type3A_601 = arith.extui %gt3A_600 : i1 to i32
      %cond3A_602 = arith.constant 0 : i32
      %cond3A_603 = arith.cmpi ne, %convert_element_type3A_601, %cond3A_602 : i32
      %cond3A_604:2 = scf.if %cond3A_603 -> (vector<16xf32>, f32) {
        %masked_sort3A_2083 = arith.constant dense<true> : vector<16xi1>
        %masked_sort3A_2084, %masked_sort3A_2085, %masked_sort3A_2086 = tpu.sort %get3A_595, %iota3A masked %masked_sort3A_2083 {descending = true} : (vector<16xf32>, vector<16xi32>, vector<16xi1>) -> (vector<16xi1>, vector<16xf32>, vector<16xi32>)
        %max3A = arith.maximumf %cond3A_591#0, %masked_sort3A_2085 : vector<16xf32>
        %sort3A_2087 = arith.constant dense<true> : vector<16xi1>
        %sort3A_2088, %sort3A_2089, %sort3A_2090 = tpu.sort %max3A, %max3A masked %sort3A_2087 : (vector<16xf32>, vector<16xf32>, vector<16xi1>) -> (vector<16xi1>, vector<16xf32>, vector<16xf32>)
        %reduce_min3A_2091 = arith.constant true
        %reduce_min3A_2092 = vector.broadcast %reduce_min3A_2091 : i1 to vector<16xi1>
        %reduce_min3A_2093 = tpu.scan <min>, %max3A masked %reduce_min3A_2092 : vector<16xf32>, vector<16xi1> -> vector<16xf32>
        %reduce_min3A_2094 = vector.extract %reduce_min3A_2093[15] : f32 from vector<16xf32>
        scf.yield %sort3A_2089, %reduce_min3A_2094 : vector<16xf32>, f32
      } else {
        scf.yield %cond3A_591#0, %cond3A_591#1 : vector<16xf32>, f32
      }
      %get3A_605 = arith.constant 1 : i32
      %get3A_606 = arith.index_cast %get3A_605 : i32 to index
      %get3A_607 = arith.constant 112 : index
      %get3A_608 = tpu.vector_load %arg7[%get3A_606, %get3A_607] {strides = array<i32>} : memref<16x128xf32, #tpu.memory_space<vmem>>, vector<16xf32>,
      %reduce_max3A_609 = arith.constant true
      %reduce_max3A_610 = vector.broadcast %reduce_max3A_609 : i1 to vector<16xi1>
      %reduce_max3A_611 = tpu.scan <max>, %get3A_608 masked %reduce_max3A_610 : vector<16xf32>, vector<16xi1> -> vector<16xf32>
      %reduce_max3A_612 = vector.extract %reduce_max3A_611[15] : f32 from vector<16xf32>
      %gt3A_613 = arith.cmpf ogt, %reduce_max3A_612, %cond3A_604#1 : f32
      %convert_element_type3A_614 = arith.extui %gt3A_613 : i1 to i32
      %cond3A_615 = arith.constant 0 : i32
      %cond3A_616 = arith.cmpi ne, %convert_element_type3A_614, %cond3A_615 : i32
      %cond3A_617:2 = scf.if %cond3A_616 -> (vector<16xf32>, f32) {
        %masked_sort3A_2083 = arith.constant dense<true> : vector<16xi1>
        %masked_sort3A_2084, %masked_sort3A_2085, %masked_sort3A_2086 = tpu.sort %get3A_608, %iota3A masked %masked_sort3A_2083 {descending = true} : (vector<16xf32>, vector<16xi32>, vector<16xi1>) -> (vector<16xi1>, vector<16xf32>, vector<16xi32>)
        %max3A = arith.maximumf %cond3A_604#0, %masked_sort3A_2085 : vector<16xf32>
        %sort3A_2087 = arith.constant dense<true> : vector<16xi1>
        %sort3A_2088, %sort3A_2089, %sort3A_2090 = tpu.sort %max3A, %max3A masked %sort3A_2087 : (vector<16xf32>, vector<16xf32>, vector<16xi1>) -> (vector<16xi1>, vector<16xf32>, vector<16xf32>)
        %reduce_min3A_2091 = arith.constant true
        %reduce_min3A_2092 = vector.broadcast %reduce_min3A_2091 : i1 to vector<16xi1>
        %reduce_min3A_2093 = tpu.scan <min>, %max3A masked %reduce_min3A_2092 : vector<16xf32>, vector<16xi1> -> vector<16xf32>
        %reduce_min3A_2094 = vector.extract %reduce_min3A_2093[15] : f32 from vector<16xf32>
        scf.yield %sort3A_2089, %reduce_min3A_2094 : vector<16xf32>, f32
      } else {
        scf.yield %cond3A_604#0, %cond3A_604#1 : vector<16xf32>, f32
      }
      %get3A_618 = arith.constant 2 : i32
      %get3A_619 = arith.index_cast %get3A_618 : i32 to index
      %get3A_620 = arith.constant 0 : index
      %get3A_621 = tpu.vector_load %arg7[%get3A_619, %get3A_620] {strides = array<i32>} : memref<16x128xf32, #tpu.memory_space<vmem>>, vector<16xf32>,
      %reduce_max3A_622 = arith.constant true
      %reduce_max3A_623 = vector.broadcast %reduce_max3A_622 : i1 to vector<16xi1>
      %reduce_max3A_624 = tpu.scan <max>, %get3A_621 masked %reduce_max3A_623 : vector<16xf32>, vector<16xi1> -> vector<16xf32>
      %reduce_max3A_625 = vector.extract %reduce_max3A_624[15] : f32 from vector<16xf32>
      %gt3A_626 = arith.cmpf ogt, %reduce_max3A_625, %cond3A_617#1 : f32
      %convert_element_type3A_627 = arith.extui %gt3A_626 : i1 to i32
      %cond3A_628 = arith.constant 0 : i32
      %cond3A_629 = arith.cmpi ne, %convert_element_type3A_627, %cond3A_628 : i32
      %cond3A_630:2 = scf.if %cond3A_629 -> (vector<16xf32>, f32) {
        %masked_sort3A_2083 = arith.constant dense<true> : vector<16xi1>
        %masked_sort3A_2084, %masked_sort3A_2085, %masked_sort3A_2086 = tpu.sort %get3A_621, %iota3A masked %masked_sort3A_2083 {descending = true} : (vector<16xf32>, vector<16xi32>, vector<16xi1>) -> (vector<16xi1>, vector<16xf32>, vector<16xi32>)
        %max3A = arith.maximumf %cond3A_617#0, %masked_sort3A_2085 : vector<16xf32>
        %sort3A_2087 = arith.constant dense<true> : vector<16xi1>
        %sort3A_2088, %sort3A_2089, %sort3A_2090 = tpu.sort %max3A, %max3A masked %sort3A_2087 : (vector<16xf32>, vector<16xf32>, vector<16xi1>) -> (vector<16xi1>, vector<16xf32>, vector<16xf32>)
        %reduce_min3A_2091 = arith.constant true
        %reduce_min3A_2092 = vector.broadcast %reduce_min3A_2091 : i1 to vector<16xi1>
        %reduce_min3A_2093 = tpu.scan <min>, %max3A masked %reduce_min3A_2092 : vector<16xf32>, vector<16xi1> -> vector<16xf32>
        %reduce_min3A_2094 = vector.extract %reduce_min3A_2093[15] : f32 from vector<16xf32>
        scf.yield %sort3A_2089, %reduce_min3A_2094 : vector<16xf32>, f32
      } else {
        scf.yield %cond3A_617#0, %cond3A_617#1 : vector<16xf32>, f32
      }
      %get3A_631 = arith.constant 2 : i32
      %get3A_632 = arith.index_cast %get3A_631 : i32 to index
      %get3A_633 = arith.constant 16 : index
      %get3A_634 = tpu.vector_load %arg7[%get3A_632, %get3A_633] {strides = array<i32>} : memref<16x128xf32, #tpu.memory_space<vmem>>, vector<16xf32>,
      %reduce_max3A_635 = arith.constant true
      %reduce_max3A_636 = vector.broadcast %reduce_max3A_635 : i1 to vector<16xi1>
      %reduce_max3A_637 = tpu.scan <max>, %get3A_634 masked %reduce_max3A_636 : vector<16xf32>, vector<16xi1> -> vector<16xf32>
      %reduce_max3A_638 = vector.extract %reduce_max3A_637[15] : f32 from vector<16xf32>
      %gt3A_639 = arith.cmpf ogt, %reduce_max3A_638, %cond3A_630#1 : f32
      %convert_element_type3A_640 = arith.extui %gt3A_639 : i1 to i32
      %cond3A_641 = arith.constant 0 : i32
      %cond3A_642 = arith.cmpi ne, %convert_element_type3A_640, %cond3A_641 : i32
      %cond3A_643:2 = scf.if %cond3A_642 -> (vector<16xf32>, f32) {
        %masked_sort3A_2083 = arith.constant dense<true> : vector<16xi1>
        %masked_sort3A_2084, %masked_sort3A_2085, %masked_sort3A_2086 = tpu.sort %get3A_634, %iota3A masked %masked_sort3A_2083 {descending = true} : (vector<16xf32>, vector<16xi32>, vector<16xi1>) -> (vector<16xi1>, vector<16xf32>, vector<16xi32>)
        %max3A = arith.maximumf %cond3A_630#0, %masked_sort3A_2085 : vector<16xf32>
        %sort3A_2087 = arith.constant dense<true> : vector<16xi1>
        %sort3A_2088, %sort3A_2089, %sort3A_2090 = tpu.sort %max3A, %max3A masked %sort3A_2087 : (vector<16xf32>, vector<16xf32>, vector<16xi1>) -> (vector<16xi1>, vector<16xf32>, vector<16xf32>)
        %reduce_min3A_2091 = arith.constant true
        %reduce_min3A_2092 = vector.broadcast %reduce_min3A_2091 : i1 to vector<16xi1>
        %reduce_min3A_2093 = tpu.scan <min>, %max3A masked %reduce_min3A_2092 : vector<16xf32>, vector<16xi1> -> vector<16xf32>
        %reduce_min3A_2094 = vector.extract %reduce_min3A_2093[15] : f32 from vector<16xf32>
        scf.yield %sort3A_2089, %reduce_min3A_2094 : vector<16xf32>, f32
      } else {
        scf.yield %cond3A_630#0, %cond3A_630#1 : vector<16xf32>, f32
      }
      %get3A_644 = arith.constant 2 : i32
      %get3A_645 = arith.index_cast %get3A_644 : i32 to index
      %get3A_646 = arith.constant 32 : index
      %get3A_647 = tpu.vector_load %arg7[%get3A_645, %get3A_646] {strides = array<i32>} : memref<16x128xf32, #tpu.memory_space<vmem>>, vector<16xf32>,
      %reduce_max3A_648 = arith.constant true
      %reduce_max3A_649 = vector.broadcast %reduce_max3A_648 : i1 to vector<16xi1>
      %reduce_max3A_650 = tpu.scan <max>, %get3A_647 masked %reduce_max3A_649 : vector<16xf32>, vector<16xi1> -> vector<16xf32>
      %reduce_max3A_651 = vector.extract %reduce_max3A_650[15] : f32 from vector<16xf32>
      %gt3A_652 = arith.cmpf ogt, %reduce_max3A_651, %cond3A_643#1 : f32
      %convert_element_type3A_653 = arith.extui %gt3A_652 : i1 to i32
      %cond3A_654 = arith.constant 0 : i32
      %cond3A_655 = arith.cmpi ne, %convert_element_type3A_653, %cond3A_654 : i32
      %cond3A_656:2 = scf.if %cond3A_655 -> (vector<16xf32>, f32) {
        %masked_sort3A_2083 = arith.constant dense<true> : vector<16xi1>
        %masked_sort3A_2084, %masked_sort3A_2085, %masked_sort3A_2086 = tpu.sort %get3A_647, %iota3A masked %masked_sort3A_2083 {descending = true} : (vector<16xf32>, vector<16xi32>, vector<16xi1>) -> (vector<16xi1>, vector<16xf32>, vector<16xi32>)
        %max3A = arith.maximumf %cond3A_643#0, %masked_sort3A_2085 : vector<16xf32>
        %sort3A_2087 = arith.constant dense<true> : vector<16xi1>
        %sort3A_2088, %sort3A_2089, %sort3A_2090 = tpu.sort %max3A, %max3A masked %sort3A_2087 : (vector<16xf32>, vector<16xf32>, vector<16xi1>) -> (vector<16xi1>, vector<16xf32>, vector<16xf32>)
        %reduce_min3A_2091 = arith.constant true
        %reduce_min3A_2092 = vector.broadcast %reduce_min3A_2091 : i1 to vector<16xi1>
        %reduce_min3A_2093 = tpu.scan <min>, %max3A masked %reduce_min3A_2092 : vector<16xf32>, vector<16xi1> -> vector<16xf32>
        %reduce_min3A_2094 = vector.extract %reduce_min3A_2093[15] : f32 from vector<16xf32>
        scf.yield %sort3A_2089, %reduce_min3A_2094 : vector<16xf32>, f32
      } else {
        scf.yield %cond3A_643#0, %cond3A_643#1 : vector<16xf32>, f32
      }
      %get3A_657 = arith.constant 2 : i32
      %get3A_658 = arith.index_cast %get3A_657 : i32 to index
      %get3A_659 = arith.constant 48 : index
      %get3A_660 = tpu.vector_load %arg7[%get3A_658, %get3A_659] {strides = array<i32>} : memref<16x128xf32, #tpu.memory_space<vmem>>, vector<16xf32>,
      %reduce_max3A_661 = arith.constant true
      %reduce_max3A_662 = vector.broadcast %reduce_max3A_661 : i1 to vector<16xi1>
      %reduce_max3A_663 = tpu.scan <max>, %get3A_660 masked %reduce_max3A_662 : vector<16xf32>, vector<16xi1> -> vector<16xf32>
      %reduce_max3A_664 = vector.extract %reduce_max3A_663[15] : f32 from vector<16xf32>
      %gt3A_665 = arith.cmpf ogt, %reduce_max3A_664, %cond3A_656#1 : f32
      %convert_element_type3A_666 = arith.extui %gt3A_665 : i1 to i32
      %cond3A_667 = arith.constant 0 : i32
      %cond3A_668 = arith.cmpi ne, %convert_element_type3A_666, %cond3A_667 : i32
      %cond3A_669:2 = scf.if %cond3A_668 -> (vector<16xf32>, f32) {
        %masked_sort3A_2083 = arith.constant dense<true> : vector<16xi1>
        %masked_sort3A_2084, %masked_sort3A_2085, %masked_sort3A_2086 = tpu.sort %get3A_660, %iota3A masked %masked_sort3A_2083 {descending = true} : (vector<16xf32>, vector<16xi32>, vector<16xi1>) -> (vector<16xi1>, vector<16xf32>, vector<16xi32>)
        %max3A = arith.maximumf %cond3A_656#0, %masked_sort3A_2085 : vector<16xf32>
        %sort3A_2087 = arith.constant dense<true> : vector<16xi1>
        %sort3A_2088, %sort3A_2089, %sort3A_2090 = tpu.sort %max3A, %max3A masked %sort3A_2087 : (vector<16xf32>, vector<16xf32>, vector<16xi1>) -> (vector<16xi1>, vector<16xf32>, vector<16xf32>)
        %reduce_min3A_2091 = arith.constant true
        %reduce_min3A_2092 = vector.broadcast %reduce_min3A_2091 : i1 to vector<16xi1>
        %reduce_min3A_2093 = tpu.scan <min>, %max3A masked %reduce_min3A_2092 : vector<16xf32>, vector<16xi1> -> vector<16xf32>
        %reduce_min3A_2094 = vector.extract %reduce_min3A_2093[15] : f32 from vector<16xf32>
        scf.yield %sort3A_2089, %reduce_min3A_2094 : vector<16xf32>, f32
      } else {
        scf.yield %cond3A_656#0, %cond3A_656#1 : vector<16xf32>, f32
      }
      %get3A_670 = arith.constant 2 : i32
      %get3A_671 = arith.index_cast %get3A_670 : i32 to index
      %get3A_672 = arith.constant 64 : index
      %get3A_673 = tpu.vector_load %arg7[%get3A_671, %get3A_672] {strides = array<i32>} : memref<16x128xf32, #tpu.memory_space<vmem>>, vector<16xf32>,
      %reduce_max3A_674 = arith.constant true
      %reduce_max3A_675 = vector.broadcast %reduce_max3A_674 : i1 to vector<16xi1>
      %reduce_max3A_676 = tpu.scan <max>, %get3A_673 masked %reduce_max3A_675 : vector<16xf32>, vector<16xi1> -> vector<16xf32>
      %reduce_max3A_677 = vector.extract %reduce_max3A_676[15] : f32 from vector<16xf32>
      %gt3A_678 = arith.cmpf ogt, %reduce_max3A_677, %cond3A_669#1 : f32
      %convert_element_type3A_679 = arith.extui %gt3A_678 : i1 to i32
      %cond3A_680 = arith.constant 0 : i32
      %cond3A_681 = arith.cmpi ne, %convert_element_type3A_679, %cond3A_680 : i32
      %cond3A_682:2 = scf.if %cond3A_681 -> (vector<16xf32>, f32) {
        %masked_sort3A_2083 = arith.constant dense<true> : vector<16xi1>
        %masked_sort3A_2084, %masked_sort3A_2085, %masked_sort3A_2086 = tpu.sort %get3A_673, %iota3A masked %masked_sort3A_2083 {descending = true} : (vector<16xf32>, vector<16xi32>, vector<16xi1>) -> (vector<16xi1>, vector<16xf32>, vector<16xi32>)
        %max3A = arith.maximumf %cond3A_669#0, %masked_sort3A_2085 : vector<16xf32>
        %sort3A_2087 = arith.constant dense<true> : vector<16xi1>
        %sort3A_2088, %sort3A_2089, %sort3A_2090 = tpu.sort %max3A, %max3A masked %sort3A_2087 : (vector<16xf32>, vector<16xf32>, vector<16xi1>) -> (vector<16xi1>, vector<16xf32>, vector<16xf32>)
        %reduce_min3A_2091 = arith.constant true
        %reduce_min3A_2092 = vector.broadcast %reduce_min3A_2091 : i1 to vector<16xi1>
        %reduce_min3A_2093 = tpu.scan <min>, %max3A masked %reduce_min3A_2092 : vector<16xf32>, vector<16xi1> -> vector<16xf32>
        %reduce_min3A_2094 = vector.extract %reduce_min3A_2093[15] : f32 from vector<16xf32>
        scf.yield %sort3A_2089, %reduce_min3A_2094 : vector<16xf32>, f32
      } else {
        scf.yield %cond3A_669#0, %cond3A_669#1 : vector<16xf32>, f32
      }
      %get3A_683 = arith.constant 2 : i32
      %get3A_684 = arith.index_cast %get3A_683 : i32 to index
      %get3A_685 = arith.constant 80 : index
      %get3A_686 = tpu.vector_load %arg7[%get3A_684, %get3A_685] {strides = array<i32>} : memref<16x128xf32, #tpu.memory_space<vmem>>, vector<16xf32>,
      %reduce_max3A_687 = arith.constant true
      %reduce_max3A_688 = vector.broadcast %reduce_max3A_687 : i1 to vector<16xi1>
      %reduce_max3A_689 = tpu.scan <max>, %get3A_686 masked %reduce_max3A_688 : vector<16xf32>, vector<16xi1> -> vector<16xf32>
      %reduce_max3A_690 = vector.extract %reduce_max3A_689[15] : f32 from vector<16xf32>
      %gt3A_691 = arith.cmpf ogt, %reduce_max3A_690, %cond3A_682#1 : f32
      %convert_element_type3A_692 = arith.extui %gt3A_691 : i1 to i32
      %cond3A_693 = arith.constant 0 : i32
      %cond3A_694 = arith.cmpi ne, %convert_element_type3A_692, %cond3A_693 : i32
      %cond3A_695:2 = scf.if %cond3A_694 -> (vector<16xf32>, f32) {
        %masked_sort3A_2083 = arith.constant dense<true> : vector<16xi1>
        %masked_sort3A_2084, %masked_sort3A_2085, %masked_sort3A_2086 = tpu.sort %get3A_686, %iota3A masked %masked_sort3A_2083 {descending = true} : (vector<16xf32>, vector<16xi32>, vector<16xi1>) -> (vector<16xi1>, vector<16xf32>, vector<16xi32>)
        %max3A = arith.maximumf %cond3A_682#0, %masked_sort3A_2085 : vector<16xf32>
        %sort3A_2087 = arith.constant dense<true> : vector<16xi1>
        %sort3A_2088, %sort3A_2089, %sort3A_2090 = tpu.sort %max3A, %max3A masked %sort3A_2087 : (vector<16xf32>, vector<16xf32>, vector<16xi1>) -> (vector<16xi1>, vector<16xf32>, vector<16xf32>)
        %reduce_min3A_2091 = arith.constant true
        %reduce_min3A_2092 = vector.broadcast %reduce_min3A_2091 : i1 to vector<16xi1>
        %reduce_min3A_2093 = tpu.scan <min>, %max3A masked %reduce_min3A_2092 : vector<16xf32>, vector<16xi1> -> vector<16xf32>
        %reduce_min3A_2094 = vector.extract %reduce_min3A_2093[15] : f32 from vector<16xf32>
        scf.yield %sort3A_2089, %reduce_min3A_2094 : vector<16xf32>, f32
      } else {
        scf.yield %cond3A_682#0, %cond3A_682#1 : vector<16xf32>, f32
      }
      %get3A_696 = arith.constant 2 : i32
      %get3A_697 = arith.index_cast %get3A_696 : i32 to index
      %get3A_698 = arith.constant 96 : index
      %get3A_699 = tpu.vector_load %arg7[%get3A_697, %get3A_698] {strides = array<i32>} : memref<16x128xf32, #tpu.memory_space<vmem>>, vector<16xf32>,
      %reduce_max3A_700 = arith.constant true
      %reduce_max3A_701 = vector.broadcast %reduce_max3A_700 : i1 to vector<16xi1>
      %reduce_max3A_702 = tpu.scan <max>, %get3A_699 masked %reduce_max3A_701 : vector<16xf32>, vector<16xi1> -> vector<16xf32>
      %reduce_max3A_703 = vector.extract %reduce_max3A_702[15] : f32 from vector<16xf32>
      %gt3A_704 = arith.cmpf ogt, %reduce_max3A_703, %cond3A_695#1 : f32
      %convert_element_type3A_705 = arith.extui %gt3A_704 : i1 to i32
      %cond3A_706 = arith.constant 0 : i32
      %cond3A_707 = arith.cmpi ne, %convert_element_type3A_705, %cond3A_706 : i32
      %cond3A_708:2 = scf.if %cond3A_707 -> (vector<16xf32>, f32) {
        %masked_sort3A_2083 = arith.constant dense<true> : vector<16xi1>
        %masked_sort3A_2084, %masked_sort3A_2085, %masked_sort3A_2086 = tpu.sort %get3A_699, %iota3A masked %masked_sort3A_2083 {descending = true} : (vector<16xf32>, vector<16xi32>, vector<16xi1>) -> (vector<16xi1>, vector<16xf32>, vector<16xi32>)
        %max3A = arith.maximumf %cond3A_695#0, %masked_sort3A_2085 : vector<16xf32>
        %sort3A_2087 = arith.constant dense<true> : vector<16xi1>
        %sort3A_2088, %sort3A_2089, %sort3A_2090 = tpu.sort %max3A, %max3A masked %sort3A_2087 : (vector<16xf32>, vector<16xf32>, vector<16xi1>) -> (vector<16xi1>, vector<16xf32>, vector<16xf32>)
        %reduce_min3A_2091 = arith.constant true
        %reduce_min3A_2092 = vector.broadcast %reduce_min3A_2091 : i1 to vector<16xi1>
        %reduce_min3A_2093 = tpu.scan <min>, %max3A masked %reduce_min3A_2092 : vector<16xf32>, vector<16xi1> -> vector<16xf32>
        %reduce_min3A_2094 = vector.extract %reduce_min3A_2093[15] : f32 from vector<16xf32>
        scf.yield %sort3A_2089, %reduce_min3A_2094 : vector<16xf32>, f32
      } else {
        scf.yield %cond3A_695#0, %cond3A_695#1 : vector<16xf32>, f32
      }
      %get3A_709 = arith.constant 2 : i32
      %get3A_710 = arith.index_cast %get3A_709 : i32 to index
      %get3A_711 = arith.constant 112 : index
      %get3A_712 = tpu.vector_load %arg7[%get3A_710, %get3A_711] {strides = array<i32>} : memref<16x128xf32, #tpu.memory_space<vmem>>, vector<16xf32>,
      %reduce_max3A_713 = arith.constant true
      %reduce_max3A_714 = vector.broadcast %reduce_max3A_713 : i1 to vector<16xi1>
      %reduce_max3A_715 = tpu.scan <max>, %get3A_712 masked %reduce_max3A_714 : vector<16xf32>, vector<16xi1> -> vector<16xf32>
      %reduce_max3A_716 = vector.extract %reduce_max3A_715[15] : f32 from vector<16xf32>
      %gt3A_717 = arith.cmpf ogt, %reduce_max3A_716, %cond3A_708#1 : f32
      %convert_element_type3A_718 = arith.extui %gt3A_717 : i1 to i32
      %cond3A_719 = arith.constant 0 : i32
      %cond3A_720 = arith.cmpi ne, %convert_element_type3A_718, %cond3A_719 : i32
      %cond3A_721:2 = scf.if %cond3A_720 -> (vector<16xf32>, f32) {
        %masked_sort3A_2083 = arith.constant dense<true> : vector<16xi1>
        %masked_sort3A_2084, %masked_sort3A_2085, %masked_sort3A_2086 = tpu.sort %get3A_712, %iota3A masked %masked_sort3A_2083 {descending = true} : (vector<16xf32>, vector<16xi32>, vector<16xi1>) -> (vector<16xi1>, vector<16xf32>, vector<16xi32>)
        %max3A = arith.maximumf %cond3A_708#0, %masked_sort3A_2085 : vector<16xf32>
        %sort3A_2087 = arith.constant dense<true> : vector<16xi1>
        %sort3A_2088, %sort3A_2089, %sort3A_2090 = tpu.sort %max3A, %max3A masked %sort3A_2087 : (vector<16xf32>, vector<16xf32>, vector<16xi1>) -> (vector<16xi1>, vector<16xf32>, vector<16xf32>)
        %reduce_min3A_2091 = arith.constant true
        %reduce_min3A_2092 = vector.broadcast %reduce_min3A_2091 : i1 to vector<16xi1>
        %reduce_min3A_2093 = tpu.scan <min>, %max3A masked %reduce_min3A_2092 : vector<16xf32>, vector<16xi1> -> vector<16xf32>
        %reduce_min3A_2094 = vector.extract %reduce_min3A_2093[15] : f32 from vector<16xf32>
        scf.yield %sort3A_2089, %reduce_min3A_2094 : vector<16xf32>, f32
      } else {
        scf.yield %cond3A_708#0, %cond3A_708#1 : vector<16xf32>, f32
      }
      %get3A_722 = arith.constant 3 : i32
      %get3A_723 = arith.index_cast %get3A_722 : i32 to index
      %get3A_724 = arith.constant 0 : index
      %get3A_725 = tpu.vector_load %arg7[%get3A_723, %get3A_724] {strides = array<i32>} : memref<16x128xf32, #tpu.memory_space<vmem>>, vector<16xf32>,
      %reduce_max3A_726 = arith.constant true
      %reduce_max3A_727 = vector.broadcast %reduce_max3A_726 : i1 to vector<16xi1>
      %reduce_max3A_728 = tpu.scan <max>, %get3A_725 masked %reduce_max3A_727 : vector<16xf32>, vector<16xi1> -> vector<16xf32>
      %reduce_max3A_729 = vector.extract %reduce_max3A_728[15] : f32 from vector<16xf32>
      %gt3A_730 = arith.cmpf ogt, %reduce_max3A_729, %cond3A_721#1 : f32
      %convert_element_type3A_731 = arith.extui %gt3A_730 : i1 to i32
      %cond3A_732 = arith.constant 0 : i32
      %cond3A_733 = arith.cmpi ne, %convert_element_type3A_731, %cond3A_732 : i32
      %cond3A_734:2 = scf.if %cond3A_733 -> (vector<16xf32>, f32) {
        %masked_sort3A_2083 = arith.constant dense<true> : vector<16xi1>
        %masked_sort3A_2084, %masked_sort3A_2085, %masked_sort3A_2086 = tpu.sort %get3A_725, %iota3A masked %masked_sort3A_2083 {descending = true} : (vector<16xf32>, vector<16xi32>, vector<16xi1>) -> (vector<16xi1>, vector<16xf32>, vector<16xi32>)
        %max3A = arith.maximumf %cond3A_721#0, %masked_sort3A_2085 : vector<16xf32>
        %sort3A_2087 = arith.constant dense<true> : vector<16xi1>
        %sort3A_2088, %sort3A_2089, %sort3A_2090 = tpu.sort %max3A, %max3A masked %sort3A_2087 : (vector<16xf32>, vector<16xf32>, vector<16xi1>) -> (vector<16xi1>, vector<16xf32>, vector<16xf32>)
        %reduce_min3A_2091 = arith.constant true
        %reduce_min3A_2092 = vector.broadcast %reduce_min3A_2091 : i1 to vector<16xi1>
        %reduce_min3A_2093 = tpu.scan <min>, %max3A masked %reduce_min3A_2092 : vector<16xf32>, vector<16xi1> -> vector<16xf32>
        %reduce_min3A_2094 = vector.extract %reduce_min3A_2093[15] : f32 from vector<16xf32>
        scf.yield %sort3A_2089, %reduce_min3A_2094 : vector<16xf32>, f32
      } else {
        scf.yield %cond3A_721#0, %cond3A_721#1 : vector<16xf32>, f32
      }
      %get3A_735 = arith.constant 3 : i32
      %get3A_736 = arith.index_cast %get3A_735 : i32 to index
      %get3A_737 = arith.constant 16 : index
      %get3A_738 = tpu.vector_load %arg7[%get3A_736, %get3A_737] {strides = array<i32>} : memref<16x128xf32, #tpu.memory_space<vmem>>, vector<16xf32>,
      %reduce_max3A_739 = arith.constant true
      %reduce_max3A_740 = vector.broadcast %reduce_max3A_739 : i1 to vector<16xi1>
      %reduce_max3A_741 = tpu.scan <max>, %get3A_738 masked %reduce_max3A_740 : vector<16xf32>, vector<16xi1> -> vector<16xf32>
      %reduce_max3A_742 = vector.extract %reduce_max3A_741[15] : f32 from vector<16xf32>
      %gt3A_743 = arith.cmpf ogt, %reduce_max3A_742, %cond3A_734#1 : f32
      %convert_element_type3A_744 = arith.extui %gt3A_743 : i1 to i32
      %cond3A_745 = arith.constant 0 : i32
      %cond3A_746 = arith.cmpi ne, %convert_element_type3A_744, %cond3A_745 : i32
      %cond3A_747:2 = scf.if %cond3A_746 -> (vector<16xf32>, f32) {
        %masked_sort3A_2083 = arith.constant dense<true> : vector<16xi1>
        %masked_sort3A_2084, %masked_sort3A_2085, %masked_sort3A_2086 = tpu.sort %get3A_738, %iota3A masked %masked_sort3A_2083 {descending = true} : (vector<16xf32>, vector<16xi32>, vector<16xi1>) -> (vector<16xi1>, vector<16xf32>, vector<16xi32>)
        %max3A = arith.maximumf %cond3A_734#0, %masked_sort3A_2085 : vector<16xf32>
        %sort3A_2087 = arith.constant dense<true> : vector<16xi1>
        %sort3A_2088, %sort3A_2089, %sort3A_2090 = tpu.sort %max3A, %max3A masked %sort3A_2087 : (vector<16xf32>, vector<16xf32>, vector<16xi1>) -> (vector<16xi1>, vector<16xf32>, vector<16xf32>)
        %reduce_min3A_2091 = arith.constant true
        %reduce_min3A_2092 = vector.broadcast %reduce_min3A_2091 : i1 to vector<16xi1>
        %reduce_min3A_2093 = tpu.scan <min>, %max3A masked %reduce_min3A_2092 : vector<16xf32>, vector<16xi1> -> vector<16xf32>
        %reduce_min3A_2094 = vector.extract %reduce_min3A_2093[15] : f32 from vector<16xf32>
        scf.yield %sort3A_2089, %reduce_min3A_2094 : vector<16xf32>, f32
      } else {
        scf.yield %cond3A_734#0, %cond3A_734#1 : vector<16xf32>, f32
      }
      %get3A_748 = arith.constant 3 : i32
      %get3A_749 = arith.index_cast %get3A_748 : i32 to index
      %get3A_750 = arith.constant 32 : index
      %get3A_751 = tpu.vector_load %arg7[%get3A_749, %get3A_750] {strides = array<i32>} : memref<16x128xf32, #tpu.memory_space<vmem>>, vector<16xf32>,
      %reduce_max3A_752 = arith.constant true
      %reduce_max3A_753 = vector.broadcast %reduce_max3A_752 : i1 to vector<16xi1>
      %reduce_max3A_754 = tpu.scan <max>, %get3A_751 masked %reduce_max3A_753 : vector<16xf32>, vector<16xi1> -> vector<16xf32>
      %reduce_max3A_755 = vector.extract %reduce_max3A_754[15] : f32 from vector<16xf32>
      %gt3A_756 = arith.cmpf ogt, %reduce_max3A_755, %cond3A_747#1 : f32
      %convert_element_type3A_757 = arith.extui %gt3A_756 : i1 to i32
      %cond3A_758 = arith.constant 0 : i32
      %cond3A_759 = arith.cmpi ne, %convert_element_type3A_757, %cond3A_758 : i32
      %cond3A_760:2 = scf.if %cond3A_759 -> (vector<16xf32>, f32) {
        %masked_sort3A_2083 = arith.constant dense<true> : vector<16xi1>
        %masked_sort3A_2084, %masked_sort3A_2085, %masked_sort3A_2086 = tpu.sort %get3A_751, %iota3A masked %masked_sort3A_2083 {descending = true} : (vector<16xf32>, vector<16xi32>, vector<16xi1>) -> (vector<16xi1>, vector<16xf32>, vector<16xi32>)
        %max3A = arith.maximumf %cond3A_747#0, %masked_sort3A_2085 : vector<16xf32>
        %sort3A_2087 = arith.constant dense<true> : vector<16xi1>
        %sort3A_2088, %sort3A_2089, %sort3A_2090 = tpu.sort %max3A, %max3A masked %sort3A_2087 : (vector<16xf32>, vector<16xf32>, vector<16xi1>) -> (vector<16xi1>, vector<16xf32>, vector<16xf32>)
        %reduce_min3A_2091 = arith.constant true
        %reduce_min3A_2092 = vector.broadcast %reduce_min3A_2091 : i1 to vector<16xi1>
        %reduce_min3A_2093 = tpu.scan <min>, %max3A masked %reduce_min3A_2092 : vector<16xf32>, vector<16xi1> -> vector<16xf32>
        %reduce_min3A_2094 = vector.extract %reduce_min3A_2093[15] : f32 from vector<16xf32>
        scf.yield %sort3A_2089, %reduce_min3A_2094 : vector<16xf32>, f32
      } else {
        scf.yield %cond3A_747#0, %cond3A_747#1 : vector<16xf32>, f32
      }
      %get3A_761 = arith.constant 3 : i32
      %get3A_762 = arith.index_cast %get3A_761 : i32 to index
      %get3A_763 = arith.constant 48 : index
      %get3A_764 = tpu.vector_load %arg7[%get3A_762, %get3A_763] {strides = array<i32>} : memref<16x128xf32, #tpu.memory_space<vmem>>, vector<16xf32>,
      %reduce_max3A_765 = arith.constant true
      %reduce_max3A_766 = vector.broadcast %reduce_max3A_765 : i1 to vector<16xi1>
      %reduce_max3A_767 = tpu.scan <max>, %get3A_764 masked %reduce_max3A_766 : vector<16xf32>, vector<16xi1> -> vector<16xf32>
      %reduce_max3A_768 = vector.extract %reduce_max3A_767[15] : f32 from vector<16xf32>
      %gt3A_769 = arith.cmpf ogt, %reduce_max3A_768, %cond3A_760#1 : f32
      %convert_element_type3A_770 = arith.extui %gt3A_769 : i1 to i32
      %cond3A_771 = arith.constant 0 : i32
      %cond3A_772 = arith.cmpi ne, %convert_element_type3A_770, %cond3A_771 : i32
      %cond3A_773:2 = scf.if %cond3A_772 -> (vector<16xf32>, f32) {
        %masked_sort3A_2083 = arith.constant dense<true> : vector<16xi1>
        %masked_sort3A_2084, %masked_sort3A_2085, %masked_sort3A_2086 = tpu.sort %get3A_764, %iota3A masked %masked_sort3A_2083 {descending = true} : (vector<16xf32>, vector<16xi32>, vector<16xi1>) -> (vector<16xi1>, vector<16xf32>, vector<16xi32>)
        %max3A = arith.maximumf %cond3A_760#0, %masked_sort3A_2085 : vector<16xf32>
        %sort3A_2087 = arith.constant dense<true> : vector<16xi1>
        %sort3A_2088, %sort3A_2089, %sort3A_2090 = tpu.sort %max3A, %max3A masked %sort3A_2087 : (vector<16xf32>, vector<16xf32>, vector<16xi1>) -> (vector<16xi1>, vector<16xf32>, vector<16xf32>)
        %reduce_min3A_2091 = arith.constant true
        %reduce_min3A_2092 = vector.broadcast %reduce_min3A_2091 : i1 to vector<16xi1>
        %reduce_min3A_2093 = tpu.scan <min>, %max3A masked %reduce_min3A_2092 : vector<16xf32>, vector<16xi1> -> vector<16xf32>
        %reduce_min3A_2094 = vector.extract %reduce_min3A_2093[15] : f32 from vector<16xf32>
        scf.yield %sort3A_2089, %reduce_min3A_2094 : vector<16xf32>, f32
      } else {
        scf.yield %cond3A_760#0, %cond3A_760#1 : vector<16xf32>, f32
      }
      %get3A_774 = arith.constant 3 : i32
      %get3A_775 = arith.index_cast %get3A_774 : i32 to index
      %get3A_776 = arith.constant 64 : index
      %get3A_777 = tpu.vector_load %arg7[%get3A_775, %get3A_776] {strides = array<i32>} : memref<16x128xf32, #tpu.memory_space<vmem>>, vector<16xf32>,
      %reduce_max3A_778 = arith.constant true
      %reduce_max3A_779 = vector.broadcast %reduce_max3A_778 : i1 to vector<16xi1>
      %reduce_max3A_780 = tpu.scan <max>, %get3A_777 masked %reduce_max3A_779 : vector<16xf32>, vector<16xi1> -> vector<16xf32>
      %reduce_max3A_781 = vector.extract %reduce_max3A_780[15] : f32 from vector<16xf32>
      %gt3A_782 = arith.cmpf ogt, %reduce_max3A_781, %cond3A_773#1 : f32
      %convert_element_type3A_783 = arith.extui %gt3A_782 : i1 to i32
      %cond3A_784 = arith.constant 0 : i32
      %cond3A_785 = arith.cmpi ne, %convert_element_type3A_783, %cond3A_784 : i32
      %cond3A_786:2 = scf.if %cond3A_785 -> (vector<16xf32>, f32) {
        %masked_sort3A_2083 = arith.constant dense<true> : vector<16xi1>
        %masked_sort3A_2084, %masked_sort3A_2085, %masked_sort3A_2086 = tpu.sort %get3A_777, %iota3A masked %masked_sort3A_2083 {descending = true} : (vector<16xf32>, vector<16xi32>, vector<16xi1>) -> (vector<16xi1>, vector<16xf32>, vector<16xi32>)
        %max3A = arith.maximumf %cond3A_773#0, %masked_sort3A_2085 : vector<16xf32>
        %sort3A_2087 = arith.constant dense<true> : vector<16xi1>
        %sort3A_2088, %sort3A_2089, %sort3A_2090 = tpu.sort %max3A, %max3A masked %sort3A_2087 : (vector<16xf32>, vector<16xf32>, vector<16xi1>) -> (vector<16xi1>, vector<16xf32>, vector<16xf32>)
        %reduce_min3A_2091 = arith.constant true
        %reduce_min3A_2092 = vector.broadcast %reduce_min3A_2091 : i1 to vector<16xi1>
        %reduce_min3A_2093 = tpu.scan <min>, %max3A masked %reduce_min3A_2092 : vector<16xf32>, vector<16xi1> -> vector<16xf32>
        %reduce_min3A_2094 = vector.extract %reduce_min3A_2093[15] : f32 from vector<16xf32>
        scf.yield %sort3A_2089, %reduce_min3A_2094 : vector<16xf32>, f32
      } else {
        scf.yield %cond3A_773#0, %cond3A_773#1 : vector<16xf32>, f32
      }
      %get3A_787 = arith.constant 3 : i32
      %get3A_788 = arith.index_cast %get3A_787 : i32 to index
      %get3A_789 = arith.constant 80 : index
      %get3A_790 = tpu.vector_load %arg7[%get3A_788, %get3A_789] {strides = array<i32>} : memref<16x128xf32, #tpu.memory_space<vmem>>, vector<16xf32>,
      %reduce_max3A_791 = arith.constant true
      %reduce_max3A_792 = vector.broadcast %reduce_max3A_791 : i1 to vector<16xi1>
      %reduce_max3A_793 = tpu.scan <max>, %get3A_790 masked %reduce_max3A_792 : vector<16xf32>, vector<16xi1> -> vector<16xf32>
      %reduce_max3A_794 = vector.extract %reduce_max3A_793[15] : f32 from vector<16xf32>
      %gt3A_795 = arith.cmpf ogt, %reduce_max3A_794, %cond3A_786#1 : f32
      %convert_element_type3A_796 = arith.extui %gt3A_795 : i1 to i32
      %cond3A_797 = arith.constant 0 : i32
      %cond3A_798 = arith.cmpi ne, %convert_element_type3A_796, %cond3A_797 : i32
      %cond3A_799:2 = scf.if %cond3A_798 -> (vector<16xf32>, f32) {
        %masked_sort3A_2083 = arith.constant dense<true> : vector<16xi1>
        %masked_sort3A_2084, %masked_sort3A_2085, %masked_sort3A_2086 = tpu.sort %get3A_790, %iota3A masked %masked_sort3A_2083 {descending = true} : (vector<16xf32>, vector<16xi32>, vector<16xi1>) -> (vector<16xi1>, vector<16xf32>, vector<16xi32>)
        %max3A = arith.maximumf %cond3A_786#0, %masked_sort3A_2085 : vector<16xf32>
        %sort3A_2087 = arith.constant dense<true> : vector<16xi1>
        %sort3A_2088, %sort3A_2089, %sort3A_2090 = tpu.sort %max3A, %max3A masked %sort3A_2087 : (vector<16xf32>, vector<16xf32>, vector<16xi1>) -> (vector<16xi1>, vector<16xf32>, vector<16xf32>)
        %reduce_min3A_2091 = arith.constant true
        %reduce_min3A_2092 = vector.broadcast %reduce_min3A_2091 : i1 to vector<16xi1>
        %reduce_min3A_2093 = tpu.scan <min>, %max3A masked %reduce_min3A_2092 : vector<16xf32>, vector<16xi1> -> vector<16xf32>
        %reduce_min3A_2094 = vector.extract %reduce_min3A_2093[15] : f32 from vector<16xf32>
        scf.yield %sort3A_2089, %reduce_min3A_2094 : vector<16xf32>, f32
      } else {
        scf.yield %cond3A_786#0, %cond3A_786#1 : vector<16xf32>, f32
      }
      %get3A_800 = arith.constant 3 : i32
      %get3A_801 = arith.index_cast %get3A_800 : i32 to index
      %get3A_802 = arith.constant 96 : index
      %get3A_803 = tpu.vector_load %arg7[%get3A_801, %get3A_802] {strides = array<i32>} : memref<16x128xf32, #tpu.memory_space<vmem>>, vector<16xf32>,
      %reduce_max3A_804 = arith.constant true
      %reduce_max3A_805 = vector.broadcast %reduce_max3A_804 : i1 to vector<16xi1>
      %reduce_max3A_806 = tpu.scan <max>, %get3A_803 masked %reduce_max3A_805 : vector<16xf32>, vector<16xi1> -> vector<16xf32>
      %reduce_max3A_807 = vector.extract %reduce_max3A_806[15] : f32 from vector<16xf32>
      %gt3A_808 = arith.cmpf ogt, %reduce_max3A_807, %cond3A_799#1 : f32
      %convert_element_type3A_809 = arith.extui %gt3A_808 : i1 to i32
      %cond3A_810 = arith.constant 0 : i32
      %cond3A_811 = arith.cmpi ne, %convert_element_type3A_809, %cond3A_810 : i32
      %cond3A_812:2 = scf.if %cond3A_811 -> (vector<16xf32>, f32) {
        %masked_sort3A_2083 = arith.constant dense<true> : vector<16xi1>
        %masked_sort3A_2084, %masked_sort3A_2085, %masked_sort3A_2086 = tpu.sort %get3A_803, %iota3A masked %masked_sort3A_2083 {descending = true} : (vector<16xf32>, vector<16xi32>, vector<16xi1>) -> (vector<16xi1>, vector<16xf32>, vector<16xi32>)
        %max3A = arith.maximumf %cond3A_799#0, %masked_sort3A_2085 : vector<16xf32>
        %sort3A_2087 = arith.constant dense<true> : vector<16xi1>
        %sort3A_2088, %sort3A_2089, %sort3A_2090 = tpu.sort %max3A, %max3A masked %sort3A_2087 : (vector<16xf32>, vector<16xf32>, vector<16xi1>) -> (vector<16xi1>, vector<16xf32>, vector<16xf32>)
        %reduce_min3A_2091 = arith.constant true
        %reduce_min3A_2092 = vector.broadcast %reduce_min3A_2091 : i1 to vector<16xi1>
        %reduce_min3A_2093 = tpu.scan <min>, %max3A masked %reduce_min3A_2092 : vector<16xf32>, vector<16xi1> -> vector<16xf32>
        %reduce_min3A_2094 = vector.extract %reduce_min3A_2093[15] : f32 from vector<16xf32>
        scf.yield %sort3A_2089, %reduce_min3A_2094 : vector<16xf32>, f32
      } else {
        scf.yield %cond3A_799#0, %cond3A_799#1 : vector<16xf32>, f32
      }
      %get3A_813 = arith.constant 3 : i32
      %get3A_814 = arith.index_cast %get3A_813 : i32 to index
      %get3A_815 = arith.constant 112 : index
      %get3A_816 = tpu.vector_load %arg7[%get3A_814, %get3A_815] {strides = array<i32>} : memref<16x128xf32, #tpu.memory_space<vmem>>, vector<16xf32>,
      %reduce_max3A_817 = arith.constant true
      %reduce_max3A_818 = vector.broadcast %reduce_max3A_817 : i1 to vector<16xi1>
      %reduce_max3A_819 = tpu.scan <max>, %get3A_816 masked %reduce_max3A_818 : vector<16xf32>, vector<16xi1> -> vector<16xf32>
      %reduce_max3A_820 = vector.extract %reduce_max3A_819[15] : f32 from vector<16xf32>
      %gt3A_821 = arith.cmpf ogt, %reduce_max3A_820, %cond3A_812#1 : f32
      %convert_element_type3A_822 = arith.extui %gt3A_821 : i1 to i32
      %cond3A_823 = arith.constant 0 : i32
      %cond3A_824 = arith.cmpi ne, %convert_element_type3A_822, %cond3A_823 : i32
      %cond3A_825:2 = scf.if %cond3A_824 -> (vector<16xf32>, f32) {
        %masked_sort3A_2083 = arith.constant dense<true> : vector<16xi1>
        %masked_sort3A_2084, %masked_sort3A_2085, %masked_sort3A_2086 = tpu.sort %get3A_816, %iota3A masked %masked_sort3A_2083 {descending = true} : (vector<16xf32>, vector<16xi32>, vector<16xi1>) -> (vector<16xi1>, vector<16xf32>, vector<16xi32>)
        %max3A = arith.maximumf %cond3A_812#0, %masked_sort3A_2085 : vector<16xf32>
        %sort3A_2087 = arith.constant dense<true> : vector<16xi1>
        %sort3A_2088, %sort3A_2089, %sort3A_2090 = tpu.sort %max3A, %max3A masked %sort3A_2087 : (vector<16xf32>, vector<16xf32>, vector<16xi1>) -> (vector<16xi1>, vector<16xf32>, vector<16xf32>)
        %reduce_min3A_2091 = arith.constant true
        %reduce_min3A_2092 = vector.broadcast %reduce_min3A_2091 : i1 to vector<16xi1>
        %reduce_min3A_2093 = tpu.scan <min>, %max3A masked %reduce_min3A_2092 : vector<16xf32>, vector<16xi1> -> vector<16xf32>
        %reduce_min3A_2094 = vector.extract %reduce_min3A_2093[15] : f32 from vector<16xf32>
        scf.yield %sort3A_2089, %reduce_min3A_2094 : vector<16xf32>, f32
      } else {
        scf.yield %cond3A_812#0, %cond3A_812#1 : vector<16xf32>, f32
      }
      %get3A_826 = arith.constant 4 : i32
      %get3A_827 = arith.index_cast %get3A_826 : i32 to index
      %get3A_828 = arith.constant 0 : index
      %get3A_829 = tpu.vector_load %arg7[%get3A_827, %get3A_828] {strides = array<i32>} : memref<16x128xf32, #tpu.memory_space<vmem>>, vector<16xf32>,
      %reduce_max3A_830 = arith.constant true
      %reduce_max3A_831 = vector.broadcast %reduce_max3A_830 : i1 to vector<16xi1>
      %reduce_max3A_832 = tpu.scan <max>, %get3A_829 masked %reduce_max3A_831 : vector<16xf32>, vector<16xi1> -> vector<16xf32>
      %reduce_max3A_833 = vector.extract %reduce_max3A_832[15] : f32 from vector<16xf32>
      %gt3A_834 = arith.cmpf ogt, %reduce_max3A_833, %cond3A_825#1 : f32
      %convert_element_type3A_835 = arith.extui %gt3A_834 : i1 to i32
      %cond3A_836 = arith.constant 0 : i32
      %cond3A_837 = arith.cmpi ne, %convert_element_type3A_835, %cond3A_836 : i32
      %cond3A_838:2 = scf.if %cond3A_837 -> (vector<16xf32>, f32) {
        %masked_sort3A_2083 = arith.constant dense<true> : vector<16xi1>
        %masked_sort3A_2084, %masked_sort3A_2085, %masked_sort3A_2086 = tpu.sort %get3A_829, %iota3A masked %masked_sort3A_2083 {descending = true} : (vector<16xf32>, vector<16xi32>, vector<16xi1>) -> (vector<16xi1>, vector<16xf32>, vector<16xi32>)
        %max3A = arith.maximumf %cond3A_825#0, %masked_sort3A_2085 : vector<16xf32>
        %sort3A_2087 = arith.constant dense<true> : vector<16xi1>
        %sort3A_2088, %sort3A_2089, %sort3A_2090 = tpu.sort %max3A, %max3A masked %sort3A_2087 : (vector<16xf32>, vector<16xf32>, vector<16xi1>) -> (vector<16xi1>, vector<16xf32>, vector<16xf32>)
        %reduce_min3A_2091 = arith.constant true
        %reduce_min3A_2092 = vector.broadcast %reduce_min3A_2091 : i1 to vector<16xi1>
        %reduce_min3A_2093 = tpu.scan <min>, %max3A masked %reduce_min3A_2092 : vector<16xf32>, vector<16xi1> -> vector<16xf32>
        %reduce_min3A_2094 = vector.extract %reduce_min3A_2093[15] : f32 from vector<16xf32>
        scf.yield %sort3A_2089, %reduce_min3A_2094 : vector<16xf32>, f32
      } else {
        scf.yield %cond3A_825#0, %cond3A_825#1 : vector<16xf32>, f32
      }
      %get3A_839 = arith.constant 4 : i32
      %get3A_840 = arith.index_cast %get3A_839 : i32 to index
      %get3A_841 = arith.constant 16 : index
      %get3A_842 = tpu.vector_load %arg7[%get3A_840, %get3A_841] {strides = array<i32>} : memref<16x128xf32, #tpu.memory_space<vmem>>, vector<16xf32>,
      %reduce_max3A_843 = arith.constant true
      %reduce_max3A_844 = vector.broadcast %reduce_max3A_843 : i1 to vector<16xi1>
      %reduce_max3A_845 = tpu.scan <max>, %get3A_842 masked %reduce_max3A_844 : vector<16xf32>, vector<16xi1> -> vector<16xf32>
      %reduce_max3A_846 = vector.extract %reduce_max3A_845[15] : f32 from vector<16xf32>
      %gt3A_847 = arith.cmpf ogt, %reduce_max3A_846, %cond3A_838#1 : f32
      %convert_element_type3A_848 = arith.extui %gt3A_847 : i1 to i32
      %cond3A_849 = arith.constant 0 : i32
      %cond3A_850 = arith.cmpi ne, %convert_element_type3A_848, %cond3A_849 : i32
      %cond3A_851:2 = scf.if %cond3A_850 -> (vector<16xf32>, f32) {
        %masked_sort3A_2083 = arith.constant dense<true> : vector<16xi1>
        %masked_sort3A_2084, %masked_sort3A_2085, %masked_sort3A_2086 = tpu.sort %get3A_842, %iota3A masked %masked_sort3A_2083 {descending = true} : (vector<16xf32>, vector<16xi32>, vector<16xi1>) -> (vector<16xi1>, vector<16xf32>, vector<16xi32>)
        %max3A = arith.maximumf %cond3A_838#0, %masked_sort3A_2085 : vector<16xf32>
        %sort3A_2087 = arith.constant dense<true> : vector<16xi1>
        %sort3A_2088, %sort3A_2089, %sort3A_2090 = tpu.sort %max3A, %max3A masked %sort3A_2087 : (vector<16xf32>, vector<16xf32>, vector<16xi1>) -> (vector<16xi1>, vector<16xf32>, vector<16xf32>)
        %reduce_min3A_2091 = arith.constant true
        %reduce_min3A_2092 = vector.broadcast %reduce_min3A_2091 : i1 to vector<16xi1>
        %reduce_min3A_2093 = tpu.scan <min>, %max3A masked %reduce_min3A_2092 : vector<16xf32>, vector<16xi1> -> vector<16xf32>
        %reduce_min3A_2094 = vector.extract %reduce_min3A_2093[15] : f32 from vector<16xf32>
        scf.yield %sort3A_2089, %reduce_min3A_2094 : vector<16xf32>, f32
      } else {
        scf.yield %cond3A_838#0, %cond3A_838#1 : vector<16xf32>, f32
      }
      %get3A_852 = arith.constant 4 : i32
      %get3A_853 = arith.index_cast %get3A_852 : i32 to index
      %get3A_854 = arith.constant 32 : index
      %get3A_855 = tpu.vector_load %arg7[%get3A_853, %get3A_854] {strides = array<i32>} : memref<16x128xf32, #tpu.memory_space<vmem>>, vector<16xf32>,
      %reduce_max3A_856 = arith.constant true
      %reduce_max3A_857 = vector.broadcast %reduce_max3A_856 : i1 to vector<16xi1>
      %reduce_max3A_858 = tpu.scan <max>, %get3A_855 masked %reduce_max3A_857 : vector<16xf32>, vector<16xi1> -> vector<16xf32>
      %reduce_max3A_859 = vector.extract %reduce_max3A_858[15] : f32 from vector<16xf32>
      %gt3A_860 = arith.cmpf ogt, %reduce_max3A_859, %cond3A_851#1 : f32
      %convert_element_type3A_861 = arith.extui %gt3A_860 : i1 to i32
      %cond3A_862 = arith.constant 0 : i32
      %cond3A_863 = arith.cmpi ne, %convert_element_type3A_861, %cond3A_862 : i32
      %cond3A_864:2 = scf.if %cond3A_863 -> (vector<16xf32>, f32) {
        %masked_sort3A_2083 = arith.constant dense<true> : vector<16xi1>
        %masked_sort3A_2084, %masked_sort3A_2085, %masked_sort3A_2086 = tpu.sort %get3A_855, %iota3A masked %masked_sort3A_2083 {descending = true} : (vector<16xf32>, vector<16xi32>, vector<16xi1>) -> (vector<16xi1>, vector<16xf32>, vector<16xi32>)
        %max3A = arith.maximumf %cond3A_851#0, %masked_sort3A_2085 : vector<16xf32>
        %sort3A_2087 = arith.constant dense<true> : vector<16xi1>
        %sort3A_2088, %sort3A_2089, %sort3A_2090 = tpu.sort %max3A, %max3A masked %sort3A_2087 : (vector<16xf32>, vector<16xf32>, vector<16xi1>) -> (vector<16xi1>, vector<16xf32>, vector<16xf32>)
        %reduce_min3A_2091 = arith.constant true
        %reduce_min3A_2092 = vector.broadcast %reduce_min3A_2091 : i1 to vector<16xi1>
        %reduce_min3A_2093 = tpu.scan <min>, %max3A masked %reduce_min3A_2092 : vector<16xf32>, vector<16xi1> -> vector<16xf32>
        %reduce_min3A_2094 = vector.extract %reduce_min3A_2093[15] : f32 from vector<16xf32>
        scf.yield %sort3A_2089, %reduce_min3A_2094 : vector<16xf32>, f32
      } else {
        scf.yield %cond3A_851#0, %cond3A_851#1 : vector<16xf32>, f32
      }
      %get3A_865 = arith.constant 4 : i32
      %get3A_866 = arith.index_cast %get3A_865 : i32 to index
      %get3A_867 = arith.constant 48 : index
      %get3A_868 = tpu.vector_load %arg7[%get3A_866, %get3A_867] {strides = array<i32>} : memref<16x128xf32, #tpu.memory_space<vmem>>, vector<16xf32>,
      %reduce_max3A_869 = arith.constant true
      %reduce_max3A_870 = vector.broadcast %reduce_max3A_869 : i1 to vector<16xi1>
      %reduce_max3A_871 = tpu.scan <max>, %get3A_868 masked %reduce_max3A_870 : vector<16xf32>, vector<16xi1> -> vector<16xf32>
      %reduce_max3A_872 = vector.extract %reduce_max3A_871[15] : f32 from vector<16xf32>
      %gt3A_873 = arith.cmpf ogt, %reduce_max3A_872, %cond3A_864#1 : f32
      %convert_element_type3A_874 = arith.extui %gt3A_873 : i1 to i32
      %cond3A_875 = arith.constant 0 : i32
      %cond3A_876 = arith.cmpi ne, %convert_element_type3A_874, %cond3A_875 : i32
      %cond3A_877:2 = scf.if %cond3A_876 -> (vector<16xf32>, f32) {
        %masked_sort3A_2083 = arith.constant dense<true> : vector<16xi1>
        %masked_sort3A_2084, %masked_sort3A_2085, %masked_sort3A_2086 = tpu.sort %get3A_868, %iota3A masked %masked_sort3A_2083 {descending = true} : (vector<16xf32>, vector<16xi32>, vector<16xi1>) -> (vector<16xi1>, vector<16xf32>, vector<16xi32>)
        %max3A = arith.maximumf %cond3A_864#0, %masked_sort3A_2085 : vector<16xf32>
        %sort3A_2087 = arith.constant dense<true> : vector<16xi1>
        %sort3A_2088, %sort3A_2089, %sort3A_2090 = tpu.sort %max3A, %max3A masked %sort3A_2087 : (vector<16xf32>, vector<16xf32>, vector<16xi1>) -> (vector<16xi1>, vector<16xf32>, vector<16xf32>)
        %reduce_min3A_2091 = arith.constant true
        %reduce_min3A_2092 = vector.broadcast %reduce_min3A_2091 : i1 to vector<16xi1>
        %reduce_min3A_2093 = tpu.scan <min>, %max3A masked %reduce_min3A_2092 : vector<16xf32>, vector<16xi1> -> vector<16xf32>
        %reduce_min3A_2094 = vector.extract %reduce_min3A_2093[15] : f32 from vector<16xf32>
        scf.yield %sort3A_2089, %reduce_min3A_2094 : vector<16xf32>, f32
      } else {
        scf.yield %cond3A_864#0, %cond3A_864#1 : vector<16xf32>, f32
      }
      %get3A_878 = arith.constant 4 : i32
      %get3A_879 = arith.index_cast %get3A_878 : i32 to index
      %get3A_880 = arith.constant 64 : index
      %get3A_881 = tpu.vector_load %arg7[%get3A_879, %get3A_880] {strides = array<i32>} : memref<16x128xf32, #tpu.memory_space<vmem>>, vector<16xf32>,
      %reduce_max3A_882 = arith.constant true
      %reduce_max3A_883 = vector.broadcast %reduce_max3A_882 : i1 to vector<16xi1>
      %reduce_max3A_884 = tpu.scan <max>, %get3A_881 masked %reduce_max3A_883 : vector<16xf32>, vector<16xi1> -> vector<16xf32>
      %reduce_max3A_885 = vector.extract %reduce_max3A_884[15] : f32 from vector<16xf32>
      %gt3A_886 = arith.cmpf ogt, %reduce_max3A_885, %cond3A_877#1 : f32
      %convert_element_type3A_887 = arith.extui %gt3A_886 : i1 to i32
      %cond3A_888 = arith.constant 0 : i32
      %cond3A_889 = arith.cmpi ne, %convert_element_type3A_887, %cond3A_888 : i32
      %cond3A_890:2 = scf.if %cond3A_889 -> (vector<16xf32>, f32) {
        %masked_sort3A_2083 = arith.constant dense<true> : vector<16xi1>
        %masked_sort3A_2084, %masked_sort3A_2085, %masked_sort3A_2086 = tpu.sort %get3A_881, %iota3A masked %masked_sort3A_2083 {descending = true} : (vector<16xf32>, vector<16xi32>, vector<16xi1>) -> (vector<16xi1>, vector<16xf32>, vector<16xi32>)
        %max3A = arith.maximumf %cond3A_877#0, %masked_sort3A_2085 : vector<16xf32>
        %sort3A_2087 = arith.constant dense<true> : vector<16xi1>
        %sort3A_2088, %sort3A_2089, %sort3A_2090 = tpu.sort %max3A, %max3A masked %sort3A_2087 : (vector<16xf32>, vector<16xf32>, vector<16xi1>) -> (vector<16xi1>, vector<16xf32>, vector<16xf32>)
        %reduce_min3A_2091 = arith.constant true
        %reduce_min3A_2092 = vector.broadcast %reduce_min3A_2091 : i1 to vector<16xi1>
        %reduce_min3A_2093 = tpu.scan <min>, %max3A masked %reduce_min3A_2092 : vector<16xf32>, vector<16xi1> -> vector<16xf32>
        %reduce_min3A_2094 = vector.extract %reduce_min3A_2093[15] : f32 from vector<16xf32>
        scf.yield %sort3A_2089, %reduce_min3A_2094 : vector<16xf32>, f32
      } else {
        scf.yield %cond3A_877#0, %cond3A_877#1 : vector<16xf32>, f32
      }
      %get3A_891 = arith.constant 4 : i32
      %get3A_892 = arith.index_cast %get3A_891 : i32 to index
      %get3A_893 = arith.constant 80 : index
      %get3A_894 = tpu.vector_load %arg7[%get3A_892, %get3A_893] {strides = array<i32>} : memref<16x128xf32, #tpu.memory_space<vmem>>, vector<16xf32>,
      %reduce_max3A_895 = arith.constant true
      %reduce_max3A_896 = vector.broadcast %reduce_max3A_895 : i1 to vector<16xi1>
      %reduce_max3A_897 = tpu.scan <max>, %get3A_894 masked %reduce_max3A_896 : vector<16xf32>, vector<16xi1> -> vector<16xf32>
      %reduce_max3A_898 = vector.extract %reduce_max3A_897[15] : f32 from vector<16xf32>
      %gt3A_899 = arith.cmpf ogt, %reduce_max3A_898, %cond3A_890#1 : f32
      %convert_element_type3A_900 = arith.extui %gt3A_899 : i1 to i32
      %cond3A_901 = arith.constant 0 : i32
      %cond3A_902 = arith.cmpi ne, %convert_element_type3A_900, %cond3A_901 : i32
      %cond3A_903:2 = scf.if %cond3A_902 -> (vector<16xf32>, f32) {
        %masked_sort3A_2083 = arith.constant dense<true> : vector<16xi1>
        %masked_sort3A_2084, %masked_sort3A_2085, %masked_sort3A_2086 = tpu.sort %get3A_894, %iota3A masked %masked_sort3A_2083 {descending = true} : (vector<16xf32>, vector<16xi32>, vector<16xi1>) -> (vector<16xi1>, vector<16xf32>, vector<16xi32>)
        %max3A = arith.maximumf %cond3A_890#0, %masked_sort3A_2085 : vector<16xf32>
        %sort3A_2087 = arith.constant dense<true> : vector<16xi1>
        %sort3A_2088, %sort3A_2089, %sort3A_2090 = tpu.sort %max3A, %max3A masked %sort3A_2087 : (vector<16xf32>, vector<16xf32>, vector<16xi1>) -> (vector<16xi1>, vector<16xf32>, vector<16xf32>)
        %reduce_min3A_2091 = arith.constant true
        %reduce_min3A_2092 = vector.broadcast %reduce_min3A_2091 : i1 to vector<16xi1>
        %reduce_min3A_2093 = tpu.scan <min>, %max3A masked %reduce_min3A_2092 : vector<16xf32>, vector<16xi1> -> vector<16xf32>
        %reduce_min3A_2094 = vector.extract %reduce_min3A_2093[15] : f32 from vector<16xf32>
        scf.yield %sort3A_2089, %reduce_min3A_2094 : vector<16xf32>, f32
      } else {
        scf.yield %cond3A_890#0, %cond3A_890#1 : vector<16xf32>, f32
      }
      %get3A_904 = arith.constant 4 : i32
      %get3A_905 = arith.index_cast %get3A_904 : i32 to index
      %get3A_906 = arith.constant 96 : index
      %get3A_907 = tpu.vector_load %arg7[%get3A_905, %get3A_906] {strides = array<i32>} : memref<16x128xf32, #tpu.memory_space<vmem>>, vector<16xf32>,
      %reduce_max3A_908 = arith.constant true
      %reduce_max3A_909 = vector.broadcast %reduce_max3A_908 : i1 to vector<16xi1>
      %reduce_max3A_910 = tpu.scan <max>, %get3A_907 masked %reduce_max3A_909 : vector<16xf32>, vector<16xi1> -> vector<16xf32>
      %reduce_max3A_911 = vector.extract %reduce_max3A_910[15] : f32 from vector<16xf32>
      %gt3A_912 = arith.cmpf ogt, %reduce_max3A_911, %cond3A_903#1 : f32
      %convert_element_type3A_913 = arith.extui %gt3A_912 : i1 to i32
      %cond3A_914 = arith.constant 0 : i32
      %cond3A_915 = arith.cmpi ne, %convert_element_type3A_913, %cond3A_914 : i32
      %cond3A_916:2 = scf.if %cond3A_915 -> (vector<16xf32>, f32) {
        %masked_sort3A_2083 = arith.constant dense<true> : vector<16xi1>
        %masked_sort3A_2084, %masked_sort3A_2085, %masked_sort3A_2086 = tpu.sort %get3A_907, %iota3A masked %masked_sort3A_2083 {descending = true} : (vector<16xf32>, vector<16xi32>, vector<16xi1>) -> (vector<16xi1>, vector<16xf32>, vector<16xi32>)
        %max3A = arith.maximumf %cond3A_903#0, %masked_sort3A_2085 : vector<16xf32>
        %sort3A_2087 = arith.constant dense<true> : vector<16xi1>
        %sort3A_2088, %sort3A_2089, %sort3A_2090 = tpu.sort %max3A, %max3A masked %sort3A_2087 : (vector<16xf32>, vector<16xf32>, vector<16xi1>) -> (vector<16xi1>, vector<16xf32>, vector<16xf32>)
        %reduce_min3A_2091 = arith.constant true
        %reduce_min3A_2092 = vector.broadcast %reduce_min3A_2091 : i1 to vector<16xi1>
        %reduce_min3A_2093 = tpu.scan <min>, %max3A masked %reduce_min3A_2092 : vector<16xf32>, vector<16xi1> -> vector<16xf32>
        %reduce_min3A_2094 = vector.extract %reduce_min3A_2093[15] : f32 from vector<16xf32>
        scf.yield %sort3A_2089, %reduce_min3A_2094 : vector<16xf32>, f32
      } else {
        scf.yield %cond3A_903#0, %cond3A_903#1 : vector<16xf32>, f32
      }
      %get3A_917 = arith.constant 4 : i32
      %get3A_918 = arith.index_cast %get3A_917 : i32 to index
      %get3A_919 = arith.constant 112 : index
      %get3A_920 = tpu.vector_load %arg7[%get3A_918, %get3A_919] {strides = array<i32>} : memref<16x128xf32, #tpu.memory_space<vmem>>, vector<16xf32>,
      %reduce_max3A_921 = arith.constant true
      %reduce_max3A_922 = vector.broadcast %reduce_max3A_921 : i1 to vector<16xi1>
      %reduce_max3A_923 = tpu.scan <max>, %get3A_920 masked %reduce_max3A_922 : vector<16xf32>, vector<16xi1> -> vector<16xf32>
      %reduce_max3A_924 = vector.extract %reduce_max3A_923[15] : f32 from vector<16xf32>
      %gt3A_925 = arith.cmpf ogt, %reduce_max3A_924, %cond3A_916#1 : f32
      %convert_element_type3A_926 = arith.extui %gt3A_925 : i1 to i32
      %cond3A_927 = arith.constant 0 : i32
      %cond3A_928 = arith.cmpi ne, %convert_element_type3A_926, %cond3A_927 : i32
      %cond3A_929:2 = scf.if %cond3A_928 -> (vector<16xf32>, f32) {
        %masked_sort3A_2083 = arith.constant dense<true> : vector<16xi1>
        %masked_sort3A_2084, %masked_sort3A_2085, %masked_sort3A_2086 = tpu.sort %get3A_920, %iota3A masked %masked_sort3A_2083 {descending = true} : (vector<16xf32>, vector<16xi32>, vector<16xi1>) -> (vector<16xi1>, vector<16xf32>, vector<16xi32>)
        %max3A = arith.maximumf %cond3A_916#0, %masked_sort3A_2085 : vector<16xf32>
        %sort3A_2087 = arith.constant dense<true> : vector<16xi1>
        %sort3A_2088, %sort3A_2089, %sort3A_2090 = tpu.sort %max3A, %max3A masked %sort3A_2087 : (vector<16xf32>, vector<16xf32>, vector<16xi1>) -> (vector<16xi1>, vector<16xf32>, vector<16xf32>)
        %reduce_min3A_2091 = arith.constant true
        %reduce_min3A_2092 = vector.broadcast %reduce_min3A_2091 : i1 to vector<16xi1>
        %reduce_min3A_2093 = tpu.scan <min>, %max3A masked %reduce_min3A_2092 : vector<16xf32>, vector<16xi1> -> vector<16xf32>
        %reduce_min3A_2094 = vector.extract %reduce_min3A_2093[15] : f32 from vector<16xf32>
        scf.yield %sort3A_2089, %reduce_min3A_2094 : vector<16xf32>, f32
      } else {
        scf.yield %cond3A_916#0, %cond3A_916#1 : vector<16xf32>, f32
      }
      %get3A_930 = arith.constant 5 : i32
      %get3A_931 = arith.index_cast %get3A_930 : i32 to index
      %get3A_932 = arith.constant 0 : index
      %get3A_933 = tpu.vector_load %arg7[%get3A_931, %get3A_932] {strides = array<i32>} : memref<16x128xf32, #tpu.memory_space<vmem>>, vector<16xf32>,
      %reduce_max3A_934 = arith.constant true
      %reduce_max3A_935 = vector.broadcast %reduce_max3A_934 : i1 to vector<16xi1>
      %reduce_max3A_936 = tpu.scan <max>, %get3A_933 masked %reduce_max3A_935 : vector<16xf32>, vector<16xi1> -> vector<16xf32>
      %reduce_max3A_937 = vector.extract %reduce_max3A_936[15] : f32 from vector<16xf32>
      %gt3A_938 = arith.cmpf ogt, %reduce_max3A_937, %cond3A_929#1 : f32
      %convert_element_type3A_939 = arith.extui %gt3A_938 : i1 to i32
      %cond3A_940 = arith.constant 0 : i32
      %cond3A_941 = arith.cmpi ne, %convert_element_type3A_939, %cond3A_940 : i32
      %cond3A_942:2 = scf.if %cond3A_941 -> (vector<16xf32>, f32) {
        %masked_sort3A_2083 = arith.constant dense<true> : vector<16xi1>
        %masked_sort3A_2084, %masked_sort3A_2085, %masked_sort3A_2086 = tpu.sort %get3A_933, %iota3A masked %masked_sort3A_2083 {descending = true} : (vector<16xf32>, vector<16xi32>, vector<16xi1>) -> (vector<16xi1>, vector<16xf32>, vector<16xi32>)
        %max3A = arith.maximumf %cond3A_929#0, %masked_sort3A_2085 : vector<16xf32>
        %sort3A_2087 = arith.constant dense<true> : vector<16xi1>
        %sort3A_2088, %sort3A_2089, %sort3A_2090 = tpu.sort %max3A, %max3A masked %sort3A_2087 : (vector<16xf32>, vector<16xf32>, vector<16xi1>) -> (vector<16xi1>, vector<16xf32>, vector<16xf32>)
        %reduce_min3A_2091 = arith.constant true
        %reduce_min3A_2092 = vector.broadcast %reduce_min3A_2091 : i1 to vector<16xi1>
        %reduce_min3A_2093 = tpu.scan <min>, %max3A masked %reduce_min3A_2092 : vector<16xf32>, vector<16xi1> -> vector<16xf32>
        %reduce_min3A_2094 = vector.extract %reduce_min3A_2093[15] : f32 from vector<16xf32>
        scf.yield %sort3A_2089, %reduce_min3A_2094 : vector<16xf32>, f32
      } else {
        scf.yield %cond3A_929#0, %cond3A_929#1 : vector<16xf32>, f32
      }
      %get3A_943 = arith.constant 5 : i32
      %get3A_944 = arith.index_cast %get3A_943 : i32 to index
      %get3A_945 = arith.constant 16 : index
      %get3A_946 = tpu.vector_load %arg7[%get3A_944, %get3A_945] {strides = array<i32>} : memref<16x128xf32, #tpu.memory_space<vmem>>, vector<16xf32>,
      %reduce_max3A_947 = arith.constant true
      %reduce_max3A_948 = vector.broadcast %reduce_max3A_947 : i1 to vector<16xi1>
      %reduce_max3A_949 = tpu.scan <max>, %get3A_946 masked %reduce_max3A_948 : vector<16xf32>, vector<16xi1> -> vector<16xf32>
      %reduce_max3A_950 = vector.extract %reduce_max3A_949[15] : f32 from vector<16xf32>
      %gt3A_951 = arith.cmpf ogt, %reduce_max3A_950, %cond3A_942#1 : f32
      %convert_element_type3A_952 = arith.extui %gt3A_951 : i1 to i32
      %cond3A_953 = arith.constant 0 : i32
      %cond3A_954 = arith.cmpi ne, %convert_element_type3A_952, %cond3A_953 : i32
      %cond3A_955:2 = scf.if %cond3A_954 -> (vector<16xf32>, f32) {
        %masked_sort3A_2083 = arith.constant dense<true> : vector<16xi1>
        %masked_sort3A_2084, %masked_sort3A_2085, %masked_sort3A_2086 = tpu.sort %get3A_946, %iota3A masked %masked_sort3A_2083 {descending = true} : (vector<16xf32>, vector<16xi32>, vector<16xi1>) -> (vector<16xi1>, vector<16xf32>, vector<16xi32>)
        %max3A = arith.maximumf %cond3A_942#0, %masked_sort3A_2085 : vector<16xf32>
        %sort3A_2087 = arith.constant dense<true> : vector<16xi1>
        %sort3A_2088, %sort3A_2089, %sort3A_2090 = tpu.sort %max3A, %max3A masked %sort3A_2087 : (vector<16xf32>, vector<16xf32>, vector<16xi1>) -> (vector<16xi1>, vector<16xf32>, vector<16xf32>)
        %reduce_min3A_2091 = arith.constant true
        %reduce_min3A_2092 = vector.broadcast %reduce_min3A_2091 : i1 to vector<16xi1>
        %reduce_min3A_2093 = tpu.scan <min>, %max3A masked %reduce_min3A_2092 : vector<16xf32>, vector<16xi1> -> vector<16xf32>
        %reduce_min3A_2094 = vector.extract %reduce_min3A_2093[15] : f32 from vector<16xf32>
        scf.yield %sort3A_2089, %reduce_min3A_2094 : vector<16xf32>, f32
      } else {
        scf.yield %cond3A_942#0, %cond3A_942#1 : vector<16xf32>, f32
      }
      %get3A_956 = arith.constant 5 : i32
      %get3A_957 = arith.index_cast %get3A_956 : i32 to index
      %get3A_958 = arith.constant 32 : index
      %get3A_959 = tpu.vector_load %arg7[%get3A_957, %get3A_958] {strides = array<i32>} : memref<16x128xf32, #tpu.memory_space<vmem>>, vector<16xf32>,
      %reduce_max3A_960 = arith.constant true
      %reduce_max3A_961 = vector.broadcast %reduce_max3A_960 : i1 to vector<16xi1>
      %reduce_max3A_962 = tpu.scan <max>, %get3A_959 masked %reduce_max3A_961 : vector<16xf32>, vector<16xi1> -> vector<16xf32>
      %reduce_max3A_963 = vector.extract %reduce_max3A_962[15] : f32 from vector<16xf32>
      %gt3A_964 = arith.cmpf ogt, %reduce_max3A_963, %cond3A_955#1 : f32
      %convert_element_type3A_965 = arith.extui %gt3A_964 : i1 to i32
      %cond3A_966 = arith.constant 0 : i32
      %cond3A_967 = arith.cmpi ne, %convert_element_type3A_965, %cond3A_966 : i32
      %cond3A_968:2 = scf.if %cond3A_967 -> (vector<16xf32>, f32) {
        %masked_sort3A_2083 = arith.constant dense<true> : vector<16xi1>
        %masked_sort3A_2084, %masked_sort3A_2085, %masked_sort3A_2086 = tpu.sort %get3A_959, %iota3A masked %masked_sort3A_2083 {descending = true} : (vector<16xf32>, vector<16xi32>, vector<16xi1>) -> (vector<16xi1>, vector<16xf32>, vector<16xi32>)
        %max3A = arith.maximumf %cond3A_955#0, %masked_sort3A_2085 : vector<16xf32>
        %sort3A_2087 = arith.constant dense<true> : vector<16xi1>
        %sort3A_2088, %sort3A_2089, %sort3A_2090 = tpu.sort %max3A, %max3A masked %sort3A_2087 : (vector<16xf32>, vector<16xf32>, vector<16xi1>) -> (vector<16xi1>, vector<16xf32>, vector<16xf32>)
        %reduce_min3A_2091 = arith.constant true
        %reduce_min3A_2092 = vector.broadcast %reduce_min3A_2091 : i1 to vector<16xi1>
        %reduce_min3A_2093 = tpu.scan <min>, %max3A masked %reduce_min3A_2092 : vector<16xf32>, vector<16xi1> -> vector<16xf32>
        %reduce_min3A_2094 = vector.extract %reduce_min3A_2093[15] : f32 from vector<16xf32>
        scf.yield %sort3A_2089, %reduce_min3A_2094 : vector<16xf32>, f32
      } else {
        scf.yield %cond3A_955#0, %cond3A_955#1 : vector<16xf32>, f32
      }
      %get3A_969 = arith.constant 5 : i32
      %get3A_970 = arith.index_cast %get3A_969 : i32 to index
      %get3A_971 = arith.constant 48 : index
      %get3A_972 = tpu.vector_load %arg7[%get3A_970, %get3A_971] {strides = array<i32>} : memref<16x128xf32, #tpu.memory_space<vmem>>, vector<16xf32>,
      %reduce_max3A_973 = arith.constant true
      %reduce_max3A_974 = vector.broadcast %reduce_max3A_973 : i1 to vector<16xi1>
      %reduce_max3A_975 = tpu.scan <max>, %get3A_972 masked %reduce_max3A_974 : vector<16xf32>, vector<16xi1> -> vector<16xf32>
      %reduce_max3A_976 = vector.extract %reduce_max3A_975[15] : f32 from vector<16xf32>
      %gt3A_977 = arith.cmpf ogt, %reduce_max3A_976, %cond3A_968#1 : f32
      %convert_element_type3A_978 = arith.extui %gt3A_977 : i1 to i32
      %cond3A_979 = arith.constant 0 : i32
      %cond3A_980 = arith.cmpi ne, %convert_element_type3A_978, %cond3A_979 : i32
      %cond3A_981:2 = scf.if %cond3A_980 -> (vector<16xf32>, f32) {
        %masked_sort3A_2083 = arith.constant dense<true> : vector<16xi1>
        %masked_sort3A_2084, %masked_sort3A_2085, %masked_sort3A_2086 = tpu.sort %get3A_972, %iota3A masked %masked_sort3A_2083 {descending = true} : (vector<16xf32>, vector<16xi32>, vector<16xi1>) -> (vector<16xi1>, vector<16xf32>, vector<16xi32>)
        %max3A = arith.maximumf %cond3A_968#0, %masked_sort3A_2085 : vector<16xf32>
        %sort3A_2087 = arith.constant dense<true> : vector<16xi1>
        %sort3A_2088, %sort3A_2089, %sort3A_2090 = tpu.sort %max3A, %max3A masked %sort3A_2087 : (vector<16xf32>, vector<16xf32>, vector<16xi1>) -> (vector<16xi1>, vector<16xf32>, vector<16xf32>)
        %reduce_min3A_2091 = arith.constant true
        %reduce_min3A_2092 = vector.broadcast %reduce_min3A_2091 : i1 to vector<16xi1>
        %reduce_min3A_2093 = tpu.scan <min>, %max3A masked %reduce_min3A_2092 : vector<16xf32>, vector<16xi1> -> vector<16xf32>
        %reduce_min3A_2094 = vector.extract %reduce_min3A_2093[15] : f32 from vector<16xf32>
        scf.yield %sort3A_2089, %reduce_min3A_2094 : vector<16xf32>, f32
      } else {
        scf.yield %cond3A_968#0, %cond3A_968#1 : vector<16xf32>, f32
      }
      %get3A_982 = arith.constant 5 : i32
      %get3A_983 = arith.index_cast %get3A_982 : i32 to index
      %get3A_984 = arith.constant 64 : index
      %get3A_985 = tpu.vector_load %arg7[%get3A_983, %get3A_984] {strides = array<i32>} : memref<16x128xf32, #tpu.memory_space<vmem>>, vector<16xf32>,
      %reduce_max3A_986 = arith.constant true
      %reduce_max3A_987 = vector.broadcast %reduce_max3A_986 : i1 to vector<16xi1>
      %reduce_max3A_988 = tpu.scan <max>, %get3A_985 masked %reduce_max3A_987 : vector<16xf32>, vector<16xi1> -> vector<16xf32>
      %reduce_max3A_989 = vector.extract %reduce_max3A_988[15] : f32 from vector<16xf32>
      %gt3A_990 = arith.cmpf ogt, %reduce_max3A_989, %cond3A_981#1 : f32
      %convert_element_type3A_991 = arith.extui %gt3A_990 : i1 to i32
      %cond3A_992 = arith.constant 0 : i32
      %cond3A_993 = arith.cmpi ne, %convert_element_type3A_991, %cond3A_992 : i32
      %cond3A_994:2 = scf.if %cond3A_993 -> (vector<16xf32>, f32) {
        %masked_sort3A_2083 = arith.constant dense<true> : vector<16xi1>
        %masked_sort3A_2084, %masked_sort3A_2085, %masked_sort3A_2086 = tpu.sort %get3A_985, %iota3A masked %masked_sort3A_2083 {descending = true} : (vector<16xf32>, vector<16xi32>, vector<16xi1>) -> (vector<16xi1>, vector<16xf32>, vector<16xi32>)
        %max3A = arith.maximumf %cond3A_981#0, %masked_sort3A_2085 : vector<16xf32>
        %sort3A_2087 = arith.constant dense<true> : vector<16xi1>
        %sort3A_2088, %sort3A_2089, %sort3A_2090 = tpu.sort %max3A, %max3A masked %sort3A_2087 : (vector<16xf32>, vector<16xf32>, vector<16xi1>) -> (vector<16xi1>, vector<16xf32>, vector<16xf32>)
        %reduce_min3A_2091 = arith.constant true
        %reduce_min3A_2092 = vector.broadcast %reduce_min3A_2091 : i1 to vector<16xi1>
        %reduce_min3A_2093 = tpu.scan <min>, %max3A masked %reduce_min3A_2092 : vector<16xf32>, vector<16xi1> -> vector<16xf32>
        %reduce_min3A_2094 = vector.extract %reduce_min3A_2093[15] : f32 from vector<16xf32>
        scf.yield %sort3A_2089, %reduce_min3A_2094 : vector<16xf32>, f32
      } else {
        scf.yield %cond3A_981#0, %cond3A_981#1 : vector<16xf32>, f32
      }
      %get3A_995 = arith.constant 5 : i32
      %get3A_996 = arith.index_cast %get3A_995 : i32 to index
      %get3A_997 = arith.constant 80 : index
      %get3A_998 = tpu.vector_load %arg7[%get3A_996, %get3A_997] {strides = array<i32>} : memref<16x128xf32, #tpu.memory_space<vmem>>, vector<16xf32>,
      %reduce_max3A_999 = arith.constant true
      %reduce_max3A_1000 = vector.broadcast %reduce_max3A_999 : i1 to vector<16xi1>
      %reduce_max3A_1001 = tpu.scan <max>, %get3A_998 masked %reduce_max3A_1000 : vector<16xf32>, vector<16xi1> -> vector<16xf32>
      %reduce_max3A_1002 = vector.extract %reduce_max3A_1001[15] : f32 from vector<16xf32>
      %gt3A_1003 = arith.cmpf ogt, %reduce_max3A_1002, %cond3A_994#1 : f32
      %convert_element_type3A_1004 = arith.extui %gt3A_1003 : i1 to i32
      %cond3A_1005 = arith.constant 0 : i32
      %cond3A_1006 = arith.cmpi ne, %convert_element_type3A_1004, %cond3A_1005 : i32
      %cond3A_1007:2 = scf.if %cond3A_1006 -> (vector<16xf32>, f32) {
        %masked_sort3A_2083 = arith.constant dense<true> : vector<16xi1>
        %masked_sort3A_2084, %masked_sort3A_2085, %masked_sort3A_2086 = tpu.sort %get3A_998, %iota3A masked %masked_sort3A_2083 {descending = true} : (vector<16xf32>, vector<16xi32>, vector<16xi1>) -> (vector<16xi1>, vector<16xf32>, vector<16xi32>)
        %max3A = arith.maximumf %cond3A_994#0, %masked_sort3A_2085 : vector<16xf32>
        %sort3A_2087 = arith.constant dense<true> : vector<16xi1>
        %sort3A_2088, %sort3A_2089, %sort3A_2090 = tpu.sort %max3A, %max3A masked %sort3A_2087 : (vector<16xf32>, vector<16xf32>, vector<16xi1>) -> (vector<16xi1>, vector<16xf32>, vector<16xf32>)
        %reduce_min3A_2091 = arith.constant true
        %reduce_min3A_2092 = vector.broadcast %reduce_min3A_2091 : i1 to vector<16xi1>
        %reduce_min3A_2093 = tpu.scan <min>, %max3A masked %reduce_min3A_2092 : vector<16xf32>, vector<16xi1> -> vector<16xf32>
        %reduce_min3A_2094 = vector.extract %reduce_min3A_2093[15] : f32 from vector<16xf32>
        scf.yield %sort3A_2089, %reduce_min3A_2094 : vector<16xf32>, f32
      } else {
        scf.yield %cond3A_994#0, %cond3A_994#1 : vector<16xf32>, f32
      }
      %get3A_1008 = arith.constant 5 : i32
      %get3A_1009 = arith.index_cast %get3A_1008 : i32 to index
      %get3A_1010 = arith.constant 96 : index
      %get3A_1011 = tpu.vector_load %arg7[%get3A_1009, %get3A_1010] {strides = array<i32>} : memref<16x128xf32, #tpu.memory_space<vmem>>, vector<16xf32>,
      %reduce_max3A_1012 = arith.constant true
      %reduce_max3A_1013 = vector.broadcast %reduce_max3A_1012 : i1 to vector<16xi1>
      %reduce_max3A_1014 = tpu.scan <max>, %get3A_1011 masked %reduce_max3A_1013 : vector<16xf32>, vector<16xi1> -> vector<16xf32>
      %reduce_max3A_1015 = vector.extract %reduce_max3A_1014[15] : f32 from vector<16xf32>
      %gt3A_1016 = arith.cmpf ogt, %reduce_max3A_1015, %cond3A_1007#1 : f32
      %convert_element_type3A_1017 = arith.extui %gt3A_1016 : i1 to i32
      %cond3A_1018 = arith.constant 0 : i32
      %cond3A_1019 = arith.cmpi ne, %convert_element_type3A_1017, %cond3A_1018 : i32
      %cond3A_1020:2 = scf.if %cond3A_1019 -> (vector<16xf32>, f32) {
        %masked_sort3A_2083 = arith.constant dense<true> : vector<16xi1>
        %masked_sort3A_2084, %masked_sort3A_2085, %masked_sort3A_2086 = tpu.sort %get3A_1011, %iota3A masked %masked_sort3A_2083 {descending = true} : (vector<16xf32>, vector<16xi32>, vector<16xi1>) -> (vector<16xi1>, vector<16xf32>, vector<16xi32>)
        %max3A = arith.maximumf %cond3A_1007#0, %masked_sort3A_2085 : vector<16xf32>
        %sort3A_2087 = arith.constant dense<true> : vector<16xi1>
        %sort3A_2088, %sort3A_2089, %sort3A_2090 = tpu.sort %max3A, %max3A masked %sort3A_2087 : (vector<16xf32>, vector<16xf32>, vector<16xi1>) -> (vector<16xi1>, vector<16xf32>, vector<16xf32>)
        %reduce_min3A_2091 = arith.constant true
        %reduce_min3A_2092 = vector.broadcast %reduce_min3A_2091 : i1 to vector<16xi1>
        %reduce_min3A_2093 = tpu.scan <min>, %max3A masked %reduce_min3A_2092 : vector<16xf32>, vector<16xi1> -> vector<16xf32>
        %reduce_min3A_2094 = vector.extract %reduce_min3A_2093[15] : f32 from vector<16xf32>
        scf.yield %sort3A_2089, %reduce_min3A_2094 : vector<16xf32>, f32
      } else {
        scf.yield %cond3A_1007#0, %cond3A_1007#1 : vector<16xf32>, f32
      }
      %get3A_1021 = arith.constant 5 : i32
      %get3A_1022 = arith.index_cast %get3A_1021 : i32 to index
      %get3A_1023 = arith.constant 112 : index
      %get3A_1024 = tpu.vector_load %arg7[%get3A_1022, %get3A_1023] {strides = array<i32>} : memref<16x128xf32, #tpu.memory_space<vmem>>, vector<16xf32>,
      %reduce_max3A_1025 = arith.constant true
      %reduce_max3A_1026 = vector.broadcast %reduce_max3A_1025 : i1 to vector<16xi1>
      %reduce_max3A_1027 = tpu.scan <max>, %get3A_1024 masked %reduce_max3A_1026 : vector<16xf32>, vector<16xi1> -> vector<16xf32>
      %reduce_max3A_1028 = vector.extract %reduce_max3A_1027[15] : f32 from vector<16xf32>
      %gt3A_1029 = arith.cmpf ogt, %reduce_max3A_1028, %cond3A_1020#1 : f32
      %convert_element_type3A_1030 = arith.extui %gt3A_1029 : i1 to i32
      %cond3A_1031 = arith.constant 0 : i32
      %cond3A_1032 = arith.cmpi ne, %convert_element_type3A_1030, %cond3A_1031 : i32
      %cond3A_1033:2 = scf.if %cond3A_1032 -> (vector<16xf32>, f32) {
        %masked_sort3A_2083 = arith.constant dense<true> : vector<16xi1>
        %masked_sort3A_2084, %masked_sort3A_2085, %masked_sort3A_2086 = tpu.sort %get3A_1024, %iota3A masked %masked_sort3A_2083 {descending = true} : (vector<16xf32>, vector<16xi32>, vector<16xi1>) -> (vector<16xi1>, vector<16xf32>, vector<16xi32>)
        %max3A = arith.maximumf %cond3A_1020#0, %masked_sort3A_2085 : vector<16xf32>
        %sort3A_2087 = arith.constant dense<true> : vector<16xi1>
        %sort3A_2088, %sort3A_2089, %sort3A_2090 = tpu.sort %max3A, %max3A masked %sort3A_2087 : (vector<16xf32>, vector<16xf32>, vector<16xi1>) -> (vector<16xi1>, vector<16xf32>, vector<16xf32>)
        %reduce_min3A_2091 = arith.constant true
        %reduce_min3A_2092 = vector.broadcast %reduce_min3A_2091 : i1 to vector<16xi1>
        %reduce_min3A_2093 = tpu.scan <min>, %max3A masked %reduce_min3A_2092 : vector<16xf32>, vector<16xi1> -> vector<16xf32>
        %reduce_min3A_2094 = vector.extract %reduce_min3A_2093[15] : f32 from vector<16xf32>
        scf.yield %sort3A_2089, %reduce_min3A_2094 : vector<16xf32>, f32
      } else {
        scf.yield %cond3A_1020#0, %cond3A_1020#1 : vector<16xf32>, f32
      }
      %get3A_1034 = arith.constant 6 : i32
      %get3A_1035 = arith.index_cast %get3A_1034 : i32 to index
      %get3A_1036 = arith.constant 0 : index
      %get3A_1037 = tpu.vector_load %arg7[%get3A_1035, %get3A_1036] {strides = array<i32>} : memref<16x128xf32, #tpu.memory_space<vmem>>, vector<16xf32>,
      %reduce_max3A_1038 = arith.constant true
      %reduce_max3A_1039 = vector.broadcast %reduce_max3A_1038 : i1 to vector<16xi1>
      %reduce_max3A_1040 = tpu.scan <max>, %get3A_1037 masked %reduce_max3A_1039 : vector<16xf32>, vector<16xi1> -> vector<16xf32>
      %reduce_max3A_1041 = vector.extract %reduce_max3A_1040[15] : f32 from vector<16xf32>
      %gt3A_1042 = arith.cmpf ogt, %reduce_max3A_1041, %cond3A_1033#1 : f32
      %convert_element_type3A_1043 = arith.extui %gt3A_1042 : i1 to i32
      %cond3A_1044 = arith.constant 0 : i32
      %cond3A_1045 = arith.cmpi ne, %convert_element_type3A_1043, %cond3A_1044 : i32
      %cond3A_1046:2 = scf.if %cond3A_1045 -> (vector<16xf32>, f32) {
        %masked_sort3A_2083 = arith.constant dense<true> : vector<16xi1>
        %masked_sort3A_2084, %masked_sort3A_2085, %masked_sort3A_2086 = tpu.sort %get3A_1037, %iota3A masked %masked_sort3A_2083 {descending = true} : (vector<16xf32>, vector<16xi32>, vector<16xi1>) -> (vector<16xi1>, vector<16xf32>, vector<16xi32>)
        %max3A = arith.maximumf %cond3A_1033#0, %masked_sort3A_2085 : vector<16xf32>
        %sort3A_2087 = arith.constant dense<true> : vector<16xi1>
        %sort3A_2088, %sort3A_2089, %sort3A_2090 = tpu.sort %max3A, %max3A masked %sort3A_2087 : (vector<16xf32>, vector<16xf32>, vector<16xi1>) -> (vector<16xi1>, vector<16xf32>, vector<16xf32>)
        %reduce_min3A_2091 = arith.constant true
        %reduce_min3A_2092 = vector.broadcast %reduce_min3A_2091 : i1 to vector<16xi1>
        %reduce_min3A_2093 = tpu.scan <min>, %max3A masked %reduce_min3A_2092 : vector<16xf32>, vector<16xi1> -> vector<16xf32>
        %reduce_min3A_2094 = vector.extract %reduce_min3A_2093[15] : f32 from vector<16xf32>
        scf.yield %sort3A_2089, %reduce_min3A_2094 : vector<16xf32>, f32
      } else {
        scf.yield %cond3A_1033#0, %cond3A_1033#1 : vector<16xf32>, f32
      }
      %get3A_1047 = arith.constant 6 : i32
      %get3A_1048 = arith.index_cast %get3A_1047 : i32 to index
      %get3A_1049 = arith.constant 16 : index
      %get3A_1050 = tpu.vector_load %arg7[%get3A_1048, %get3A_1049] {strides = array<i32>} : memref<16x128xf32, #tpu.memory_space<vmem>>, vector<16xf32>,
      %reduce_max3A_1051 = arith.constant true
      %reduce_max3A_1052 = vector.broadcast %reduce_max3A_1051 : i1 to vector<16xi1>
      %reduce_max3A_1053 = tpu.scan <max>, %get3A_1050 masked %reduce_max3A_1052 : vector<16xf32>, vector<16xi1> -> vector<16xf32>
      %reduce_max3A_1054 = vector.extract %reduce_max3A_1053[15] : f32 from vector<16xf32>
      %gt3A_1055 = arith.cmpf ogt, %reduce_max3A_1054, %cond3A_1046#1 : f32
      %convert_element_type3A_1056 = arith.extui %gt3A_1055 : i1 to i32
      %cond3A_1057 = arith.constant 0 : i32
      %cond3A_1058 = arith.cmpi ne, %convert_element_type3A_1056, %cond3A_1057 : i32
      %cond3A_1059:2 = scf.if %cond3A_1058 -> (vector<16xf32>, f32) {
        %masked_sort3A_2083 = arith.constant dense<true> : vector<16xi1>
        %masked_sort3A_2084, %masked_sort3A_2085, %masked_sort3A_2086 = tpu.sort %get3A_1050, %iota3A masked %masked_sort3A_2083 {descending = true} : (vector<16xf32>, vector<16xi32>, vector<16xi1>) -> (vector<16xi1>, vector<16xf32>, vector<16xi32>)
        %max3A = arith.maximumf %cond3A_1046#0, %masked_sort3A_2085 : vector<16xf32>
        %sort3A_2087 = arith.constant dense<true> : vector<16xi1>
        %sort3A_2088, %sort3A_2089, %sort3A_2090 = tpu.sort %max3A, %max3A masked %sort3A_2087 : (vector<16xf32>, vector<16xf32>, vector<16xi1>) -> (vector<16xi1>, vector<16xf32>, vector<16xf32>)
        %reduce_min3A_2091 = arith.constant true
        %reduce_min3A_2092 = vector.broadcast %reduce_min3A_2091 : i1 to vector<16xi1>
        %reduce_min3A_2093 = tpu.scan <min>, %max3A masked %reduce_min3A_2092 : vector<16xf32>, vector<16xi1> -> vector<16xf32>
        %reduce_min3A_2094 = vector.extract %reduce_min3A_2093[15] : f32 from vector<16xf32>
        scf.yield %sort3A_2089, %reduce_min3A_2094 : vector<16xf32>, f32
      } else {
        scf.yield %cond3A_1046#0, %cond3A_1046#1 : vector<16xf32>, f32
      }
      %get3A_1060 = arith.constant 6 : i32
      %get3A_1061 = arith.index_cast %get3A_1060 : i32 to index
      %get3A_1062 = arith.constant 32 : index
      %get3A_1063 = tpu.vector_load %arg7[%get3A_1061, %get3A_1062] {strides = array<i32>} : memref<16x128xf32, #tpu.memory_space<vmem>>, vector<16xf32>,
      %reduce_max3A_1064 = arith.constant true
      %reduce_max3A_1065 = vector.broadcast %reduce_max3A_1064 : i1 to vector<16xi1>
      %reduce_max3A_1066 = tpu.scan <max>, %get3A_1063 masked %reduce_max3A_1065 : vector<16xf32>, vector<16xi1> -> vector<16xf32>
      %reduce_max3A_1067 = vector.extract %reduce_max3A_1066[15] : f32 from vector<16xf32>
      %gt3A_1068 = arith.cmpf ogt, %reduce_max3A_1067, %cond3A_1059#1 : f32
      %convert_element_type3A_1069 = arith.extui %gt3A_1068 : i1 to i32
      %cond3A_1070 = arith.constant 0 : i32
      %cond3A_1071 = arith.cmpi ne, %convert_element_type3A_1069, %cond3A_1070 : i32
      %cond3A_1072:2 = scf.if %cond3A_1071 -> (vector<16xf32>, f32) {
        %masked_sort3A_2083 = arith.constant dense<true> : vector<16xi1>
        %masked_sort3A_2084, %masked_sort3A_2085, %masked_sort3A_2086 = tpu.sort %get3A_1063, %iota3A masked %masked_sort3A_2083 {descending = true} : (vector<16xf32>, vector<16xi32>, vector<16xi1>) -> (vector<16xi1>, vector<16xf32>, vector<16xi32>)
        %max3A = arith.maximumf %cond3A_1059#0, %masked_sort3A_2085 : vector<16xf32>
        %sort3A_2087 = arith.constant dense<true> : vector<16xi1>
        %sort3A_2088, %sort3A_2089, %sort3A_2090 = tpu.sort %max3A, %max3A masked %sort3A_2087 : (vector<16xf32>, vector<16xf32>, vector<16xi1>) -> (vector<16xi1>, vector<16xf32>, vector<16xf32>)
        %reduce_min3A_2091 = arith.constant true
        %reduce_min3A_2092 = vector.broadcast %reduce_min3A_2091 : i1 to vector<16xi1>
        %reduce_min3A_2093 = tpu.scan <min>, %max3A masked %reduce_min3A_2092 : vector<16xf32>, vector<16xi1> -> vector<16xf32>
        %reduce_min3A_2094 = vector.extract %reduce_min3A_2093[15] : f32 from vector<16xf32>
        scf.yield %sort3A_2089, %reduce_min3A_2094 : vector<16xf32>, f32
      } else {
        scf.yield %cond3A_1059#0, %cond3A_1059#1 : vector<16xf32>, f32
      }
      %get3A_1073 = arith.constant 6 : i32
      %get3A_1074 = arith.index_cast %get3A_1073 : i32 to index
      %get3A_1075 = arith.constant 48 : index
      %get3A_1076 = tpu.vector_load %arg7[%get3A_1074, %get3A_1075] {strides = array<i32>} : memref<16x128xf32, #tpu.memory_space<vmem>>, vector<16xf32>,
      %reduce_max3A_1077 = arith.constant true
      %reduce_max3A_1078 = vector.broadcast %reduce_max3A_1077 : i1 to vector<16xi1>
      %reduce_max3A_1079 = tpu.scan <max>, %get3A_1076 masked %reduce_max3A_1078 : vector<16xf32>, vector<16xi1> -> vector<16xf32>
      %reduce_max3A_1080 = vector.extract %reduce_max3A_1079[15] : f32 from vector<16xf32>
      %gt3A_1081 = arith.cmpf ogt, %reduce_max3A_1080, %cond3A_1072#1 : f32
      %convert_element_type3A_1082 = arith.extui %gt3A_1081 : i1 to i32
      %cond3A_1083 = arith.constant 0 : i32
      %cond3A_1084 = arith.cmpi ne, %convert_element_type3A_1082, %cond3A_1083 : i32
      %cond3A_1085:2 = scf.if %cond3A_1084 -> (vector<16xf32>, f32) {
        %masked_sort3A_2083 = arith.constant dense<true> : vector<16xi1>
        %masked_sort3A_2084, %masked_sort3A_2085, %masked_sort3A_2086 = tpu.sort %get3A_1076, %iota3A masked %masked_sort3A_2083 {descending = true} : (vector<16xf32>, vector<16xi32>, vector<16xi1>) -> (vector<16xi1>, vector<16xf32>, vector<16xi32>)
        %max3A = arith.maximumf %cond3A_1072#0, %masked_sort3A_2085 : vector<16xf32>
        %sort3A_2087 = arith.constant dense<true> : vector<16xi1>
        %sort3A_2088, %sort3A_2089, %sort3A_2090 = tpu.sort %max3A, %max3A masked %sort3A_2087 : (vector<16xf32>, vector<16xf32>, vector<16xi1>) -> (vector<16xi1>, vector<16xf32>, vector<16xf32>)
        %reduce_min3A_2091 = arith.constant true
        %reduce_min3A_2092 = vector.broadcast %reduce_min3A_2091 : i1 to vector<16xi1>
        %reduce_min3A_2093 = tpu.scan <min>, %max3A masked %reduce_min3A_2092 : vector<16xf32>, vector<16xi1> -> vector<16xf32>
        %reduce_min3A_2094 = vector.extract %reduce_min3A_2093[15] : f32 from vector<16xf32>
        scf.yield %sort3A_2089, %reduce_min3A_2094 : vector<16xf32>, f32
      } else {
        scf.yield %cond3A_1072#0, %cond3A_1072#1 : vector<16xf32>, f32
      }
      %get3A_1086 = arith.constant 6 : i32
      %get3A_1087 = arith.index_cast %get3A_1086 : i32 to index
      %get3A_1088 = arith.constant 64 : index
      %get3A_1089 = tpu.vector_load %arg7[%get3A_1087, %get3A_1088] {strides = array<i32>} : memref<16x128xf32, #tpu.memory_space<vmem>>, vector<16xf32>,
      %reduce_max3A_1090 = arith.constant true
      %reduce_max3A_1091 = vector.broadcast %reduce_max3A_1090 : i1 to vector<16xi1>
      %reduce_max3A_1092 = tpu.scan <max>, %get3A_1089 masked %reduce_max3A_1091 : vector<16xf32>, vector<16xi1> -> vector<16xf32>
      %reduce_max3A_1093 = vector.extract %reduce_max3A_1092[15] : f32 from vector<16xf32>
      %gt3A_1094 = arith.cmpf ogt, %reduce_max3A_1093, %cond3A_1085#1 : f32
      %convert_element_type3A_1095 = arith.extui %gt3A_1094 : i1 to i32
      %cond3A_1096 = arith.constant 0 : i32
      %cond3A_1097 = arith.cmpi ne, %convert_element_type3A_1095, %cond3A_1096 : i32
      %cond3A_1098:2 = scf.if %cond3A_1097 -> (vector<16xf32>, f32) {
        %masked_sort3A_2083 = arith.constant dense<true> : vector<16xi1>
        %masked_sort3A_2084, %masked_sort3A_2085, %masked_sort3A_2086 = tpu.sort %get3A_1089, %iota3A masked %masked_sort3A_2083 {descending = true} : (vector<16xf32>, vector<16xi32>, vector<16xi1>) -> (vector<16xi1>, vector<16xf32>, vector<16xi32>)
        %max3A = arith.maximumf %cond3A_1085#0, %masked_sort3A_2085 : vector<16xf32>
        %sort3A_2087 = arith.constant dense<true> : vector<16xi1>
        %sort3A_2088, %sort3A_2089, %sort3A_2090 = tpu.sort %max3A, %max3A masked %sort3A_2087 : (vector<16xf32>, vector<16xf32>, vector<16xi1>) -> (vector<16xi1>, vector<16xf32>, vector<16xf32>)
        %reduce_min3A_2091 = arith.constant true
        %reduce_min3A_2092 = vector.broadcast %reduce_min3A_2091 : i1 to vector<16xi1>
        %reduce_min3A_2093 = tpu.scan <min>, %max3A masked %reduce_min3A_2092 : vector<16xf32>, vector<16xi1> -> vector<16xf32>
        %reduce_min3A_2094 = vector.extract %reduce_min3A_2093[15] : f32 from vector<16xf32>
        scf.yield %sort3A_2089, %reduce_min3A_2094 : vector<16xf32>, f32
      } else {
        scf.yield %cond3A_1085#0, %cond3A_1085#1 : vector<16xf32>, f32
      }
      %get3A_1099 = arith.constant 6 : i32
      %get3A_1100 = arith.index_cast %get3A_1099 : i32 to index
      %get3A_1101 = arith.constant 80 : index
      %get3A_1102 = tpu.vector_load %arg7[%get3A_1100, %get3A_1101] {strides = array<i32>} : memref<16x128xf32, #tpu.memory_space<vmem>>, vector<16xf32>,
      %reduce_max3A_1103 = arith.constant true
      %reduce_max3A_1104 = vector.broadcast %reduce_max3A_1103 : i1 to vector<16xi1>
      %reduce_max3A_1105 = tpu.scan <max>, %get3A_1102 masked %reduce_max3A_1104 : vector<16xf32>, vector<16xi1> -> vector<16xf32>
      %reduce_max3A_1106 = vector.extract %reduce_max3A_1105[15] : f32 from vector<16xf32>
      %gt3A_1107 = arith.cmpf ogt, %reduce_max3A_1106, %cond3A_1098#1 : f32
      %convert_element_type3A_1108 = arith.extui %gt3A_1107 : i1 to i32
      %cond3A_1109 = arith.constant 0 : i32
      %cond3A_1110 = arith.cmpi ne, %convert_element_type3A_1108, %cond3A_1109 : i32
      %cond3A_1111:2 = scf.if %cond3A_1110 -> (vector<16xf32>, f32) {
        %masked_sort3A_2083 = arith.constant dense<true> : vector<16xi1>
        %masked_sort3A_2084, %masked_sort3A_2085, %masked_sort3A_2086 = tpu.sort %get3A_1102, %iota3A masked %masked_sort3A_2083 {descending = true} : (vector<16xf32>, vector<16xi32>, vector<16xi1>) -> (vector<16xi1>, vector<16xf32>, vector<16xi32>)
        %max3A = arith.maximumf %cond3A_1098#0, %masked_sort3A_2085 : vector<16xf32>
        %sort3A_2087 = arith.constant dense<true> : vector<16xi1>
        %sort3A_2088, %sort3A_2089, %sort3A_2090 = tpu.sort %max3A, %max3A masked %sort3A_2087 : (vector<16xf32>, vector<16xf32>, vector<16xi1>) -> (vector<16xi1>, vector<16xf32>, vector<16xf32>)
        %reduce_min3A_2091 = arith.constant true
        %reduce_min3A_2092 = vector.broadcast %reduce_min3A_2091 : i1 to vector<16xi1>
        %reduce_min3A_2093 = tpu.scan <min>, %max3A masked %reduce_min3A_2092 : vector<16xf32>, vector<16xi1> -> vector<16xf32>
        %reduce_min3A_2094 = vector.extract %reduce_min3A_2093[15] : f32 from vector<16xf32>
        scf.yield %sort3A_2089, %reduce_min3A_2094 : vector<16xf32>, f32
      } else {
        scf.yield %cond3A_1098#0, %cond3A_1098#1 : vector<16xf32>, f32
      }
      %get3A_1112 = arith.constant 6 : i32
      %get3A_1113 = arith.index_cast %get3A_1112 : i32 to index
      %get3A_1114 = arith.constant 96 : index
      %get3A_1115 = tpu.vector_load %arg7[%get3A_1113, %get3A_1114] {strides = array<i32>} : memref<16x128xf32, #tpu.memory_space<vmem>>, vector<16xf32>,
      %reduce_max3A_1116 = arith.constant true
      %reduce_max3A_1117 = vector.broadcast %reduce_max3A_1116 : i1 to vector<16xi1>
      %reduce_max3A_1118 = tpu.scan <max>, %get3A_1115 masked %reduce_max3A_1117 : vector<16xf32>, vector<16xi1> -> vector<16xf32>
      %reduce_max3A_1119 = vector.extract %reduce_max3A_1118[15] : f32 from vector<16xf32>
      %gt3A_1120 = arith.cmpf ogt, %reduce_max3A_1119, %cond3A_1111#1 : f32
      %convert_element_type3A_1121 = arith.extui %gt3A_1120 : i1 to i32
      %cond3A_1122 = arith.constant 0 : i32
      %cond3A_1123 = arith.cmpi ne, %convert_element_type3A_1121, %cond3A_1122 : i32
      %cond3A_1124:2 = scf.if %cond3A_1123 -> (vector<16xf32>, f32) {
        %masked_sort3A_2083 = arith.constant dense<true> : vector<16xi1>
        %masked_sort3A_2084, %masked_sort3A_2085, %masked_sort3A_2086 = tpu.sort %get3A_1115, %iota3A masked %masked_sort3A_2083 {descending = true} : (vector<16xf32>, vector<16xi32>, vector<16xi1>) -> (vector<16xi1>, vector<16xf32>, vector<16xi32>)
        %max3A = arith.maximumf %cond3A_1111#0, %masked_sort3A_2085 : vector<16xf32>
        %sort3A_2087 = arith.constant dense<true> : vector<16xi1>
        %sort3A_2088, %sort3A_2089, %sort3A_2090 = tpu.sort %max3A, %max3A masked %sort3A_2087 : (vector<16xf32>, vector<16xf32>, vector<16xi1>) -> (vector<16xi1>, vector<16xf32>, vector<16xf32>)
        %reduce_min3A_2091 = arith.constant true
        %reduce_min3A_2092 = vector.broadcast %reduce_min3A_2091 : i1 to vector<16xi1>
        %reduce_min3A_2093 = tpu.scan <min>, %max3A masked %reduce_min3A_2092 : vector<16xf32>, vector<16xi1> -> vector<16xf32>
        %reduce_min3A_2094 = vector.extract %reduce_min3A_2093[15] : f32 from vector<16xf32>
        scf.yield %sort3A_2089, %reduce_min3A_2094 : vector<16xf32>, f32
      } else {
        scf.yield %cond3A_1111#0, %cond3A_1111#1 : vector<16xf32>, f32
      }
      %get3A_1125 = arith.constant 6 : i32
      %get3A_1126 = arith.index_cast %get3A_1125 : i32 to index
      %get3A_1127 = arith.constant 112 : index
      %get3A_1128 = tpu.vector_load %arg7[%get3A_1126, %get3A_1127] {strides = array<i32>} : memref<16x128xf32, #tpu.memory_space<vmem>>, vector<16xf32>,
      %reduce_max3A_1129 = arith.constant true
      %reduce_max3A_1130 = vector.broadcast %reduce_max3A_1129 : i1 to vector<16xi1>
      %reduce_max3A_1131 = tpu.scan <max>, %get3A_1128 masked %reduce_max3A_1130 : vector<16xf32>, vector<16xi1> -> vector<16xf32>
      %reduce_max3A_1132 = vector.extract %reduce_max3A_1131[15] : f32 from vector<16xf32>
      %gt3A_1133 = arith.cmpf ogt, %reduce_max3A_1132, %cond3A_1124#1 : f32
      %convert_element_type3A_1134 = arith.extui %gt3A_1133 : i1 to i32
      %cond3A_1135 = arith.constant 0 : i32
      %cond3A_1136 = arith.cmpi ne, %convert_element_type3A_1134, %cond3A_1135 : i32
      %cond3A_1137:2 = scf.if %cond3A_1136 -> (vector<16xf32>, f32) {
        %masked_sort3A_2083 = arith.constant dense<true> : vector<16xi1>
        %masked_sort3A_2084, %masked_sort3A_2085, %masked_sort3A_2086 = tpu.sort %get3A_1128, %iota3A masked %masked_sort3A_2083 {descending = true} : (vector<16xf32>, vector<16xi32>, vector<16xi1>) -> (vector<16xi1>, vector<16xf32>, vector<16xi32>)
        %max3A = arith.maximumf %cond3A_1124#0, %masked_sort3A_2085 : vector<16xf32>
        %sort3A_2087 = arith.constant dense<true> : vector<16xi1>
        %sort3A_2088, %sort3A_2089, %sort3A_2090 = tpu.sort %max3A, %max3A masked %sort3A_2087 : (vector<16xf32>, vector<16xf32>, vector<16xi1>) -> (vector<16xi1>, vector<16xf32>, vector<16xf32>)
        %reduce_min3A_2091 = arith.constant true
        %reduce_min3A_2092 = vector.broadcast %reduce_min3A_2091 : i1 to vector<16xi1>
        %reduce_min3A_2093 = tpu.scan <min>, %max3A masked %reduce_min3A_2092 : vector<16xf32>, vector<16xi1> -> vector<16xf32>
        %reduce_min3A_2094 = vector.extract %reduce_min3A_2093[15] : f32 from vector<16xf32>
        scf.yield %sort3A_2089, %reduce_min3A_2094 : vector<16xf32>, f32
      } else {
        scf.yield %cond3A_1124#0, %cond3A_1124#1 : vector<16xf32>, f32
      }
      %get3A_1138 = arith.constant 7 : i32
      %get3A_1139 = arith.index_cast %get3A_1138 : i32 to index
      %get3A_1140 = arith.constant 0 : index
      %get3A_1141 = tpu.vector_load %arg7[%get3A_1139, %get3A_1140] {strides = array<i32>} : memref<16x128xf32, #tpu.memory_space<vmem>>, vector<16xf32>,
      %reduce_max3A_1142 = arith.constant true
      %reduce_max3A_1143 = vector.broadcast %reduce_max3A_1142 : i1 to vector<16xi1>
      %reduce_max3A_1144 = tpu.scan <max>, %get3A_1141 masked %reduce_max3A_1143 : vector<16xf32>, vector<16xi1> -> vector<16xf32>
      %reduce_max3A_1145 = vector.extract %reduce_max3A_1144[15] : f32 from vector<16xf32>
      %gt3A_1146 = arith.cmpf ogt, %reduce_max3A_1145, %cond3A_1137#1 : f32
      %convert_element_type3A_1147 = arith.extui %gt3A_1146 : i1 to i32
      %cond3A_1148 = arith.constant 0 : i32
      %cond3A_1149 = arith.cmpi ne, %convert_element_type3A_1147, %cond3A_1148 : i32
      %cond3A_1150:2 = scf.if %cond3A_1149 -> (vector<16xf32>, f32) {
        %masked_sort3A_2083 = arith.constant dense<true> : vector<16xi1>
        %masked_sort3A_2084, %masked_sort3A_2085, %masked_sort3A_2086 = tpu.sort %get3A_1141, %iota3A masked %masked_sort3A_2083 {descending = true} : (vector<16xf32>, vector<16xi32>, vector<16xi1>) -> (vector<16xi1>, vector<16xf32>, vector<16xi32>)
        %max3A = arith.maximumf %cond3A_1137#0, %masked_sort3A_2085 : vector<16xf32>
        %sort3A_2087 = arith.constant dense<true> : vector<16xi1>
        %sort3A_2088, %sort3A_2089, %sort3A_2090 = tpu.sort %max3A, %max3A masked %sort3A_2087 : (vector<16xf32>, vector<16xf32>, vector<16xi1>) -> (vector<16xi1>, vector<16xf32>, vector<16xf32>)
        %reduce_min3A_2091 = arith.constant true
        %reduce_min3A_2092 = vector.broadcast %reduce_min3A_2091 : i1 to vector<16xi1>
        %reduce_min3A_2093 = tpu.scan <min>, %max3A masked %reduce_min3A_2092 : vector<16xf32>, vector<16xi1> -> vector<16xf32>
        %reduce_min3A_2094 = vector.extract %reduce_min3A_2093[15] : f32 from vector<16xf32>
        scf.yield %sort3A_2089, %reduce_min3A_2094 : vector<16xf32>, f32
      } else {
        scf.yield %cond3A_1137#0, %cond3A_1137#1 : vector<16xf32>, f32
      }
      %get3A_1151 = arith.constant 7 : i32
      %get3A_1152 = arith.index_cast %get3A_1151 : i32 to index
      %get3A_1153 = arith.constant 16 : index
      %get3A_1154 = tpu.vector_load %arg7[%get3A_1152, %get3A_1153] {strides = array<i32>} : memref<16x128xf32, #tpu.memory_space<vmem>>, vector<16xf32>,
      %reduce_max3A_1155 = arith.constant true
      %reduce_max3A_1156 = vector.broadcast %reduce_max3A_1155 : i1 to vector<16xi1>
      %reduce_max3A_1157 = tpu.scan <max>, %get3A_1154 masked %reduce_max3A_1156 : vector<16xf32>, vector<16xi1> -> vector<16xf32>
      %reduce_max3A_1158 = vector.extract %reduce_max3A_1157[15] : f32 from vector<16xf32>
      %gt3A_1159 = arith.cmpf ogt, %reduce_max3A_1158, %cond3A_1150#1 : f32
      %convert_element_type3A_1160 = arith.extui %gt3A_1159 : i1 to i32
      %cond3A_1161 = arith.constant 0 : i32
      %cond3A_1162 = arith.cmpi ne, %convert_element_type3A_1160, %cond3A_1161 : i32
      %cond3A_1163:2 = scf.if %cond3A_1162 -> (vector<16xf32>, f32) {
        %masked_sort3A_2083 = arith.constant dense<true> : vector<16xi1>
        %masked_sort3A_2084, %masked_sort3A_2085, %masked_sort3A_2086 = tpu.sort %get3A_1154, %iota3A masked %masked_sort3A_2083 {descending = true} : (vector<16xf32>, vector<16xi32>, vector<16xi1>) -> (vector<16xi1>, vector<16xf32>, vector<16xi32>)
        %max3A = arith.maximumf %cond3A_1150#0, %masked_sort3A_2085 : vector<16xf32>
        %sort3A_2087 = arith.constant dense<true> : vector<16xi1>
        %sort3A_2088, %sort3A_2089, %sort3A_2090 = tpu.sort %max3A, %max3A masked %sort3A_2087 : (vector<16xf32>, vector<16xf32>, vector<16xi1>) -> (vector<16xi1>, vector<16xf32>, vector<16xf32>)
        %reduce_min3A_2091 = arith.constant true
        %reduce_min3A_2092 = vector.broadcast %reduce_min3A_2091 : i1 to vector<16xi1>
        %reduce_min3A_2093 = tpu.scan <min>, %max3A masked %reduce_min3A_2092 : vector<16xf32>, vector<16xi1> -> vector<16xf32>
        %reduce_min3A_2094 = vector.extract %reduce_min3A_2093[15] : f32 from vector<16xf32>
        scf.yield %sort3A_2089, %reduce_min3A_2094 : vector<16xf32>, f32
      } else {
        scf.yield %cond3A_1150#0, %cond3A_1150#1 : vector<16xf32>, f32
      }
      %get3A_1164 = arith.constant 7 : i32
      %get3A_1165 = arith.index_cast %get3A_1164 : i32 to index
      %get3A_1166 = arith.constant 32 : index
      %get3A_1167 = tpu.vector_load %arg7[%get3A_1165, %get3A_1166] {strides = array<i32>} : memref<16x128xf32, #tpu.memory_space<vmem>>, vector<16xf32>,
      %reduce_max3A_1168 = arith.constant true
      %reduce_max3A_1169 = vector.broadcast %reduce_max3A_1168 : i1 to vector<16xi1>
      %reduce_max3A_1170 = tpu.scan <max>, %get3A_1167 masked %reduce_max3A_1169 : vector<16xf32>, vector<16xi1> -> vector<16xf32>
      %reduce_max3A_1171 = vector.extract %reduce_max3A_1170[15] : f32 from vector<16xf32>
      %gt3A_1172 = arith.cmpf ogt, %reduce_max3A_1171, %cond3A_1163#1 : f32
      %convert_element_type3A_1173 = arith.extui %gt3A_1172 : i1 to i32
      %cond3A_1174 = arith.constant 0 : i32
      %cond3A_1175 = arith.cmpi ne, %convert_element_type3A_1173, %cond3A_1174 : i32
      %cond3A_1176:2 = scf.if %cond3A_1175 -> (vector<16xf32>, f32) {
        %masked_sort3A_2083 = arith.constant dense<true> : vector<16xi1>
        %masked_sort3A_2084, %masked_sort3A_2085, %masked_sort3A_2086 = tpu.sort %get3A_1167, %iota3A masked %masked_sort3A_2083 {descending = true} : (vector<16xf32>, vector<16xi32>, vector<16xi1>) -> (vector<16xi1>, vector<16xf32>, vector<16xi32>)
        %max3A = arith.maximumf %cond3A_1163#0, %masked_sort3A_2085 : vector<16xf32>
        %sort3A_2087 = arith.constant dense<true> : vector<16xi1>
        %sort3A_2088, %sort3A_2089, %sort3A_2090 = tpu.sort %max3A, %max3A masked %sort3A_2087 : (vector<16xf32>, vector<16xf32>, vector<16xi1>) -> (vector<16xi1>, vector<16xf32>, vector<16xf32>)
        %reduce_min3A_2091 = arith.constant true
        %reduce_min3A_2092 = vector.broadcast %reduce_min3A_2091 : i1 to vector<16xi1>
        %reduce_min3A_2093 = tpu.scan <min>, %max3A masked %reduce_min3A_2092 : vector<16xf32>, vector<16xi1> -> vector<16xf32>
        %reduce_min3A_2094 = vector.extract %reduce_min3A_2093[15] : f32 from vector<16xf32>
        scf.yield %sort3A_2089, %reduce_min3A_2094 : vector<16xf32>, f32
      } else {
        scf.yield %cond3A_1163#0, %cond3A_1163#1 : vector<16xf32>, f32
      }
      %get3A_1177 = arith.constant 7 : i32
      %get3A_1178 = arith.index_cast %get3A_1177 : i32 to index
      %get3A_1179 = arith.constant 48 : index
      %get3A_1180 = tpu.vector_load %arg7[%get3A_1178, %get3A_1179] {strides = array<i32>} : memref<16x128xf32, #tpu.memory_space<vmem>>, vector<16xf32>,
      %reduce_max3A_1181 = arith.constant true
      %reduce_max3A_1182 = vector.broadcast %reduce_max3A_1181 : i1 to vector<16xi1>
      %reduce_max3A_1183 = tpu.scan <max>, %get3A_1180 masked %reduce_max3A_1182 : vector<16xf32>, vector<16xi1> -> vector<16xf32>
      %reduce_max3A_1184 = vector.extract %reduce_max3A_1183[15] : f32 from vector<16xf32>
      %gt3A_1185 = arith.cmpf ogt, %reduce_max3A_1184, %cond3A_1176#1 : f32
      %convert_element_type3A_1186 = arith.extui %gt3A_1185 : i1 to i32
      %cond3A_1187 = arith.constant 0 : i32
      %cond3A_1188 = arith.cmpi ne, %convert_element_type3A_1186, %cond3A_1187 : i32
      %cond3A_1189:2 = scf.if %cond3A_1188 -> (vector<16xf32>, f32) {
        %masked_sort3A_2083 = arith.constant dense<true> : vector<16xi1>
        %masked_sort3A_2084, %masked_sort3A_2085, %masked_sort3A_2086 = tpu.sort %get3A_1180, %iota3A masked %masked_sort3A_2083 {descending = true} : (vector<16xf32>, vector<16xi32>, vector<16xi1>) -> (vector<16xi1>, vector<16xf32>, vector<16xi32>)
        %max3A = arith.maximumf %cond3A_1176#0, %masked_sort3A_2085 : vector<16xf32>
        %sort3A_2087 = arith.constant dense<true> : vector<16xi1>
        %sort3A_2088, %sort3A_2089, %sort3A_2090 = tpu.sort %max3A, %max3A masked %sort3A_2087 : (vector<16xf32>, vector<16xf32>, vector<16xi1>) -> (vector<16xi1>, vector<16xf32>, vector<16xf32>)
        %reduce_min3A_2091 = arith.constant true
        %reduce_min3A_2092 = vector.broadcast %reduce_min3A_2091 : i1 to vector<16xi1>
        %reduce_min3A_2093 = tpu.scan <min>, %max3A masked %reduce_min3A_2092 : vector<16xf32>, vector<16xi1> -> vector<16xf32>
        %reduce_min3A_2094 = vector.extract %reduce_min3A_2093[15] : f32 from vector<16xf32>
        scf.yield %sort3A_2089, %reduce_min3A_2094 : vector<16xf32>, f32
      } else {
        scf.yield %cond3A_1176#0, %cond3A_1176#1 : vector<16xf32>, f32
      }
      %get3A_1190 = arith.constant 7 : i32
      %get3A_1191 = arith.index_cast %get3A_1190 : i32 to index
      %get3A_1192 = arith.constant 64 : index
      %get3A_1193 = tpu.vector_load %arg7[%get3A_1191, %get3A_1192] {strides = array<i32>} : memref<16x128xf32, #tpu.memory_space<vmem>>, vector<16xf32>,
      %reduce_max3A_1194 = arith.constant true
      %reduce_max3A_1195 = vector.broadcast %reduce_max3A_1194 : i1 to vector<16xi1>
      %reduce_max3A_1196 = tpu.scan <max>, %get3A_1193 masked %reduce_max3A_1195 : vector<16xf32>, vector<16xi1> -> vector<16xf32>
      %reduce_max3A_1197 = vector.extract %reduce_max3A_1196[15] : f32 from vector<16xf32>
      %gt3A_1198 = arith.cmpf ogt, %reduce_max3A_1197, %cond3A_1189#1 : f32
      %convert_element_type3A_1199 = arith.extui %gt3A_1198 : i1 to i32
      %cond3A_1200 = arith.constant 0 : i32
      %cond3A_1201 = arith.cmpi ne, %convert_element_type3A_1199, %cond3A_1200 : i32
      %cond3A_1202:2 = scf.if %cond3A_1201 -> (vector<16xf32>, f32) {
        %masked_sort3A_2083 = arith.constant dense<true> : vector<16xi1>
        %masked_sort3A_2084, %masked_sort3A_2085, %masked_sort3A_2086 = tpu.sort %get3A_1193, %iota3A masked %masked_sort3A_2083 {descending = true} : (vector<16xf32>, vector<16xi32>, vector<16xi1>) -> (vector<16xi1>, vector<16xf32>, vector<16xi32>)
        %max3A = arith.maximumf %cond3A_1189#0, %masked_sort3A_2085 : vector<16xf32>
        %sort3A_2087 = arith.constant dense<true> : vector<16xi1>
        %sort3A_2088, %sort3A_2089, %sort3A_2090 = tpu.sort %max3A, %max3A masked %sort3A_2087 : (vector<16xf32>, vector<16xf32>, vector<16xi1>) -> (vector<16xi1>, vector<16xf32>, vector<16xf32>)
        %reduce_min3A_2091 = arith.constant true
        %reduce_min3A_2092 = vector.broadcast %reduce_min3A_2091 : i1 to vector<16xi1>
        %reduce_min3A_2093 = tpu.scan <min>, %max3A masked %reduce_min3A_2092 : vector<16xf32>, vector<16xi1> -> vector<16xf32>
        %reduce_min3A_2094 = vector.extract %reduce_min3A_2093[15] : f32 from vector<16xf32>
        scf.yield %sort3A_2089, %reduce_min3A_2094 : vector<16xf32>, f32
      } else {
        scf.yield %cond3A_1189#0, %cond3A_1189#1 : vector<16xf32>, f32
      }
      %get3A_1203 = arith.constant 7 : i32
      %get3A_1204 = arith.index_cast %get3A_1203 : i32 to index
      %get3A_1205 = arith.constant 80 : index
      %get3A_1206 = tpu.vector_load %arg7[%get3A_1204, %get3A_1205] {strides = array<i32>} : memref<16x128xf32, #tpu.memory_space<vmem>>, vector<16xf32>,
      %reduce_max3A_1207 = arith.constant true
      %reduce_max3A_1208 = vector.broadcast %reduce_max3A_1207 : i1 to vector<16xi1>
      %reduce_max3A_1209 = tpu.scan <max>, %get3A_1206 masked %reduce_max3A_1208 : vector<16xf32>, vector<16xi1> -> vector<16xf32>
      %reduce_max3A_1210 = vector.extract %reduce_max3A_1209[15] : f32 from vector<16xf32>
      %gt3A_1211 = arith.cmpf ogt, %reduce_max3A_1210, %cond3A_1202#1 : f32
      %convert_element_type3A_1212 = arith.extui %gt3A_1211 : i1 to i32
      %cond3A_1213 = arith.constant 0 : i32
      %cond3A_1214 = arith.cmpi ne, %convert_element_type3A_1212, %cond3A_1213 : i32
      %cond3A_1215:2 = scf.if %cond3A_1214 -> (vector<16xf32>, f32) {
        %masked_sort3A_2083 = arith.constant dense<true> : vector<16xi1>
        %masked_sort3A_2084, %masked_sort3A_2085, %masked_sort3A_2086 = tpu.sort %get3A_1206, %iota3A masked %masked_sort3A_2083 {descending = true} : (vector<16xf32>, vector<16xi32>, vector<16xi1>) -> (vector<16xi1>, vector<16xf32>, vector<16xi32>)
        %max3A = arith.maximumf %cond3A_1202#0, %masked_sort3A_2085 : vector<16xf32>
        %sort3A_2087 = arith.constant dense<true> : vector<16xi1>
        %sort3A_2088, %sort3A_2089, %sort3A_2090 = tpu.sort %max3A, %max3A masked %sort3A_2087 : (vector<16xf32>, vector<16xf32>, vector<16xi1>) -> (vector<16xi1>, vector<16xf32>, vector<16xf32>)
        %reduce_min3A_2091 = arith.constant true
        %reduce_min3A_2092 = vector.broadcast %reduce_min3A_2091 : i1 to vector<16xi1>
        %reduce_min3A_2093 = tpu.scan <min>, %max3A masked %reduce_min3A_2092 : vector<16xf32>, vector<16xi1> -> vector<16xf32>
        %reduce_min3A_2094 = vector.extract %reduce_min3A_2093[15] : f32 from vector<16xf32>
        scf.yield %sort3A_2089, %reduce_min3A_2094 : vector<16xf32>, f32
      } else {
        scf.yield %cond3A_1202#0, %cond3A_1202#1 : vector<16xf32>, f32
      }
      %get3A_1216 = arith.constant 7 : i32
      %get3A_1217 = arith.index_cast %get3A_1216 : i32 to index
      %get3A_1218 = arith.constant 96 : index
      %get3A_1219 = tpu.vector_load %arg7[%get3A_1217, %get3A_1218] {strides = array<i32>} : memref<16x128xf32, #tpu.memory_space<vmem>>, vector<16xf32>,
      %reduce_max3A_1220 = arith.constant true
      %reduce_max3A_1221 = vector.broadcast %reduce_max3A_1220 : i1 to vector<16xi1>
      %reduce_max3A_1222 = tpu.scan <max>, %get3A_1219 masked %reduce_max3A_1221 : vector<16xf32>, vector<16xi1> -> vector<16xf32>
      %reduce_max3A_1223 = vector.extract %reduce_max3A_1222[15] : f32 from vector<16xf32>
      %gt3A_1224 = arith.cmpf ogt, %reduce_max3A_1223, %cond3A_1215#1 : f32
      %convert_element_type3A_1225 = arith.extui %gt3A_1224 : i1 to i32
      %cond3A_1226 = arith.constant 0 : i32
      %cond3A_1227 = arith.cmpi ne, %convert_element_type3A_1225, %cond3A_1226 : i32
      %cond3A_1228:2 = scf.if %cond3A_1227 -> (vector<16xf32>, f32) {
        %masked_sort3A_2083 = arith.constant dense<true> : vector<16xi1>
        %masked_sort3A_2084, %masked_sort3A_2085, %masked_sort3A_2086 = tpu.sort %get3A_1219, %iota3A masked %masked_sort3A_2083 {descending = true} : (vector<16xf32>, vector<16xi32>, vector<16xi1>) -> (vector<16xi1>, vector<16xf32>, vector<16xi32>)
        %max3A = arith.maximumf %cond3A_1215#0, %masked_sort3A_2085 : vector<16xf32>
        %sort3A_2087 = arith.constant dense<true> : vector<16xi1>
        %sort3A_2088, %sort3A_2089, %sort3A_2090 = tpu.sort %max3A, %max3A masked %sort3A_2087 : (vector<16xf32>, vector<16xf32>, vector<16xi1>) -> (vector<16xi1>, vector<16xf32>, vector<16xf32>)
        %reduce_min3A_2091 = arith.constant true
        %reduce_min3A_2092 = vector.broadcast %reduce_min3A_2091 : i1 to vector<16xi1>
        %reduce_min3A_2093 = tpu.scan <min>, %max3A masked %reduce_min3A_2092 : vector<16xf32>, vector<16xi1> -> vector<16xf32>
        %reduce_min3A_2094 = vector.extract %reduce_min3A_2093[15] : f32 from vector<16xf32>
        scf.yield %sort3A_2089, %reduce_min3A_2094 : vector<16xf32>, f32
      } else {
        scf.yield %cond3A_1215#0, %cond3A_1215#1 : vector<16xf32>, f32
      }
      %get3A_1229 = arith.constant 7 : i32
      %get3A_1230 = arith.index_cast %get3A_1229 : i32 to index
      %get3A_1231 = arith.constant 112 : index
      %get3A_1232 = tpu.vector_load %arg7[%get3A_1230, %get3A_1231] {strides = array<i32>} : memref<16x128xf32, #tpu.memory_space<vmem>>, vector<16xf32>,
      %reduce_max3A_1233 = arith.constant true
      %reduce_max3A_1234 = vector.broadcast %reduce_max3A_1233 : i1 to vector<16xi1>
      %reduce_max3A_1235 = tpu.scan <max>, %get3A_1232 masked %reduce_max3A_1234 : vector<16xf32>, vector<16xi1> -> vector<16xf32>
      %reduce_max3A_1236 = vector.extract %reduce_max3A_1235[15] : f32 from vector<16xf32>
      %gt3A_1237 = arith.cmpf ogt, %reduce_max3A_1236, %cond3A_1228#1 : f32
      %convert_element_type3A_1238 = arith.extui %gt3A_1237 : i1 to i32
      %cond3A_1239 = arith.constant 0 : i32
      %cond3A_1240 = arith.cmpi ne, %convert_element_type3A_1238, %cond3A_1239 : i32
      %cond3A_1241:2 = scf.if %cond3A_1240 -> (vector<16xf32>, f32) {
        %masked_sort3A_2083 = arith.constant dense<true> : vector<16xi1>
        %masked_sort3A_2084, %masked_sort3A_2085, %masked_sort3A_2086 = tpu.sort %get3A_1232, %iota3A masked %masked_sort3A_2083 {descending = true} : (vector<16xf32>, vector<16xi32>, vector<16xi1>) -> (vector<16xi1>, vector<16xf32>, vector<16xi32>)
        %max3A = arith.maximumf %cond3A_1228#0, %masked_sort3A_2085 : vector<16xf32>
        %sort3A_2087 = arith.constant dense<true> : vector<16xi1>
        %sort3A_2088, %sort3A_2089, %sort3A_2090 = tpu.sort %max3A, %max3A masked %sort3A_2087 : (vector<16xf32>, vector<16xf32>, vector<16xi1>) -> (vector<16xi1>, vector<16xf32>, vector<16xf32>)
        %reduce_min3A_2091 = arith.constant true
        %reduce_min3A_2092 = vector.broadcast %reduce_min3A_2091 : i1 to vector<16xi1>
        %reduce_min3A_2093 = tpu.scan <min>, %max3A masked %reduce_min3A_2092 : vector<16xf32>, vector<16xi1> -> vector<16xf32>
        %reduce_min3A_2094 = vector.extract %reduce_min3A_2093[15] : f32 from vector<16xf32>
        scf.yield %sort3A_2089, %reduce_min3A_2094 : vector<16xf32>, f32
      } else {
        scf.yield %cond3A_1228#0, %cond3A_1228#1 : vector<16xf32>, f32
      }
      %get3A_1242 = arith.constant 8 : i32
      %get3A_1243 = arith.index_cast %get3A_1242 : i32 to index
      %get3A_1244 = arith.constant 0 : index
      %get3A_1245 = tpu.vector_load %arg7[%get3A_1243, %get3A_1244] {strides = array<i32>} : memref<16x128xf32, #tpu.memory_space<vmem>>, vector<16xf32>,
      %reduce_max3A_1246 = arith.constant true
      %reduce_max3A_1247 = vector.broadcast %reduce_max3A_1246 : i1 to vector<16xi1>
      %reduce_max3A_1248 = tpu.scan <max>, %get3A_1245 masked %reduce_max3A_1247 : vector<16xf32>, vector<16xi1> -> vector<16xf32>
      %reduce_max3A_1249 = vector.extract %reduce_max3A_1248[15] : f32 from vector<16xf32>
      %gt3A_1250 = arith.cmpf ogt, %reduce_max3A_1249, %cond3A_1241#1 : f32
      %convert_element_type3A_1251 = arith.extui %gt3A_1250 : i1 to i32
      %cond3A_1252 = arith.constant 0 : i32
      %cond3A_1253 = arith.cmpi ne, %convert_element_type3A_1251, %cond3A_1252 : i32
      %cond3A_1254:2 = scf.if %cond3A_1253 -> (vector<16xf32>, f32) {
        %masked_sort3A_2083 = arith.constant dense<true> : vector<16xi1>
        %masked_sort3A_2084, %masked_sort3A_2085, %masked_sort3A_2086 = tpu.sort %get3A_1245, %iota3A masked %masked_sort3A_2083 {descending = true} : (vector<16xf32>, vector<16xi32>, vector<16xi1>) -> (vector<16xi1>, vector<16xf32>, vector<16xi32>)
        %max3A = arith.maximumf %cond3A_1241#0, %masked_sort3A_2085 : vector<16xf32>
        %sort3A_2087 = arith.constant dense<true> : vector<16xi1>
        %sort3A_2088, %sort3A_2089, %sort3A_2090 = tpu.sort %max3A, %max3A masked %sort3A_2087 : (vector<16xf32>, vector<16xf32>, vector<16xi1>) -> (vector<16xi1>, vector<16xf32>, vector<16xf32>)
        %reduce_min3A_2091 = arith.constant true
        %reduce_min3A_2092 = vector.broadcast %reduce_min3A_2091 : i1 to vector<16xi1>
        %reduce_min3A_2093 = tpu.scan <min>, %max3A masked %reduce_min3A_2092 : vector<16xf32>, vector<16xi1> -> vector<16xf32>
        %reduce_min3A_2094 = vector.extract %reduce_min3A_2093[15] : f32 from vector<16xf32>
        scf.yield %sort3A_2089, %reduce_min3A_2094 : vector<16xf32>, f32
      } else {
        scf.yield %cond3A_1241#0, %cond3A_1241#1 : vector<16xf32>, f32
      }
      %get3A_1255 = arith.constant 8 : i32
      %get3A_1256 = arith.index_cast %get3A_1255 : i32 to index
      %get3A_1257 = arith.constant 16 : index
      %get3A_1258 = tpu.vector_load %arg7[%get3A_1256, %get3A_1257] {strides = array<i32>} : memref<16x128xf32, #tpu.memory_space<vmem>>, vector<16xf32>,
      %reduce_max3A_1259 = arith.constant true
      %reduce_max3A_1260 = vector.broadcast %reduce_max3A_1259 : i1 to vector<16xi1>
      %reduce_max3A_1261 = tpu.scan <max>, %get3A_1258 masked %reduce_max3A_1260 : vector<16xf32>, vector<16xi1> -> vector<16xf32>
      %reduce_max3A_1262 = vector.extract %reduce_max3A_1261[15] : f32 from vector<16xf32>
      %gt3A_1263 = arith.cmpf ogt, %reduce_max3A_1262, %cond3A_1254#1 : f32
      %convert_element_type3A_1264 = arith.extui %gt3A_1263 : i1 to i32
      %cond3A_1265 = arith.constant 0 : i32
      %cond3A_1266 = arith.cmpi ne, %convert_element_type3A_1264, %cond3A_1265 : i32
      %cond3A_1267:2 = scf.if %cond3A_1266 -> (vector<16xf32>, f32) {
        %masked_sort3A_2083 = arith.constant dense<true> : vector<16xi1>
        %masked_sort3A_2084, %masked_sort3A_2085, %masked_sort3A_2086 = tpu.sort %get3A_1258, %iota3A masked %masked_sort3A_2083 {descending = true} : (vector<16xf32>, vector<16xi32>, vector<16xi1>) -> (vector<16xi1>, vector<16xf32>, vector<16xi32>)
        %max3A = arith.maximumf %cond3A_1254#0, %masked_sort3A_2085 : vector<16xf32>
        %sort3A_2087 = arith.constant dense<true> : vector<16xi1>
        %sort3A_2088, %sort3A_2089, %sort3A_2090 = tpu.sort %max3A, %max3A masked %sort3A_2087 : (vector<16xf32>, vector<16xf32>, vector<16xi1>) -> (vector<16xi1>, vector<16xf32>, vector<16xf32>)
        %reduce_min3A_2091 = arith.constant true
        %reduce_min3A_2092 = vector.broadcast %reduce_min3A_2091 : i1 to vector<16xi1>
        %reduce_min3A_2093 = tpu.scan <min>, %max3A masked %reduce_min3A_2092 : vector<16xf32>, vector<16xi1> -> vector<16xf32>
        %reduce_min3A_2094 = vector.extract %reduce_min3A_2093[15] : f32 from vector<16xf32>
        scf.yield %sort3A_2089, %reduce_min3A_2094 : vector<16xf32>, f32
      } else {
        scf.yield %cond3A_1254#0, %cond3A_1254#1 : vector<16xf32>, f32
      }
      %get3A_1268 = arith.constant 8 : i32
      %get3A_1269 = arith.index_cast %get3A_1268 : i32 to index
      %get3A_1270 = arith.constant 32 : index
      %get3A_1271 = tpu.vector_load %arg7[%get3A_1269, %get3A_1270] {strides = array<i32>} : memref<16x128xf32, #tpu.memory_space<vmem>>, vector<16xf32>,
      %reduce_max3A_1272 = arith.constant true
      %reduce_max3A_1273 = vector.broadcast %reduce_max3A_1272 : i1 to vector<16xi1>
      %reduce_max3A_1274 = tpu.scan <max>, %get3A_1271 masked %reduce_max3A_1273 : vector<16xf32>, vector<16xi1> -> vector<16xf32>
      %reduce_max3A_1275 = vector.extract %reduce_max3A_1274[15] : f32 from vector<16xf32>
      %gt3A_1276 = arith.cmpf ogt, %reduce_max3A_1275, %cond3A_1267#1 : f32
      %convert_element_type3A_1277 = arith.extui %gt3A_1276 : i1 to i32
      %cond3A_1278 = arith.constant 0 : i32
      %cond3A_1279 = arith.cmpi ne, %convert_element_type3A_1277, %cond3A_1278 : i32
      %cond3A_1280:2 = scf.if %cond3A_1279 -> (vector<16xf32>, f32) {
        %masked_sort3A_2083 = arith.constant dense<true> : vector<16xi1>
        %masked_sort3A_2084, %masked_sort3A_2085, %masked_sort3A_2086 = tpu.sort %get3A_1271, %iota3A masked %masked_sort3A_2083 {descending = true} : (vector<16xf32>, vector<16xi32>, vector<16xi1>) -> (vector<16xi1>, vector<16xf32>, vector<16xi32>)
        %max3A = arith.maximumf %cond3A_1267#0, %masked_sort3A_2085 : vector<16xf32>
        %sort3A_2087 = arith.constant dense<true> : vector<16xi1>
        %sort3A_2088, %sort3A_2089, %sort3A_2090 = tpu.sort %max3A, %max3A masked %sort3A_2087 : (vector<16xf32>, vector<16xf32>, vector<16xi1>) -> (vector<16xi1>, vector<16xf32>, vector<16xf32>)
        %reduce_min3A_2091 = arith.constant true
        %reduce_min3A_2092 = vector.broadcast %reduce_min3A_2091 : i1 to vector<16xi1>
        %reduce_min3A_2093 = tpu.scan <min>, %max3A masked %reduce_min3A_2092 : vector<16xf32>, vector<16xi1> -> vector<16xf32>
        %reduce_min3A_2094 = vector.extract %reduce_min3A_2093[15] : f32 from vector<16xf32>
        scf.yield %sort3A_2089, %reduce_min3A_2094 : vector<16xf32>, f32
      } else {
        scf.yield %cond3A_1267#0, %cond3A_1267#1 : vector<16xf32>, f32
      }
      %get3A_1281 = arith.constant 8 : i32
      %get3A_1282 = arith.index_cast %get3A_1281 : i32 to index
      %get3A_1283 = arith.constant 48 : index
      %get3A_1284 = tpu.vector_load %arg7[%get3A_1282, %get3A_1283] {strides = array<i32>} : memref<16x128xf32, #tpu.memory_space<vmem>>, vector<16xf32>,
      %reduce_max3A_1285 = arith.constant true
      %reduce_max3A_1286 = vector.broadcast %reduce_max3A_1285 : i1 to vector<16xi1>
      %reduce_max3A_1287 = tpu.scan <max>, %get3A_1284 masked %reduce_max3A_1286 : vector<16xf32>, vector<16xi1> -> vector<16xf32>
      %reduce_max3A_1288 = vector.extract %reduce_max3A_1287[15] : f32 from vector<16xf32>
      %gt3A_1289 = arith.cmpf ogt, %reduce_max3A_1288, %cond3A_1280#1 : f32
      %convert_element_type3A_1290 = arith.extui %gt3A_1289 : i1 to i32
      %cond3A_1291 = arith.constant 0 : i32
      %cond3A_1292 = arith.cmpi ne, %convert_element_type3A_1290, %cond3A_1291 : i32
      %cond3A_1293:2 = scf.if %cond3A_1292 -> (vector<16xf32>, f32) {
        %masked_sort3A_2083 = arith.constant dense<true> : vector<16xi1>
        %masked_sort3A_2084, %masked_sort3A_2085, %masked_sort3A_2086 = tpu.sort %get3A_1284, %iota3A masked %masked_sort3A_2083 {descending = true} : (vector<16xf32>, vector<16xi32>, vector<16xi1>) -> (vector<16xi1>, vector<16xf32>, vector<16xi32>)
        %max3A = arith.maximumf %cond3A_1280#0, %masked_sort3A_2085 : vector<16xf32>
        %sort3A_2087 = arith.constant dense<true> : vector<16xi1>
        %sort3A_2088, %sort3A_2089, %sort3A_2090 = tpu.sort %max3A, %max3A masked %sort3A_2087 : (vector<16xf32>, vector<16xf32>, vector<16xi1>) -> (vector<16xi1>, vector<16xf32>, vector<16xf32>)
        %reduce_min3A_2091 = arith.constant true
        %reduce_min3A_2092 = vector.broadcast %reduce_min3A_2091 : i1 to vector<16xi1>
        %reduce_min3A_2093 = tpu.scan <min>, %max3A masked %reduce_min3A_2092 : vector<16xf32>, vector<16xi1> -> vector<16xf32>
        %reduce_min3A_2094 = vector.extract %reduce_min3A_2093[15] : f32 from vector<16xf32>
        scf.yield %sort3A_2089, %reduce_min3A_2094 : vector<16xf32>, f32
      } else {
        scf.yield %cond3A_1280#0, %cond3A_1280#1 : vector<16xf32>, f32
      }
      %get3A_1294 = arith.constant 8 : i32
      %get3A_1295 = arith.index_cast %get3A_1294 : i32 to index
      %get3A_1296 = arith.constant 64 : index
      %get3A_1297 = tpu.vector_load %arg7[%get3A_1295, %get3A_1296] {strides = array<i32>} : memref<16x128xf32, #tpu.memory_space<vmem>>, vector<16xf32>,
      %reduce_max3A_1298 = arith.constant true
      %reduce_max3A_1299 = vector.broadcast %reduce_max3A_1298 : i1 to vector<16xi1>
      %reduce_max3A_1300 = tpu.scan <max>, %get3A_1297 masked %reduce_max3A_1299 : vector<16xf32>, vector<16xi1> -> vector<16xf32>
      %reduce_max3A_1301 = vector.extract %reduce_max3A_1300[15] : f32 from vector<16xf32>
      %gt3A_1302 = arith.cmpf ogt, %reduce_max3A_1301, %cond3A_1293#1 : f32
      %convert_element_type3A_1303 = arith.extui %gt3A_1302 : i1 to i32
      %cond3A_1304 = arith.constant 0 : i32
      %cond3A_1305 = arith.cmpi ne, %convert_element_type3A_1303, %cond3A_1304 : i32
      %cond3A_1306:2 = scf.if %cond3A_1305 -> (vector<16xf32>, f32) {
        %masked_sort3A_2083 = arith.constant dense<true> : vector<16xi1>
        %masked_sort3A_2084, %masked_sort3A_2085, %masked_sort3A_2086 = tpu.sort %get3A_1297, %iota3A masked %masked_sort3A_2083 {descending = true} : (vector<16xf32>, vector<16xi32>, vector<16xi1>) -> (vector<16xi1>, vector<16xf32>, vector<16xi32>)
        %max3A = arith.maximumf %cond3A_1293#0, %masked_sort3A_2085 : vector<16xf32>
        %sort3A_2087 = arith.constant dense<true> : vector<16xi1>
        %sort3A_2088, %sort3A_2089, %sort3A_2090 = tpu.sort %max3A, %max3A masked %sort3A_2087 : (vector<16xf32>, vector<16xf32>, vector<16xi1>) -> (vector<16xi1>, vector<16xf32>, vector<16xf32>)
        %reduce_min3A_2091 = arith.constant true
        %reduce_min3A_2092 = vector.broadcast %reduce_min3A_2091 : i1 to vector<16xi1>
        %reduce_min3A_2093 = tpu.scan <min>, %max3A masked %reduce_min3A_2092 : vector<16xf32>, vector<16xi1> -> vector<16xf32>
        %reduce_min3A_2094 = vector.extract %reduce_min3A_2093[15] : f32 from vector<16xf32>
        scf.yield %sort3A_2089, %reduce_min3A_2094 : vector<16xf32>, f32
      } else {
        scf.yield %cond3A_1293#0, %cond3A_1293#1 : vector<16xf32>, f32
      }
      %get3A_1307 = arith.constant 8 : i32
      %get3A_1308 = arith.index_cast %get3A_1307 : i32 to index
      %get3A_1309 = arith.constant 80 : index
      %get3A_1310 = tpu.vector_load %arg7[%get3A_1308, %get3A_1309] {strides = array<i32>} : memref<16x128xf32, #tpu.memory_space<vmem>>, vector<16xf32>,
      %reduce_max3A_1311 = arith.constant true
      %reduce_max3A_1312 = vector.broadcast %reduce_max3A_1311 : i1 to vector<16xi1>
      %reduce_max3A_1313 = tpu.scan <max>, %get3A_1310 masked %reduce_max3A_1312 : vector<16xf32>, vector<16xi1> -> vector<16xf32>
      %reduce_max3A_1314 = vector.extract %reduce_max3A_1313[15] : f32 from vector<16xf32>
      %gt3A_1315 = arith.cmpf ogt, %reduce_max3A_1314, %cond3A_1306#1 : f32
      %convert_element_type3A_1316 = arith.extui %gt3A_1315 : i1 to i32
      %cond3A_1317 = arith.constant 0 : i32
      %cond3A_1318 = arith.cmpi ne, %convert_element_type3A_1316, %cond3A_1317 : i32
      %cond3A_1319:2 = scf.if %cond3A_1318 -> (vector<16xf32>, f32) {
        %masked_sort3A_2083 = arith.constant dense<true> : vector<16xi1>
        %masked_sort3A_2084, %masked_sort3A_2085, %masked_sort3A_2086 = tpu.sort %get3A_1310, %iota3A masked %masked_sort3A_2083 {descending = true} : (vector<16xf32>, vector<16xi32>, vector<16xi1>) -> (vector<16xi1>, vector<16xf32>, vector<16xi32>)
        %max3A = arith.maximumf %cond3A_1306#0, %masked_sort3A_2085 : vector<16xf32>
        %sort3A_2087 = arith.constant dense<true> : vector<16xi1>
        %sort3A_2088, %sort3A_2089, %sort3A_2090 = tpu.sort %max3A, %max3A masked %sort3A_2087 : (vector<16xf32>, vector<16xf32>, vector<16xi1>) -> (vector<16xi1>, vector<16xf32>, vector<16xf32>)
        %reduce_min3A_2091 = arith.constant true
        %reduce_min3A_2092 = vector.broadcast %reduce_min3A_2091 : i1 to vector<16xi1>
        %reduce_min3A_2093 = tpu.scan <min>, %max3A masked %reduce_min3A_2092 : vector<16xf32>, vector<16xi1> -> vector<16xf32>
        %reduce_min3A_2094 = vector.extract %reduce_min3A_2093[15] : f32 from vector<16xf32>
        scf.yield %sort3A_2089, %reduce_min3A_2094 : vector<16xf32>, f32
      } else {
        scf.yield %cond3A_1306#0, %cond3A_1306#1 : vector<16xf32>, f32
      }
      %get3A_1320 = arith.constant 8 : i32
      %get3A_1321 = arith.index_cast %get3A_1320 : i32 to index
      %get3A_1322 = arith.constant 96 : index
      %get3A_1323 = tpu.vector_load %arg7[%get3A_1321, %get3A_1322] {strides = array<i32>} : memref<16x128xf32, #tpu.memory_space<vmem>>, vector<16xf32>,
      %reduce_max3A_1324 = arith.constant true
      %reduce_max3A_1325 = vector.broadcast %reduce_max3A_1324 : i1 to vector<16xi1>
      %reduce_max3A_1326 = tpu.scan <max>, %get3A_1323 masked %reduce_max3A_1325 : vector<16xf32>, vector<16xi1> -> vector<16xf32>
      %reduce_max3A_1327 = vector.extract %reduce_max3A_1326[15] : f32 from vector<16xf32>
      %gt3A_1328 = arith.cmpf ogt, %reduce_max3A_1327, %cond3A_1319#1 : f32
      %convert_element_type3A_1329 = arith.extui %gt3A_1328 : i1 to i32
      %cond3A_1330 = arith.constant 0 : i32
      %cond3A_1331 = arith.cmpi ne, %convert_element_type3A_1329, %cond3A_1330 : i32
      %cond3A_1332:2 = scf.if %cond3A_1331 -> (vector<16xf32>, f32) {
        %masked_sort3A_2083 = arith.constant dense<true> : vector<16xi1>
        %masked_sort3A_2084, %masked_sort3A_2085, %masked_sort3A_2086 = tpu.sort %get3A_1323, %iota3A masked %masked_sort3A_2083 {descending = true} : (vector<16xf32>, vector<16xi32>, vector<16xi1>) -> (vector<16xi1>, vector<16xf32>, vector<16xi32>)
        %max3A = arith.maximumf %cond3A_1319#0, %masked_sort3A_2085 : vector<16xf32>
        %sort3A_2087 = arith.constant dense<true> : vector<16xi1>
        %sort3A_2088, %sort3A_2089, %sort3A_2090 = tpu.sort %max3A, %max3A masked %sort3A_2087 : (vector<16xf32>, vector<16xf32>, vector<16xi1>) -> (vector<16xi1>, vector<16xf32>, vector<16xf32>)
        %reduce_min3A_2091 = arith.constant true
        %reduce_min3A_2092 = vector.broadcast %reduce_min3A_2091 : i1 to vector<16xi1>
        %reduce_min3A_2093 = tpu.scan <min>, %max3A masked %reduce_min3A_2092 : vector<16xf32>, vector<16xi1> -> vector<16xf32>
        %reduce_min3A_2094 = vector.extract %reduce_min3A_2093[15] : f32 from vector<16xf32>
        scf.yield %sort3A_2089, %reduce_min3A_2094 : vector<16xf32>, f32
      } else {
        scf.yield %cond3A_1319#0, %cond3A_1319#1 : vector<16xf32>, f32
      }
      %get3A_1333 = arith.constant 8 : i32
      %get3A_1334 = arith.index_cast %get3A_1333 : i32 to index
      %get3A_1335 = arith.constant 112 : index
      %get3A_1336 = tpu.vector_load %arg7[%get3A_1334, %get3A_1335] {strides = array<i32>} : memref<16x128xf32, #tpu.memory_space<vmem>>, vector<16xf32>,
      %reduce_max3A_1337 = arith.constant true
      %reduce_max3A_1338 = vector.broadcast %reduce_max3A_1337 : i1 to vector<16xi1>
      %reduce_max3A_1339 = tpu.scan <max>, %get3A_1336 masked %reduce_max3A_1338 : vector<16xf32>, vector<16xi1> -> vector<16xf32>
      %reduce_max3A_1340 = vector.extract %reduce_max3A_1339[15] : f32 from vector<16xf32>
      %gt3A_1341 = arith.cmpf ogt, %reduce_max3A_1340, %cond3A_1332#1 : f32
      %convert_element_type3A_1342 = arith.extui %gt3A_1341 : i1 to i32
      %cond3A_1343 = arith.constant 0 : i32
      %cond3A_1344 = arith.cmpi ne, %convert_element_type3A_1342, %cond3A_1343 : i32
      %cond3A_1345:2 = scf.if %cond3A_1344 -> (vector<16xf32>, f32) {
        %masked_sort3A_2083 = arith.constant dense<true> : vector<16xi1>
        %masked_sort3A_2084, %masked_sort3A_2085, %masked_sort3A_2086 = tpu.sort %get3A_1336, %iota3A masked %masked_sort3A_2083 {descending = true} : (vector<16xf32>, vector<16xi32>, vector<16xi1>) -> (vector<16xi1>, vector<16xf32>, vector<16xi32>)
        %max3A = arith.maximumf %cond3A_1332#0, %masked_sort3A_2085 : vector<16xf32>
        %sort3A_2087 = arith.constant dense<true> : vector<16xi1>
        %sort3A_2088, %sort3A_2089, %sort3A_2090 = tpu.sort %max3A, %max3A masked %sort3A_2087 : (vector<16xf32>, vector<16xf32>, vector<16xi1>) -> (vector<16xi1>, vector<16xf32>, vector<16xf32>)
        %reduce_min3A_2091 = arith.constant true
        %reduce_min3A_2092 = vector.broadcast %reduce_min3A_2091 : i1 to vector<16xi1>
        %reduce_min3A_2093 = tpu.scan <min>, %max3A masked %reduce_min3A_2092 : vector<16xf32>, vector<16xi1> -> vector<16xf32>
        %reduce_min3A_2094 = vector.extract %reduce_min3A_2093[15] : f32 from vector<16xf32>
        scf.yield %sort3A_2089, %reduce_min3A_2094 : vector<16xf32>, f32
      } else {
        scf.yield %cond3A_1332#0, %cond3A_1332#1 : vector<16xf32>, f32
      }
      %get3A_1346 = arith.constant 9 : i32
      %get3A_1347 = arith.index_cast %get3A_1346 : i32 to index
      %get3A_1348 = arith.constant 0 : index
      %get3A_1349 = tpu.vector_load %arg7[%get3A_1347, %get3A_1348] {strides = array<i32>} : memref<16x128xf32, #tpu.memory_space<vmem>>, vector<16xf32>,
      %reduce_max3A_1350 = arith.constant true
      %reduce_max3A_1351 = vector.broadcast %reduce_max3A_1350 : i1 to vector<16xi1>
      %reduce_max3A_1352 = tpu.scan <max>, %get3A_1349 masked %reduce_max3A_1351 : vector<16xf32>, vector<16xi1> -> vector<16xf32>
      %reduce_max3A_1353 = vector.extract %reduce_max3A_1352[15] : f32 from vector<16xf32>
      %gt3A_1354 = arith.cmpf ogt, %reduce_max3A_1353, %cond3A_1345#1 : f32
      %convert_element_type3A_1355 = arith.extui %gt3A_1354 : i1 to i32
      %cond3A_1356 = arith.constant 0 : i32
      %cond3A_1357 = arith.cmpi ne, %convert_element_type3A_1355, %cond3A_1356 : i32
      %cond3A_1358:2 = scf.if %cond3A_1357 -> (vector<16xf32>, f32) {
        %masked_sort3A_2083 = arith.constant dense<true> : vector<16xi1>
        %masked_sort3A_2084, %masked_sort3A_2085, %masked_sort3A_2086 = tpu.sort %get3A_1349, %iota3A masked %masked_sort3A_2083 {descending = true} : (vector<16xf32>, vector<16xi32>, vector<16xi1>) -> (vector<16xi1>, vector<16xf32>, vector<16xi32>)
        %max3A = arith.maximumf %cond3A_1345#0, %masked_sort3A_2085 : vector<16xf32>
        %sort3A_2087 = arith.constant dense<true> : vector<16xi1>
        %sort3A_2088, %sort3A_2089, %sort3A_2090 = tpu.sort %max3A, %max3A masked %sort3A_2087 : (vector<16xf32>, vector<16xf32>, vector<16xi1>) -> (vector<16xi1>, vector<16xf32>, vector<16xf32>)
        %reduce_min3A_2091 = arith.constant true
        %reduce_min3A_2092 = vector.broadcast %reduce_min3A_2091 : i1 to vector<16xi1>
        %reduce_min3A_2093 = tpu.scan <min>, %max3A masked %reduce_min3A_2092 : vector<16xf32>, vector<16xi1> -> vector<16xf32>
        %reduce_min3A_2094 = vector.extract %reduce_min3A_2093[15] : f32 from vector<16xf32>
        scf.yield %sort3A_2089, %reduce_min3A_2094 : vector<16xf32>, f32
      } else {
        scf.yield %cond3A_1345#0, %cond3A_1345#1 : vector<16xf32>, f32
      }
      %get3A_1359 = arith.constant 9 : i32
      %get3A_1360 = arith.index_cast %get3A_1359 : i32 to index
      %get3A_1361 = arith.constant 16 : index
      %get3A_1362 = tpu.vector_load %arg7[%get3A_1360, %get3A_1361] {strides = array<i32>} : memref<16x128xf32, #tpu.memory_space<vmem>>, vector<16xf32>,
      %reduce_max3A_1363 = arith.constant true
      %reduce_max3A_1364 = vector.broadcast %reduce_max3A_1363 : i1 to vector<16xi1>
      %reduce_max3A_1365 = tpu.scan <max>, %get3A_1362 masked %reduce_max3A_1364 : vector<16xf32>, vector<16xi1> -> vector<16xf32>
      %reduce_max3A_1366 = vector.extract %reduce_max3A_1365[15] : f32 from vector<16xf32>
      %gt3A_1367 = arith.cmpf ogt, %reduce_max3A_1366, %cond3A_1358#1 : f32
      %convert_element_type3A_1368 = arith.extui %gt3A_1367 : i1 to i32
      %cond3A_1369 = arith.constant 0 : i32
      %cond3A_1370 = arith.cmpi ne, %convert_element_type3A_1368, %cond3A_1369 : i32
      %cond3A_1371:2 = scf.if %cond3A_1370 -> (vector<16xf32>, f32) {
        %masked_sort3A_2083 = arith.constant dense<true> : vector<16xi1>
        %masked_sort3A_2084, %masked_sort3A_2085, %masked_sort3A_2086 = tpu.sort %get3A_1362, %iota3A masked %masked_sort3A_2083 {descending = true} : (vector<16xf32>, vector<16xi32>, vector<16xi1>) -> (vector<16xi1>, vector<16xf32>, vector<16xi32>)
        %max3A = arith.maximumf %cond3A_1358#0, %masked_sort3A_2085 : vector<16xf32>
        %sort3A_2087 = arith.constant dense<true> : vector<16xi1>
        %sort3A_2088, %sort3A_2089, %sort3A_2090 = tpu.sort %max3A, %max3A masked %sort3A_2087 : (vector<16xf32>, vector<16xf32>, vector<16xi1>) -> (vector<16xi1>, vector<16xf32>, vector<16xf32>)
        %reduce_min3A_2091 = arith.constant true
        %reduce_min3A_2092 = vector.broadcast %reduce_min3A_2091 : i1 to vector<16xi1>
        %reduce_min3A_2093 = tpu.scan <min>, %max3A masked %reduce_min3A_2092 : vector<16xf32>, vector<16xi1> -> vector<16xf32>
        %reduce_min3A_2094 = vector.extract %reduce_min3A_2093[15] : f32 from vector<16xf32>
        scf.yield %sort3A_2089, %reduce_min3A_2094 : vector<16xf32>, f32
      } else {
        scf.yield %cond3A_1358#0, %cond3A_1358#1 : vector<16xf32>, f32
      }
      %get3A_1372 = arith.constant 9 : i32
      %get3A_1373 = arith.index_cast %get3A_1372 : i32 to index
      %get3A_1374 = arith.constant 32 : index
      %get3A_1375 = tpu.vector_load %arg7[%get3A_1373, %get3A_1374] {strides = array<i32>} : memref<16x128xf32, #tpu.memory_space<vmem>>, vector<16xf32>,
      %reduce_max3A_1376 = arith.constant true
      %reduce_max3A_1377 = vector.broadcast %reduce_max3A_1376 : i1 to vector<16xi1>
      %reduce_max3A_1378 = tpu.scan <max>, %get3A_1375 masked %reduce_max3A_1377 : vector<16xf32>, vector<16xi1> -> vector<16xf32>
      %reduce_max3A_1379 = vector.extract %reduce_max3A_1378[15] : f32 from vector<16xf32>
      %gt3A_1380 = arith.cmpf ogt, %reduce_max3A_1379, %cond3A_1371#1 : f32
      %convert_element_type3A_1381 = arith.extui %gt3A_1380 : i1 to i32
      %cond3A_1382 = arith.constant 0 : i32
      %cond3A_1383 = arith.cmpi ne, %convert_element_type3A_1381, %cond3A_1382 : i32
      %cond3A_1384:2 = scf.if %cond3A_1383 -> (vector<16xf32>, f32) {
        %masked_sort3A_2083 = arith.constant dense<true> : vector<16xi1>
        %masked_sort3A_2084, %masked_sort3A_2085, %masked_sort3A_2086 = tpu.sort %get3A_1375, %iota3A masked %masked_sort3A_2083 {descending = true} : (vector<16xf32>, vector<16xi32>, vector<16xi1>) -> (vector<16xi1>, vector<16xf32>, vector<16xi32>)
        %max3A = arith.maximumf %cond3A_1371#0, %masked_sort3A_2085 : vector<16xf32>
        %sort3A_2087 = arith.constant dense<true> : vector<16xi1>
        %sort3A_2088, %sort3A_2089, %sort3A_2090 = tpu.sort %max3A, %max3A masked %sort3A_2087 : (vector<16xf32>, vector<16xf32>, vector<16xi1>) -> (vector<16xi1>, vector<16xf32>, vector<16xf32>)
        %reduce_min3A_2091 = arith.constant true
        %reduce_min3A_2092 = vector.broadcast %reduce_min3A_2091 : i1 to vector<16xi1>
        %reduce_min3A_2093 = tpu.scan <min>, %max3A masked %reduce_min3A_2092 : vector<16xf32>, vector<16xi1> -> vector<16xf32>
        %reduce_min3A_2094 = vector.extract %reduce_min3A_2093[15] : f32 from vector<16xf32>
        scf.yield %sort3A_2089, %reduce_min3A_2094 : vector<16xf32>, f32
      } else {
        scf.yield %cond3A_1371#0, %cond3A_1371#1 : vector<16xf32>, f32
      }
      %get3A_1385 = arith.constant 9 : i32
      %get3A_1386 = arith.index_cast %get3A_1385 : i32 to index
      %get3A_1387 = arith.constant 48 : index
      %get3A_1388 = tpu.vector_load %arg7[%get3A_1386, %get3A_1387] {strides = array<i32>} : memref<16x128xf32, #tpu.memory_space<vmem>>, vector<16xf32>,
      %reduce_max3A_1389 = arith.constant true
      %reduce_max3A_1390 = vector.broadcast %reduce_max3A_1389 : i1 to vector<16xi1>
      %reduce_max3A_1391 = tpu.scan <max>, %get3A_1388 masked %reduce_max3A_1390 : vector<16xf32>, vector<16xi1> -> vector<16xf32>
      %reduce_max3A_1392 = vector.extract %reduce_max3A_1391[15] : f32 from vector<16xf32>
      %gt3A_1393 = arith.cmpf ogt, %reduce_max3A_1392, %cond3A_1384#1 : f32
      %convert_element_type3A_1394 = arith.extui %gt3A_1393 : i1 to i32
      %cond3A_1395 = arith.constant 0 : i32
      %cond3A_1396 = arith.cmpi ne, %convert_element_type3A_1394, %cond3A_1395 : i32
      %cond3A_1397:2 = scf.if %cond3A_1396 -> (vector<16xf32>, f32) {
        %masked_sort3A_2083 = arith.constant dense<true> : vector<16xi1>
        %masked_sort3A_2084, %masked_sort3A_2085, %masked_sort3A_2086 = tpu.sort %get3A_1388, %iota3A masked %masked_sort3A_2083 {descending = true} : (vector<16xf32>, vector<16xi32>, vector<16xi1>) -> (vector<16xi1>, vector<16xf32>, vector<16xi32>)
        %max3A = arith.maximumf %cond3A_1384#0, %masked_sort3A_2085 : vector<16xf32>
        %sort3A_2087 = arith.constant dense<true> : vector<16xi1>
        %sort3A_2088, %sort3A_2089, %sort3A_2090 = tpu.sort %max3A, %max3A masked %sort3A_2087 : (vector<16xf32>, vector<16xf32>, vector<16xi1>) -> (vector<16xi1>, vector<16xf32>, vector<16xf32>)
        %reduce_min3A_2091 = arith.constant true
        %reduce_min3A_2092 = vector.broadcast %reduce_min3A_2091 : i1 to vector<16xi1>
        %reduce_min3A_2093 = tpu.scan <min>, %max3A masked %reduce_min3A_2092 : vector<16xf32>, vector<16xi1> -> vector<16xf32>
        %reduce_min3A_2094 = vector.extract %reduce_min3A_2093[15] : f32 from vector<16xf32>
        scf.yield %sort3A_2089, %reduce_min3A_2094 : vector<16xf32>, f32
      } else {
        scf.yield %cond3A_1384#0, %cond3A_1384#1 : vector<16xf32>, f32
      }
      %get3A_1398 = arith.constant 9 : i32
      %get3A_1399 = arith.index_cast %get3A_1398 : i32 to index
      %get3A_1400 = arith.constant 64 : index
      %get3A_1401 = tpu.vector_load %arg7[%get3A_1399, %get3A_1400] {strides = array<i32>} : memref<16x128xf32, #tpu.memory_space<vmem>>, vector<16xf32>,
      %reduce_max3A_1402 = arith.constant true
      %reduce_max3A_1403 = vector.broadcast %reduce_max3A_1402 : i1 to vector<16xi1>
      %reduce_max3A_1404 = tpu.scan <max>, %get3A_1401 masked %reduce_max3A_1403 : vector<16xf32>, vector<16xi1> -> vector<16xf32>
      %reduce_max3A_1405 = vector.extract %reduce_max3A_1404[15] : f32 from vector<16xf32>
      %gt3A_1406 = arith.cmpf ogt, %reduce_max3A_1405, %cond3A_1397#1 : f32
      %convert_element_type3A_1407 = arith.extui %gt3A_1406 : i1 to i32
      %cond3A_1408 = arith.constant 0 : i32
      %cond3A_1409 = arith.cmpi ne, %convert_element_type3A_1407, %cond3A_1408 : i32
      %cond3A_1410:2 = scf.if %cond3A_1409 -> (vector<16xf32>, f32) {
        %masked_sort3A_2083 = arith.constant dense<true> : vector<16xi1>
        %masked_sort3A_2084, %masked_sort3A_2085, %masked_sort3A_2086 = tpu.sort %get3A_1401, %iota3A masked %masked_sort3A_2083 {descending = true} : (vector<16xf32>, vector<16xi32>, vector<16xi1>) -> (vector<16xi1>, vector<16xf32>, vector<16xi32>)
        %max3A = arith.maximumf %cond3A_1397#0, %masked_sort3A_2085 : vector<16xf32>
        %sort3A_2087 = arith.constant dense<true> : vector<16xi1>
        %sort3A_2088, %sort3A_2089, %sort3A_2090 = tpu.sort %max3A, %max3A masked %sort3A_2087 : (vector<16xf32>, vector<16xf32>, vector<16xi1>) -> (vector<16xi1>, vector<16xf32>, vector<16xf32>)
        %reduce_min3A_2091 = arith.constant true
        %reduce_min3A_2092 = vector.broadcast %reduce_min3A_2091 : i1 to vector<16xi1>
        %reduce_min3A_2093 = tpu.scan <min>, %max3A masked %reduce_min3A_2092 : vector<16xf32>, vector<16xi1> -> vector<16xf32>
        %reduce_min3A_2094 = vector.extract %reduce_min3A_2093[15] : f32 from vector<16xf32>
        scf.yield %sort3A_2089, %reduce_min3A_2094 : vector<16xf32>, f32
      } else {
        scf.yield %cond3A_1397#0, %cond3A_1397#1 : vector<16xf32>, f32
      }
      %get3A_1411 = arith.constant 9 : i32
      %get3A_1412 = arith.index_cast %get3A_1411 : i32 to index
      %get3A_1413 = arith.constant 80 : index
      %get3A_1414 = tpu.vector_load %arg7[%get3A_1412, %get3A_1413] {strides = array<i32>} : memref<16x128xf32, #tpu.memory_space<vmem>>, vector<16xf32>,
      %reduce_max3A_1415 = arith.constant true
      %reduce_max3A_1416 = vector.broadcast %reduce_max3A_1415 : i1 to vector<16xi1>
      %reduce_max3A_1417 = tpu.scan <max>, %get3A_1414 masked %reduce_max3A_1416 : vector<16xf32>, vector<16xi1> -> vector<16xf32>
      %reduce_max3A_1418 = vector.extract %reduce_max3A_1417[15] : f32 from vector<16xf32>
      %gt3A_1419 = arith.cmpf ogt, %reduce_max3A_1418, %cond3A_1410#1 : f32
      %convert_element_type3A_1420 = arith.extui %gt3A_1419 : i1 to i32
      %cond3A_1421 = arith.constant 0 : i32
      %cond3A_1422 = arith.cmpi ne, %convert_element_type3A_1420, %cond3A_1421 : i32
      %cond3A_1423:2 = scf.if %cond3A_1422 -> (vector<16xf32>, f32) {
        %masked_sort3A_2083 = arith.constant dense<true> : vector<16xi1>
        %masked_sort3A_2084, %masked_sort3A_2085, %masked_sort3A_2086 = tpu.sort %get3A_1414, %iota3A masked %masked_sort3A_2083 {descending = true} : (vector<16xf32>, vector<16xi32>, vector<16xi1>) -> (vector<16xi1>, vector<16xf32>, vector<16xi32>)
        %max3A = arith.maximumf %cond3A_1410#0, %masked_sort3A_2085 : vector<16xf32>
        %sort3A_2087 = arith.constant dense<true> : vector<16xi1>
        %sort3A_2088, %sort3A_2089, %sort3A_2090 = tpu.sort %max3A, %max3A masked %sort3A_2087 : (vector<16xf32>, vector<16xf32>, vector<16xi1>) -> (vector<16xi1>, vector<16xf32>, vector<16xf32>)
        %reduce_min3A_2091 = arith.constant true
        %reduce_min3A_2092 = vector.broadcast %reduce_min3A_2091 : i1 to vector<16xi1>
        %reduce_min3A_2093 = tpu.scan <min>, %max3A masked %reduce_min3A_2092 : vector<16xf32>, vector<16xi1> -> vector<16xf32>
        %reduce_min3A_2094 = vector.extract %reduce_min3A_2093[15] : f32 from vector<16xf32>
        scf.yield %sort3A_2089, %reduce_min3A_2094 : vector<16xf32>, f32
      } else {
        scf.yield %cond3A_1410#0, %cond3A_1410#1 : vector<16xf32>, f32
      }
      %get3A_1424 = arith.constant 9 : i32
      %get3A_1425 = arith.index_cast %get3A_1424 : i32 to index
      %get3A_1426 = arith.constant 96 : index
      %get3A_1427 = tpu.vector_load %arg7[%get3A_1425, %get3A_1426] {strides = array<i32>} : memref<16x128xf32, #tpu.memory_space<vmem>>, vector<16xf32>,
      %reduce_max3A_1428 = arith.constant true
      %reduce_max3A_1429 = vector.broadcast %reduce_max3A_1428 : i1 to vector<16xi1>
      %reduce_max3A_1430 = tpu.scan <max>, %get3A_1427 masked %reduce_max3A_1429 : vector<16xf32>, vector<16xi1> -> vector<16xf32>
      %reduce_max3A_1431 = vector.extract %reduce_max3A_1430[15] : f32 from vector<16xf32>
      %gt3A_1432 = arith.cmpf ogt, %reduce_max3A_1431, %cond3A_1423#1 : f32
      %convert_element_type3A_1433 = arith.extui %gt3A_1432 : i1 to i32
      %cond3A_1434 = arith.constant 0 : i32
      %cond3A_1435 = arith.cmpi ne, %convert_element_type3A_1433, %cond3A_1434 : i32
      %cond3A_1436:2 = scf.if %cond3A_1435 -> (vector<16xf32>, f32) {
        %masked_sort3A_2083 = arith.constant dense<true> : vector<16xi1>
        %masked_sort3A_2084, %masked_sort3A_2085, %masked_sort3A_2086 = tpu.sort %get3A_1427, %iota3A masked %masked_sort3A_2083 {descending = true} : (vector<16xf32>, vector<16xi32>, vector<16xi1>) -> (vector<16xi1>, vector<16xf32>, vector<16xi32>)
        %max3A = arith.maximumf %cond3A_1423#0, %masked_sort3A_2085 : vector<16xf32>
        %sort3A_2087 = arith.constant dense<true> : vector<16xi1>
        %sort3A_2088, %sort3A_2089, %sort3A_2090 = tpu.sort %max3A, %max3A masked %sort3A_2087 : (vector<16xf32>, vector<16xf32>, vector<16xi1>) -> (vector<16xi1>, vector<16xf32>, vector<16xf32>)
        %reduce_min3A_2091 = arith.constant true
        %reduce_min3A_2092 = vector.broadcast %reduce_min3A_2091 : i1 to vector<16xi1>
        %reduce_min3A_2093 = tpu.scan <min>, %max3A masked %reduce_min3A_2092 : vector<16xf32>, vector<16xi1> -> vector<16xf32>
        %reduce_min3A_2094 = vector.extract %reduce_min3A_2093[15] : f32 from vector<16xf32>
        scf.yield %sort3A_2089, %reduce_min3A_2094 : vector<16xf32>, f32
      } else {
        scf.yield %cond3A_1423#0, %cond3A_1423#1 : vector<16xf32>, f32
      }
      %get3A_1437 = arith.constant 9 : i32
      %get3A_1438 = arith.index_cast %get3A_1437 : i32 to index
      %get3A_1439 = arith.constant 112 : index
      %get3A_1440 = tpu.vector_load %arg7[%get3A_1438, %get3A_1439] {strides = array<i32>} : memref<16x128xf32, #tpu.memory_space<vmem>>, vector<16xf32>,
      %reduce_max3A_1441 = arith.constant true
      %reduce_max3A_1442 = vector.broadcast %reduce_max3A_1441 : i1 to vector<16xi1>
      %reduce_max3A_1443 = tpu.scan <max>, %get3A_1440 masked %reduce_max3A_1442 : vector<16xf32>, vector<16xi1> -> vector<16xf32>
      %reduce_max3A_1444 = vector.extract %reduce_max3A_1443[15] : f32 from vector<16xf32>
      %gt3A_1445 = arith.cmpf ogt, %reduce_max3A_1444, %cond3A_1436#1 : f32
      %convert_element_type3A_1446 = arith.extui %gt3A_1445 : i1 to i32
      %cond3A_1447 = arith.constant 0 : i32
      %cond3A_1448 = arith.cmpi ne, %convert_element_type3A_1446, %cond3A_1447 : i32
      %cond3A_1449:2 = scf.if %cond3A_1448 -> (vector<16xf32>, f32) {
        %masked_sort3A_2083 = arith.constant dense<true> : vector<16xi1>
        %masked_sort3A_2084, %masked_sort3A_2085, %masked_sort3A_2086 = tpu.sort %get3A_1440, %iota3A masked %masked_sort3A_2083 {descending = true} : (vector<16xf32>, vector<16xi32>, vector<16xi1>) -> (vector<16xi1>, vector<16xf32>, vector<16xi32>)
        %max3A = arith.maximumf %cond3A_1436#0, %masked_sort3A_2085 : vector<16xf32>
        %sort3A_2087 = arith.constant dense<true> : vector<16xi1>
        %sort3A_2088, %sort3A_2089, %sort3A_2090 = tpu.sort %max3A, %max3A masked %sort3A_2087 : (vector<16xf32>, vector<16xf32>, vector<16xi1>) -> (vector<16xi1>, vector<16xf32>, vector<16xf32>)
        %reduce_min3A_2091 = arith.constant true
        %reduce_min3A_2092 = vector.broadcast %reduce_min3A_2091 : i1 to vector<16xi1>
        %reduce_min3A_2093 = tpu.scan <min>, %max3A masked %reduce_min3A_2092 : vector<16xf32>, vector<16xi1> -> vector<16xf32>
        %reduce_min3A_2094 = vector.extract %reduce_min3A_2093[15] : f32 from vector<16xf32>
        scf.yield %sort3A_2089, %reduce_min3A_2094 : vector<16xf32>, f32
      } else {
        scf.yield %cond3A_1436#0, %cond3A_1436#1 : vector<16xf32>, f32
      }
      %get3A_1450 = arith.constant 10 : i32
      %get3A_1451 = arith.index_cast %get3A_1450 : i32 to index
      %get3A_1452 = arith.constant 0 : index
      %get3A_1453 = tpu.vector_load %arg7[%get3A_1451, %get3A_1452] {strides = array<i32>} : memref<16x128xf32, #tpu.memory_space<vmem>>, vector<16xf32>,
      %reduce_max3A_1454 = arith.constant true
      %reduce_max3A_1455 = vector.broadcast %reduce_max3A_1454 : i1 to vector<16xi1>
      %reduce_max3A_1456 = tpu.scan <max>, %get3A_1453 masked %reduce_max3A_1455 : vector<16xf32>, vector<16xi1> -> vector<16xf32>
      %reduce_max3A_1457 = vector.extract %reduce_max3A_1456[15] : f32 from vector<16xf32>
      %gt3A_1458 = arith.cmpf ogt, %reduce_max3A_1457, %cond3A_1449#1 : f32
      %convert_element_type3A_1459 = arith.extui %gt3A_1458 : i1 to i32
      %cond3A_1460 = arith.constant 0 : i32
      %cond3A_1461 = arith.cmpi ne, %convert_element_type3A_1459, %cond3A_1460 : i32
      %cond3A_1462:2 = scf.if %cond3A_1461 -> (vector<16xf32>, f32) {
        %masked_sort3A_2083 = arith.constant dense<true> : vector<16xi1>
        %masked_sort3A_2084, %masked_sort3A_2085, %masked_sort3A_2086 = tpu.sort %get3A_1453, %iota3A masked %masked_sort3A_2083 {descending = true} : (vector<16xf32>, vector<16xi32>, vector<16xi1>) -> (vector<16xi1>, vector<16xf32>, vector<16xi32>)
        %max3A = arith.maximumf %cond3A_1449#0, %masked_sort3A_2085 : vector<16xf32>
        %sort3A_2087 = arith.constant dense<true> : vector<16xi1>
        %sort3A_2088, %sort3A_2089, %sort3A_2090 = tpu.sort %max3A, %max3A masked %sort3A_2087 : (vector<16xf32>, vector<16xf32>, vector<16xi1>) -> (vector<16xi1>, vector<16xf32>, vector<16xf32>)
        %reduce_min3A_2091 = arith.constant true
        %reduce_min3A_2092 = vector.broadcast %reduce_min3A_2091 : i1 to vector<16xi1>
        %reduce_min3A_2093 = tpu.scan <min>, %max3A masked %reduce_min3A_2092 : vector<16xf32>, vector<16xi1> -> vector<16xf32>
        %reduce_min3A_2094 = vector.extract %reduce_min3A_2093[15] : f32 from vector<16xf32>
        scf.yield %sort3A_2089, %reduce_min3A_2094 : vector<16xf32>, f32
      } else {
        scf.yield %cond3A_1449#0, %cond3A_1449#1 : vector<16xf32>, f32
      }
      %get3A_1463 = arith.constant 10 : i32
      %get3A_1464 = arith.index_cast %get3A_1463 : i32 to index
      %get3A_1465 = arith.constant 16 : index
      %get3A_1466 = tpu.vector_load %arg7[%get3A_1464, %get3A_1465] {strides = array<i32>} : memref<16x128xf32, #tpu.memory_space<vmem>>, vector<16xf32>,
      %reduce_max3A_1467 = arith.constant true
      %reduce_max3A_1468 = vector.broadcast %reduce_max3A_1467 : i1 to vector<16xi1>
      %reduce_max3A_1469 = tpu.scan <max>, %get3A_1466 masked %reduce_max3A_1468 : vector<16xf32>, vector<16xi1> -> vector<16xf32>
      %reduce_max3A_1470 = vector.extract %reduce_max3A_1469[15] : f32 from vector<16xf32>
      %gt3A_1471 = arith.cmpf ogt, %reduce_max3A_1470, %cond3A_1462#1 : f32
      %convert_element_type3A_1472 = arith.extui %gt3A_1471 : i1 to i32
      %cond3A_1473 = arith.constant 0 : i32
      %cond3A_1474 = arith.cmpi ne, %convert_element_type3A_1472, %cond3A_1473 : i32
      %cond3A_1475:2 = scf.if %cond3A_1474 -> (vector<16xf32>, f32) {
        %masked_sort3A_2083 = arith.constant dense<true> : vector<16xi1>
        %masked_sort3A_2084, %masked_sort3A_2085, %masked_sort3A_2086 = tpu.sort %get3A_1466, %iota3A masked %masked_sort3A_2083 {descending = true} : (vector<16xf32>, vector<16xi32>, vector<16xi1>) -> (vector<16xi1>, vector<16xf32>, vector<16xi32>)
        %max3A = arith.maximumf %cond3A_1462#0, %masked_sort3A_2085 : vector<16xf32>
        %sort3A_2087 = arith.constant dense<true> : vector<16xi1>
        %sort3A_2088, %sort3A_2089, %sort3A_2090 = tpu.sort %max3A, %max3A masked %sort3A_2087 : (vector<16xf32>, vector<16xf32>, vector<16xi1>) -> (vector<16xi1>, vector<16xf32>, vector<16xf32>)
        %reduce_min3A_2091 = arith.constant true
        %reduce_min3A_2092 = vector.broadcast %reduce_min3A_2091 : i1 to vector<16xi1>
        %reduce_min3A_2093 = tpu.scan <min>, %max3A masked %reduce_min3A_2092 : vector<16xf32>, vector<16xi1> -> vector<16xf32>
        %reduce_min3A_2094 = vector.extract %reduce_min3A_2093[15] : f32 from vector<16xf32>
        scf.yield %sort3A_2089, %reduce_min3A_2094 : vector<16xf32>, f32
      } else {
        scf.yield %cond3A_1462#0, %cond3A_1462#1 : vector<16xf32>, f32
      }
      %get3A_1476 = arith.constant 10 : i32
      %get3A_1477 = arith.index_cast %get3A_1476 : i32 to index
      %get3A_1478 = arith.constant 32 : index
      %get3A_1479 = tpu.vector_load %arg7[%get3A_1477, %get3A_1478] {strides = array<i32>} : memref<16x128xf32, #tpu.memory_space<vmem>>, vector<16xf32>,
      %reduce_max3A_1480 = arith.constant true
      %reduce_max3A_1481 = vector.broadcast %reduce_max3A_1480 : i1 to vector<16xi1>
      %reduce_max3A_1482 = tpu.scan <max>, %get3A_1479 masked %reduce_max3A_1481 : vector<16xf32>, vector<16xi1> -> vector<16xf32>
      %reduce_max3A_1483 = vector.extract %reduce_max3A_1482[15] : f32 from vector<16xf32>
      %gt3A_1484 = arith.cmpf ogt, %reduce_max3A_1483, %cond3A_1475#1 : f32
      %convert_element_type3A_1485 = arith.extui %gt3A_1484 : i1 to i32
      %cond3A_1486 = arith.constant 0 : i32
      %cond3A_1487 = arith.cmpi ne, %convert_element_type3A_1485, %cond3A_1486 : i32
      %cond3A_1488:2 = scf.if %cond3A_1487 -> (vector<16xf32>, f32) {
        %masked_sort3A_2083 = arith.constant dense<true> : vector<16xi1>
        %masked_sort3A_2084, %masked_sort3A_2085, %masked_sort3A_2086 = tpu.sort %get3A_1479, %iota3A masked %masked_sort3A_2083 {descending = true} : (vector<16xf32>, vector<16xi32>, vector<16xi1>) -> (vector<16xi1>, vector<16xf32>, vector<16xi32>)
        %max3A = arith.maximumf %cond3A_1475#0, %masked_sort3A_2085 : vector<16xf32>
        %sort3A_2087 = arith.constant dense<true> : vector<16xi1>
        %sort3A_2088, %sort3A_2089, %sort3A_2090 = tpu.sort %max3A, %max3A masked %sort3A_2087 : (vector<16xf32>, vector<16xf32>, vector<16xi1>) -> (vector<16xi1>, vector<16xf32>, vector<16xf32>)
        %reduce_min3A_2091 = arith.constant true
        %reduce_min3A_2092 = vector.broadcast %reduce_min3A_2091 : i1 to vector<16xi1>
        %reduce_min3A_2093 = tpu.scan <min>, %max3A masked %reduce_min3A_2092 : vector<16xf32>, vector<16xi1> -> vector<16xf32>
        %reduce_min3A_2094 = vector.extract %reduce_min3A_2093[15] : f32 from vector<16xf32>
        scf.yield %sort3A_2089, %reduce_min3A_2094 : vector<16xf32>, f32
      } else {
        scf.yield %cond3A_1475#0, %cond3A_1475#1 : vector<16xf32>, f32
      }
      %get3A_1489 = arith.constant 10 : i32
      %get3A_1490 = arith.index_cast %get3A_1489 : i32 to index
      %get3A_1491 = arith.constant 48 : index
      %get3A_1492 = tpu.vector_load %arg7[%get3A_1490, %get3A_1491] {strides = array<i32>} : memref<16x128xf32, #tpu.memory_space<vmem>>, vector<16xf32>,
      %reduce_max3A_1493 = arith.constant true
      %reduce_max3A_1494 = vector.broadcast %reduce_max3A_1493 : i1 to vector<16xi1>
      %reduce_max3A_1495 = tpu.scan <max>, %get3A_1492 masked %reduce_max3A_1494 : vector<16xf32>, vector<16xi1> -> vector<16xf32>
      %reduce_max3A_1496 = vector.extract %reduce_max3A_1495[15] : f32 from vector<16xf32>
      %gt3A_1497 = arith.cmpf ogt, %reduce_max3A_1496, %cond3A_1488#1 : f32
      %convert_element_type3A_1498 = arith.extui %gt3A_1497 : i1 to i32
      %cond3A_1499 = arith.constant 0 : i32
      %cond3A_1500 = arith.cmpi ne, %convert_element_type3A_1498, %cond3A_1499 : i32
      %cond3A_1501:2 = scf.if %cond3A_1500 -> (vector<16xf32>, f32) {
        %masked_sort3A_2083 = arith.constant dense<true> : vector<16xi1>
        %masked_sort3A_2084, %masked_sort3A_2085, %masked_sort3A_2086 = tpu.sort %get3A_1492, %iota3A masked %masked_sort3A_2083 {descending = true} : (vector<16xf32>, vector<16xi32>, vector<16xi1>) -> (vector<16xi1>, vector<16xf32>, vector<16xi32>)
        %max3A = arith.maximumf %cond3A_1488#0, %masked_sort3A_2085 : vector<16xf32>
        %sort3A_2087 = arith.constant dense<true> : vector<16xi1>
        %sort3A_2088, %sort3A_2089, %sort3A_2090 = tpu.sort %max3A, %max3A masked %sort3A_2087 : (vector<16xf32>, vector<16xf32>, vector<16xi1>) -> (vector<16xi1>, vector<16xf32>, vector<16xf32>)
        %reduce_min3A_2091 = arith.constant true
        %reduce_min3A_2092 = vector.broadcast %reduce_min3A_2091 : i1 to vector<16xi1>
        %reduce_min3A_2093 = tpu.scan <min>, %max3A masked %reduce_min3A_2092 : vector<16xf32>, vector<16xi1> -> vector<16xf32>
        %reduce_min3A_2094 = vector.extract %reduce_min3A_2093[15] : f32 from vector<16xf32>
        scf.yield %sort3A_2089, %reduce_min3A_2094 : vector<16xf32>, f32
      } else {
        scf.yield %cond3A_1488#0, %cond3A_1488#1 : vector<16xf32>, f32
      }
      %get3A_1502 = arith.constant 10 : i32
      %get3A_1503 = arith.index_cast %get3A_1502 : i32 to index
      %get3A_1504 = arith.constant 64 : index
      %get3A_1505 = tpu.vector_load %arg7[%get3A_1503, %get3A_1504] {strides = array<i32>} : memref<16x128xf32, #tpu.memory_space<vmem>>, vector<16xf32>,
      %reduce_max3A_1506 = arith.constant true
      %reduce_max3A_1507 = vector.broadcast %reduce_max3A_1506 : i1 to vector<16xi1>
      %reduce_max3A_1508 = tpu.scan <max>, %get3A_1505 masked %reduce_max3A_1507 : vector<16xf32>, vector<16xi1> -> vector<16xf32>
      %reduce_max3A_1509 = vector.extract %reduce_max3A_1508[15] : f32 from vector<16xf32>
      %gt3A_1510 = arith.cmpf ogt, %reduce_max3A_1509, %cond3A_1501#1 : f32
      %convert_element_type3A_1511 = arith.extui %gt3A_1510 : i1 to i32
      %cond3A_1512 = arith.constant 0 : i32
      %cond3A_1513 = arith.cmpi ne, %convert_element_type3A_1511, %cond3A_1512 : i32
      %cond3A_1514:2 = scf.if %cond3A_1513 -> (vector<16xf32>, f32) {
        %masked_sort3A_2083 = arith.constant dense<true> : vector<16xi1>
        %masked_sort3A_2084, %masked_sort3A_2085, %masked_sort3A_2086 = tpu.sort %get3A_1505, %iota3A masked %masked_sort3A_2083 {descending = true} : (vector<16xf32>, vector<16xi32>, vector<16xi1>) -> (vector<16xi1>, vector<16xf32>, vector<16xi32>)
        %max3A = arith.maximumf %cond3A_1501#0, %masked_sort3A_2085 : vector<16xf32>
        %sort3A_2087 = arith.constant dense<true> : vector<16xi1>
        %sort3A_2088, %sort3A_2089, %sort3A_2090 = tpu.sort %max3A, %max3A masked %sort3A_2087 : (vector<16xf32>, vector<16xf32>, vector<16xi1>) -> (vector<16xi1>, vector<16xf32>, vector<16xf32>)
        %reduce_min3A_2091 = arith.constant true
        %reduce_min3A_2092 = vector.broadcast %reduce_min3A_2091 : i1 to vector<16xi1>
        %reduce_min3A_2093 = tpu.scan <min>, %max3A masked %reduce_min3A_2092 : vector<16xf32>, vector<16xi1> -> vector<16xf32>
        %reduce_min3A_2094 = vector.extract %reduce_min3A_2093[15] : f32 from vector<16xf32>
        scf.yield %sort3A_2089, %reduce_min3A_2094 : vector<16xf32>, f32
      } else {
        scf.yield %cond3A_1501#0, %cond3A_1501#1 : vector<16xf32>, f32
      }
      %get3A_1515 = arith.constant 10 : i32
      %get3A_1516 = arith.index_cast %get3A_1515 : i32 to index
      %get3A_1517 = arith.constant 80 : index
      %get3A_1518 = tpu.vector_load %arg7[%get3A_1516, %get3A_1517] {strides = array<i32>} : memref<16x128xf32, #tpu.memory_space<vmem>>, vector<16xf32>,
      %reduce_max3A_1519 = arith.constant true
      %reduce_max3A_1520 = vector.broadcast %reduce_max3A_1519 : i1 to vector<16xi1>
      %reduce_max3A_1521 = tpu.scan <max>, %get3A_1518 masked %reduce_max3A_1520 : vector<16xf32>, vector<16xi1> -> vector<16xf32>
      %reduce_max3A_1522 = vector.extract %reduce_max3A_1521[15] : f32 from vector<16xf32>
      %gt3A_1523 = arith.cmpf ogt, %reduce_max3A_1522, %cond3A_1514#1 : f32
      %convert_element_type3A_1524 = arith.extui %gt3A_1523 : i1 to i32
      %cond3A_1525 = arith.constant 0 : i32
      %cond3A_1526 = arith.cmpi ne, %convert_element_type3A_1524, %cond3A_1525 : i32
      %cond3A_1527:2 = scf.if %cond3A_1526 -> (vector<16xf32>, f32) {
        %masked_sort3A_2083 = arith.constant dense<true> : vector<16xi1>
        %masked_sort3A_2084, %masked_sort3A_2085, %masked_sort3A_2086 = tpu.sort %get3A_1518, %iota3A masked %masked_sort3A_2083 {descending = true} : (vector<16xf32>, vector<16xi32>, vector<16xi1>) -> (vector<16xi1>, vector<16xf32>, vector<16xi32>)
        %max3A = arith.maximumf %cond3A_1514#0, %masked_sort3A_2085 : vector<16xf32>
        %sort3A_2087 = arith.constant dense<true> : vector<16xi1>
        %sort3A_2088, %sort3A_2089, %sort3A_2090 = tpu.sort %max3A, %max3A masked %sort3A_2087 : (vector<16xf32>, vector<16xf32>, vector<16xi1>) -> (vector<16xi1>, vector<16xf32>, vector<16xf32>)
        %reduce_min3A_2091 = arith.constant true
        %reduce_min3A_2092 = vector.broadcast %reduce_min3A_2091 : i1 to vector<16xi1>
        %reduce_min3A_2093 = tpu.scan <min>, %max3A masked %reduce_min3A_2092 : vector<16xf32>, vector<16xi1> -> vector<16xf32>
        %reduce_min3A_2094 = vector.extract %reduce_min3A_2093[15] : f32 from vector<16xf32>
        scf.yield %sort3A_2089, %reduce_min3A_2094 : vector<16xf32>, f32
      } else {
        scf.yield %cond3A_1514#0, %cond3A_1514#1 : vector<16xf32>, f32
      }
      %get3A_1528 = arith.constant 10 : i32
      %get3A_1529 = arith.index_cast %get3A_1528 : i32 to index
      %get3A_1530 = arith.constant 96 : index
      %get3A_1531 = tpu.vector_load %arg7[%get3A_1529, %get3A_1530] {strides = array<i32>} : memref<16x128xf32, #tpu.memory_space<vmem>>, vector<16xf32>,
      %reduce_max3A_1532 = arith.constant true
      %reduce_max3A_1533 = vector.broadcast %reduce_max3A_1532 : i1 to vector<16xi1>
      %reduce_max3A_1534 = tpu.scan <max>, %get3A_1531 masked %reduce_max3A_1533 : vector<16xf32>, vector<16xi1> -> vector<16xf32>
      %reduce_max3A_1535 = vector.extract %reduce_max3A_1534[15] : f32 from vector<16xf32>
      %gt3A_1536 = arith.cmpf ogt, %reduce_max3A_1535, %cond3A_1527#1 : f32
      %convert_element_type3A_1537 = arith.extui %gt3A_1536 : i1 to i32
      %cond3A_1538 = arith.constant 0 : i32
      %cond3A_1539 = arith.cmpi ne, %convert_element_type3A_1537, %cond3A_1538 : i32
      %cond3A_1540:2 = scf.if %cond3A_1539 -> (vector<16xf32>, f32) {
        %masked_sort3A_2083 = arith.constant dense<true> : vector<16xi1>
        %masked_sort3A_2084, %masked_sort3A_2085, %masked_sort3A_2086 = tpu.sort %get3A_1531, %iota3A masked %masked_sort3A_2083 {descending = true} : (vector<16xf32>, vector<16xi32>, vector<16xi1>) -> (vector<16xi1>, vector<16xf32>, vector<16xi32>)
        %max3A = arith.maximumf %cond3A_1527#0, %masked_sort3A_2085 : vector<16xf32>
        %sort3A_2087 = arith.constant dense<true> : vector<16xi1>
        %sort3A_2088, %sort3A_2089, %sort3A_2090 = tpu.sort %max3A, %max3A masked %sort3A_2087 : (vector<16xf32>, vector<16xf32>, vector<16xi1>) -> (vector<16xi1>, vector<16xf32>, vector<16xf32>)
        %reduce_min3A_2091 = arith.constant true
        %reduce_min3A_2092 = vector.broadcast %reduce_min3A_2091 : i1 to vector<16xi1>
        %reduce_min3A_2093 = tpu.scan <min>, %max3A masked %reduce_min3A_2092 : vector<16xf32>, vector<16xi1> -> vector<16xf32>
        %reduce_min3A_2094 = vector.extract %reduce_min3A_2093[15] : f32 from vector<16xf32>
        scf.yield %sort3A_2089, %reduce_min3A_2094 : vector<16xf32>, f32
      } else {
        scf.yield %cond3A_1527#0, %cond3A_1527#1 : vector<16xf32>, f32
      }
      %get3A_1541 = arith.constant 10 : i32
      %get3A_1542 = arith.index_cast %get3A_1541 : i32 to index
      %get3A_1543 = arith.constant 112 : index
      %get3A_1544 = tpu.vector_load %arg7[%get3A_1542, %get3A_1543] {strides = array<i32>} : memref<16x128xf32, #tpu.memory_space<vmem>>, vector<16xf32>,
      %reduce_max3A_1545 = arith.constant true
      %reduce_max3A_1546 = vector.broadcast %reduce_max3A_1545 : i1 to vector<16xi1>
      %reduce_max3A_1547 = tpu.scan <max>, %get3A_1544 masked %reduce_max3A_1546 : vector<16xf32>, vector<16xi1> -> vector<16xf32>
      %reduce_max3A_1548 = vector.extract %reduce_max3A_1547[15] : f32 from vector<16xf32>
      %gt3A_1549 = arith.cmpf ogt, %reduce_max3A_1548, %cond3A_1540#1 : f32
      %convert_element_type3A_1550 = arith.extui %gt3A_1549 : i1 to i32
      %cond3A_1551 = arith.constant 0 : i32
      %cond3A_1552 = arith.cmpi ne, %convert_element_type3A_1550, %cond3A_1551 : i32
      %cond3A_1553:2 = scf.if %cond3A_1552 -> (vector<16xf32>, f32) {
        %masked_sort3A_2083 = arith.constant dense<true> : vector<16xi1>
        %masked_sort3A_2084, %masked_sort3A_2085, %masked_sort3A_2086 = tpu.sort %get3A_1544, %iota3A masked %masked_sort3A_2083 {descending = true} : (vector<16xf32>, vector<16xi32>, vector<16xi1>) -> (vector<16xi1>, vector<16xf32>, vector<16xi32>)
        %max3A = arith.maximumf %cond3A_1540#0, %masked_sort3A_2085 : vector<16xf32>
        %sort3A_2087 = arith.constant dense<true> : vector<16xi1>
        %sort3A_2088, %sort3A_2089, %sort3A_2090 = tpu.sort %max3A, %max3A masked %sort3A_2087 : (vector<16xf32>, vector<16xf32>, vector<16xi1>) -> (vector<16xi1>, vector<16xf32>, vector<16xf32>)
        %reduce_min3A_2091 = arith.constant true
        %reduce_min3A_2092 = vector.broadcast %reduce_min3A_2091 : i1 to vector<16xi1>
        %reduce_min3A_2093 = tpu.scan <min>, %max3A masked %reduce_min3A_2092 : vector<16xf32>, vector<16xi1> -> vector<16xf32>
        %reduce_min3A_2094 = vector.extract %reduce_min3A_2093[15] : f32 from vector<16xf32>
        scf.yield %sort3A_2089, %reduce_min3A_2094 : vector<16xf32>, f32
      } else {
        scf.yield %cond3A_1540#0, %cond3A_1540#1 : vector<16xf32>, f32
      }
      %get3A_1554 = arith.constant 11 : i32
      %get3A_1555 = arith.index_cast %get3A_1554 : i32 to index
      %get3A_1556 = arith.constant 0 : index
      %get3A_1557 = tpu.vector_load %arg7[%get3A_1555, %get3A_1556] {strides = array<i32>} : memref<16x128xf32, #tpu.memory_space<vmem>>, vector<16xf32>,
      %reduce_max3A_1558 = arith.constant true
      %reduce_max3A_1559 = vector.broadcast %reduce_max3A_1558 : i1 to vector<16xi1>
      %reduce_max3A_1560 = tpu.scan <max>, %get3A_1557 masked %reduce_max3A_1559 : vector<16xf32>, vector<16xi1> -> vector<16xf32>
      %reduce_max3A_1561 = vector.extract %reduce_max3A_1560[15] : f32 from vector<16xf32>
      %gt3A_1562 = arith.cmpf ogt, %reduce_max3A_1561, %cond3A_1553#1 : f32
      %convert_element_type3A_1563 = arith.extui %gt3A_1562 : i1 to i32
      %cond3A_1564 = arith.constant 0 : i32
      %cond3A_1565 = arith.cmpi ne, %convert_element_type3A_1563, %cond3A_1564 : i32
      %cond3A_1566:2 = scf.if %cond3A_1565 -> (vector<16xf32>, f32) {
        %masked_sort3A_2083 = arith.constant dense<true> : vector<16xi1>
        %masked_sort3A_2084, %masked_sort3A_2085, %masked_sort3A_2086 = tpu.sort %get3A_1557, %iota3A masked %masked_sort3A_2083 {descending = true} : (vector<16xf32>, vector<16xi32>, vector<16xi1>) -> (vector<16xi1>, vector<16xf32>, vector<16xi32>)
        %max3A = arith.maximumf %cond3A_1553#0, %masked_sort3A_2085 : vector<16xf32>
        %sort3A_2087 = arith.constant dense<true> : vector<16xi1>
        %sort3A_2088, %sort3A_2089, %sort3A_2090 = tpu.sort %max3A, %max3A masked %sort3A_2087 : (vector<16xf32>, vector<16xf32>, vector<16xi1>) -> (vector<16xi1>, vector<16xf32>, vector<16xf32>)
        %reduce_min3A_2091 = arith.constant true
        %reduce_min3A_2092 = vector.broadcast %reduce_min3A_2091 : i1 to vector<16xi1>
        %reduce_min3A_2093 = tpu.scan <min>, %max3A masked %reduce_min3A_2092 : vector<16xf32>, vector<16xi1> -> vector<16xf32>
        %reduce_min3A_2094 = vector.extract %reduce_min3A_2093[15] : f32 from vector<16xf32>
        scf.yield %sort3A_2089, %reduce_min3A_2094 : vector<16xf32>, f32
      } else {
        scf.yield %cond3A_1553#0, %cond3A_1553#1 : vector<16xf32>, f32
      }
      %get3A_1567 = arith.constant 11 : i32
      %get3A_1568 = arith.index_cast %get3A_1567 : i32 to index
      %get3A_1569 = arith.constant 16 : index
      %get3A_1570 = tpu.vector_load %arg7[%get3A_1568, %get3A_1569] {strides = array<i32>} : memref<16x128xf32, #tpu.memory_space<vmem>>, vector<16xf32>,
      %reduce_max3A_1571 = arith.constant true
      %reduce_max3A_1572 = vector.broadcast %reduce_max3A_1571 : i1 to vector<16xi1>
      %reduce_max3A_1573 = tpu.scan <max>, %get3A_1570 masked %reduce_max3A_1572 : vector<16xf32>, vector<16xi1> -> vector<16xf32>
      %reduce_max3A_1574 = vector.extract %reduce_max3A_1573[15] : f32 from vector<16xf32>
      %gt3A_1575 = arith.cmpf ogt, %reduce_max3A_1574, %cond3A_1566#1 : f32
      %convert_element_type3A_1576 = arith.extui %gt3A_1575 : i1 to i32
      %cond3A_1577 = arith.constant 0 : i32
      %cond3A_1578 = arith.cmpi ne, %convert_element_type3A_1576, %cond3A_1577 : i32
      %cond3A_1579:2 = scf.if %cond3A_1578 -> (vector<16xf32>, f32) {
        %masked_sort3A_2083 = arith.constant dense<true> : vector<16xi1>
        %masked_sort3A_2084, %masked_sort3A_2085, %masked_sort3A_2086 = tpu.sort %get3A_1570, %iota3A masked %masked_sort3A_2083 {descending = true} : (vector<16xf32>, vector<16xi32>, vector<16xi1>) -> (vector<16xi1>, vector<16xf32>, vector<16xi32>)
        %max3A = arith.maximumf %cond3A_1566#0, %masked_sort3A_2085 : vector<16xf32>
        %sort3A_2087 = arith.constant dense<true> : vector<16xi1>
        %sort3A_2088, %sort3A_2089, %sort3A_2090 = tpu.sort %max3A, %max3A masked %sort3A_2087 : (vector<16xf32>, vector<16xf32>, vector<16xi1>) -> (vector<16xi1>, vector<16xf32>, vector<16xf32>)
        %reduce_min3A_2091 = arith.constant true
        %reduce_min3A_2092 = vector.broadcast %reduce_min3A_2091 : i1 to vector<16xi1>
        %reduce_min3A_2093 = tpu.scan <min>, %max3A masked %reduce_min3A_2092 : vector<16xf32>, vector<16xi1> -> vector<16xf32>
        %reduce_min3A_2094 = vector.extract %reduce_min3A_2093[15] : f32 from vector<16xf32>
        scf.yield %sort3A_2089, %reduce_min3A_2094 : vector<16xf32>, f32
      } else {
        scf.yield %cond3A_1566#0, %cond3A_1566#1 : vector<16xf32>, f32
      }
      %get3A_1580 = arith.constant 11 : i32
      %get3A_1581 = arith.index_cast %get3A_1580 : i32 to index
      %get3A_1582 = arith.constant 32 : index
      %get3A_1583 = tpu.vector_load %arg7[%get3A_1581, %get3A_1582] {strides = array<i32>} : memref<16x128xf32, #tpu.memory_space<vmem>>, vector<16xf32>,
      %reduce_max3A_1584 = arith.constant true
      %reduce_max3A_1585 = vector.broadcast %reduce_max3A_1584 : i1 to vector<16xi1>
      %reduce_max3A_1586 = tpu.scan <max>, %get3A_1583 masked %reduce_max3A_1585 : vector<16xf32>, vector<16xi1> -> vector<16xf32>
      %reduce_max3A_1587 = vector.extract %reduce_max3A_1586[15] : f32 from vector<16xf32>
      %gt3A_1588 = arith.cmpf ogt, %reduce_max3A_1587, %cond3A_1579#1 : f32
      %convert_element_type3A_1589 = arith.extui %gt3A_1588 : i1 to i32
      %cond3A_1590 = arith.constant 0 : i32
      %cond3A_1591 = arith.cmpi ne, %convert_element_type3A_1589, %cond3A_1590 : i32
      %cond3A_1592:2 = scf.if %cond3A_1591 -> (vector<16xf32>, f32) {
        %masked_sort3A_2083 = arith.constant dense<true> : vector<16xi1>
        %masked_sort3A_2084, %masked_sort3A_2085, %masked_sort3A_2086 = tpu.sort %get3A_1583, %iota3A masked %masked_sort3A_2083 {descending = true} : (vector<16xf32>, vector<16xi32>, vector<16xi1>) -> (vector<16xi1>, vector<16xf32>, vector<16xi32>)
        %max3A = arith.maximumf %cond3A_1579#0, %masked_sort3A_2085 : vector<16xf32>
        %sort3A_2087 = arith.constant dense<true> : vector<16xi1>
        %sort3A_2088, %sort3A_2089, %sort3A_2090 = tpu.sort %max3A, %max3A masked %sort3A_2087 : (vector<16xf32>, vector<16xf32>, vector<16xi1>) -> (vector<16xi1>, vector<16xf32>, vector<16xf32>)
        %reduce_min3A_2091 = arith.constant true
        %reduce_min3A_2092 = vector.broadcast %reduce_min3A_2091 : i1 to vector<16xi1>
        %reduce_min3A_2093 = tpu.scan <min>, %max3A masked %reduce_min3A_2092 : vector<16xf32>, vector<16xi1> -> vector<16xf32>
        %reduce_min3A_2094 = vector.extract %reduce_min3A_2093[15] : f32 from vector<16xf32>
        scf.yield %sort3A_2089, %reduce_min3A_2094 : vector<16xf32>, f32
      } else {
        scf.yield %cond3A_1579#0, %cond3A_1579#1 : vector<16xf32>, f32
      }
      %get3A_1593 = arith.constant 11 : i32
      %get3A_1594 = arith.index_cast %get3A_1593 : i32 to index
      %get3A_1595 = arith.constant 48 : index
      %get3A_1596 = tpu.vector_load %arg7[%get3A_1594, %get3A_1595] {strides = array<i32>} : memref<16x128xf32, #tpu.memory_space<vmem>>, vector<16xf32>,
      %reduce_max3A_1597 = arith.constant true
      %reduce_max3A_1598 = vector.broadcast %reduce_max3A_1597 : i1 to vector<16xi1>
      %reduce_max3A_1599 = tpu.scan <max>, %get3A_1596 masked %reduce_max3A_1598 : vector<16xf32>, vector<16xi1> -> vector<16xf32>
      %reduce_max3A_1600 = vector.extract %reduce_max3A_1599[15] : f32 from vector<16xf32>
      %gt3A_1601 = arith.cmpf ogt, %reduce_max3A_1600, %cond3A_1592#1 : f32
      %convert_element_type3A_1602 = arith.extui %gt3A_1601 : i1 to i32
      %cond3A_1603 = arith.constant 0 : i32
      %cond3A_1604 = arith.cmpi ne, %convert_element_type3A_1602, %cond3A_1603 : i32
      %cond3A_1605:2 = scf.if %cond3A_1604 -> (vector<16xf32>, f32) {
        %masked_sort3A_2083 = arith.constant dense<true> : vector<16xi1>
        %masked_sort3A_2084, %masked_sort3A_2085, %masked_sort3A_2086 = tpu.sort %get3A_1596, %iota3A masked %masked_sort3A_2083 {descending = true} : (vector<16xf32>, vector<16xi32>, vector<16xi1>) -> (vector<16xi1>, vector<16xf32>, vector<16xi32>)
        %max3A = arith.maximumf %cond3A_1592#0, %masked_sort3A_2085 : vector<16xf32>
        %sort3A_2087 = arith.constant dense<true> : vector<16xi1>
        %sort3A_2088, %sort3A_2089, %sort3A_2090 = tpu.sort %max3A, %max3A masked %sort3A_2087 : (vector<16xf32>, vector<16xf32>, vector<16xi1>) -> (vector<16xi1>, vector<16xf32>, vector<16xf32>)
        %reduce_min3A_2091 = arith.constant true
        %reduce_min3A_2092 = vector.broadcast %reduce_min3A_2091 : i1 to vector<16xi1>
        %reduce_min3A_2093 = tpu.scan <min>, %max3A masked %reduce_min3A_2092 : vector<16xf32>, vector<16xi1> -> vector<16xf32>
        %reduce_min3A_2094 = vector.extract %reduce_min3A_2093[15] : f32 from vector<16xf32>
        scf.yield %sort3A_2089, %reduce_min3A_2094 : vector<16xf32>, f32
      } else {
        scf.yield %cond3A_1592#0, %cond3A_1592#1 : vector<16xf32>, f32
      }
      %get3A_1606 = arith.constant 11 : i32
      %get3A_1607 = arith.index_cast %get3A_1606 : i32 to index
      %get3A_1608 = arith.constant 64 : index
      %get3A_1609 = tpu.vector_load %arg7[%get3A_1607, %get3A_1608] {strides = array<i32>} : memref<16x128xf32, #tpu.memory_space<vmem>>, vector<16xf32>,
      %reduce_max3A_1610 = arith.constant true
      %reduce_max3A_1611 = vector.broadcast %reduce_max3A_1610 : i1 to vector<16xi1>
      %reduce_max3A_1612 = tpu.scan <max>, %get3A_1609 masked %reduce_max3A_1611 : vector<16xf32>, vector<16xi1> -> vector<16xf32>
      %reduce_max3A_1613 = vector.extract %reduce_max3A_1612[15] : f32 from vector<16xf32>
      %gt3A_1614 = arith.cmpf ogt, %reduce_max3A_1613, %cond3A_1605#1 : f32
      %convert_element_type3A_1615 = arith.extui %gt3A_1614 : i1 to i32
      %cond3A_1616 = arith.constant 0 : i32
      %cond3A_1617 = arith.cmpi ne, %convert_element_type3A_1615, %cond3A_1616 : i32
      %cond3A_1618:2 = scf.if %cond3A_1617 -> (vector<16xf32>, f32) {
        %masked_sort3A_2083 = arith.constant dense<true> : vector<16xi1>
        %masked_sort3A_2084, %masked_sort3A_2085, %masked_sort3A_2086 = tpu.sort %get3A_1609, %iota3A masked %masked_sort3A_2083 {descending = true} : (vector<16xf32>, vector<16xi32>, vector<16xi1>) -> (vector<16xi1>, vector<16xf32>, vector<16xi32>)
        %max3A = arith.maximumf %cond3A_1605#0, %masked_sort3A_2085 : vector<16xf32>
        %sort3A_2087 = arith.constant dense<true> : vector<16xi1>
        %sort3A_2088, %sort3A_2089, %sort3A_2090 = tpu.sort %max3A, %max3A masked %sort3A_2087 : (vector<16xf32>, vector<16xf32>, vector<16xi1>) -> (vector<16xi1>, vector<16xf32>, vector<16xf32>)
        %reduce_min3A_2091 = arith.constant true
        %reduce_min3A_2092 = vector.broadcast %reduce_min3A_2091 : i1 to vector<16xi1>
        %reduce_min3A_2093 = tpu.scan <min>, %max3A masked %reduce_min3A_2092 : vector<16xf32>, vector<16xi1> -> vector<16xf32>
        %reduce_min3A_2094 = vector.extract %reduce_min3A_2093[15] : f32 from vector<16xf32>
        scf.yield %sort3A_2089, %reduce_min3A_2094 : vector<16xf32>, f32
      } else {
        scf.yield %cond3A_1605#0, %cond3A_1605#1 : vector<16xf32>, f32
      }
      %get3A_1619 = arith.constant 11 : i32
      %get3A_1620 = arith.index_cast %get3A_1619 : i32 to index
      %get3A_1621 = arith.constant 80 : index
      %get3A_1622 = tpu.vector_load %arg7[%get3A_1620, %get3A_1621] {strides = array<i32>} : memref<16x128xf32, #tpu.memory_space<vmem>>, vector<16xf32>,
      %reduce_max3A_1623 = arith.constant true
      %reduce_max3A_1624 = vector.broadcast %reduce_max3A_1623 : i1 to vector<16xi1>
      %reduce_max3A_1625 = tpu.scan <max>, %get3A_1622 masked %reduce_max3A_1624 : vector<16xf32>, vector<16xi1> -> vector<16xf32>
      %reduce_max3A_1626 = vector.extract %reduce_max3A_1625[15] : f32 from vector<16xf32>
      %gt3A_1627 = arith.cmpf ogt, %reduce_max3A_1626, %cond3A_1618#1 : f32
      %convert_element_type3A_1628 = arith.extui %gt3A_1627 : i1 to i32
      %cond3A_1629 = arith.constant 0 : i32
      %cond3A_1630 = arith.cmpi ne, %convert_element_type3A_1628, %cond3A_1629 : i32
      %cond3A_1631:2 = scf.if %cond3A_1630 -> (vector<16xf32>, f32) {
        %masked_sort3A_2083 = arith.constant dense<true> : vector<16xi1>
        %masked_sort3A_2084, %masked_sort3A_2085, %masked_sort3A_2086 = tpu.sort %get3A_1622, %iota3A masked %masked_sort3A_2083 {descending = true} : (vector<16xf32>, vector<16xi32>, vector<16xi1>) -> (vector<16xi1>, vector<16xf32>, vector<16xi32>)
        %max3A = arith.maximumf %cond3A_1618#0, %masked_sort3A_2085 : vector<16xf32>
        %sort3A_2087 = arith.constant dense<true> : vector<16xi1>
        %sort3A_2088, %sort3A_2089, %sort3A_2090 = tpu.sort %max3A, %max3A masked %sort3A_2087 : (vector<16xf32>, vector<16xf32>, vector<16xi1>) -> (vector<16xi1>, vector<16xf32>, vector<16xf32>)
        %reduce_min3A_2091 = arith.constant true
        %reduce_min3A_2092 = vector.broadcast %reduce_min3A_2091 : i1 to vector<16xi1>
        %reduce_min3A_2093 = tpu.scan <min>, %max3A masked %reduce_min3A_2092 : vector<16xf32>, vector<16xi1> -> vector<16xf32>
        %reduce_min3A_2094 = vector.extract %reduce_min3A_2093[15] : f32 from vector<16xf32>
        scf.yield %sort3A_2089, %reduce_min3A_2094 : vector<16xf32>, f32
      } else {
        scf.yield %cond3A_1618#0, %cond3A_1618#1 : vector<16xf32>, f32
      }
      %get3A_1632 = arith.constant 11 : i32
      %get3A_1633 = arith.index_cast %get3A_1632 : i32 to index
      %get3A_1634 = arith.constant 96 : index
      %get3A_1635 = tpu.vector_load %arg7[%get3A_1633, %get3A_1634] {strides = array<i32>} : memref<16x128xf32, #tpu.memory_space<vmem>>, vector<16xf32>,
      %reduce_max3A_1636 = arith.constant true
      %reduce_max3A_1637 = vector.broadcast %reduce_max3A_1636 : i1 to vector<16xi1>
      %reduce_max3A_1638 = tpu.scan <max>, %get3A_1635 masked %reduce_max3A_1637 : vector<16xf32>, vector<16xi1> -> vector<16xf32>
      %reduce_max3A_1639 = vector.extract %reduce_max3A_1638[15] : f32 from vector<16xf32>
      %gt3A_1640 = arith.cmpf ogt, %reduce_max3A_1639, %cond3A_1631#1 : f32
      %convert_element_type3A_1641 = arith.extui %gt3A_1640 : i1 to i32
      %cond3A_1642 = arith.constant 0 : i32
      %cond3A_1643 = arith.cmpi ne, %convert_element_type3A_1641, %cond3A_1642 : i32
      %cond3A_1644:2 = scf.if %cond3A_1643 -> (vector<16xf32>, f32) {
        %masked_sort3A_2083 = arith.constant dense<true> : vector<16xi1>
        %masked_sort3A_2084, %masked_sort3A_2085, %masked_sort3A_2086 = tpu.sort %get3A_1635, %iota3A masked %masked_sort3A_2083 {descending = true} : (vector<16xf32>, vector<16xi32>, vector<16xi1>) -> (vector<16xi1>, vector<16xf32>, vector<16xi32>)
        %max3A = arith.maximumf %cond3A_1631#0, %masked_sort3A_2085 : vector<16xf32>
        %sort3A_2087 = arith.constant dense<true> : vector<16xi1>
        %sort3A_2088, %sort3A_2089, %sort3A_2090 = tpu.sort %max3A, %max3A masked %sort3A_2087 : (vector<16xf32>, vector<16xf32>, vector<16xi1>) -> (vector<16xi1>, vector<16xf32>, vector<16xf32>)
        %reduce_min3A_2091 = arith.constant true
        %reduce_min3A_2092 = vector.broadcast %reduce_min3A_2091 : i1 to vector<16xi1>
        %reduce_min3A_2093 = tpu.scan <min>, %max3A masked %reduce_min3A_2092 : vector<16xf32>, vector<16xi1> -> vector<16xf32>
        %reduce_min3A_2094 = vector.extract %reduce_min3A_2093[15] : f32 from vector<16xf32>
        scf.yield %sort3A_2089, %reduce_min3A_2094 : vector<16xf32>, f32
      } else {
        scf.yield %cond3A_1631#0, %cond3A_1631#1 : vector<16xf32>, f32
      }
      %get3A_1645 = arith.constant 11 : i32
      %get3A_1646 = arith.index_cast %get3A_1645 : i32 to index
      %get3A_1647 = arith.constant 112 : index
      %get3A_1648 = tpu.vector_load %arg7[%get3A_1646, %get3A_1647] {strides = array<i32>} : memref<16x128xf32, #tpu.memory_space<vmem>>, vector<16xf32>,
      %reduce_max3A_1649 = arith.constant true
      %reduce_max3A_1650 = vector.broadcast %reduce_max3A_1649 : i1 to vector<16xi1>
      %reduce_max3A_1651 = tpu.scan <max>, %get3A_1648 masked %reduce_max3A_1650 : vector<16xf32>, vector<16xi1> -> vector<16xf32>
      %reduce_max3A_1652 = vector.extract %reduce_max3A_1651[15] : f32 from vector<16xf32>
      %gt3A_1653 = arith.cmpf ogt, %reduce_max3A_1652, %cond3A_1644#1 : f32
      %convert_element_type3A_1654 = arith.extui %gt3A_1653 : i1 to i32
      %cond3A_1655 = arith.constant 0 : i32
      %cond3A_1656 = arith.cmpi ne, %convert_element_type3A_1654, %cond3A_1655 : i32
      %cond3A_1657:2 = scf.if %cond3A_1656 -> (vector<16xf32>, f32) {
        %masked_sort3A_2083 = arith.constant dense<true> : vector<16xi1>
        %masked_sort3A_2084, %masked_sort3A_2085, %masked_sort3A_2086 = tpu.sort %get3A_1648, %iota3A masked %masked_sort3A_2083 {descending = true} : (vector<16xf32>, vector<16xi32>, vector<16xi1>) -> (vector<16xi1>, vector<16xf32>, vector<16xi32>)
        %max3A = arith.maximumf %cond3A_1644#0, %masked_sort3A_2085 : vector<16xf32>
        %sort3A_2087 = arith.constant dense<true> : vector<16xi1>
        %sort3A_2088, %sort3A_2089, %sort3A_2090 = tpu.sort %max3A, %max3A masked %sort3A_2087 : (vector<16xf32>, vector<16xf32>, vector<16xi1>) -> (vector<16xi1>, vector<16xf32>, vector<16xf32>)
        %reduce_min3A_2091 = arith.constant true
        %reduce_min3A_2092 = vector.broadcast %reduce_min3A_2091 : i1 to vector<16xi1>
        %reduce_min3A_2093 = tpu.scan <min>, %max3A masked %reduce_min3A_2092 : vector<16xf32>, vector<16xi1> -> vector<16xf32>
        %reduce_min3A_2094 = vector.extract %reduce_min3A_2093[15] : f32 from vector<16xf32>
        scf.yield %sort3A_2089, %reduce_min3A_2094 : vector<16xf32>, f32
      } else {
        scf.yield %cond3A_1644#0, %cond3A_1644#1 : vector<16xf32>, f32
      }
      %get3A_1658 = arith.constant 12 : i32
      %get3A_1659 = arith.index_cast %get3A_1658 : i32 to index
      %get3A_1660 = arith.constant 0 : index
      %get3A_1661 = tpu.vector_load %arg7[%get3A_1659, %get3A_1660] {strides = array<i32>} : memref<16x128xf32, #tpu.memory_space<vmem>>, vector<16xf32>,
      %reduce_max3A_1662 = arith.constant true
      %reduce_max3A_1663 = vector.broadcast %reduce_max3A_1662 : i1 to vector<16xi1>
      %reduce_max3A_1664 = tpu.scan <max>, %get3A_1661 masked %reduce_max3A_1663 : vector<16xf32>, vector<16xi1> -> vector<16xf32>
      %reduce_max3A_1665 = vector.extract %reduce_max3A_1664[15] : f32 from vector<16xf32>
      %gt3A_1666 = arith.cmpf ogt, %reduce_max3A_1665, %cond3A_1657#1 : f32
      %convert_element_type3A_1667 = arith.extui %gt3A_1666 : i1 to i32
      %cond3A_1668 = arith.constant 0 : i32
      %cond3A_1669 = arith.cmpi ne, %convert_element_type3A_1667, %cond3A_1668 : i32
      %cond3A_1670:2 = scf.if %cond3A_1669 -> (vector<16xf32>, f32) {
        %masked_sort3A_2083 = arith.constant dense<true> : vector<16xi1>
        %masked_sort3A_2084, %masked_sort3A_2085, %masked_sort3A_2086 = tpu.sort %get3A_1661, %iota3A masked %masked_sort3A_2083 {descending = true} : (vector<16xf32>, vector<16xi32>, vector<16xi1>) -> (vector<16xi1>, vector<16xf32>, vector<16xi32>)
        %max3A = arith.maximumf %cond3A_1657#0, %masked_sort3A_2085 : vector<16xf32>
        %sort3A_2087 = arith.constant dense<true> : vector<16xi1>
        %sort3A_2088, %sort3A_2089, %sort3A_2090 = tpu.sort %max3A, %max3A masked %sort3A_2087 : (vector<16xf32>, vector<16xf32>, vector<16xi1>) -> (vector<16xi1>, vector<16xf32>, vector<16xf32>)
        %reduce_min3A_2091 = arith.constant true
        %reduce_min3A_2092 = vector.broadcast %reduce_min3A_2091 : i1 to vector<16xi1>
        %reduce_min3A_2093 = tpu.scan <min>, %max3A masked %reduce_min3A_2092 : vector<16xf32>, vector<16xi1> -> vector<16xf32>
        %reduce_min3A_2094 = vector.extract %reduce_min3A_2093[15] : f32 from vector<16xf32>
        scf.yield %sort3A_2089, %reduce_min3A_2094 : vector<16xf32>, f32
      } else {
        scf.yield %cond3A_1657#0, %cond3A_1657#1 : vector<16xf32>, f32
      }
      %get3A_1671 = arith.constant 12 : i32
      %get3A_1672 = arith.index_cast %get3A_1671 : i32 to index
      %get3A_1673 = arith.constant 16 : index
      %get3A_1674 = tpu.vector_load %arg7[%get3A_1672, %get3A_1673] {strides = array<i32>} : memref<16x128xf32, #tpu.memory_space<vmem>>, vector<16xf32>,
      %reduce_max3A_1675 = arith.constant true
      %reduce_max3A_1676 = vector.broadcast %reduce_max3A_1675 : i1 to vector<16xi1>
      %reduce_max3A_1677 = tpu.scan <max>, %get3A_1674 masked %reduce_max3A_1676 : vector<16xf32>, vector<16xi1> -> vector<16xf32>
      %reduce_max3A_1678 = vector.extract %reduce_max3A_1677[15] : f32 from vector<16xf32>
      %gt3A_1679 = arith.cmpf ogt, %reduce_max3A_1678, %cond3A_1670#1 : f32
      %convert_element_type3A_1680 = arith.extui %gt3A_1679 : i1 to i32
      %cond3A_1681 = arith.constant 0 : i32
      %cond3A_1682 = arith.cmpi ne, %convert_element_type3A_1680, %cond3A_1681 : i32
      %cond3A_1683:2 = scf.if %cond3A_1682 -> (vector<16xf32>, f32) {
        %masked_sort3A_2083 = arith.constant dense<true> : vector<16xi1>
        %masked_sort3A_2084, %masked_sort3A_2085, %masked_sort3A_2086 = tpu.sort %get3A_1674, %iota3A masked %masked_sort3A_2083 {descending = true} : (vector<16xf32>, vector<16xi32>, vector<16xi1>) -> (vector<16xi1>, vector<16xf32>, vector<16xi32>)
        %max3A = arith.maximumf %cond3A_1670#0, %masked_sort3A_2085 : vector<16xf32>
        %sort3A_2087 = arith.constant dense<true> : vector<16xi1>
        %sort3A_2088, %sort3A_2089, %sort3A_2090 = tpu.sort %max3A, %max3A masked %sort3A_2087 : (vector<16xf32>, vector<16xf32>, vector<16xi1>) -> (vector<16xi1>, vector<16xf32>, vector<16xf32>)
        %reduce_min3A_2091 = arith.constant true
        %reduce_min3A_2092 = vector.broadcast %reduce_min3A_2091 : i1 to vector<16xi1>
        %reduce_min3A_2093 = tpu.scan <min>, %max3A masked %reduce_min3A_2092 : vector<16xf32>, vector<16xi1> -> vector<16xf32>
        %reduce_min3A_2094 = vector.extract %reduce_min3A_2093[15] : f32 from vector<16xf32>
        scf.yield %sort3A_2089, %reduce_min3A_2094 : vector<16xf32>, f32
      } else {
        scf.yield %cond3A_1670#0, %cond3A_1670#1 : vector<16xf32>, f32
      }
      %get3A_1684 = arith.constant 12 : i32
      %get3A_1685 = arith.index_cast %get3A_1684 : i32 to index
      %get3A_1686 = arith.constant 32 : index
      %get3A_1687 = tpu.vector_load %arg7[%get3A_1685, %get3A_1686] {strides = array<i32>} : memref<16x128xf32, #tpu.memory_space<vmem>>, vector<16xf32>,
      %reduce_max3A_1688 = arith.constant true
      %reduce_max3A_1689 = vector.broadcast %reduce_max3A_1688 : i1 to vector<16xi1>
      %reduce_max3A_1690 = tpu.scan <max>, %get3A_1687 masked %reduce_max3A_1689 : vector<16xf32>, vector<16xi1> -> vector<16xf32>
      %reduce_max3A_1691 = vector.extract %reduce_max3A_1690[15] : f32 from vector<16xf32>
      %gt3A_1692 = arith.cmpf ogt, %reduce_max3A_1691, %cond3A_1683#1 : f32
      %convert_element_type3A_1693 = arith.extui %gt3A_1692 : i1 to i32
      %cond3A_1694 = arith.constant 0 : i32
      %cond3A_1695 = arith.cmpi ne, %convert_element_type3A_1693, %cond3A_1694 : i32
      %cond3A_1696:2 = scf.if %cond3A_1695 -> (vector<16xf32>, f32) {
        %masked_sort3A_2083 = arith.constant dense<true> : vector<16xi1>
        %masked_sort3A_2084, %masked_sort3A_2085, %masked_sort3A_2086 = tpu.sort %get3A_1687, %iota3A masked %masked_sort3A_2083 {descending = true} : (vector<16xf32>, vector<16xi32>, vector<16xi1>) -> (vector<16xi1>, vector<16xf32>, vector<16xi32>)
        %max3A = arith.maximumf %cond3A_1683#0, %masked_sort3A_2085 : vector<16xf32>
        %sort3A_2087 = arith.constant dense<true> : vector<16xi1>
        %sort3A_2088, %sort3A_2089, %sort3A_2090 = tpu.sort %max3A, %max3A masked %sort3A_2087 : (vector<16xf32>, vector<16xf32>, vector<16xi1>) -> (vector<16xi1>, vector<16xf32>, vector<16xf32>)
        %reduce_min3A_2091 = arith.constant true
        %reduce_min3A_2092 = vector.broadcast %reduce_min3A_2091 : i1 to vector<16xi1>
        %reduce_min3A_2093 = tpu.scan <min>, %max3A masked %reduce_min3A_2092 : vector<16xf32>, vector<16xi1> -> vector<16xf32>
        %reduce_min3A_2094 = vector.extract %reduce_min3A_2093[15] : f32 from vector<16xf32>
        scf.yield %sort3A_2089, %reduce_min3A_2094 : vector<16xf32>, f32
      } else {
        scf.yield %cond3A_1683#0, %cond3A_1683#1 : vector<16xf32>, f32
      }
      %get3A_1697 = arith.constant 12 : i32
      %get3A_1698 = arith.index_cast %get3A_1697 : i32 to index
      %get3A_1699 = arith.constant 48 : index
      %get3A_1700 = tpu.vector_load %arg7[%get3A_1698, %get3A_1699] {strides = array<i32>} : memref<16x128xf32, #tpu.memory_space<vmem>>, vector<16xf32>,
      %reduce_max3A_1701 = arith.constant true
      %reduce_max3A_1702 = vector.broadcast %reduce_max3A_1701 : i1 to vector<16xi1>
      %reduce_max3A_1703 = tpu.scan <max>, %get3A_1700 masked %reduce_max3A_1702 : vector<16xf32>, vector<16xi1> -> vector<16xf32>
      %reduce_max3A_1704 = vector.extract %reduce_max3A_1703[15] : f32 from vector<16xf32>
      %gt3A_1705 = arith.cmpf ogt, %reduce_max3A_1704, %cond3A_1696#1 : f32
      %convert_element_type3A_1706 = arith.extui %gt3A_1705 : i1 to i32
      %cond3A_1707 = arith.constant 0 : i32
      %cond3A_1708 = arith.cmpi ne, %convert_element_type3A_1706, %cond3A_1707 : i32
      %cond3A_1709:2 = scf.if %cond3A_1708 -> (vector<16xf32>, f32) {
        %masked_sort3A_2083 = arith.constant dense<true> : vector<16xi1>
        %masked_sort3A_2084, %masked_sort3A_2085, %masked_sort3A_2086 = tpu.sort %get3A_1700, %iota3A masked %masked_sort3A_2083 {descending = true} : (vector<16xf32>, vector<16xi32>, vector<16xi1>) -> (vector<16xi1>, vector<16xf32>, vector<16xi32>)
        %max3A = arith.maximumf %cond3A_1696#0, %masked_sort3A_2085 : vector<16xf32>
        %sort3A_2087 = arith.constant dense<true> : vector<16xi1>
        %sort3A_2088, %sort3A_2089, %sort3A_2090 = tpu.sort %max3A, %max3A masked %sort3A_2087 : (vector<16xf32>, vector<16xf32>, vector<16xi1>) -> (vector<16xi1>, vector<16xf32>, vector<16xf32>)
        %reduce_min3A_2091 = arith.constant true
        %reduce_min3A_2092 = vector.broadcast %reduce_min3A_2091 : i1 to vector<16xi1>
        %reduce_min3A_2093 = tpu.scan <min>, %max3A masked %reduce_min3A_2092 : vector<16xf32>, vector<16xi1> -> vector<16xf32>
        %reduce_min3A_2094 = vector.extract %reduce_min3A_2093[15] : f32 from vector<16xf32>
        scf.yield %sort3A_2089, %reduce_min3A_2094 : vector<16xf32>, f32
      } else {
        scf.yield %cond3A_1696#0, %cond3A_1696#1 : vector<16xf32>, f32
      }
      %get3A_1710 = arith.constant 12 : i32
      %get3A_1711 = arith.index_cast %get3A_1710 : i32 to index
      %get3A_1712 = arith.constant 64 : index
      %get3A_1713 = tpu.vector_load %arg7[%get3A_1711, %get3A_1712] {strides = array<i32>} : memref<16x128xf32, #tpu.memory_space<vmem>>, vector<16xf32>,
      %reduce_max3A_1714 = arith.constant true
      %reduce_max3A_1715 = vector.broadcast %reduce_max3A_1714 : i1 to vector<16xi1>
      %reduce_max3A_1716 = tpu.scan <max>, %get3A_1713 masked %reduce_max3A_1715 : vector<16xf32>, vector<16xi1> -> vector<16xf32>
      %reduce_max3A_1717 = vector.extract %reduce_max3A_1716[15] : f32 from vector<16xf32>
      %gt3A_1718 = arith.cmpf ogt, %reduce_max3A_1717, %cond3A_1709#1 : f32
      %convert_element_type3A_1719 = arith.extui %gt3A_1718 : i1 to i32
      %cond3A_1720 = arith.constant 0 : i32
      %cond3A_1721 = arith.cmpi ne, %convert_element_type3A_1719, %cond3A_1720 : i32
      %cond3A_1722:2 = scf.if %cond3A_1721 -> (vector<16xf32>, f32) {
        %masked_sort3A_2083 = arith.constant dense<true> : vector<16xi1>
        %masked_sort3A_2084, %masked_sort3A_2085, %masked_sort3A_2086 = tpu.sort %get3A_1713, %iota3A masked %masked_sort3A_2083 {descending = true} : (vector<16xf32>, vector<16xi32>, vector<16xi1>) -> (vector<16xi1>, vector<16xf32>, vector<16xi32>)
        %max3A = arith.maximumf %cond3A_1709#0, %masked_sort3A_2085 : vector<16xf32>
        %sort3A_2087 = arith.constant dense<true> : vector<16xi1>
        %sort3A_2088, %sort3A_2089, %sort3A_2090 = tpu.sort %max3A, %max3A masked %sort3A_2087 : (vector<16xf32>, vector<16xf32>, vector<16xi1>) -> (vector<16xi1>, vector<16xf32>, vector<16xf32>)
        %reduce_min3A_2091 = arith.constant true
        %reduce_min3A_2092 = vector.broadcast %reduce_min3A_2091 : i1 to vector<16xi1>
        %reduce_min3A_2093 = tpu.scan <min>, %max3A masked %reduce_min3A_2092 : vector<16xf32>, vector<16xi1> -> vector<16xf32>
        %reduce_min3A_2094 = vector.extract %reduce_min3A_2093[15] : f32 from vector<16xf32>
        scf.yield %sort3A_2089, %reduce_min3A_2094 : vector<16xf32>, f32
      } else {
        scf.yield %cond3A_1709#0, %cond3A_1709#1 : vector<16xf32>, f32
      }
      %get3A_1723 = arith.constant 12 : i32
      %get3A_1724 = arith.index_cast %get3A_1723 : i32 to index
      %get3A_1725 = arith.constant 80 : index
      %get3A_1726 = tpu.vector_load %arg7[%get3A_1724, %get3A_1725] {strides = array<i32>} : memref<16x128xf32, #tpu.memory_space<vmem>>, vector<16xf32>,
      %reduce_max3A_1727 = arith.constant true
      %reduce_max3A_1728 = vector.broadcast %reduce_max3A_1727 : i1 to vector<16xi1>
      %reduce_max3A_1729 = tpu.scan <max>, %get3A_1726 masked %reduce_max3A_1728 : vector<16xf32>, vector<16xi1> -> vector<16xf32>
      %reduce_max3A_1730 = vector.extract %reduce_max3A_1729[15] : f32 from vector<16xf32>
      %gt3A_1731 = arith.cmpf ogt, %reduce_max3A_1730, %cond3A_1722#1 : f32
      %convert_element_type3A_1732 = arith.extui %gt3A_1731 : i1 to i32
      %cond3A_1733 = arith.constant 0 : i32
      %cond3A_1734 = arith.cmpi ne, %convert_element_type3A_1732, %cond3A_1733 : i32
      %cond3A_1735:2 = scf.if %cond3A_1734 -> (vector<16xf32>, f32) {
        %masked_sort3A_2083 = arith.constant dense<true> : vector<16xi1>
        %masked_sort3A_2084, %masked_sort3A_2085, %masked_sort3A_2086 = tpu.sort %get3A_1726, %iota3A masked %masked_sort3A_2083 {descending = true} : (vector<16xf32>, vector<16xi32>, vector<16xi1>) -> (vector<16xi1>, vector<16xf32>, vector<16xi32>)
        %max3A = arith.maximumf %cond3A_1722#0, %masked_sort3A_2085 : vector<16xf32>
        %sort3A_2087 = arith.constant dense<true> : vector<16xi1>
        %sort3A_2088, %sort3A_2089, %sort3A_2090 = tpu.sort %max3A, %max3A masked %sort3A_2087 : (vector<16xf32>, vector<16xf32>, vector<16xi1>) -> (vector<16xi1>, vector<16xf32>, vector<16xf32>)
        %reduce_min3A_2091 = arith.constant true
        %reduce_min3A_2092 = vector.broadcast %reduce_min3A_2091 : i1 to vector<16xi1>
        %reduce_min3A_2093 = tpu.scan <min>, %max3A masked %reduce_min3A_2092 : vector<16xf32>, vector<16xi1> -> vector<16xf32>
        %reduce_min3A_2094 = vector.extract %reduce_min3A_2093[15] : f32 from vector<16xf32>
        scf.yield %sort3A_2089, %reduce_min3A_2094 : vector<16xf32>, f32
      } else {
        scf.yield %cond3A_1722#0, %cond3A_1722#1 : vector<16xf32>, f32
      }
      %get3A_1736 = arith.constant 12 : i32
      %get3A_1737 = arith.index_cast %get3A_1736 : i32 to index
      %get3A_1738 = arith.constant 96 : index
      %get3A_1739 = tpu.vector_load %arg7[%get3A_1737, %get3A_1738] {strides = array<i32>} : memref<16x128xf32, #tpu.memory_space<vmem>>, vector<16xf32>,
      %reduce_max3A_1740 = arith.constant true
      %reduce_max3A_1741 = vector.broadcast %reduce_max3A_1740 : i1 to vector<16xi1>
      %reduce_max3A_1742 = tpu.scan <max>, %get3A_1739 masked %reduce_max3A_1741 : vector<16xf32>, vector<16xi1> -> vector<16xf32>
      %reduce_max3A_1743 = vector.extract %reduce_max3A_1742[15] : f32 from vector<16xf32>
      %gt3A_1744 = arith.cmpf ogt, %reduce_max3A_1743, %cond3A_1735#1 : f32
      %convert_element_type3A_1745 = arith.extui %gt3A_1744 : i1 to i32
      %cond3A_1746 = arith.constant 0 : i32
      %cond3A_1747 = arith.cmpi ne, %convert_element_type3A_1745, %cond3A_1746 : i32
      %cond3A_1748:2 = scf.if %cond3A_1747 -> (vector<16xf32>, f32) {
        %masked_sort3A_2083 = arith.constant dense<true> : vector<16xi1>
        %masked_sort3A_2084, %masked_sort3A_2085, %masked_sort3A_2086 = tpu.sort %get3A_1739, %iota3A masked %masked_sort3A_2083 {descending = true} : (vector<16xf32>, vector<16xi32>, vector<16xi1>) -> (vector<16xi1>, vector<16xf32>, vector<16xi32>)
        %max3A = arith.maximumf %cond3A_1735#0, %masked_sort3A_2085 : vector<16xf32>
        %sort3A_2087 = arith.constant dense<true> : vector<16xi1>
        %sort3A_2088, %sort3A_2089, %sort3A_2090 = tpu.sort %max3A, %max3A masked %sort3A_2087 : (vector<16xf32>, vector<16xf32>, vector<16xi1>) -> (vector<16xi1>, vector<16xf32>, vector<16xf32>)
        %reduce_min3A_2091 = arith.constant true
        %reduce_min3A_2092 = vector.broadcast %reduce_min3A_2091 : i1 to vector<16xi1>
        %reduce_min3A_2093 = tpu.scan <min>, %max3A masked %reduce_min3A_2092 : vector<16xf32>, vector<16xi1> -> vector<16xf32>
        %reduce_min3A_2094 = vector.extract %reduce_min3A_2093[15] : f32 from vector<16xf32>
        scf.yield %sort3A_2089, %reduce_min3A_2094 : vector<16xf32>, f32
      } else {
        scf.yield %cond3A_1735#0, %cond3A_1735#1 : vector<16xf32>, f32
      }
      %get3A_1749 = arith.constant 12 : i32
      %get3A_1750 = arith.index_cast %get3A_1749 : i32 to index
      %get3A_1751 = arith.constant 112 : index
      %get3A_1752 = tpu.vector_load %arg7[%get3A_1750, %get3A_1751] {strides = array<i32>} : memref<16x128xf32, #tpu.memory_space<vmem>>, vector<16xf32>,
      %reduce_max3A_1753 = arith.constant true
      %reduce_max3A_1754 = vector.broadcast %reduce_max3A_1753 : i1 to vector<16xi1>
      %reduce_max3A_1755 = tpu.scan <max>, %get3A_1752 masked %reduce_max3A_1754 : vector<16xf32>, vector<16xi1> -> vector<16xf32>
      %reduce_max3A_1756 = vector.extract %reduce_max3A_1755[15] : f32 from vector<16xf32>
      %gt3A_1757 = arith.cmpf ogt, %reduce_max3A_1756, %cond3A_1748#1 : f32
      %convert_element_type3A_1758 = arith.extui %gt3A_1757 : i1 to i32
      %cond3A_1759 = arith.constant 0 : i32
      %cond3A_1760 = arith.cmpi ne, %convert_element_type3A_1758, %cond3A_1759 : i32
      %cond3A_1761:2 = scf.if %cond3A_1760 -> (vector<16xf32>, f32) {
        %masked_sort3A_2083 = arith.constant dense<true> : vector<16xi1>
        %masked_sort3A_2084, %masked_sort3A_2085, %masked_sort3A_2086 = tpu.sort %get3A_1752, %iota3A masked %masked_sort3A_2083 {descending = true} : (vector<16xf32>, vector<16xi32>, vector<16xi1>) -> (vector<16xi1>, vector<16xf32>, vector<16xi32>)
        %max3A = arith.maximumf %cond3A_1748#0, %masked_sort3A_2085 : vector<16xf32>
        %sort3A_2087 = arith.constant dense<true> : vector<16xi1>
        %sort3A_2088, %sort3A_2089, %sort3A_2090 = tpu.sort %max3A, %max3A masked %sort3A_2087 : (vector<16xf32>, vector<16xf32>, vector<16xi1>) -> (vector<16xi1>, vector<16xf32>, vector<16xf32>)
        %reduce_min3A_2091 = arith.constant true
        %reduce_min3A_2092 = vector.broadcast %reduce_min3A_2091 : i1 to vector<16xi1>
        %reduce_min3A_2093 = tpu.scan <min>, %max3A masked %reduce_min3A_2092 : vector<16xf32>, vector<16xi1> -> vector<16xf32>
        %reduce_min3A_2094 = vector.extract %reduce_min3A_2093[15] : f32 from vector<16xf32>
        scf.yield %sort3A_2089, %reduce_min3A_2094 : vector<16xf32>, f32
      } else {
        scf.yield %cond3A_1748#0, %cond3A_1748#1 : vector<16xf32>, f32
      }
      %get3A_1762 = arith.constant 13 : i32
      %get3A_1763 = arith.index_cast %get3A_1762 : i32 to index
      %get3A_1764 = arith.constant 0 : index
      %get3A_1765 = tpu.vector_load %arg7[%get3A_1763, %get3A_1764] {strides = array<i32>} : memref<16x128xf32, #tpu.memory_space<vmem>>, vector<16xf32>,
      %reduce_max3A_1766 = arith.constant true
      %reduce_max3A_1767 = vector.broadcast %reduce_max3A_1766 : i1 to vector<16xi1>
      %reduce_max3A_1768 = tpu.scan <max>, %get3A_1765 masked %reduce_max3A_1767 : vector<16xf32>, vector<16xi1> -> vector<16xf32>
      %reduce_max3A_1769 = vector.extract %reduce_max3A_1768[15] : f32 from vector<16xf32>
      %gt3A_1770 = arith.cmpf ogt, %reduce_max3A_1769, %cond3A_1761#1 : f32
      %convert_element_type3A_1771 = arith.extui %gt3A_1770 : i1 to i32
      %cond3A_1772 = arith.constant 0 : i32
      %cond3A_1773 = arith.cmpi ne, %convert_element_type3A_1771, %cond3A_1772 : i32
      %cond3A_1774:2 = scf.if %cond3A_1773 -> (vector<16xf32>, f32) {
        %masked_sort3A_2083 = arith.constant dense<true> : vector<16xi1>
        %masked_sort3A_2084, %masked_sort3A_2085, %masked_sort3A_2086 = tpu.sort %get3A_1765, %iota3A masked %masked_sort3A_2083 {descending = true} : (vector<16xf32>, vector<16xi32>, vector<16xi1>) -> (vector<16xi1>, vector<16xf32>, vector<16xi32>)
        %max3A = arith.maximumf %cond3A_1761#0, %masked_sort3A_2085 : vector<16xf32>
        %sort3A_2087 = arith.constant dense<true> : vector<16xi1>
        %sort3A_2088, %sort3A_2089, %sort3A_2090 = tpu.sort %max3A, %max3A masked %sort3A_2087 : (vector<16xf32>, vector<16xf32>, vector<16xi1>) -> (vector<16xi1>, vector<16xf32>, vector<16xf32>)
        %reduce_min3A_2091 = arith.constant true
        %reduce_min3A_2092 = vector.broadcast %reduce_min3A_2091 : i1 to vector<16xi1>
        %reduce_min3A_2093 = tpu.scan <min>, %max3A masked %reduce_min3A_2092 : vector<16xf32>, vector<16xi1> -> vector<16xf32>
        %reduce_min3A_2094 = vector.extract %reduce_min3A_2093[15] : f32 from vector<16xf32>
        scf.yield %sort3A_2089, %reduce_min3A_2094 : vector<16xf32>, f32
      } else {
        scf.yield %cond3A_1761#0, %cond3A_1761#1 : vector<16xf32>, f32
      }
      %get3A_1775 = arith.constant 13 : i32
      %get3A_1776 = arith.index_cast %get3A_1775 : i32 to index
      %get3A_1777 = arith.constant 16 : index
      %get3A_1778 = tpu.vector_load %arg7[%get3A_1776, %get3A_1777] {strides = array<i32>} : memref<16x128xf32, #tpu.memory_space<vmem>>, vector<16xf32>,
      %reduce_max3A_1779 = arith.constant true
      %reduce_max3A_1780 = vector.broadcast %reduce_max3A_1779 : i1 to vector<16xi1>
      %reduce_max3A_1781 = tpu.scan <max>, %get3A_1778 masked %reduce_max3A_1780 : vector<16xf32>, vector<16xi1> -> vector<16xf32>
      %reduce_max3A_1782 = vector.extract %reduce_max3A_1781[15] : f32 from vector<16xf32>
      %gt3A_1783 = arith.cmpf ogt, %reduce_max3A_1782, %cond3A_1774#1 : f32
      %convert_element_type3A_1784 = arith.extui %gt3A_1783 : i1 to i32
      %cond3A_1785 = arith.constant 0 : i32
      %cond3A_1786 = arith.cmpi ne, %convert_element_type3A_1784, %cond3A_1785 : i32
      %cond3A_1787:2 = scf.if %cond3A_1786 -> (vector<16xf32>, f32) {
        %masked_sort3A_2083 = arith.constant dense<true> : vector<16xi1>
        %masked_sort3A_2084, %masked_sort3A_2085, %masked_sort3A_2086 = tpu.sort %get3A_1778, %iota3A masked %masked_sort3A_2083 {descending = true} : (vector<16xf32>, vector<16xi32>, vector<16xi1>) -> (vector<16xi1>, vector<16xf32>, vector<16xi32>)
        %max3A = arith.maximumf %cond3A_1774#0, %masked_sort3A_2085 : vector<16xf32>
        %sort3A_2087 = arith.constant dense<true> : vector<16xi1>
        %sort3A_2088, %sort3A_2089, %sort3A_2090 = tpu.sort %max3A, %max3A masked %sort3A_2087 : (vector<16xf32>, vector<16xf32>, vector<16xi1>) -> (vector<16xi1>, vector<16xf32>, vector<16xf32>)
        %reduce_min3A_2091 = arith.constant true
        %reduce_min3A_2092 = vector.broadcast %reduce_min3A_2091 : i1 to vector<16xi1>
        %reduce_min3A_2093 = tpu.scan <min>, %max3A masked %reduce_min3A_2092 : vector<16xf32>, vector<16xi1> -> vector<16xf32>
        %reduce_min3A_2094 = vector.extract %reduce_min3A_2093[15] : f32 from vector<16xf32>
        scf.yield %sort3A_2089, %reduce_min3A_2094 : vector<16xf32>, f32
      } else {
        scf.yield %cond3A_1774#0, %cond3A_1774#1 : vector<16xf32>, f32
      }
      %get3A_1788 = arith.constant 13 : i32
      %get3A_1789 = arith.index_cast %get3A_1788 : i32 to index
      %get3A_1790 = arith.constant 32 : index
      %get3A_1791 = tpu.vector_load %arg7[%get3A_1789, %get3A_1790] {strides = array<i32>} : memref<16x128xf32, #tpu.memory_space<vmem>>, vector<16xf32>,
      %reduce_max3A_1792 = arith.constant true
      %reduce_max3A_1793 = vector.broadcast %reduce_max3A_1792 : i1 to vector<16xi1>
      %reduce_max3A_1794 = tpu.scan <max>, %get3A_1791 masked %reduce_max3A_1793 : vector<16xf32>, vector<16xi1> -> vector<16xf32>
      %reduce_max3A_1795 = vector.extract %reduce_max3A_1794[15] : f32 from vector<16xf32>
      %gt3A_1796 = arith.cmpf ogt, %reduce_max3A_1795, %cond3A_1787#1 : f32
      %convert_element_type3A_1797 = arith.extui %gt3A_1796 : i1 to i32
      %cond3A_1798 = arith.constant 0 : i32
      %cond3A_1799 = arith.cmpi ne, %convert_element_type3A_1797, %cond3A_1798 : i32
      %cond3A_1800:2 = scf.if %cond3A_1799 -> (vector<16xf32>, f32) {
        %masked_sort3A_2083 = arith.constant dense<true> : vector<16xi1>
        %masked_sort3A_2084, %masked_sort3A_2085, %masked_sort3A_2086 = tpu.sort %get3A_1791, %iota3A masked %masked_sort3A_2083 {descending = true} : (vector<16xf32>, vector<16xi32>, vector<16xi1>) -> (vector<16xi1>, vector<16xf32>, vector<16xi32>)
        %max3A = arith.maximumf %cond3A_1787#0, %masked_sort3A_2085 : vector<16xf32>
        %sort3A_2087 = arith.constant dense<true> : vector<16xi1>
        %sort3A_2088, %sort3A_2089, %sort3A_2090 = tpu.sort %max3A, %max3A masked %sort3A_2087 : (vector<16xf32>, vector<16xf32>, vector<16xi1>) -> (vector<16xi1>, vector<16xf32>, vector<16xf32>)
        %reduce_min3A_2091 = arith.constant true
        %reduce_min3A_2092 = vector.broadcast %reduce_min3A_2091 : i1 to vector<16xi1>
        %reduce_min3A_2093 = tpu.scan <min>, %max3A masked %reduce_min3A_2092 : vector<16xf32>, vector<16xi1> -> vector<16xf32>
        %reduce_min3A_2094 = vector.extract %reduce_min3A_2093[15] : f32 from vector<16xf32>
        scf.yield %sort3A_2089, %reduce_min3A_2094 : vector<16xf32>, f32
      } else {
        scf.yield %cond3A_1787#0, %cond3A_1787#1 : vector<16xf32>, f32
      }
      %get3A_1801 = arith.constant 13 : i32
      %get3A_1802 = arith.index_cast %get3A_1801 : i32 to index
      %get3A_1803 = arith.constant 48 : index
      %get3A_1804 = tpu.vector_load %arg7[%get3A_1802, %get3A_1803] {strides = array<i32>} : memref<16x128xf32, #tpu.memory_space<vmem>>, vector<16xf32>,
      %reduce_max3A_1805 = arith.constant true
      %reduce_max3A_1806 = vector.broadcast %reduce_max3A_1805 : i1 to vector<16xi1>
      %reduce_max3A_1807 = tpu.scan <max>, %get3A_1804 masked %reduce_max3A_1806 : vector<16xf32>, vector<16xi1> -> vector<16xf32>
      %reduce_max3A_1808 = vector.extract %reduce_max3A_1807[15] : f32 from vector<16xf32>
      %gt3A_1809 = arith.cmpf ogt, %reduce_max3A_1808, %cond3A_1800#1 : f32
      %convert_element_type3A_1810 = arith.extui %gt3A_1809 : i1 to i32
      %cond3A_1811 = arith.constant 0 : i32
      %cond3A_1812 = arith.cmpi ne, %convert_element_type3A_1810, %cond3A_1811 : i32
      %cond3A_1813:2 = scf.if %cond3A_1812 -> (vector<16xf32>, f32) {
        %masked_sort3A_2083 = arith.constant dense<true> : vector<16xi1>
        %masked_sort3A_2084, %masked_sort3A_2085, %masked_sort3A_2086 = tpu.sort %get3A_1804, %iota3A masked %masked_sort3A_2083 {descending = true} : (vector<16xf32>, vector<16xi32>, vector<16xi1>) -> (vector<16xi1>, vector<16xf32>, vector<16xi32>)
        %max3A = arith.maximumf %cond3A_1800#0, %masked_sort3A_2085 : vector<16xf32>
        %sort3A_2087 = arith.constant dense<true> : vector<16xi1>
        %sort3A_2088, %sort3A_2089, %sort3A_2090 = tpu.sort %max3A, %max3A masked %sort3A_2087 : (vector<16xf32>, vector<16xf32>, vector<16xi1>) -> (vector<16xi1>, vector<16xf32>, vector<16xf32>)
        %reduce_min3A_2091 = arith.constant true
        %reduce_min3A_2092 = vector.broadcast %reduce_min3A_2091 : i1 to vector<16xi1>
        %reduce_min3A_2093 = tpu.scan <min>, %max3A masked %reduce_min3A_2092 : vector<16xf32>, vector<16xi1> -> vector<16xf32>
        %reduce_min3A_2094 = vector.extract %reduce_min3A_2093[15] : f32 from vector<16xf32>
        scf.yield %sort3A_2089, %reduce_min3A_2094 : vector<16xf32>, f32
      } else {
        scf.yield %cond3A_1800#0, %cond3A_1800#1 : vector<16xf32>, f32
      }
      %get3A_1814 = arith.constant 13 : i32
      %get3A_1815 = arith.index_cast %get3A_1814 : i32 to index
      %get3A_1816 = arith.constant 64 : index
      %get3A_1817 = tpu.vector_load %arg7[%get3A_1815, %get3A_1816] {strides = array<i32>} : memref<16x128xf32, #tpu.memory_space<vmem>>, vector<16xf32>,
      %reduce_max3A_1818 = arith.constant true
      %reduce_max3A_1819 = vector.broadcast %reduce_max3A_1818 : i1 to vector<16xi1>
      %reduce_max3A_1820 = tpu.scan <max>, %get3A_1817 masked %reduce_max3A_1819 : vector<16xf32>, vector<16xi1> -> vector<16xf32>
      %reduce_max3A_1821 = vector.extract %reduce_max3A_1820[15] : f32 from vector<16xf32>
      %gt3A_1822 = arith.cmpf ogt, %reduce_max3A_1821, %cond3A_1813#1 : f32
      %convert_element_type3A_1823 = arith.extui %gt3A_1822 : i1 to i32
      %cond3A_1824 = arith.constant 0 : i32
      %cond3A_1825 = arith.cmpi ne, %convert_element_type3A_1823, %cond3A_1824 : i32
      %cond3A_1826:2 = scf.if %cond3A_1825 -> (vector<16xf32>, f32) {
        %masked_sort3A_2083 = arith.constant dense<true> : vector<16xi1>
        %masked_sort3A_2084, %masked_sort3A_2085, %masked_sort3A_2086 = tpu.sort %get3A_1817, %iota3A masked %masked_sort3A_2083 {descending = true} : (vector<16xf32>, vector<16xi32>, vector<16xi1>) -> (vector<16xi1>, vector<16xf32>, vector<16xi32>)
        %max3A = arith.maximumf %cond3A_1813#0, %masked_sort3A_2085 : vector<16xf32>
        %sort3A_2087 = arith.constant dense<true> : vector<16xi1>
        %sort3A_2088, %sort3A_2089, %sort3A_2090 = tpu.sort %max3A, %max3A masked %sort3A_2087 : (vector<16xf32>, vector<16xf32>, vector<16xi1>) -> (vector<16xi1>, vector<16xf32>, vector<16xf32>)
        %reduce_min3A_2091 = arith.constant true
        %reduce_min3A_2092 = vector.broadcast %reduce_min3A_2091 : i1 to vector<16xi1>
        %reduce_min3A_2093 = tpu.scan <min>, %max3A masked %reduce_min3A_2092 : vector<16xf32>, vector<16xi1> -> vector<16xf32>
        %reduce_min3A_2094 = vector.extract %reduce_min3A_2093[15] : f32 from vector<16xf32>
        scf.yield %sort3A_2089, %reduce_min3A_2094 : vector<16xf32>, f32
      } else {
        scf.yield %cond3A_1813#0, %cond3A_1813#1 : vector<16xf32>, f32
      }
      %get3A_1827 = arith.constant 13 : i32
      %get3A_1828 = arith.index_cast %get3A_1827 : i32 to index
      %get3A_1829 = arith.constant 80 : index
      %get3A_1830 = tpu.vector_load %arg7[%get3A_1828, %get3A_1829] {strides = array<i32>} : memref<16x128xf32, #tpu.memory_space<vmem>>, vector<16xf32>,
      %reduce_max3A_1831 = arith.constant true
      %reduce_max3A_1832 = vector.broadcast %reduce_max3A_1831 : i1 to vector<16xi1>
      %reduce_max3A_1833 = tpu.scan <max>, %get3A_1830 masked %reduce_max3A_1832 : vector<16xf32>, vector<16xi1> -> vector<16xf32>
      %reduce_max3A_1834 = vector.extract %reduce_max3A_1833[15] : f32 from vector<16xf32>
      %gt3A_1835 = arith.cmpf ogt, %reduce_max3A_1834, %cond3A_1826#1 : f32
      %convert_element_type3A_1836 = arith.extui %gt3A_1835 : i1 to i32
      %cond3A_1837 = arith.constant 0 : i32
      %cond3A_1838 = arith.cmpi ne, %convert_element_type3A_1836, %cond3A_1837 : i32
      %cond3A_1839:2 = scf.if %cond3A_1838 -> (vector<16xf32>, f32) {
        %masked_sort3A_2083 = arith.constant dense<true> : vector<16xi1>
        %masked_sort3A_2084, %masked_sort3A_2085, %masked_sort3A_2086 = tpu.sort %get3A_1830, %iota3A masked %masked_sort3A_2083 {descending = true} : (vector<16xf32>, vector<16xi32>, vector<16xi1>) -> (vector<16xi1>, vector<16xf32>, vector<16xi32>)
        %max3A = arith.maximumf %cond3A_1826#0, %masked_sort3A_2085 : vector<16xf32>
        %sort3A_2087 = arith.constant dense<true> : vector<16xi1>
        %sort3A_2088, %sort3A_2089, %sort3A_2090 = tpu.sort %max3A, %max3A masked %sort3A_2087 : (vector<16xf32>, vector<16xf32>, vector<16xi1>) -> (vector<16xi1>, vector<16xf32>, vector<16xf32>)
        %reduce_min3A_2091 = arith.constant true
        %reduce_min3A_2092 = vector.broadcast %reduce_min3A_2091 : i1 to vector<16xi1>
        %reduce_min3A_2093 = tpu.scan <min>, %max3A masked %reduce_min3A_2092 : vector<16xf32>, vector<16xi1> -> vector<16xf32>
        %reduce_min3A_2094 = vector.extract %reduce_min3A_2093[15] : f32 from vector<16xf32>
        scf.yield %sort3A_2089, %reduce_min3A_2094 : vector<16xf32>, f32
      } else {
        scf.yield %cond3A_1826#0, %cond3A_1826#1 : vector<16xf32>, f32
      }
      %get3A_1840 = arith.constant 13 : i32
      %get3A_1841 = arith.index_cast %get3A_1840 : i32 to index
      %get3A_1842 = arith.constant 96 : index
      %get3A_1843 = tpu.vector_load %arg7[%get3A_1841, %get3A_1842] {strides = array<i32>} : memref<16x128xf32, #tpu.memory_space<vmem>>, vector<16xf32>,
      %reduce_max3A_1844 = arith.constant true
      %reduce_max3A_1845 = vector.broadcast %reduce_max3A_1844 : i1 to vector<16xi1>
      %reduce_max3A_1846 = tpu.scan <max>, %get3A_1843 masked %reduce_max3A_1845 : vector<16xf32>, vector<16xi1> -> vector<16xf32>
      %reduce_max3A_1847 = vector.extract %reduce_max3A_1846[15] : f32 from vector<16xf32>
      %gt3A_1848 = arith.cmpf ogt, %reduce_max3A_1847, %cond3A_1839#1 : f32
      %convert_element_type3A_1849 = arith.extui %gt3A_1848 : i1 to i32
      %cond3A_1850 = arith.constant 0 : i32
      %cond3A_1851 = arith.cmpi ne, %convert_element_type3A_1849, %cond3A_1850 : i32
      %cond3A_1852:2 = scf.if %cond3A_1851 -> (vector<16xf32>, f32) {
        %masked_sort3A_2083 = arith.constant dense<true> : vector<16xi1>
        %masked_sort3A_2084, %masked_sort3A_2085, %masked_sort3A_2086 = tpu.sort %get3A_1843, %iota3A masked %masked_sort3A_2083 {descending = true} : (vector<16xf32>, vector<16xi32>, vector<16xi1>) -> (vector<16xi1>, vector<16xf32>, vector<16xi32>)
        %max3A = arith.maximumf %cond3A_1839#0, %masked_sort3A_2085 : vector<16xf32>
        %sort3A_2087 = arith.constant dense<true> : vector<16xi1>
        %sort3A_2088, %sort3A_2089, %sort3A_2090 = tpu.sort %max3A, %max3A masked %sort3A_2087 : (vector<16xf32>, vector<16xf32>, vector<16xi1>) -> (vector<16xi1>, vector<16xf32>, vector<16xf32>)
        %reduce_min3A_2091 = arith.constant true
        %reduce_min3A_2092 = vector.broadcast %reduce_min3A_2091 : i1 to vector<16xi1>
        %reduce_min3A_2093 = tpu.scan <min>, %max3A masked %reduce_min3A_2092 : vector<16xf32>, vector<16xi1> -> vector<16xf32>
        %reduce_min3A_2094 = vector.extract %reduce_min3A_2093[15] : f32 from vector<16xf32>
        scf.yield %sort3A_2089, %reduce_min3A_2094 : vector<16xf32>, f32
      } else {
        scf.yield %cond3A_1839#0, %cond3A_1839#1 : vector<16xf32>, f32
      }
      %get3A_1853 = arith.constant 13 : i32
      %get3A_1854 = arith.index_cast %get3A_1853 : i32 to index
      %get3A_1855 = arith.constant 112 : index
      %get3A_1856 = tpu.vector_load %arg7[%get3A_1854, %get3A_1855] {strides = array<i32>} : memref<16x128xf32, #tpu.memory_space<vmem>>, vector<16xf32>,
      %reduce_max3A_1857 = arith.constant true
      %reduce_max3A_1858 = vector.broadcast %reduce_max3A_1857 : i1 to vector<16xi1>
      %reduce_max3A_1859 = tpu.scan <max>, %get3A_1856 masked %reduce_max3A_1858 : vector<16xf32>, vector<16xi1> -> vector<16xf32>
      %reduce_max3A_1860 = vector.extract %reduce_max3A_1859[15] : f32 from vector<16xf32>
      %gt3A_1861 = arith.cmpf ogt, %reduce_max3A_1860, %cond3A_1852#1 : f32
      %convert_element_type3A_1862 = arith.extui %gt3A_1861 : i1 to i32
      %cond3A_1863 = arith.constant 0 : i32
      %cond3A_1864 = arith.cmpi ne, %convert_element_type3A_1862, %cond3A_1863 : i32
      %cond3A_1865:2 = scf.if %cond3A_1864 -> (vector<16xf32>, f32) {
        %masked_sort3A_2083 = arith.constant dense<true> : vector<16xi1>
        %masked_sort3A_2084, %masked_sort3A_2085, %masked_sort3A_2086 = tpu.sort %get3A_1856, %iota3A masked %masked_sort3A_2083 {descending = true} : (vector<16xf32>, vector<16xi32>, vector<16xi1>) -> (vector<16xi1>, vector<16xf32>, vector<16xi32>)
        %max3A = arith.maximumf %cond3A_1852#0, %masked_sort3A_2085 : vector<16xf32>
        %sort3A_2087 = arith.constant dense<true> : vector<16xi1>
        %sort3A_2088, %sort3A_2089, %sort3A_2090 = tpu.sort %max3A, %max3A masked %sort3A_2087 : (vector<16xf32>, vector<16xf32>, vector<16xi1>) -> (vector<16xi1>, vector<16xf32>, vector<16xf32>)
        %reduce_min3A_2091 = arith.constant true
        %reduce_min3A_2092 = vector.broadcast %reduce_min3A_2091 : i1 to vector<16xi1>
        %reduce_min3A_2093 = tpu.scan <min>, %max3A masked %reduce_min3A_2092 : vector<16xf32>, vector<16xi1> -> vector<16xf32>
        %reduce_min3A_2094 = vector.extract %reduce_min3A_2093[15] : f32 from vector<16xf32>
        scf.yield %sort3A_2089, %reduce_min3A_2094 : vector<16xf32>, f32
      } else {
        scf.yield %cond3A_1852#0, %cond3A_1852#1 : vector<16xf32>, f32
      }
      %get3A_1866 = arith.constant 14 : i32
      %get3A_1867 = arith.index_cast %get3A_1866 : i32 to index
      %get3A_1868 = arith.constant 0 : index
      %get3A_1869 = tpu.vector_load %arg7[%get3A_1867, %get3A_1868] {strides = array<i32>} : memref<16x128xf32, #tpu.memory_space<vmem>>, vector<16xf32>,
      %reduce_max3A_1870 = arith.constant true
      %reduce_max3A_1871 = vector.broadcast %reduce_max3A_1870 : i1 to vector<16xi1>
      %reduce_max3A_1872 = tpu.scan <max>, %get3A_1869 masked %reduce_max3A_1871 : vector<16xf32>, vector<16xi1> -> vector<16xf32>
      %reduce_max3A_1873 = vector.extract %reduce_max3A_1872[15] : f32 from vector<16xf32>
      %gt3A_1874 = arith.cmpf ogt, %reduce_max3A_1873, %cond3A_1865#1 : f32
      %convert_element_type3A_1875 = arith.extui %gt3A_1874 : i1 to i32
      %cond3A_1876 = arith.constant 0 : i32
      %cond3A_1877 = arith.cmpi ne, %convert_element_type3A_1875, %cond3A_1876 : i32
      %cond3A_1878:2 = scf.if %cond3A_1877 -> (vector<16xf32>, f32) {
        %masked_sort3A_2083 = arith.constant dense<true> : vector<16xi1>
        %masked_sort3A_2084, %masked_sort3A_2085, %masked_sort3A_2086 = tpu.sort %get3A_1869, %iota3A masked %masked_sort3A_2083 {descending = true} : (vector<16xf32>, vector<16xi32>, vector<16xi1>) -> (vector<16xi1>, vector<16xf32>, vector<16xi32>)
        %max3A = arith.maximumf %cond3A_1865#0, %masked_sort3A_2085 : vector<16xf32>
        %sort3A_2087 = arith.constant dense<true> : vector<16xi1>
        %sort3A_2088, %sort3A_2089, %sort3A_2090 = tpu.sort %max3A, %max3A masked %sort3A_2087 : (vector<16xf32>, vector<16xf32>, vector<16xi1>) -> (vector<16xi1>, vector<16xf32>, vector<16xf32>)
        %reduce_min3A_2091 = arith.constant true
        %reduce_min3A_2092 = vector.broadcast %reduce_min3A_2091 : i1 to vector<16xi1>
        %reduce_min3A_2093 = tpu.scan <min>, %max3A masked %reduce_min3A_2092 : vector<16xf32>, vector<16xi1> -> vector<16xf32>
        %reduce_min3A_2094 = vector.extract %reduce_min3A_2093[15] : f32 from vector<16xf32>
        scf.yield %sort3A_2089, %reduce_min3A_2094 : vector<16xf32>, f32
      } else {
        scf.yield %cond3A_1865#0, %cond3A_1865#1 : vector<16xf32>, f32
      }
      %get3A_1879 = arith.constant 14 : i32
      %get3A_1880 = arith.index_cast %get3A_1879 : i32 to index
      %get3A_1881 = arith.constant 16 : index
      %get3A_1882 = tpu.vector_load %arg7[%get3A_1880, %get3A_1881] {strides = array<i32>} : memref<16x128xf32, #tpu.memory_space<vmem>>, vector<16xf32>,
      %reduce_max3A_1883 = arith.constant true
      %reduce_max3A_1884 = vector.broadcast %reduce_max3A_1883 : i1 to vector<16xi1>
      %reduce_max3A_1885 = tpu.scan <max>, %get3A_1882 masked %reduce_max3A_1884 : vector<16xf32>, vector<16xi1> -> vector<16xf32>
      %reduce_max3A_1886 = vector.extract %reduce_max3A_1885[15] : f32 from vector<16xf32>
      %gt3A_1887 = arith.cmpf ogt, %reduce_max3A_1886, %cond3A_1878#1 : f32
      %convert_element_type3A_1888 = arith.extui %gt3A_1887 : i1 to i32
      %cond3A_1889 = arith.constant 0 : i32
      %cond3A_1890 = arith.cmpi ne, %convert_element_type3A_1888, %cond3A_1889 : i32
      %cond3A_1891:2 = scf.if %cond3A_1890 -> (vector<16xf32>, f32) {
        %masked_sort3A_2083 = arith.constant dense<true> : vector<16xi1>
        %masked_sort3A_2084, %masked_sort3A_2085, %masked_sort3A_2086 = tpu.sort %get3A_1882, %iota3A masked %masked_sort3A_2083 {descending = true} : (vector<16xf32>, vector<16xi32>, vector<16xi1>) -> (vector<16xi1>, vector<16xf32>, vector<16xi32>)
        %max3A = arith.maximumf %cond3A_1878#0, %masked_sort3A_2085 : vector<16xf32>
        %sort3A_2087 = arith.constant dense<true> : vector<16xi1>
        %sort3A_2088, %sort3A_2089, %sort3A_2090 = tpu.sort %max3A, %max3A masked %sort3A_2087 : (vector<16xf32>, vector<16xf32>, vector<16xi1>) -> (vector<16xi1>, vector<16xf32>, vector<16xf32>)
        %reduce_min3A_2091 = arith.constant true
        %reduce_min3A_2092 = vector.broadcast %reduce_min3A_2091 : i1 to vector<16xi1>
        %reduce_min3A_2093 = tpu.scan <min>, %max3A masked %reduce_min3A_2092 : vector<16xf32>, vector<16xi1> -> vector<16xf32>
        %reduce_min3A_2094 = vector.extract %reduce_min3A_2093[15] : f32 from vector<16xf32>
        scf.yield %sort3A_2089, %reduce_min3A_2094 : vector<16xf32>, f32
      } else {
        scf.yield %cond3A_1878#0, %cond3A_1878#1 : vector<16xf32>, f32
      }
      %get3A_1892 = arith.constant 14 : i32
      %get3A_1893 = arith.index_cast %get3A_1892 : i32 to index
      %get3A_1894 = arith.constant 32 : index
      %get3A_1895 = tpu.vector_load %arg7[%get3A_1893, %get3A_1894] {strides = array<i32>} : memref<16x128xf32, #tpu.memory_space<vmem>>, vector<16xf32>,
      %reduce_max3A_1896 = arith.constant true
      %reduce_max3A_1897 = vector.broadcast %reduce_max3A_1896 : i1 to vector<16xi1>
      %reduce_max3A_1898 = tpu.scan <max>, %get3A_1895 masked %reduce_max3A_1897 : vector<16xf32>, vector<16xi1> -> vector<16xf32>
      %reduce_max3A_1899 = vector.extract %reduce_max3A_1898[15] : f32 from vector<16xf32>
      %gt3A_1900 = arith.cmpf ogt, %reduce_max3A_1899, %cond3A_1891#1 : f32
      %convert_element_type3A_1901 = arith.extui %gt3A_1900 : i1 to i32
      %cond3A_1902 = arith.constant 0 : i32
      %cond3A_1903 = arith.cmpi ne, %convert_element_type3A_1901, %cond3A_1902 : i32
      %cond3A_1904:2 = scf.if %cond3A_1903 -> (vector<16xf32>, f32) {
        %masked_sort3A_2083 = arith.constant dense<true> : vector<16xi1>
        %masked_sort3A_2084, %masked_sort3A_2085, %masked_sort3A_2086 = tpu.sort %get3A_1895, %iota3A masked %masked_sort3A_2083 {descending = true} : (vector<16xf32>, vector<16xi32>, vector<16xi1>) -> (vector<16xi1>, vector<16xf32>, vector<16xi32>)
        %max3A = arith.maximumf %cond3A_1891#0, %masked_sort3A_2085 : vector<16xf32>
        %sort3A_2087 = arith.constant dense<true> : vector<16xi1>
        %sort3A_2088, %sort3A_2089, %sort3A_2090 = tpu.sort %max3A, %max3A masked %sort3A_2087 : (vector<16xf32>, vector<16xf32>, vector<16xi1>) -> (vector<16xi1>, vector<16xf32>, vector<16xf32>)
        %reduce_min3A_2091 = arith.constant true
        %reduce_min3A_2092 = vector.broadcast %reduce_min3A_2091 : i1 to vector<16xi1>
        %reduce_min3A_2093 = tpu.scan <min>, %max3A masked %reduce_min3A_2092 : vector<16xf32>, vector<16xi1> -> vector<16xf32>
        %reduce_min3A_2094 = vector.extract %reduce_min3A_2093[15] : f32 from vector<16xf32>
        scf.yield %sort3A_2089, %reduce_min3A_2094 : vector<16xf32>, f32
      } else {
        scf.yield %cond3A_1891#0, %cond3A_1891#1 : vector<16xf32>, f32
      }
      %get3A_1905 = arith.constant 14 : i32
      %get3A_1906 = arith.index_cast %get3A_1905 : i32 to index
      %get3A_1907 = arith.constant 48 : index
      %get3A_1908 = tpu.vector_load %arg7[%get3A_1906, %get3A_1907] {strides = array<i32>} : memref<16x128xf32, #tpu.memory_space<vmem>>, vector<16xf32>,
      %reduce_max3A_1909 = arith.constant true
      %reduce_max3A_1910 = vector.broadcast %reduce_max3A_1909 : i1 to vector<16xi1>
      %reduce_max3A_1911 = tpu.scan <max>, %get3A_1908 masked %reduce_max3A_1910 : vector<16xf32>, vector<16xi1> -> vector<16xf32>
      %reduce_max3A_1912 = vector.extract %reduce_max3A_1911[15] : f32 from vector<16xf32>
      %gt3A_1913 = arith.cmpf ogt, %reduce_max3A_1912, %cond3A_1904#1 : f32
      %convert_element_type3A_1914 = arith.extui %gt3A_1913 : i1 to i32
      %cond3A_1915 = arith.constant 0 : i32
      %cond3A_1916 = arith.cmpi ne, %convert_element_type3A_1914, %cond3A_1915 : i32
      %cond3A_1917:2 = scf.if %cond3A_1916 -> (vector<16xf32>, f32) {
        %masked_sort3A_2083 = arith.constant dense<true> : vector<16xi1>
        %masked_sort3A_2084, %masked_sort3A_2085, %masked_sort3A_2086 = tpu.sort %get3A_1908, %iota3A masked %masked_sort3A_2083 {descending = true} : (vector<16xf32>, vector<16xi32>, vector<16xi1>) -> (vector<16xi1>, vector<16xf32>, vector<16xi32>)
        %max3A = arith.maximumf %cond3A_1904#0, %masked_sort3A_2085 : vector<16xf32>
        %sort3A_2087 = arith.constant dense<true> : vector<16xi1>
        %sort3A_2088, %sort3A_2089, %sort3A_2090 = tpu.sort %max3A, %max3A masked %sort3A_2087 : (vector<16xf32>, vector<16xf32>, vector<16xi1>) -> (vector<16xi1>, vector<16xf32>, vector<16xf32>)
        %reduce_min3A_2091 = arith.constant true
        %reduce_min3A_2092 = vector.broadcast %reduce_min3A_2091 : i1 to vector<16xi1>
        %reduce_min3A_2093 = tpu.scan <min>, %max3A masked %reduce_min3A_2092 : vector<16xf32>, vector<16xi1> -> vector<16xf32>
        %reduce_min3A_2094 = vector.extract %reduce_min3A_2093[15] : f32 from vector<16xf32>
        scf.yield %sort3A_2089, %reduce_min3A_2094 : vector<16xf32>, f32
      } else {
        scf.yield %cond3A_1904#0, %cond3A_1904#1 : vector<16xf32>, f32
      }
      %get3A_1918 = arith.constant 14 : i32
      %get3A_1919 = arith.index_cast %get3A_1918 : i32 to index
      %get3A_1920 = arith.constant 64 : index
      %get3A_1921 = tpu.vector_load %arg7[%get3A_1919, %get3A_1920] {strides = array<i32>} : memref<16x128xf32, #tpu.memory_space<vmem>>, vector<16xf32>,
      %reduce_max3A_1922 = arith.constant true
      %reduce_max3A_1923 = vector.broadcast %reduce_max3A_1922 : i1 to vector<16xi1>
      %reduce_max3A_1924 = tpu.scan <max>, %get3A_1921 masked %reduce_max3A_1923 : vector<16xf32>, vector<16xi1> -> vector<16xf32>
      %reduce_max3A_1925 = vector.extract %reduce_max3A_1924[15] : f32 from vector<16xf32>
      %gt3A_1926 = arith.cmpf ogt, %reduce_max3A_1925, %cond3A_1917#1 : f32
      %convert_element_type3A_1927 = arith.extui %gt3A_1926 : i1 to i32
      %cond3A_1928 = arith.constant 0 : i32
      %cond3A_1929 = arith.cmpi ne, %convert_element_type3A_1927, %cond3A_1928 : i32
      %cond3A_1930:2 = scf.if %cond3A_1929 -> (vector<16xf32>, f32) {
        %masked_sort3A_2083 = arith.constant dense<true> : vector<16xi1>
        %masked_sort3A_2084, %masked_sort3A_2085, %masked_sort3A_2086 = tpu.sort %get3A_1921, %iota3A masked %masked_sort3A_2083 {descending = true} : (vector<16xf32>, vector<16xi32>, vector<16xi1>) -> (vector<16xi1>, vector<16xf32>, vector<16xi32>)
        %max3A = arith.maximumf %cond3A_1917#0, %masked_sort3A_2085 : vector<16xf32>
        %sort3A_2087 = arith.constant dense<true> : vector<16xi1>
        %sort3A_2088, %sort3A_2089, %sort3A_2090 = tpu.sort %max3A, %max3A masked %sort3A_2087 : (vector<16xf32>, vector<16xf32>, vector<16xi1>) -> (vector<16xi1>, vector<16xf32>, vector<16xf32>)
        %reduce_min3A_2091 = arith.constant true
        %reduce_min3A_2092 = vector.broadcast %reduce_min3A_2091 : i1 to vector<16xi1>
        %reduce_min3A_2093 = tpu.scan <min>, %max3A masked %reduce_min3A_2092 : vector<16xf32>, vector<16xi1> -> vector<16xf32>
        %reduce_min3A_2094 = vector.extract %reduce_min3A_2093[15] : f32 from vector<16xf32>
        scf.yield %sort3A_2089, %reduce_min3A_2094 : vector<16xf32>, f32
      } else {
        scf.yield %cond3A_1917#0, %cond3A_1917#1 : vector<16xf32>, f32
      }
      %get3A_1931 = arith.constant 14 : i32
      %get3A_1932 = arith.index_cast %get3A_1931 : i32 to index
      %get3A_1933 = arith.constant 80 : index
      %get3A_1934 = tpu.vector_load %arg7[%get3A_1932, %get3A_1933] {strides = array<i32>} : memref<16x128xf32, #tpu.memory_space<vmem>>, vector<16xf32>,
      %reduce_max3A_1935 = arith.constant true
      %reduce_max3A_1936 = vector.broadcast %reduce_max3A_1935 : i1 to vector<16xi1>
      %reduce_max3A_1937 = tpu.scan <max>, %get3A_1934 masked %reduce_max3A_1936 : vector<16xf32>, vector<16xi1> -> vector<16xf32>
      %reduce_max3A_1938 = vector.extract %reduce_max3A_1937[15] : f32 from vector<16xf32>
      %gt3A_1939 = arith.cmpf ogt, %reduce_max3A_1938, %cond3A_1930#1 : f32
      %convert_element_type3A_1940 = arith.extui %gt3A_1939 : i1 to i32
      %cond3A_1941 = arith.constant 0 : i32
      %cond3A_1942 = arith.cmpi ne, %convert_element_type3A_1940, %cond3A_1941 : i32
      %cond3A_1943:2 = scf.if %cond3A_1942 -> (vector<16xf32>, f32) {
        %masked_sort3A_2083 = arith.constant dense<true> : vector<16xi1>
        %masked_sort3A_2084, %masked_sort3A_2085, %masked_sort3A_2086 = tpu.sort %get3A_1934, %iota3A masked %masked_sort3A_2083 {descending = true} : (vector<16xf32>, vector<16xi32>, vector<16xi1>) -> (vector<16xi1>, vector<16xf32>, vector<16xi32>)
        %max3A = arith.maximumf %cond3A_1930#0, %masked_sort3A_2085 : vector<16xf32>
        %sort3A_2087 = arith.constant dense<true> : vector<16xi1>
        %sort3A_2088, %sort3A_2089, %sort3A_2090 = tpu.sort %max3A, %max3A masked %sort3A_2087 : (vector<16xf32>, vector<16xf32>, vector<16xi1>) -> (vector<16xi1>, vector<16xf32>, vector<16xf32>)
        %reduce_min3A_2091 = arith.constant true
        %reduce_min3A_2092 = vector.broadcast %reduce_min3A_2091 : i1 to vector<16xi1>
        %reduce_min3A_2093 = tpu.scan <min>, %max3A masked %reduce_min3A_2092 : vector<16xf32>, vector<16xi1> -> vector<16xf32>
        %reduce_min3A_2094 = vector.extract %reduce_min3A_2093[15] : f32 from vector<16xf32>
        scf.yield %sort3A_2089, %reduce_min3A_2094 : vector<16xf32>, f32
      } else {
        scf.yield %cond3A_1930#0, %cond3A_1930#1 : vector<16xf32>, f32
      }
      %get3A_1944 = arith.constant 14 : i32
      %get3A_1945 = arith.index_cast %get3A_1944 : i32 to index
      %get3A_1946 = arith.constant 96 : index
      %get3A_1947 = tpu.vector_load %arg7[%get3A_1945, %get3A_1946] {strides = array<i32>} : memref<16x128xf32, #tpu.memory_space<vmem>>, vector<16xf32>,
      %reduce_max3A_1948 = arith.constant true
      %reduce_max3A_1949 = vector.broadcast %reduce_max3A_1948 : i1 to vector<16xi1>
      %reduce_max3A_1950 = tpu.scan <max>, %get3A_1947 masked %reduce_max3A_1949 : vector<16xf32>, vector<16xi1> -> vector<16xf32>
      %reduce_max3A_1951 = vector.extract %reduce_max3A_1950[15] : f32 from vector<16xf32>
      %gt3A_1952 = arith.cmpf ogt, %reduce_max3A_1951, %cond3A_1943#1 : f32
      %convert_element_type3A_1953 = arith.extui %gt3A_1952 : i1 to i32
      %cond3A_1954 = arith.constant 0 : i32
      %cond3A_1955 = arith.cmpi ne, %convert_element_type3A_1953, %cond3A_1954 : i32
      %cond3A_1956:2 = scf.if %cond3A_1955 -> (vector<16xf32>, f32) {
        %masked_sort3A_2083 = arith.constant dense<true> : vector<16xi1>
        %masked_sort3A_2084, %masked_sort3A_2085, %masked_sort3A_2086 = tpu.sort %get3A_1947, %iota3A masked %masked_sort3A_2083 {descending = true} : (vector<16xf32>, vector<16xi32>, vector<16xi1>) -> (vector<16xi1>, vector<16xf32>, vector<16xi32>)
        %max3A = arith.maximumf %cond3A_1943#0, %masked_sort3A_2085 : vector<16xf32>
        %sort3A_2087 = arith.constant dense<true> : vector<16xi1>
        %sort3A_2088, %sort3A_2089, %sort3A_2090 = tpu.sort %max3A, %max3A masked %sort3A_2087 : (vector<16xf32>, vector<16xf32>, vector<16xi1>) -> (vector<16xi1>, vector<16xf32>, vector<16xf32>)
        %reduce_min3A_2091 = arith.constant true
        %reduce_min3A_2092 = vector.broadcast %reduce_min3A_2091 : i1 to vector<16xi1>
        %reduce_min3A_2093 = tpu.scan <min>, %max3A masked %reduce_min3A_2092 : vector<16xf32>, vector<16xi1> -> vector<16xf32>
        %reduce_min3A_2094 = vector.extract %reduce_min3A_2093[15] : f32 from vector<16xf32>
        scf.yield %sort3A_2089, %reduce_min3A_2094 : vector<16xf32>, f32
      } else {
        scf.yield %cond3A_1943#0, %cond3A_1943#1 : vector<16xf32>, f32
      }
      %get3A_1957 = arith.constant 14 : i32
      %get3A_1958 = arith.index_cast %get3A_1957 : i32 to index
      %get3A_1959 = arith.constant 112 : index
      %get3A_1960 = tpu.vector_load %arg7[%get3A_1958, %get3A_1959] {strides = array<i32>} : memref<16x128xf32, #tpu.memory_space<vmem>>, vector<16xf32>,
      %reduce_max3A_1961 = arith.constant true
      %reduce_max3A_1962 = vector.broadcast %reduce_max3A_1961 : i1 to vector<16xi1>
      %reduce_max3A_1963 = tpu.scan <max>, %get3A_1960 masked %reduce_max3A_1962 : vector<16xf32>, vector<16xi1> -> vector<16xf32>
      %reduce_max3A_1964 = vector.extract %reduce_max3A_1963[15] : f32 from vector<16xf32>
      %gt3A_1965 = arith.cmpf ogt, %reduce_max3A_1964, %cond3A_1956#1 : f32
      %convert_element_type3A_1966 = arith.extui %gt3A_1965 : i1 to i32
      %cond3A_1967 = arith.constant 0 : i32
      %cond3A_1968 = arith.cmpi ne, %convert_element_type3A_1966, %cond3A_1967 : i32
      %cond3A_1969:2 = scf.if %cond3A_1968 -> (vector<16xf32>, f32) {
        %masked_sort3A_2083 = arith.constant dense<true> : vector<16xi1>
        %masked_sort3A_2084, %masked_sort3A_2085, %masked_sort3A_2086 = tpu.sort %get3A_1960, %iota3A masked %masked_sort3A_2083 {descending = true} : (vector<16xf32>, vector<16xi32>, vector<16xi1>) -> (vector<16xi1>, vector<16xf32>, vector<16xi32>)
        %max3A = arith.maximumf %cond3A_1956#0, %masked_sort3A_2085 : vector<16xf32>
        %sort3A_2087 = arith.constant dense<true> : vector<16xi1>
        %sort3A_2088, %sort3A_2089, %sort3A_2090 = tpu.sort %max3A, %max3A masked %sort3A_2087 : (vector<16xf32>, vector<16xf32>, vector<16xi1>) -> (vector<16xi1>, vector<16xf32>, vector<16xf32>)
        %reduce_min3A_2091 = arith.constant true
        %reduce_min3A_2092 = vector.broadcast %reduce_min3A_2091 : i1 to vector<16xi1>
        %reduce_min3A_2093 = tpu.scan <min>, %max3A masked %reduce_min3A_2092 : vector<16xf32>, vector<16xi1> -> vector<16xf32>
        %reduce_min3A_2094 = vector.extract %reduce_min3A_2093[15] : f32 from vector<16xf32>
        scf.yield %sort3A_2089, %reduce_min3A_2094 : vector<16xf32>, f32
      } else {
        scf.yield %cond3A_1956#0, %cond3A_1956#1 : vector<16xf32>, f32
      }
      %get3A_1970 = arith.constant 15 : i32
      %get3A_1971 = arith.index_cast %get3A_1970 : i32 to index
      %get3A_1972 = arith.constant 0 : index
      %get3A_1973 = tpu.vector_load %arg7[%get3A_1971, %get3A_1972] {strides = array<i32>} : memref<16x128xf32, #tpu.memory_space<vmem>>, vector<16xf32>,
      %reduce_max3A_1974 = arith.constant true
      %reduce_max3A_1975 = vector.broadcast %reduce_max3A_1974 : i1 to vector<16xi1>
      %reduce_max3A_1976 = tpu.scan <max>, %get3A_1973 masked %reduce_max3A_1975 : vector<16xf32>, vector<16xi1> -> vector<16xf32>
      %reduce_max3A_1977 = vector.extract %reduce_max3A_1976[15] : f32 from vector<16xf32>
      %gt3A_1978 = arith.cmpf ogt, %reduce_max3A_1977, %cond3A_1969#1 : f32
      %convert_element_type3A_1979 = arith.extui %gt3A_1978 : i1 to i32
      %cond3A_1980 = arith.constant 0 : i32
      %cond3A_1981 = arith.cmpi ne, %convert_element_type3A_1979, %cond3A_1980 : i32
      %cond3A_1982:2 = scf.if %cond3A_1981 -> (vector<16xf32>, f32) {
        %masked_sort3A_2083 = arith.constant dense<true> : vector<16xi1>
        %masked_sort3A_2084, %masked_sort3A_2085, %masked_sort3A_2086 = tpu.sort %get3A_1973, %iota3A masked %masked_sort3A_2083 {descending = true} : (vector<16xf32>, vector<16xi32>, vector<16xi1>) -> (vector<16xi1>, vector<16xf32>, vector<16xi32>)
        %max3A = arith.maximumf %cond3A_1969#0, %masked_sort3A_2085 : vector<16xf32>
        %sort3A_2087 = arith.constant dense<true> : vector<16xi1>
        %sort3A_2088, %sort3A_2089, %sort3A_2090 = tpu.sort %max3A, %max3A masked %sort3A_2087 : (vector<16xf32>, vector<16xf32>, vector<16xi1>) -> (vector<16xi1>, vector<16xf32>, vector<16xf32>)
        %reduce_min3A_2091 = arith.constant true
        %reduce_min3A_2092 = vector.broadcast %reduce_min3A_2091 : i1 to vector<16xi1>
        %reduce_min3A_2093 = tpu.scan <min>, %max3A masked %reduce_min3A_2092 : vector<16xf32>, vector<16xi1> -> vector<16xf32>
        %reduce_min3A_2094 = vector.extract %reduce_min3A_2093[15] : f32 from vector<16xf32>
        scf.yield %sort3A_2089, %reduce_min3A_2094 : vector<16xf32>, f32
      } else {
        scf.yield %cond3A_1969#0, %cond3A_1969#1 : vector<16xf32>, f32
      }
      %get3A_1983 = arith.constant 15 : i32
      %get3A_1984 = arith.index_cast %get3A_1983 : i32 to index
      %get3A_1985 = arith.constant 16 : index
      %get3A_1986 = tpu.vector_load %arg7[%get3A_1984, %get3A_1985] {strides = array<i32>} : memref<16x128xf32, #tpu.memory_space<vmem>>, vector<16xf32>,
      %reduce_max3A_1987 = arith.constant true
      %reduce_max3A_1988 = vector.broadcast %reduce_max3A_1987 : i1 to vector<16xi1>
      %reduce_max3A_1989 = tpu.scan <max>, %get3A_1986 masked %reduce_max3A_1988 : vector<16xf32>, vector<16xi1> -> vector<16xf32>
      %reduce_max3A_1990 = vector.extract %reduce_max3A_1989[15] : f32 from vector<16xf32>
      %gt3A_1991 = arith.cmpf ogt, %reduce_max3A_1990, %cond3A_1982#1 : f32
      %convert_element_type3A_1992 = arith.extui %gt3A_1991 : i1 to i32
      %cond3A_1993 = arith.constant 0 : i32
      %cond3A_1994 = arith.cmpi ne, %convert_element_type3A_1992, %cond3A_1993 : i32
      %cond3A_1995:2 = scf.if %cond3A_1994 -> (vector<16xf32>, f32) {
        %masked_sort3A_2083 = arith.constant dense<true> : vector<16xi1>
        %masked_sort3A_2084, %masked_sort3A_2085, %masked_sort3A_2086 = tpu.sort %get3A_1986, %iota3A masked %masked_sort3A_2083 {descending = true} : (vector<16xf32>, vector<16xi32>, vector<16xi1>) -> (vector<16xi1>, vector<16xf32>, vector<16xi32>)
        %max3A = arith.maximumf %cond3A_1982#0, %masked_sort3A_2085 : vector<16xf32>
        %sort3A_2087 = arith.constant dense<true> : vector<16xi1>
        %sort3A_2088, %sort3A_2089, %sort3A_2090 = tpu.sort %max3A, %max3A masked %sort3A_2087 : (vector<16xf32>, vector<16xf32>, vector<16xi1>) -> (vector<16xi1>, vector<16xf32>, vector<16xf32>)
        %reduce_min3A_2091 = arith.constant true
        %reduce_min3A_2092 = vector.broadcast %reduce_min3A_2091 : i1 to vector<16xi1>
        %reduce_min3A_2093 = tpu.scan <min>, %max3A masked %reduce_min3A_2092 : vector<16xf32>, vector<16xi1> -> vector<16xf32>
        %reduce_min3A_2094 = vector.extract %reduce_min3A_2093[15] : f32 from vector<16xf32>
        scf.yield %sort3A_2089, %reduce_min3A_2094 : vector<16xf32>, f32
      } else {
        scf.yield %cond3A_1982#0, %cond3A_1982#1 : vector<16xf32>, f32
      }
      %get3A_1996 = arith.constant 15 : i32
      %get3A_1997 = arith.index_cast %get3A_1996 : i32 to index
      %get3A_1998 = arith.constant 32 : index
      %get3A_1999 = tpu.vector_load %arg7[%get3A_1997, %get3A_1998] {strides = array<i32>} : memref<16x128xf32, #tpu.memory_space<vmem>>, vector<16xf32>,
      %reduce_max3A_2000 = arith.constant true
      %reduce_max3A_2001 = vector.broadcast %reduce_max3A_2000 : i1 to vector<16xi1>
      %reduce_max3A_2002 = tpu.scan <max>, %get3A_1999 masked %reduce_max3A_2001 : vector<16xf32>, vector<16xi1> -> vector<16xf32>
      %reduce_max3A_2003 = vector.extract %reduce_max3A_2002[15] : f32 from vector<16xf32>
      %gt3A_2004 = arith.cmpf ogt, %reduce_max3A_2003, %cond3A_1995#1 : f32
      %convert_element_type3A_2005 = arith.extui %gt3A_2004 : i1 to i32
      %cond3A_2006 = arith.constant 0 : i32
      %cond3A_2007 = arith.cmpi ne, %convert_element_type3A_2005, %cond3A_2006 : i32
      %cond3A_2008:2 = scf.if %cond3A_2007 -> (vector<16xf32>, f32) {
        %masked_sort3A_2083 = arith.constant dense<true> : vector<16xi1>
        %masked_sort3A_2084, %masked_sort3A_2085, %masked_sort3A_2086 = tpu.sort %get3A_1999, %iota3A masked %masked_sort3A_2083 {descending = true} : (vector<16xf32>, vector<16xi32>, vector<16xi1>) -> (vector<16xi1>, vector<16xf32>, vector<16xi32>)
        %max3A = arith.maximumf %cond3A_1995#0, %masked_sort3A_2085 : vector<16xf32>
        %sort3A_2087 = arith.constant dense<true> : vector<16xi1>
        %sort3A_2088, %sort3A_2089, %sort3A_2090 = tpu.sort %max3A, %max3A masked %sort3A_2087 : (vector<16xf32>, vector<16xf32>, vector<16xi1>) -> (vector<16xi1>, vector<16xf32>, vector<16xf32>)
        %reduce_min3A_2091 = arith.constant true
        %reduce_min3A_2092 = vector.broadcast %reduce_min3A_2091 : i1 to vector<16xi1>
        %reduce_min3A_2093 = tpu.scan <min>, %max3A masked %reduce_min3A_2092 : vector<16xf32>, vector<16xi1> -> vector<16xf32>
        %reduce_min3A_2094 = vector.extract %reduce_min3A_2093[15] : f32 from vector<16xf32>
        scf.yield %sort3A_2089, %reduce_min3A_2094 : vector<16xf32>, f32
      } else {
        scf.yield %cond3A_1995#0, %cond3A_1995#1 : vector<16xf32>, f32
      }
      %get3A_2009 = arith.constant 15 : i32
      %get3A_2010 = arith.index_cast %get3A_2009 : i32 to index
      %get3A_2011 = arith.constant 48 : index
      %get3A_2012 = tpu.vector_load %arg7[%get3A_2010, %get3A_2011] {strides = array<i32>} : memref<16x128xf32, #tpu.memory_space<vmem>>, vector<16xf32>,
      %reduce_max3A_2013 = arith.constant true
      %reduce_max3A_2014 = vector.broadcast %reduce_max3A_2013 : i1 to vector<16xi1>
      %reduce_max3A_2015 = tpu.scan <max>, %get3A_2012 masked %reduce_max3A_2014 : vector<16xf32>, vector<16xi1> -> vector<16xf32>
      %reduce_max3A_2016 = vector.extract %reduce_max3A_2015[15] : f32 from vector<16xf32>
      %gt3A_2017 = arith.cmpf ogt, %reduce_max3A_2016, %cond3A_2008#1 : f32
      %convert_element_type3A_2018 = arith.extui %gt3A_2017 : i1 to i32
      %cond3A_2019 = arith.constant 0 : i32
      %cond3A_2020 = arith.cmpi ne, %convert_element_type3A_2018, %cond3A_2019 : i32
      %cond3A_2021:2 = scf.if %cond3A_2020 -> (vector<16xf32>, f32) {
        %masked_sort3A_2083 = arith.constant dense<true> : vector<16xi1>
        %masked_sort3A_2084, %masked_sort3A_2085, %masked_sort3A_2086 = tpu.sort %get3A_2012, %iota3A masked %masked_sort3A_2083 {descending = true} : (vector<16xf32>, vector<16xi32>, vector<16xi1>) -> (vector<16xi1>, vector<16xf32>, vector<16xi32>)
        %max3A = arith.maximumf %cond3A_2008#0, %masked_sort3A_2085 : vector<16xf32>
        %sort3A_2087 = arith.constant dense<true> : vector<16xi1>
        %sort3A_2088, %sort3A_2089, %sort3A_2090 = tpu.sort %max3A, %max3A masked %sort3A_2087 : (vector<16xf32>, vector<16xf32>, vector<16xi1>) -> (vector<16xi1>, vector<16xf32>, vector<16xf32>)
        %reduce_min3A_2091 = arith.constant true
        %reduce_min3A_2092 = vector.broadcast %reduce_min3A_2091 : i1 to vector<16xi1>
        %reduce_min3A_2093 = tpu.scan <min>, %max3A masked %reduce_min3A_2092 : vector<16xf32>, vector<16xi1> -> vector<16xf32>
        %reduce_min3A_2094 = vector.extract %reduce_min3A_2093[15] : f32 from vector<16xf32>
        scf.yield %sort3A_2089, %reduce_min3A_2094 : vector<16xf32>, f32
      } else {
        scf.yield %cond3A_2008#0, %cond3A_2008#1 : vector<16xf32>, f32
      }
      %get3A_2022 = arith.constant 15 : i32
      %get3A_2023 = arith.index_cast %get3A_2022 : i32 to index
      %get3A_2024 = arith.constant 64 : index
      %get3A_2025 = tpu.vector_load %arg7[%get3A_2023, %get3A_2024] {strides = array<i32>} : memref<16x128xf32, #tpu.memory_space<vmem>>, vector<16xf32>,
      %reduce_max3A_2026 = arith.constant true
      %reduce_max3A_2027 = vector.broadcast %reduce_max3A_2026 : i1 to vector<16xi1>
      %reduce_max3A_2028 = tpu.scan <max>, %get3A_2025 masked %reduce_max3A_2027 : vector<16xf32>, vector<16xi1> -> vector<16xf32>
      %reduce_max3A_2029 = vector.extract %reduce_max3A_2028[15] : f32 from vector<16xf32>
      %gt3A_2030 = arith.cmpf ogt, %reduce_max3A_2029, %cond3A_2021#1 : f32
      %convert_element_type3A_2031 = arith.extui %gt3A_2030 : i1 to i32
      %cond3A_2032 = arith.constant 0 : i32
      %cond3A_2033 = arith.cmpi ne, %convert_element_type3A_2031, %cond3A_2032 : i32
      %cond3A_2034:2 = scf.if %cond3A_2033 -> (vector<16xf32>, f32) {
        %masked_sort3A_2083 = arith.constant dense<true> : vector<16xi1>
        %masked_sort3A_2084, %masked_sort3A_2085, %masked_sort3A_2086 = tpu.sort %get3A_2025, %iota3A masked %masked_sort3A_2083 {descending = true} : (vector<16xf32>, vector<16xi32>, vector<16xi1>) -> (vector<16xi1>, vector<16xf32>, vector<16xi32>)
        %max3A = arith.maximumf %cond3A_2021#0, %masked_sort3A_2085 : vector<16xf32>
        %sort3A_2087 = arith.constant dense<true> : vector<16xi1>
        %sort3A_2088, %sort3A_2089, %sort3A_2090 = tpu.sort %max3A, %max3A masked %sort3A_2087 : (vector<16xf32>, vector<16xf32>, vector<16xi1>) -> (vector<16xi1>, vector<16xf32>, vector<16xf32>)
        %reduce_min3A_2091 = arith.constant true
        %reduce_min3A_2092 = vector.broadcast %reduce_min3A_2091 : i1 to vector<16xi1>
        %reduce_min3A_2093 = tpu.scan <min>, %max3A masked %reduce_min3A_2092 : vector<16xf32>, vector<16xi1> -> vector<16xf32>
        %reduce_min3A_2094 = vector.extract %reduce_min3A_2093[15] : f32 from vector<16xf32>
        scf.yield %sort3A_2089, %reduce_min3A_2094 : vector<16xf32>, f32
      } else {
        scf.yield %cond3A_2021#0, %cond3A_2021#1 : vector<16xf32>, f32
      }
      %get3A_2035 = arith.constant 15 : i32
      %get3A_2036 = arith.index_cast %get3A_2035 : i32 to index
      %get3A_2037 = arith.constant 80 : index
      %get3A_2038 = tpu.vector_load %arg7[%get3A_2036, %get3A_2037] {strides = array<i32>} : memref<16x128xf32, #tpu.memory_space<vmem>>, vector<16xf32>,
      %reduce_max3A_2039 = arith.constant true
      %reduce_max3A_2040 = vector.broadcast %reduce_max3A_2039 : i1 to vector<16xi1>
      %reduce_max3A_2041 = tpu.scan <max>, %get3A_2038 masked %reduce_max3A_2040 : vector<16xf32>, vector<16xi1> -> vector<16xf32>
      %reduce_max3A_2042 = vector.extract %reduce_max3A_2041[15] : f32 from vector<16xf32>
      %gt3A_2043 = arith.cmpf ogt, %reduce_max3A_2042, %cond3A_2034#1 : f32
      %convert_element_type3A_2044 = arith.extui %gt3A_2043 : i1 to i32
      %cond3A_2045 = arith.constant 0 : i32
      %cond3A_2046 = arith.cmpi ne, %convert_element_type3A_2044, %cond3A_2045 : i32
      %cond3A_2047:2 = scf.if %cond3A_2046 -> (vector<16xf32>, f32) {
        %masked_sort3A_2083 = arith.constant dense<true> : vector<16xi1>
        %masked_sort3A_2084, %masked_sort3A_2085, %masked_sort3A_2086 = tpu.sort %get3A_2038, %iota3A masked %masked_sort3A_2083 {descending = true} : (vector<16xf32>, vector<16xi32>, vector<16xi1>) -> (vector<16xi1>, vector<16xf32>, vector<16xi32>)
        %max3A = arith.maximumf %cond3A_2034#0, %masked_sort3A_2085 : vector<16xf32>
        %sort3A_2087 = arith.constant dense<true> : vector<16xi1>
        %sort3A_2088, %sort3A_2089, %sort3A_2090 = tpu.sort %max3A, %max3A masked %sort3A_2087 : (vector<16xf32>, vector<16xf32>, vector<16xi1>) -> (vector<16xi1>, vector<16xf32>, vector<16xf32>)
        %reduce_min3A_2091 = arith.constant true
        %reduce_min3A_2092 = vector.broadcast %reduce_min3A_2091 : i1 to vector<16xi1>
        %reduce_min3A_2093 = tpu.scan <min>, %max3A masked %reduce_min3A_2092 : vector<16xf32>, vector<16xi1> -> vector<16xf32>
        %reduce_min3A_2094 = vector.extract %reduce_min3A_2093[15] : f32 from vector<16xf32>
        scf.yield %sort3A_2089, %reduce_min3A_2094 : vector<16xf32>, f32
      } else {
        scf.yield %cond3A_2034#0, %cond3A_2034#1 : vector<16xf32>, f32
      }
      %get3A_2048 = arith.constant 15 : i32
      %get3A_2049 = arith.index_cast %get3A_2048 : i32 to index
      %get3A_2050 = arith.constant 96 : index
      %get3A_2051 = tpu.vector_load %arg7[%get3A_2049, %get3A_2050] {strides = array<i32>} : memref<16x128xf32, #tpu.memory_space<vmem>>, vector<16xf32>,
      %reduce_max3A_2052 = arith.constant true
      %reduce_max3A_2053 = vector.broadcast %reduce_max3A_2052 : i1 to vector<16xi1>
      %reduce_max3A_2054 = tpu.scan <max>, %get3A_2051 masked %reduce_max3A_2053 : vector<16xf32>, vector<16xi1> -> vector<16xf32>
      %reduce_max3A_2055 = vector.extract %reduce_max3A_2054[15] : f32 from vector<16xf32>
      %gt3A_2056 = arith.cmpf ogt, %reduce_max3A_2055, %cond3A_2047#1 : f32
      %convert_element_type3A_2057 = arith.extui %gt3A_2056 : i1 to i32
      %cond3A_2058 = arith.constant 0 : i32
      %cond3A_2059 = arith.cmpi ne, %convert_element_type3A_2057, %cond3A_2058 : i32
      %cond3A_2060:2 = scf.if %cond3A_2059 -> (vector<16xf32>, f32) {
        %masked_sort3A_2083 = arith.constant dense<true> : vector<16xi1>
        %masked_sort3A_2084, %masked_sort3A_2085, %masked_sort3A_2086 = tpu.sort %get3A_2051, %iota3A masked %masked_sort3A_2083 {descending = true} : (vector<16xf32>, vector<16xi32>, vector<16xi1>) -> (vector<16xi1>, vector<16xf32>, vector<16xi32>)
        %max3A = arith.maximumf %cond3A_2047#0, %masked_sort3A_2085 : vector<16xf32>
        %sort3A_2087 = arith.constant dense<true> : vector<16xi1>
        %sort3A_2088, %sort3A_2089, %sort3A_2090 = tpu.sort %max3A, %max3A masked %sort3A_2087 : (vector<16xf32>, vector<16xf32>, vector<16xi1>) -> (vector<16xi1>, vector<16xf32>, vector<16xf32>)
        %reduce_min3A_2091 = arith.constant true
        %reduce_min3A_2092 = vector.broadcast %reduce_min3A_2091 : i1 to vector<16xi1>
        %reduce_min3A_2093 = tpu.scan <min>, %max3A masked %reduce_min3A_2092 : vector<16xf32>, vector<16xi1> -> vector<16xf32>
        %reduce_min3A_2094 = vector.extract %reduce_min3A_2093[15] : f32 from vector<16xf32>
        scf.yield %sort3A_2089, %reduce_min3A_2094 : vector<16xf32>, f32
      } else {
        scf.yield %cond3A_2047#0, %cond3A_2047#1 : vector<16xf32>, f32
      }
      %get3A_2061 = arith.constant 15 : i32
      %get3A_2062 = arith.index_cast %get3A_2061 : i32 to index
      %get3A_2063 = arith.constant 112 : index
      %get3A_2064 = tpu.vector_load %arg7[%get3A_2062, %get3A_2063] {strides = array<i32>} : memref<16x128xf32, #tpu.memory_space<vmem>>, vector<16xf32>,
      %reduce_max3A_2065 = arith.constant true
      %reduce_max3A_2066 = vector.broadcast %reduce_max3A_2065 : i1 to vector<16xi1>
      %reduce_max3A_2067 = tpu.scan <max>, %get3A_2064 masked %reduce_max3A_2066 : vector<16xf32>, vector<16xi1> -> vector<16xf32>
      %reduce_max3A_2068 = vector.extract %reduce_max3A_2067[15] : f32 from vector<16xf32>
      %gt3A_2069 = arith.cmpf ogt, %reduce_max3A_2068, %cond3A_2060#1 : f32
      %convert_element_type3A_2070 = arith.extui %gt3A_2069 : i1 to i32
      %cond3A_2071 = arith.constant 0 : i32
      %cond3A_2072 = arith.cmpi ne, %convert_element_type3A_2070, %cond3A_2071 : i32
      %cond3A_2073:2 = scf.if %cond3A_2072 -> (vector<16xf32>, f32) {
        %masked_sort3A_2083 = arith.constant dense<true> : vector<16xi1>
        %masked_sort3A_2084, %masked_sort3A_2085, %masked_sort3A_2086 = tpu.sort %get3A_2064, %iota3A masked %masked_sort3A_2083 {descending = true} : (vector<16xf32>, vector<16xi32>, vector<16xi1>) -> (vector<16xi1>, vector<16xf32>, vector<16xi32>)
        %max3A = arith.maximumf %cond3A_2060#0, %masked_sort3A_2085 : vector<16xf32>
        %sort3A_2087 = arith.constant dense<true> : vector<16xi1>
        %sort3A_2088, %sort3A_2089, %sort3A_2090 = tpu.sort %max3A, %max3A masked %sort3A_2087 : (vector<16xf32>, vector<16xf32>, vector<16xi1>) -> (vector<16xi1>, vector<16xf32>, vector<16xf32>)
        %reduce_min3A_2091 = arith.constant true
        %reduce_min3A_2092 = vector.broadcast %reduce_min3A_2091 : i1 to vector<16xi1>
        %reduce_min3A_2093 = tpu.scan <min>, %max3A masked %reduce_min3A_2092 : vector<16xf32>, vector<16xi1> -> vector<16xf32>
        %reduce_min3A_2094 = vector.extract %reduce_min3A_2093[15] : f32 from vector<16xf32>
        scf.yield %sort3A_2089, %reduce_min3A_2094 : vector<16xf32>, f32
      } else {
        scf.yield %cond3A_2060#0, %cond3A_2060#1 : vector<16xf32>, f32
      }
      %reduce_sum3A = arith.constant true
      %reduce_sum3A_2074 = vector.broadcast %reduce_sum3A : i1 to vector<16xi1>
      %reduce_sum3A_2075 = tpu.scan <sum>, %cond3A_2073#0 masked %reduce_sum3A_2074 : vector<16xf32>, vector<16xi1> -> vector<16xf32>
      %reduce_sum3A_2076 = vector.extract %reduce_sum3A_2075[15] : f32 from vector<16xf32>
      %mul3A_2077 = arith.constant 6.250000e-02 : f32
      %mul3A_2078 = arith.mulf %reduce_sum3A_2076, %mul3A_2077 : f32
      %broadcast_in_dim3A_2079 = vector.broadcast %mul3A_2078 : f32 to vector<16xf32>
      %swap3A_2080 = arith.index_cast %scan3A_9 : i32 to index
      %swap3A_2081 = arith.constant 0 : index
      %swap3A_2082 = tpu.vector_load %arg8[%swap3A_2080, %swap3A_2081] {strides = array<i32>} : memref<24x16xf32, #tpu.memory_space<vmem>>, vector<16xf32>,
      tpu.vector_store %arg8[%swap3A_2080, %swap3A_2081], %broadcast_in_dim3A_2079 {strides = array<i32>} : memref<24x16xf32, #tpu.memory_space<vmem>>, vector<16xf32>,
    }
    %scan3A_6 = arith.constant 24 : i32
    %mul3A_7 = arith.constant 24 : i32
    %mul3A_8 = arith.muli %add3A, %mul3A_7 : i32
    "tpu.region"() ({
      %run_scoped3A = tpu.sem_alloc : memref<!tpu.dma_semaphore, #tpu.memory_space<semaphore_mem>>
      %dma_start3A = arith.constant 0 : i32
      %dma_start3A_9 = tpu.memref_slice %arg4[%mul3A_8, %dma_start3A] : memref<768x16xf32, #tpu.memory_space<hbm>> -> memref<24x16xf32, #tpu.memory_space<hbm>>
      %dma_start3A_10 = arith.constant 0 : i32
      %dma_start3A_11 = tpu.memref_slice %arg4[%mul3A_8, %dma_start3A_10] : memref<768x16xf32, #tpu.memory_space<hbm>> -> memref<24x16xf32, #tpu.memory_space<hbm>>
      tpu.enqueue_dma source(%arg8 : memref<24x16xf32, #tpu.memory_space<vmem>>) target(%dma_start3A_11 : memref<24x16xf32, #tpu.memory_space<hbm>>) target_semaphore(%run_scoped3A : memref<!tpu.dma_semaphore, #tpu.memory_space<semaphore_mem>>)
      %dma_wait3A = arith.constant 0 : i32
      %dma_wait3A_12 = tpu.memref_slice %arg4[%mul3A_8, %dma_wait3A] : memref<768x16xf32, #tpu.memory_space<hbm>> -> memref<24x16xf32, #tpu.memory_space<hbm>>
      %dma_wait3A_13 = arith.constant 0 : i32
      %dma_wait3A_14 = tpu.memref_slice %arg4[%mul3A_8, %dma_wait3A_13] : memref<768x16xf32, #tpu.memory_space<hbm>> -> memref<24x16xf32, #tpu.memory_space<hbm>>
      tpu.wait_dma2 semaphore(%run_scoped3A : memref<!tpu.dma_semaphore, #tpu.memory_space<semaphore_mem>>) src(%arg8 : memref<24x16xf32, #tpu.memory_space<vmem>>) dst(%dma_wait3A_14 : memref<24x16xf32, #tpu.memory_space<hbm>>)
      tpu.yield
    }) : () -> ()
    return
  }
}

module attributes {stable_mosaic.version = 14 : i64} {
  func.func @_relayout_body(%arg0: i32, %arg1: i32, %arg2: memref<1x16x96x224xf32, #tpu.memory_space<vmem>>, %arg3: memref<2688x128xf32, #tpu.memory_space<vmem>>, %arg4: memref<1x21x128xf32, #tpu.memory_space<vmem>>) attributes {dimension_semantics = [#tpu.dimension_semantics<arbitrary>, #tpu.dimension_semantics<arbitrary>], iteration_bounds = array<i64: 8, 14>, scalar_prefetch = 0 : i64, scratch_operands = 0 : i64, tpu.core_type = #tpu.core_type<tc>, window_params = [{transform_indices = @transform_0, window_bounds = array<i64: 1, 16, 96, 224>}, {transform_indices = @transform_1, window_bounds = array<i64: 2688, 128>}, {transform_indices = @transform_2, window_bounds = array<i64: 1, 21, 128>}]} {
    %get3A = arith.constant 0 : index
    %get3A_0 = arith.constant 0 : index
    %get3A_1 = arith.constant 0 : index
    %get3A_2 = arith.constant 0 : index
    %get3A_3 = vector.load %arg2[%get3A, %get3A_0, %get3A_1, %get3A_2] : memref<1x16x96x224xf32, #tpu.memory_space<vmem>>, vector<1x16x96x224xf32>
    %get3A_4 = vector.shape_cast %get3A_3 : vector<1x16x96x224xf32> to vector<16x96x224xf32>
    %transpose3A = tpu.transpose %get3A_4, [0, 2, 1] : vector<16x96x224xf32> -> vector<16x224x96xf32>
    %reshape3A = vector.shape_cast %transpose3A : vector<16x224x96xf32> to vector<896x4x96xf32>
    %slice3A = vector.extract_strided_slice %reshape3A {offsets = [0, 0, 0], sizes = [896, 1, 96], strides = [1, 1, 1]} : vector<896x4x96xf32> to vector<896x1x96xf32>
    %squeeze3A = vector.shape_cast %slice3A : vector<896x1x96xf32> to vector<896x96xf32>
    %slice3A_5 = vector.extract_strided_slice %reshape3A {offsets = [0, 1, 0], sizes = [896, 1, 96], strides = [1, 1, 1]} : vector<896x4x96xf32> to vector<896x1x96xf32>
    %squeeze3A_6 = vector.shape_cast %slice3A_5 : vector<896x1x96xf32> to vector<896x96xf32>
    %slice3A_7 = vector.extract_strided_slice %reshape3A {offsets = [0, 2, 0], sizes = [896, 1, 96], strides = [1, 1, 1]} : vector<896x4x96xf32> to vector<896x1x96xf32>
    %squeeze3A_8 = vector.shape_cast %slice3A_7 : vector<896x1x96xf32> to vector<896x96xf32>
    %slice3A_9 = vector.extract_strided_slice %reshape3A {offsets = [0, 3, 0], sizes = [896, 1, 96], strides = [1, 1, 1]} : vector<896x4x96xf32> to vector<896x1x96xf32>
    %squeeze3A_10 = vector.shape_cast %slice3A_9 : vector<896x1x96xf32> to vector<896x96xf32>
    %slice3A_11 = vector.extract_strided_slice %squeeze3A_6 {offsets = [0, 0], sizes = [896, 32], strides = [1, 1]} : vector<896x96xf32> to vector<896x32xf32>
    %concatenate3A = tpu.concatenate %squeeze3A, %slice3A_11 in 1 : vector<896x96xf32>, vector<896x32xf32> -> vector<896x128xf32>
    %slice3A_12 = vector.extract_strided_slice %squeeze3A_6 {offsets = [0, 32], sizes = [896, 64], strides = [1, 1]} : vector<896x96xf32> to vector<896x64xf32>
    %slice3A_13 = vector.extract_strided_slice %squeeze3A_8 {offsets = [0, 0], sizes = [896, 64], strides = [1, 1]} : vector<896x96xf32> to vector<896x64xf32>
    %concatenate3A_14 = tpu.concatenate %slice3A_12, %slice3A_13 in 1 : vector<896x64xf32>, vector<896x64xf32> -> vector<896x128xf32>
    %slice3A_15 = vector.extract_strided_slice %squeeze3A_8 {offsets = [0, 64], sizes = [896, 32], strides = [1, 1]} : vector<896x96xf32> to vector<896x32xf32>
    %concatenate3A_16 = tpu.concatenate %slice3A_15, %squeeze3A_10 in 1 : vector<896x32xf32>, vector<896x96xf32> -> vector<896x128xf32>
    %stack3A = vector.shape_cast %concatenate3A : vector<896x128xf32> to vector<896x1x128xf32>
    %stack3A_17 = vector.shape_cast %concatenate3A_14 : vector<896x128xf32> to vector<896x1x128xf32>
    %stack3A_18 = vector.shape_cast %concatenate3A_16 : vector<896x128xf32> to vector<896x1x128xf32>
    %stack3A_19 = tpu.concatenate %stack3A, %stack3A_17, %stack3A_18 in 1 : vector<896x1x128xf32>, vector<896x1x128xf32>, vector<896x1x128xf32> -> vector<896x3x128xf32>
    %reshape3A_20 = vector.shape_cast %stack3A_19 : vector<896x3x128xf32> to vector<2688x128xf32>
    %swap3A = arith.constant 0 : index
    %swap3A_21 = arith.constant 0 : index
    %swap3A_22 = vector.load %arg3[%swap3A, %swap3A_21] : memref<2688x128xf32, #tpu.memory_space<vmem>>, vector<2688x128xf32>
    tpu.vector_store %arg3[%swap3A, %swap3A_21], %reshape3A_20 {strides = array<i32>} : memref<2688x128xf32, #tpu.memory_space<vmem>>, vector<2688x128xf32>,
    %reshape3A_23 = vector.shape_cast %reshape3A_20 : vector<2688x128xf32> to vector<21x128x128xf32>
    %reduce_max3A = arith.constant dense<0xFF800000> : vector<21x128xf32>
    %reduce_max3A_24 = vector.multi_reduction <maximumf>, %reshape3A_23, %reduce_max3A [2] : vector<21x128x128xf32> to vector<21x128xf32>
    %broadcast_in_dim3A = vector.shape_cast %reduce_max3A_24 : vector<21x128xf32> to vector<1x21x128xf32>
    %swap3A_25 = arith.constant 0 : index
    %swap3A_26 = arith.constant 0 : index
    %swap3A_27 = arith.constant 0 : index
    %swap3A_28 = vector.load %arg4[%swap3A_25, %swap3A_26, %swap3A_27] : memref<1x21x128xf32, #tpu.memory_space<vmem>>, vector<1x21x128xf32>
    tpu.vector_store %arg4[%swap3A_25, %swap3A_26, %swap3A_27], %broadcast_in_dim3A {strides = array<i32>} : memref<1x21x128xf32, #tpu.memory_space<vmem>>, vector<1x21x128xf32>,
    return
  }
  func.func @transform_0(%arg0: i32, %arg1: i32) -> (i32, i32, i32, i32) {
    %c0_i32 = arith.constant 0 : i32
    %c0_i32_0 = arith.constant 0 : i32
    %c0_i32_1 = arith.constant 0 : i32
    return %arg0, %arg1, %c0_i32, %c0_i32_0 : i32, i32, i32, i32
  }
  func.func @transform_1(%arg0: i32, %arg1: i32) -> (i32, i32) {
    %mul3A = arith.constant 14 : i32
    %mul3A_0 = arith.muli %arg0, %mul3A : i32
    %add3A = arith.addi %mul3A_0, %arg1 : i32
    %c0_i32 = arith.constant 0 : i32
    %c0_i32_1 = arith.constant 0 : i32
    return %add3A, %c0_i32 : i32, i32
  }
  func.func @transform_2(%arg0: i32, %arg1: i32) -> (i32, i32, i32) {
    %mul3A = arith.constant 14 : i32
    %mul3A_0 = arith.muli %arg0, %mul3A : i32
    %add3A = arith.addi %mul3A_0, %arg1 : i32
    %c0_i32 = arith.constant 0 : i32
    %c0_i32_1 = arith.constant 0 : i32
    %c0_i32_2 = arith.constant 0 : i32
    return %add3A, %c0_i32, %c0_i32_1 : i32, i32, i32
  }
}

</mosaic_0001>

<sc_bundles>
// kernel: kernel.4.cloned.1.call-start
scs
__scs_entry_jumppad:
0x0: {  	(pc) =	sbr.rel $0x88, $3  }
0x1: {  	(tag) =	ssettag $0x0;
	lr =	simm.s32 $0x1  }
0x2: {  	[smem:$0x3FA0] =	sst lr;
	_ =	strace $0xD0000000  }
0x3: {  	_ = 	snop  }
0x4: {  	_ = 	snop  }
0x5: {  	_ = 	snop  }
0x6: {  	_ = 	snop  }
0x7: {  	_ = 	snop  }
__scs_overlays_trampoline_lowered:
0x8: {  	[smem:$0x3FAF] =	sst s0  }
0x9: {  	[smem:$0x3FB0] =	sst s1  }
0xa: {  	[smem:$0x3FB1] =	sst s2  }
0xb: {  	[smem:$0x3FB2] =	sst s3  }
0xc: {  	[smem:$0x3FB3] =	sst s4  }
0xd: {  	[smem:$0x3FB4] =	sst s5  }
0xe: {  	[smem:$0x3FB5] =	sst s6  }
0xf: {  	[smem:$0x3FB6] =	sst s7  }
0x10: {  	[smem:$0x3FB7] =	sst s8  }
0x11: {  	[smem:$0x3FB8] =	sst s9;
	s0 =	simm.s32 @!p0 $0x0  }
0x12: {  	s1 =	sld [smem:$0x3F9E];
	s0 =	simm.s32 @p0 $0x1  }
0x13: {  	[smem:$0x3FB9] =	sst s0;
	s0 =	simm.s32 @!p1 $0x0  }
0x14: {  	s2 =	sld [smem:$0x3F9D];
	s0 =	simm.s32 @p1 $0x1  }
0x15: {  	[smem:$0x3FBA] =	sst s0;
	s0 =	simm.s32 @!p2 $0x0  }
0x16: {  	s3 =	sld [smem:$0x3FDB];
	s0 =	simm.s32 @p2 $0x1  }
0x17: {  	s4 =	simm.s32 $0x1BF5;
	[smem:$0x3FBC] =	sst s0  }
0x18: {  	s0 =	sld [smem:$0x3F9F];
	_ =	swait.ge [sflag:s4], $0x0  }
0x19: {  	s7 =	sld [smem:$0x3FA0]  }
0x1a: {  	s8 =	sadd.s32 $0xFFFFE003, lr  }
0x1b: {  	s9 =	sadd.s32 $0xFFFFFEF7, lr;
	s5 =	simm.s32 $0xFFFFFFFF;
	p2 =	slt.u32 s8, $0xFFFFF086  }
0x1c: {  	p1 =	slt.u32 s9, $0xF7A;
	s5 =	simm.s32 @!p2 $0x0  }
0x1d: {  	s5 =	simm.s32 @p1 $0x1;
	p0 =	seq.s32 s7, s2  }
0x1e: {  	s7 =	smul.u32 @!p0 $0xF7A, s2;
	p2 =	seq.s32 @!p0 s5, $0x0  }
0x1f: {  	s9 =	smul.u32 $0xF7A, s1;
	s8 =	simm.s32 @!p0 $0x1BF5;
	p2 =	por !p2, p0  }
0x20: {  	[sflag:s8] =	ssyncset.s32 @!p0 $0xFFFFF086;
	s6 =	sadd.s32 @!p0 s3, s7;
	s7 =	simm.s32 @!p0 $0x108  }
0x21: {  	s3 =	sadd.s32 s3, s9;
	s6 =	sadd.s32 @!p0 $0x88, s6;
	s7 =	simm.s32 @p2 $0x1082  }
0x22: {  	[simem:s7], [sflag:s8] =	dma.local @!p0 [hbm:s6], $0xF7A  }
0x23: {  	s9 =	sor.u32 $0xD0000000, s2;
	s6 =	simm.s32 $0x108;
	_ =	swait.ge @!p0 [sflag:s8], $0x0  }
0x24: {  	s3 =	sadd.s32 $0x88, s3;
	s6 =	simm.s32 @!p1 $0x1082;
	[sflag:s4] =	ssyncset.s32 $0xFFFFF086  }
0x25: {  	[simem:s6], [sflag:s4] =	dma.local [hbm:s3], $0xF7A  }
0x26: {  	[smem:$0x3FA0] =	sst s1;
	(tag) =	ssettag s2;
	_ =	strace s9  }
0x27: {  	s1 =	sld [smem:$0x3FB0]  }
0x28: {  	s2 =	sld [smem:$0x3FB1]  }
0x29: {  	s4 =	sld [smem:$0x3FB3]  }
0x2a: {  	p0 =	seq.s32 s5, $0x0;
	s5 =	sld [smem:$0x3FB4]  }
0x2b: {  	s6 =	sld [smem:$0x3FB5]  }
0x2c: {  	s7 =	sld [smem:$0x3FB6]  }
0x2d: {  	s3 =	simm.s32 $0x108;
	s8 =	sld [smem:$0x3FB7]  }
0x2e: {  	s3 =	simm.s32 @!p0 $0x1082;
	s9 =	sld [smem:$0x3FB8]  }
0x2f: {  	lr =	sadd.s32 s0, s3;
	s0 =	sld [smem:$0x3FAF]  }
0x30: {  	s3 =	sld [smem:$0x3FB2]  }
0x31: {  	[smem:$0x3FBB] =	sst s10  }
0x32: {  	s10 =	sld [smem:$0x3FB9];
	_ =	sdelay $0x3  }
0x33: {  	p0 =	seq.s32 s10, $0x1;
	s10 =	sld [smem:$0x3FBB];
	_ =	sdelay $0x3  }
0x34: {  	[smem:$0x3FBB] =	sst s10  }
0x35: {  	s10 =	sld [smem:$0x3FBA];
	_ =	sdelay $0x3  }
0x36: {  	p1 =	seq.s32 s10, $0x1;
	s10 =	sld [smem:$0x3FBB];
	_ =	sdelay $0x3  }
0x37: {  	[smem:$0x3FBB] =	sst s10  }
0x38: {  	s10 =	sld [smem:$0x3FBC]  }
0x39: {  	_ = 	snop;
	(pc) =	sbr.ind lr, $3  }
0x3a: {  	_ = 	snop  }
0x3b: {  	_ = 	snop  }
0x3c: {  	p2 =	seq.s32 s10, $0x1;
	s10 =	sld [smem:$0x3FBB]  }
0x3d: {  	_ =	shalt  }
0x3e: {  	_ =	shalt  }
0x3f: {  	_ =	shalt  }
0x40: {  	_ =	shalt  }
0x41: {  	_ =	shalt  }
0x42: {  	_ =	shalt  }
0x43: {  	_ =	shalt  }
0x44: {  	_ =	shalt  }
0x45: {  	_ =	shalt  }
0x46: {  	_ =	shalt  }
0x47: {  	_ =	shalt  }
0x48: {  	_ =	shalt  }
0x49: {  	_ =	shalt  }
0x4a: {  	_ =	shalt  }
0x4b: {  	_ =	shalt  }
0x4c: {  	_ =	shalt  }
0x4d: {  	_ =	shalt  }
0x4e: {  	_ =	shalt  }
0x4f: {  	_ =	shalt  }
0x50: {  	_ =	shalt  }
0x51: {  	_ =	shalt  }
0x52: {  	_ =	shalt  }
0x53: {  	_ =	shalt  }
0x54: {  	_ =	shalt  }
0x55: {  	_ =	shalt  }
0x56: {  	_ =	shalt  }
0x57: {  	_ =	shalt  }
0x58: {  	_ =	shalt  }
0x59: {  	_ =	shalt  }
0x5a: {  	_ =	shalt  }
0x5b: {  	_ =	shalt  }
0x5c: {  	_ =	shalt  }
0x5d: {  	_ =	shalt  }
0x5e: {  	_ =	shalt  }
0x5f: {  	_ =	shalt  }
0x60: {  	_ =	shalt  }
0x61: {  	_ =	shalt  }
0x62: {  	_ =	shalt  }
0x63: {  	_ =	shalt  }
0x64: {  	_ =	shalt  }
0x65: {  	_ =	shalt  }
0x66: {  	_ =	shalt  }
0x67: {  	_ =	shalt  }
0x68: {  	_ =	shalt  }
0x69: {  	_ =	shalt  }
0x6a: {  	_ =	shalt  }
0x6b: {  	_ =	shalt  }
0x6c: {  	_ =	shalt  }
0x6d: {  	_ =	shalt  }
0x6e: {  	_ =	shalt  }
0x6f: {  	_ =	shalt  }
0x70: {  	_ =	shalt  }
0x71: {  	_ =	shalt  }
0x72: {  	_ =	shalt  }
0x73: {  	_ =	shalt  }
0x74: {  	_ =	shalt  }
0x75: {  	_ =	shalt  }
0x76: {  	_ =	shalt  }
0x77: {  	_ =	shalt  }
0x78: {  	_ =	shalt  }
0x79: {  	_ =	shalt  }
0x7a: {  	_ =	shalt  }
0x7b: {  	_ =	shalt  }
0x7c: {  	_ =	shalt  }
0x7d: {  	_ =	shalt  }
0x7e: {  	_ =	shalt  }
0x7f: {  	_ =	shalt  }
0x80: {  	_ =	shalt  }
0x81: {  	_ =	shalt  }
0x82: {  	_ =	shalt  }
0x83: {  	_ =	shalt  }
0x84: {  	_ =	shalt  }
0x85: {  	_ =	shalt  }
0x86: {  	_ =	shalt  }
0x87: {  	_ =	shalt  }
.Lfunc_end0:
.L_simem_size_0:
called_computation_lowered:
.L_overlay_start_0:
0x88: {  	s2 =	sld [smem:$0x3FD9]  }
0x89: {  	s3 =	sld [smem:$0x3FFE];
	_ =	sdelay $0x1  }
0x8a: {  	s1 =	srdreg.scid  }
0x8b: {  	s0 =	sand.u32 $0x1, s1  }
0x8c: {  	s16 =	sshll.u32 s0, $0xA;
	s2 =	sadd.s32 s3, s2  }
0x8d: {  	s2 =	sadd.s32 s2, s16  }
0x8e: {  	[smem:$0x3FC7] =	sst s2  }
0x8f: {  	_ = 	snop  }
0x90: {  	(tm) =	ssettm $0x1  }
0x91: {  	s17 =	sld [smem:$0x3FFB];
	_ =	sdelay $0x3  }
0x92: {  	_ =	strace s17  }
0x93: {  	s2 =	sld [smem:$0x3FFC];
	_ =	sdelay $0x3  }
0x94: {  	_ =	strace s2  }
0x95: {  	s2 =	sld [smem:$0x3FFD];
	_ =	sdelay $0x3  }
0x96: {  	_ =	strace s2  }
0x97: {  	_ =	strace $0x8FFFFFFF  }
0x98: {  	s18 =	sld [smem:$0x3FDB];
	_ =	sdelay $0x1  }
0x99: {  	s19 =	simm.s32 $_scs_section_size  }
0x9a: {  	s4 =	simm.s32 $_size__tile_overlayer_lowered;
	s5 =	simm.s32 $_tile_overlayer_lowered  }
0x9b: {  	s22 =	simm.s32 $0x1BFF;
	s21 =	sshll.u32 s5, $0x1;
	s2 =	sadd.s32 s19, s18  }
0x9c: {  	s6 =	simm.s32 $0x0;
	s20 =	sshll.u32 s4, $0x1;
	s4 =	sadd.s32 s21, s2  }
0x9d: {  	[timem:s6], [sflag:s22] =	dma.local [hbm:s4], s20  }
0x9e: {  	_ =	swait.ge [sflag:s22], s20  }
0x9f: {  	s3 =	ssub.s32 $0x0, s20;
	[sflag:s22] =	ssyncset.done $0x0  }
0xa0: {  	[sflag:s22] =	ssyncadd.s32 s3;
	_ =	sdelay $0x1  }
0xa1: {  	s23 =	simm.s32 $0x1B8B  }
0xa2: {  	_ =	swait.ge [sflag:s23], $0x1  }
0xa3: {  	[sflag:s23] =	ssyncset.done $0x0  }
0xa4: {  	s25 =	simm.s32 $0x1B8E;
	s24 =	sld [smem:$0x3FFE];
	[sflag:s23] =	ssyncadd.s32 $0xFFFFFFFF  }
0xa5: {  	s26 =	simm.s32 $execute0_lowered;
	[smem:$0x3FD2] =	sst s25  }
0xa6: {  	s4 =	sshll.u32 s26, $0x1;
	_ =	strace $0x80000046;
	[dreg:$0x1] =	wrdreg $0xFFFFFFFF  }
0xa7: {  	s28 =	simm.s32 $_size_execute0_lowered;
	s2 =	sadd.s32 s2, s4;
	[dreg:$0x0] =	wrdreg $0x0  }
0xa8: {  	s4 =	sshll.u32 s28, $0x1;
	[dreg:$0x2] =	wrdreg s2  }
0xa9: {  	[dreg:$0x3] =	wrdreg s4  }
0xaa: {  	[dreg:$0x4] =	wrdreg $0xC0  }
0xab: {  	_ =	task [dreg:s6], $0x5FFFF  }
0xac: {  	[dreg:$0x1] =	wrdreg $0xFFFFFFFF  }
0xad: {  	[dreg:$0x0] =	wrdreg $0x60  }
0xae: {  	[dreg:$0x2] =	wrdreg s24  }
0xaf: {  	[dreg:$0x3] =	wrdreg $0x9  }
0xb0: {  	_ =	task.clear_ibuf [dreg:s6], $0x4FFFF;
	_ =	strace $0x90000046  }
0xb1: {  	s29 =	simm.s32 $0x9;
	_ =	strace $0x80000048  }
0xb2: {  	_ =	swait.ge [sflag:s29], $0x1  }
0xb3: {  	[sflag:s29] =	ssyncadd.s32 $0xFFFFFFFF  }
0xb4: {  	_ =	strace $0x90000048  }
0xb5: {  	_ =	sfence  }
0xb6: {  	s30 =	sld [smem:$0x0];
	_ =	sdelay $0x2  }
0xb7: {  	s31 =	sshll.u32 s1, $0xD;
	s1 =	sshrl.u32 s1, $0x2  }
0xb8: {  	s3 =	sand.u32 $0x4000, s31;
	s1 =	sadd.s32 s1, s30  }
0xb9: {  	s0 =	sor.u32 s3, s0;
	s1 =	sshll.u32 s1, $0x11  }
0xba: {  	s0 =	sor.u32 s1, s0  }
0xbb: {  	s0 =	sadd.s32 $0x8F2B, s0  }
0xbc: {  	[sflag:s0] =	ssyncadd.remote.s32 $0x1  }
0xbd: {  	_ =	sfence.sel $0xFFFF  }
0xbe: {  	[dreg:$0x0] =	wrdreg $0xFFFFFFFF;
	(pc) =	sbr.abs _section_cstart, $3  }
0xbf: {  	[dreg:$0x1] =	wrdreg $0xFFFFFFFF  }
0xc0: {  	_ =	task.clear_ibuf [dreg:s6], $0x2FFFF;
	_ =	strace $0x9FFFFFFF  }
0xc1: {  	(tm) =	ssettm $0x7FFFFFFF  }
tec
execute0_lowered:
.L_overlay_start_1:
0x0: {  	(tag) =	ssettag $0x1  }
0x1: {  	s1 =	srdreg.scid;
	s0 =	stileid.u32  }
0x2: {  	s5 =	rddreg [dreg:$0x0];
	s2 =	simm.s32 $0x0;
	s29 =	simm.s32 $0x10  }
0x3: {  	v0 =	vlaneseq.u32;
	s30 =	simm.s32 $0x200;
	s4 =	sand.u32 $0x1, s1;
	s1 =	rddreg [dreg:$0x1]  }
0x4: {  	s31 =	simm.s32 $0x280;
	vm0 =	vmmov $0xff;
	[smem:$0x7FF] =	sst s2;
	v1 =	vor.u32 $0x10, v0;
	v2 =	vor.u32 $0x20, v0;
	s8 =	sadd.s32 $0x200, s5  }
0x5: {  	s3 =	smul.u32 $0x4980, s0;
	v3 =	vor.u32 $0x30, v0;
	v4 =	vor.u32 $0x40, v0;
	v5 =	vor.u32 $0x50, v0;
	_ =	strace $0x80000047;
	[dreg:$0x3] =	wrdreg s8  }
0x6: {  	s9 =	simm.s32 $0xA80;
	v6 =	vor.u32 $0x60, v0;
	v7 =	vor.u32 $0x70, v0;
	v8 =	vor.u32 $0x80, v0;
	s6 =	smul.u32 $0x24C0, s4;
	[dreg:$0x5] =	wrdreg s29  }
0x7: {  	s10 =	simm.s32 $0x0;
	s25 =	sshll.u32 s0, $0x1;
	v9 =	vor.u32 $0x90, v0;
	v10 =	vor.u32 $0xA0, v0;
	v11 =	vor.u32 $0xB0, v0;
	[dreg:$0x4] =	wrdreg s30  }
0x8: {  	v12 =	vor.u32 $0xC0, v0;
	v13 =	vor.u32 $0xD0, v0;
	v14 =	vor.u32 $0xE0, v0;
	[dreg:$0x2] =	wrdreg s31;
	s3 =	sadd.s32 s6, s3;
	s6 =	sor.u32 s4, s25  }
0x9: {  	v15 =	vor.u32 $0xF0, v0;
	v16 =	vor.u32 $0x100, v0;
	v17 =	vor.u32 $0x110, v0;
	s4 =	ssub.s32 $0x2, s4;
	s7 =	sshrl.u32 s3, $0x3;
	s6 =	smul.u32 $0x180, s6  }
0xa: {  	v18 =	vor.u32 $0x120, v0;
	v19 =	vor.u32 $0x130, v0;
	v25 =	vmul.u32 $0xFFFFFFFF, v0;
	s8 =	simm.s32 $0x1;
	s26 =	sshrl.u32 s4, $0x1;
	s7 =	sadd.s32 s7, s5  }
0xb: {  	v20 =	vor.u32 $0x140, v0;
	v21 =	vor.u32 $0x150, v0;
	v22 =	vor.u32 $0x160, v0;
	s28 =	ssub.s32 s4, s26;
	s5 =	sadd.s32 s6, s5;
	s6 =	sadd.s32 $0x498200, s7  }
0xc: {  	v23 =	vor.u32 $0x170, v0;
	v24 =	vor.u32 $0x180, v0;
	v25 =	vadd.s32 $0xF, v25;
	s7 =	simm.s32 $0x2;
	s4 =	sadd.s32 $0x4A1600, s5;
	s5 =	smax.u32 s28, $0x1  }
.LBB2_1:
0xd: {  	s11 =	smov.u32 s3;
	s12 =	smov.u32 s6;
	s13 =	simm.s32 $0x0  }
.LBB2_2:
0xe: {  	[tilespmem:s2], [sflag:$0x2] =	stream.linear.gather [hbm4b:s12+s2], $0x188, $0x38;
	[tilespmem:$0x1680] =	vst v63  }
0xf: {  	_ =	swait.ge [sflag:s7], $0x188  }
0x10: {  	[sflag:s7] =	ssyncset.done $0x0  }
0x11: {  	[sflag:s7] =	ssyncadd.s32 $0xFFFFFE78  }
0x12: {  	v26 =	vld [tilespmem:$0x0]  }
0x13: {  	v27 =	vld [tilespmem:$0x10];
	_ =	sdelay $0x3  }
0x14: {  	(xrf1) =	vsort.ascd.msk.f32 $0xffff, v26, v0  }
0x15: {  	(xrf1) =	vsort.dscd.msk.f32 $0xffff, v27, v1;
	_ =	sdelay $0xc  }
0x16: {  	v28 =	vld [tilespmem:$0x20];
	v26, v27, _ =	vpop (xrf1)  }
0x17: {  	v29, v30, _ =	vpop (xrf1)  }
0x18: {  	vm1 =	vge.f32 v26, v29  }
0x19: {  	v26 =	vsel vm1, v26, v29;
	v27 =	vsel vm1, v27, v30  }
0x1a: {  	(xrf1) =	vsort.ascd.msk.f32 $0xffff, v26, v27  }
0x1b: {  	(xrf1) =	vsort.dscd.msk.f32 $0xffff, v28, v2;
	_ =	sdelay $0xc  }
0x1c: {  	v60 =	vld [tilespmem:$0x30];
	v26, v27, _ =	vpop (xrf1)  }
0x1d: {  	v61, v62, _ =	vpop (xrf1)  }
0x1e: {  	vm1 =	vge.f32 v26, v61  }
0x1f: {  	v26 =	vsel vm1, v26, v61;
	v27 =	vsel vm1, v27, v62  }
0x20: {  	(xrf1) =	vsort.ascd.msk.f32 $0xffff, v26, v27  }
0x21: {  	(xrf1) =	vsort.dscd.msk.f32 $0xffff, v60, v3;
	_ =	sdelay $0xc  }
0x22: {  	v63 =	vld [tilespmem:$0x40];
	v26, v27, _ =	vpop (xrf1)  }
0x23: {  	v33, v34, _ =	vpop (xrf1)  }
0x24: {  	vm1 =	vge.f32 v26, v33  }
0x25: {  	v26 =	vsel vm1, v26, v33;
	v27 =	vsel vm1, v27, v34  }
0x26: {  	(xrf1) =	vsort.ascd.msk.f32 $0xffff, v26, v27  }
0x27: {  	(xrf1) =	vsort.dscd.msk.f32 $0xffff, v63, v4;
	_ =	sdelay $0xc  }
0x28: {  	v35 =	vld [tilespmem:$0x50];
	v26, v27, _ =	vpop (xrf1)  }
0x29: {  	v36, v37, _ =	vpop (xrf1)  }
0x2a: {  	vm1 =	vge.f32 v26, v36  }
0x2b: {  	v26 =	vsel vm1, v26, v36;
	v27 =	vsel vm1, v27, v37  }
0x2c: {  	(xrf1) =	vsort.ascd.msk.f32 $0xffff, v26, v27  }
0x2d: {  	(xrf1) =	vsort.dscd.msk.f32 $0xffff, v35, v5;
	_ =	sdelay $0xc  }
0x2e: {  	v38 =	vld [tilespmem:$0x60];
	v26, v27, _ =	vpop (xrf1)  }
0x2f: {  	v39, v40, _ =	vpop (xrf1)  }
0x30: {  	vm1 =	vge.f32 v26, v39  }
0x31: {  	v26 =	vsel vm1, v26, v39;
	v27 =	vsel vm1, v27, v40  }
0x32: {  	(xrf1) =	vsort.ascd.msk.f32 $0xffff, v26, v27  }
0x33: {  	(xrf1) =	vsort.dscd.msk.f32 $0xffff, v38, v6;
	_ =	sdelay $0xc  }
0x34: {  	v41 =	vld [tilespmem:$0x70];
	v26, v27, _ =	vpop (xrf1)  }
0x35: {  	v42, v43, _ =	vpop (xrf1)  }
0x36: {  	vm1 =	vge.f32 v26, v42  }
0x37: {  	v26 =	vsel vm1, v26, v42;
	v27 =	vsel vm1, v27, v43  }
0x38: {  	(xrf1) =	vsort.ascd.msk.f32 $0xffff, v26, v27  }
0x39: {  	(xrf1) =	vsort.dscd.msk.f32 $0xffff, v41, v7;
	_ =	sdelay $0xc  }
0x3a: {  	v44 =	vld [tilespmem:$0x80];
	v26, v27, _ =	vpop (xrf1)  }
0x3b: {  	v45, v46, _ =	vpop (xrf1)  }
0x3c: {  	vm1 =	vge.f32 v26, v45  }
0x3d: {  	v26 =	vsel vm1, v26, v45;
	v27 =	vsel vm1, v27, v46  }
0x3e: {  	(xrf1) =	vsort.ascd.msk.f32 $0xffff, v26, v27  }
0x3f: {  	(xrf1) =	vsort.dscd.msk.f32 $0xffff, v44, v8;
	_ =	sdelay $0xc  }
0x40: {  	v47 =	vld [tilespmem:$0x90];
	v26, v27, _ =	vpop (xrf1)  }
0x41: {  	v48, v49, _ =	vpop (xrf1)  }
0x42: {  	vm1 =	vge.f32 v26, v48  }
0x43: {  	v26 =	vsel vm1, v26, v48;
	v27 =	vsel vm1, v27, v49  }
0x44: {  	(xrf1) =	vsort.ascd.msk.f32 $0xffff, v26, v27  }
0x45: {  	(xrf1) =	vsort.dscd.msk.f32 $0xffff, v47, v9;
	_ =	sdelay $0xc  }
0x46: {  	v50 =	vld [tilespmem:$0xA0];
	v26, v27, _ =	vpop (xrf1)  }
0x47: {  	v51, v52, _ =	vpop (xrf1)  }
0x48: {  	vm1 =	vge.f32 v26, v51  }
0x49: {  	v26 =	vsel vm1, v26, v51;
	v27 =	vsel vm1, v27, v52  }
0x4a: {  	(xrf1) =	vsort.ascd.msk.f32 $0xffff, v26, v27  }
0x4b: {  	(xrf1) =	vsort.dscd.msk.f32 $0xffff, v50, v10;
	_ =	sdelay $0xc  }
0x4c: {  	v53 =	vld [tilespmem:$0xB0];
	v26, v27, _ =	vpop (xrf1)  }
0x4d: {  	v54, v55, _ =	vpop (xrf1)  }
0x4e: {  	vm1 =	vge.f32 v26, v54  }
0x4f: {  	v26 =	vsel vm1, v26, v54;
	v27 =	vsel vm1, v27, v55  }
0x50: {  	(xrf1) =	vsort.ascd.msk.f32 $0xffff, v26, v27  }
0x51: {  	(xrf1) =	vsort.dscd.msk.f32 $0xffff, v53, v11;
	_ =	sdelay $0xc  }
0x52: {  	v56 =	vld [tilespmem:$0xC0];
	v26, v27, _ =	vpop (xrf1)  }
0x53: {  	v57, v58, _ =	vpop (xrf1)  }
0x54: {  	vm1 =	vge.f32 v26, v57  }
0x55: {  	v26 =	vsel vm1, v26, v57;
	v27 =	vsel vm1, v27, v58  }
0x56: {  	(xrf1) =	vsort.ascd.msk.f32 $0xffff, v26, v27  }
0x57: {  	(xrf1) =	vsort.dscd.msk.f32 $0xffff, v56, v12;
	_ =	sdelay $0xc  }
0x58: {  	v59 =	vld [tilespmem:$0xD0];
	v26, v27, _ =	vpop (xrf1)  }
0x59: {  	v60, v61, _ =	vpop (xrf1)  }
0x5a: {  	vm1 =	vge.f32 v26, v60  }
0x5b: {  	v26 =	vsel vm1, v26, v60;
	v27 =	vsel vm1, v27, v61  }
0x5c: {  	(xrf1) =	vsort.ascd.msk.f32 $0xffff, v26, v27  }
0x5d: {  	(xrf1) =	vsort.dscd.msk.f32 $0xffff, v59, v13;
	_ =	sdelay $0xc  }
0x5e: {  	v62 =	vld [tilespmem:$0xE0];
	v26, v27, _ =	vpop (xrf1)  }
0x5f: {  	v63, v33, _ =	vpop (xrf1)  }
0x60: {  	vm1 =	vge.f32 v26, v63  }
0x61: {  	v26 =	vsel vm1, v26, v63;
	v27 =	vsel vm1, v27, v33  }
0x62: {  	(xrf1) =	vsort.ascd.msk.f32 $0xffff, v26, v27  }
0x63: {  	(xrf1) =	vsort.dscd.msk.f32 $0xffff, v62, v14;
	_ =	sdelay $0xc  }
0x64: {  	v34 =	vld [tilespmem:$0xF0];
	v26, v27, _ =	vpop (xrf1)  }
0x65: {  	v35, v36, _ =	vpop (xrf1)  }
0x66: {  	vm1 =	vge.f32 v26, v35  }
0x67: {  	v26 =	vsel vm1, v26, v35;
	v27 =	vsel vm1, v27, v36  }
0x68: {  	(xrf1) =	vsort.ascd.msk.f32 $0xffff, v26, v27  }
0x69: {  	(xrf1) =	vsort.dscd.msk.f32 $0xffff, v34, v15;
	_ =	sdelay $0xc  }
0x6a: {  	v37 =	vld [tilespmem:$0x100];
	v26, v27, _ =	vpop (xrf1)  }
0x6b: {  	v38, v39, _ =	vpop (xrf1)  }
0x6c: {  	vm1 =	vge.f32 v26, v38  }
0x6d: {  	v26 =	vsel vm1, v26, v38;
	v27 =	vsel vm1, v27, v39  }
0x6e: {  	(xrf1) =	vsort.ascd.msk.f32 $0xffff, v26, v27  }
0x6f: {  	(xrf1) =	vsort.dscd.msk.f32 $0xffff, v37, v16;
	_ =	sdelay $0xc  }
0x70: {  	v40 =	vld [tilespmem:$0x110];
	v26, v27, _ =	vpop (xrf1)  }
0x71: {  	v41, v42, _ =	vpop (xrf1)  }
0x72: {  	vm1 =	vge.f32 v26, v41  }
0x73: {  	v26 =	vsel vm1, v26, v41;
	v27 =	vsel vm1, v27, v42  }
0x74: {  	(xrf1) =	vsort.ascd.msk.f32 $0xffff, v26, v27  }
0x75: {  	(xrf1) =	vsort.dscd.msk.f32 $0xffff, v40, v17;
	_ =	sdelay $0xc  }
0x76: {  	v43 =	vld [tilespmem:$0x120];
	v26, v27, _ =	vpop (xrf1)  }
0x77: {  	v44, v45, _ =	vpop (xrf1)  }
0x78: {  	vm1 =	vge.f32 v26, v44  }
0x79: {  	v26 =	vsel vm1, v26, v44;
	v27 =	vsel vm1, v27, v45  }
0x7a: {  	(xrf1) =	vsort.ascd.msk.f32 $0xffff, v26, v27  }
0x7b: {  	(xrf1) =	vsort.dscd.msk.f32 $0xffff, v43, v18;
	_ =	sdelay $0xc  }
0x7c: {  	v46 =	vld [tilespmem:$0x130];
	v26, v27, _ =	vpop (xrf1)  }
0x7d: {  	v47, v48, _ =	vpop (xrf1)  }
0x7e: {  	vm1 =	vge.f32 v26, v47  }
0x7f: {  	v26 =	vsel vm1, v26, v47;
	v27 =	vsel vm1, v27, v48  }
0x80: {  	(xrf1) =	vsort.ascd.msk.f32 $0xffff, v26, v27  }
0x81: {  	(xrf1) =	vsort.dscd.msk.f32 $0xffff, v46, v19;
	_ =	sdelay $0xc  }
0x82: {  	v49 =	vld [tilespmem:$0x140];
	v26, v27, _ =	vpop (xrf1)  }
0x83: {  	v50, v51, _ =	vpop (xrf1)  }
0x84: {  	vm1 =	vge.f32 v26, v50  }
0x85: {  	v26 =	vsel vm1, v26, v50;
	v27 =	vsel vm1, v27, v51  }
0x86: {  	(xrf1) =	vsort.ascd.msk.f32 $0xffff, v26, v27  }
0x87: {  	(xrf1) =	vsort.dscd.msk.f32 $0xffff, v49, v20;
	_ =	sdelay $0xc  }
0x88: {  	v52 =	vld [tilespmem:$0x150];
	v26, v27, _ =	vpop (xrf1)  }
0x89: {  	v53, v54, _ =	vpop (xrf1)  }
0x8a: {  	vm1 =	vge.f32 v26, v53  }
0x8b: {  	v26 =	vsel vm1, v26, v53;
	v27 =	vsel vm1, v27, v54  }
0x8c: {  	(xrf1) =	vsort.ascd.msk.f32 $0xffff, v26, v27  }
0x8d: {  	(xrf1) =	vsort.dscd.msk.f32 $0xffff, v52, v21;
	_ =	sdelay $0xc  }
0x8e: {  	v55 =	vld [tilespmem:$0x160];
	v26, v27, _ =	vpop (xrf1)  }
0x8f: {  	v56, v57, _ =	vpop (xrf1)  }
0x90: {  	vm1 =	vge.f32 v26, v56  }
0x91: {  	v26 =	vsel vm1, v26, v56;
	v27 =	vsel vm1, v27, v57  }
0x92: {  	(xrf1) =	vsort.ascd.msk.f32 $0xffff, v26, v27  }
0x93: {  	(xrf1) =	vsort.dscd.msk.f32 $0xffff, v55, v22;
	_ =	sdelay $0xc  }
0x94: {  	v58 =	vld [tilespmem:$0x170];
	v26, v27, _ =	vpop (xrf1)  }
0x95: {  	v59, v60, _ =	vpop (xrf1)  }
0x96: {  	vm1 =	vge.f32 v26, v59  }
0x97: {  	v26 =	vsel vm1, v26, v59;
	v27 =	vsel vm1, v27, v60  }
0x98: {  	(xrf1) =	vsort.ascd.msk.f32 $0xffff, v26, v27  }
0x99: {  	(xrf1) =	vsort.dscd.msk.f32 $0xffff, v58, v23;
	_ =	sdelay $0xb  }
0x9a: {  	v26 =	vld [tilespmem:$0x180]  }
0x9b: {  	v27, v61, _ =	vpop (xrf1)  }
0x9c: {  	v62, v63, _ =	vpop (xrf1)  }
0x9d: {  	vm1 =	vge.f32 v27, v62  }
0x9e: {  	v27 =	vsel vm1, v27, v62;
	v28 =	vsel vm1, v61, v63  }
0x9f: {  	v26 =	vnsel vm0, $0xFF800000, v26;
	(xrf1) =	vsort.ascd.msk.f32 $0xffff, v27, v28  }
0xa0: {  	(xrf1) =	vsort.dscd.msk.f32 $0xffff, v26, v24;
	_ =	sdelay $0xc  }
0xa1: {  	v26, v27, _ =	vpop (xrf1)  }
0xa2: {  	v34, v33, _ =	vpop (xrf1)  }
0xa3: {  	vm1 =	vge.f32 v26, v34  }
0xa4: {  	v26 =	vsel vm1, v26, v34;
	v27 =	vsel vm1, v27, v33  }
0xa5: {  	(xrf1) =	vsort.ascd.msk.f32 $0xffff, v26, v27;
	_ =	sdelay $0xd  }
0xa6: {  	_, v26, _ =	vpop (xrf1)  }
0xa7: {  	s14 =	rddreg [dreg:$0x2];
	v26 =	vperm.xlane v26, v25  }
0xa8: {  	s15 =	rddreg [dreg:$0x3]  }
0xa9: {  	s16 =	rddreg [dreg:$0x4];
	v26 =	vadd.s32 s11, v26  }
0xaa: {  	s17 =	rddreg [dreg:$0x5];
	[tilespmem:$0x200] =	vst v26  }
0xab: {  	[tilespmem:s14], [sflag:$0x1] =	stream.indirect.gather [hbm4b:s15+s17], $0x80, s16, s17, $0xb8;
	[tilespmem:$0x1680] =	vst v63  }
0xac: {  	_ =	swait.ge [sflag:s8], $0x800  }
0xad: {  	[sflag:s8] =	ssyncset.done $0x0  }
0xae: {  	[sflag:s8] =	ssyncadd.s32 $0xFFFFF800  }
0xaf: {  	v26 =	vld [tilespmem:$0x280];
	_ =	sdelay $0x4  }
0xb0: {  	(xrf1) =	vsort.ascd.msk.f32 $0xffff, v26, v26;
	_ =	sdelay $0xa  }
0xb1: {  	v26 =	vld [tilespmem:$0x290];
	_ =	sdelay $0x2  }
0xb2: {  	v27, _, _ =	vpop (xrf1)  }
0xb3: {  	(xrf0) =	vmin.scan.msk.f32 $0xffff, v27  }
0xb4: {  	(xrf0) =	vmax.scan.msk.f32 $0xffff, v26;
	_ =	sdelay $0x4  }
0xb5: {  	v35, _, _ =	vpop (xrf0)  }
0xb6: {  	(v2sf) =	vpush v35, $0xF;
	v36, _, _ =	vpop (xrf0)  }
0xb7: {  	(v2sf) =	vpush v36, $0xF;
	_ =	sdelay $0xd  }
0xb8: {  	s14 =	spop (v2sf)  }
0xb9: {  	s22 =	spop (v2sf)  }
0xba: {  	p1 =	sgt.f32 s22, s14;
	_ =	sdelay $0x1  }
0xbb: {  	v28 =	vlaneseq.u32 @p1  }
0xbc: {  	(xrf1) =	vsort.dscd.msk.f32 @p1 $0xffff, v26, v28;
	_ =	sdelay $0xb  }
0xbd: {  	v26 =	vld [tilespmem:$0x2A0];
	_ =	sdelay $0x1  }
0xbe: {  	v28, _, _ =	vpop @p1 (xrf1)  }
0xbf: {  	v28 =	vmax.f32 @p1 v27, v28  }
0xc0: {  	(xrf0) =	vmin.scan.msk.f32 @p1 $0xffff, v28  }
0xc1: {  	(xrf0) =	vmax.scan.msk.f32 $0xffff, v26;
	_ =	sdelay $0x4  }
0xc2: {  	v29, _, _ =	vpop @p1 (xrf0)  }
0xc3: {  	(v2sf) =	vpush @p1 v29, $0xF;
	v37, _, _ =	vpop (xrf0)  }
0xc4: {  	(v2sf) =	vpush v37, $0xF;
	_ =	sdelay $0xd  }
0xc5: {  	s15 =	spop @p1 (v2sf)  }
0xc6: {  	s14 =	smov.u32 @p1 s15;
	s23 =	spop (v2sf)  }
0xc7: {  	p0 =	sgt.f32 s23, s14;
	_ =	sdelay $0x1  }
0xc8: {  	(xrf1) =	vsort.ascd.msk.f32 @p1 $0xffff, v28, v28;
	v28 =	vlaneseq.u32 @p0  }
0xc9: {  	(xrf1) =	vsort.dscd.msk.f32 @p0 $0xffff, v26, v28;
	_ =	sdelay $0xb  }
0xca: {  	v26 =	vld [tilespmem:$0x2B0]  }
0xcb: {  	v28, _, _ =	vpop @p1 (xrf1)  }
0xcc: {  	v27 =	vpsel p1, v28, v27;
	v28, _, _ =	vpop @p0 (xrf1)  }
0xcd: {  	v28 =	vmax.f32 @p0 v27, v28  }
0xce: {  	(xrf0) =	vmin.scan.msk.f32 @p0 $0xffff, v28  }
0xcf: {  	(xrf0) =	vmax.scan.msk.f32 $0xffff, v26;
	_ =	sdelay $0x4  }
0xd0: {  	v29, _, _ =	vpop @p0 (xrf0)  }
0xd1: {  	(v2sf) =	vpush @p0 v29, $0xF;
	v38, _, _ =	vpop (xrf0)  }
0xd2: {  	(v2sf) =	vpush v38, $0xF;
	_ =	sdelay $0xd  }
0xd3: {  	s15 =	spop @p0 (v2sf)  }
0xd4: {  	s14 =	smov.u32 @p0 s15;
	s24 =	spop (v2sf)  }
0xd5: {  	p1 =	sgt.f32 s24, s14;
	_ =	sdelay $0x1  }
0xd6: {  	(xrf1) =	vsort.ascd.msk.f32 @p0 $0xffff, v28, v28;
	v28 =	vlaneseq.u32 @p1  }
0xd7: {  	(xrf1) =	vsort.dscd.msk.f32 @p1 $0xffff, v26, v28;
	_ =	sdelay $0xb  }
0xd8: {  	v26 =	vld [tilespmem:$0x2C0]  }
0xd9: {  	v28, _, _ =	vpop @p0 (xrf1)  }
0xda: {  	v27 =	vpsel p0, v28, v27;
	v28, _, _ =	vpop @p1 (xrf1)  }
0xdb: {  	v28 =	vmax.f32 @p1 v27, v28  }
0xdc: {  	(xrf0) =	vmin.scan.msk.f32 @p1 $0xffff, v28  }
0xdd: {  	(xrf0) =	vmax.scan.msk.f32 $0xffff, v26;
	_ =	sdelay $0x4  }
0xde: {  	v29, _, _ =	vpop @p1 (xrf0)  }
0xdf: {  	(v2sf) =	vpush @p1 v29, $0xF;
	v39, _, _ =	vpop (xrf0)  }
0xe0: {  	(v2sf) =	vpush v39, $0xF;
	_ =	sdelay $0xd  }
0xe1: {  	s15 =	spop @p1 (v2sf)  }
0xe2: {  	s14 =	smov.u32 @p1 s15;
	s25 =	spop (v2sf)  }
0xe3: {  	p0 =	sgt.f32 s25, s14;
	_ =	sdelay $0x1  }
0xe4: {  	(xrf1) =	vsort.ascd.msk.f32 @p1 $0xffff, v28, v28;
	v28 =	vlaneseq.u32 @p0  }
0xe5: {  	(xrf1) =	vsort.dscd.msk.f32 @p0 $0xffff, v26, v28;
	_ =	sdelay $0xb  }
0xe6: {  	v26 =	vld [tilespmem:$0x2D0]  }
0xe7: {  	v28, _, _ =	vpop @p1 (xrf1)  }
0xe8: {  	v27 =	vpsel p1, v28, v27;
	v28, _, _ =	vpop @p0 (xrf1)  }
0xe9: {  	v28 =	vmax.f32 @p0 v27, v28  }
0xea: {  	(xrf0) =	vmin.scan.msk.f32 @p0 $0xffff, v28  }
0xeb: {  	(xrf0) =	vmax.scan.msk.f32 $0xffff, v26;
	_ =	sdelay $0x4  }
0xec: {  	v29, _, _ =	vpop @p0 (xrf0)  }
0xed: {  	(v2sf) =	vpush @p0 v29, $0xF;
	v40, _, _ =	vpop (xrf0)  }
0xee: {  	(v2sf) =	vpush v40, $0xF;
	_ =	sdelay $0xd  }
0xef: {  	s15 =	spop @p0 (v2sf)  }
0xf0: {  	s14 =	smov.u32 @p0 s15;
	s26 =	spop (v2sf)  }
0xf1: {  	p1 =	sgt.f32 s26, s14;
	_ =	sdelay $0x1  }
0xf2: {  	(xrf1) =	vsort.ascd.msk.f32 @p0 $0xffff, v28, v28;
	v28 =	vlaneseq.u32 @p1  }
0xf3: {  	(xrf1) =	vsort.dscd.msk.f32 @p1 $0xffff, v26, v28;
	_ =	sdelay $0xb  }
0xf4: {  	v26 =	vld [tilespmem:$0x2E0]  }
0xf5: {  	v28, _, _ =	vpop @p0 (xrf1)  }
0xf6: {  	v27 =	vpsel p0, v28, v27;
	v28, _, _ =	vpop @p1 (xrf1)  }
0xf7: {  	v28 =	vmax.f32 @p1 v27, v28  }
0xf8: {  	(xrf0) =	vmin.scan.msk.f32 @p1 $0xffff, v28  }
0xf9: {  	(xrf0) =	vmax.scan.msk.f32 $0xffff, v26;
	_ =	sdelay $0x4  }
0xfa: {  	v29, _, _ =	vpop @p1 (xrf0)  }
0xfb: {  	(v2sf) =	vpush @p1 v29, $0xF;
	v41, _, _ =	vpop (xrf0)  }
0xfc: {  	(v2sf) =	vpush v41, $0xF;
	_ =	sdelay $0xd  }
0xfd: {  	s15 =	spop @p1 (v2sf)  }
0xfe: {  	s14 =	smov.u32 @p1 s15;
	s28 =	spop (v2sf)  }
0xff: {  	p0 =	sgt.f32 s28, s14;
	_ =	sdelay $0x1  }
0x100: {  	(xrf1) =	vsort.ascd.msk.f32 @p1 $0xffff, v28, v28;
	v28 =	vlaneseq.u32 @p0  }
0x101: {  	(xrf1) =	vsort.dscd.msk.f32 @p0 $0xffff, v26, v28;
	_ =	sdelay $0xb  }
0x102: {  	v26 =	vld [tilespmem:$0x2F0]  }
0x103: {  	v28, _, _ =	vpop @p1 (xrf1)  }
0x104: {  	v27 =	vpsel p1, v28, v27;
	v28, _, _ =	vpop @p0 (xrf1)  }
0x105: {  	v28 =	vmax.f32 @p0 v27, v28  }
0x106: {  	(xrf0) =	vmin.scan.msk.f32 @p0 $0xffff, v28  }
0x107: {  	(xrf0) =	vmax.scan.msk.f32 $0xffff, v26;
	_ =	sdelay $0x4  }
0x108: {  	v29, _, _ =	vpop @p0 (xrf0)  }
0x109: {  	(v2sf) =	vpush @p0 v29, $0xF;
	v42, _, _ =	vpop (xrf0)  }
0x10a: {  	(v2sf) =	vpush v42, $0xF;
	_ =	sdelay $0xd  }
0x10b: {  	s15 =	spop @p0 (v2sf)  }
0x10c: {  	s14 =	smov.u32 @p0 s15;
	s29 =	spop (v2sf)  }
0x10d: {  	p1 =	sgt.f32 s29, s14;
	_ =	sdelay $0x1  }
0x10e: {  	(xrf1) =	vsort.ascd.msk.f32 @p0 $0xffff, v28, v28;
	v28 =	vlaneseq.u32 @p1  }
0x10f: {  	(xrf1) =	vsort.dscd.msk.f32 @p1 $0xffff, v26, v28;
	_ =	sdelay $0xb  }
0x110: {  	v26 =	vld [tilespmem:$0x300]  }
0x111: {  	v28, _, _ =	vpop @p0 (xrf1)  }
0x112: {  	v27 =	vpsel p0, v28, v27;
	v28, _, _ =	vpop @p1 (xrf1)  }
0x113: {  	v28 =	vmax.f32 @p1 v27, v28  }
0x114: {  	(xrf0) =	vmin.scan.msk.f32 @p1 $0xffff, v28  }
0x115: {  	(xrf0) =	vmax.scan.msk.f32 $0xffff, v26;
	_ =	sdelay $0x4  }
0x116: {  	v29, _, _ =	vpop @p1 (xrf0)  }
0x117: {  	(v2sf) =	vpush @p1 v29, $0xF;
	v43, _, _ =	vpop (xrf0)  }
0x118: {  	(v2sf) =	vpush v43, $0xF;
	_ =	sdelay $0xd  }
0x119: {  	s15 =	spop @p1 (v2sf)  }
0x11a: {  	s14 =	smov.u32 @p1 s15;
	s30 =	spop (v2sf)  }
0x11b: {  	p0 =	sgt.f32 s30, s14;
	_ =	sdelay $0x1  }
0x11c: {  	(xrf1) =	vsort.ascd.msk.f32 @p1 $0xffff, v28, v28;
	v28 =	vlaneseq.u32 @p0  }
0x11d: {  	(xrf1) =	vsort.dscd.msk.f32 @p0 $0xffff, v26, v28;
	_ =	sdelay $0xb  }
0x11e: {  	v26 =	vld [tilespmem:$0x310]  }
0x11f: {  	v28, _, _ =	vpop @p1 (xrf1)  }
0x120: {  	v27 =	vpsel p1, v28, v27;
	v28, _, _ =	vpop @p0 (xrf1)  }
0x121: {  	v28 =	vmax.f32 @p0 v27, v28  }
0x122: {  	(xrf0) =	vmin.scan.msk.f32 @p0 $0xffff, v28  }
0x123: {  	(xrf0) =	vmax.scan.msk.f32 $0xffff, v26;
	_ =	sdelay $0x4  }
0x124: {  	v29, _, _ =	vpop @p0 (xrf0)  }
0x125: {  	(v2sf) =	vpush @p0 v29, $0xF;
	v44, _, _ =	vpop (xrf0)  }
0x126: {  	(v2sf) =	vpush v44, $0xF;
	_ =	sdelay $0xd  }
0x127: {  	s15 =	spop @p0 (v2sf)  }
0x128: {  	s14 =	smov.u32 @p0 s15;
	s31 =	spop (v2sf)  }
0x129: {  	p1 =	sgt.f32 s31, s14;
	_ =	sdelay $0x1  }
0x12a: {  	(xrf1) =	vsort.ascd.msk.f32 @p0 $0xffff, v28, v28;
	v28 =	vlaneseq.u32 @p1  }
0x12b: {  	(xrf1) =	vsort.dscd.msk.f32 @p1 $0xffff, v26, v28;
	_ =	sdelay $0xb  }
0x12c: {  	v26 =	vld [tilespmem:$0x320]  }
0x12d: {  	v28, _, _ =	vpop @p0 (xrf1)  }
0x12e: {  	v27 =	vpsel p0, v28, v27;
	v28, _, _ =	vpop @p1 (xrf1)  }
0x12f: {  	v28 =	vmax.f32 @p1 v27, v28  }
0x130: {  	(xrf0) =	vmin.scan.msk.f32 @p1 $0xffff, v28  }
0x131: {  	(xrf0) =	vmax.scan.msk.f32 $0xffff, v26;
	_ =	sdelay $0x4  }
0x132: {  	v29, _, _ =	vpop @p1 (xrf0)  }
0x133: {  	(v2sf) =	vpush @p1 v29, $0xF;
	v45, _, _ =	vpop (xrf0)  }
0x134: {  	(v2sf) =	vpush v45, $0xF;
	_ =	sdelay $0xd  }
0x135: {  	s15 =	spop @p1 (v2sf)  }
0x136: {  	s14 =	smov.u32 @p1 s15;
	s16 =	spop (v2sf)  }
0x137: {  	p0 =	sgt.f32 s16, s14;
	_ =	sdelay $0x1  }
0x138: {  	(xrf1) =	vsort.ascd.msk.f32 @p1 $0xffff, v28, v28;
	v28 =	vlaneseq.u32 @p0  }
0x139: {  	(xrf1) =	vsort.dscd.msk.f32 @p0 $0xffff, v26, v28;
	_ =	sdelay $0xb  }
0x13a: {  	v26 =	vld [tilespmem:$0x330]  }
0x13b: {  	v28, _, _ =	vpop @p1 (xrf1)  }
0x13c: {  	v27 =	vpsel p1, v28, v27;
	v28, _, _ =	vpop @p0 (xrf1)  }
0x13d: {  	v28 =	vmax.f32 @p0 v27, v28  }
0x13e: {  	(xrf0) =	vmin.scan.msk.f32 @p0 $0xffff, v28  }
0x13f: {  	(xrf0) =	vmax.scan.msk.f32 $0xffff, v26;
	_ =	sdelay $0x4  }
0x140: {  	v29, _, _ =	vpop @p0 (xrf0)  }
0x141: {  	(v2sf) =	vpush @p0 v29, $0xF;
	v46, _, _ =	vpop (xrf0)  }
0x142: {  	(v2sf) =	vpush v46, $0xF;
	_ =	sdelay $0xd  }
0x143: {  	s15 =	spop @p0 (v2sf)  }
0x144: {  	s14 =	smov.u32 @p0 s15;
	s17 =	spop (v2sf)  }
0x145: {  	p1 =	sgt.f32 s17, s14;
	_ =	sdelay $0x1  }
0x146: {  	(xrf1) =	vsort.ascd.msk.f32 @p0 $0xffff, v28, v28;
	v28 =	vlaneseq.u32 @p1  }
0x147: {  	(xrf1) =	vsort.dscd.msk.f32 @p1 $0xffff, v26, v28;
	_ =	sdelay $0xb  }
0x148: {  	v26 =	vld [tilespmem:$0x340]  }
0x149: {  	v28, _, _ =	vpop @p0 (xrf1)  }
0x14a: {  	v27 =	vpsel p0, v28, v27;
	v28, _, _ =	vpop @p1 (xrf1)  }
0x14b: {  	v28 =	vmax.f32 @p1 v27, v28  }
0x14c: {  	(xrf0) =	vmin.scan.msk.f32 @p1 $0xffff, v28  }
0x14d: {  	(xrf0) =	vmax.scan.msk.f32 $0xffff, v26;
	_ =	sdelay $0x4  }
0x14e: {  	v29, _, _ =	vpop @p1 (xrf0)  }
0x14f: {  	(v2sf) =	vpush @p1 v29, $0xF;
	v47, _, _ =	vpop (xrf0)  }
0x150: {  	(v2sf) =	vpush v47, $0xF;
	_ =	sdelay $0xd  }
0x151: {  	s15 =	spop @p1 (v2sf)  }
0x152: {  	s14 =	smov.u32 @p1 s15;
	s18 =	spop (v2sf)  }
0x153: {  	p0 =	sgt.f32 s18, s14;
	_ =	sdelay $0x1  }
0x154: {  	(xrf1) =	vsort.ascd.msk.f32 @p1 $0xffff, v28, v28;
	v28 =	vlaneseq.u32 @p0  }
0x155: {  	(xrf1) =	vsort.dscd.msk.f32 @p0 $0xffff, v26, v28;
	_ =	sdelay $0xc  }
0x156: {  	v26, _, _ =	vpop @p1 (xrf1)  }
0x157: {  	v26 =	vpsel p1, v26, v27;
	v27, _, _ =	vpop @p0 (xrf1)  }
0x158: {  	v27 =	vmax.f32 @p0 v26, v27  }
0x159: {  	(xrf1) =	vsort.ascd.msk.f32 @p0 $0xffff, v27, v27;
	_ =	sdelay $0xd  }
0x15a: {  	v28, _, _ =	vpop @p0 (xrf1)  }
0x15b: {  	(xrf0) =	vmin.scan.msk.f32 @p0 $0xffff, v27  }
0x15c: {  	v27 =	vld [tilespmem:$0x350];
	_ =	sdelay $0x4  }
0x15d: {  	(xrf0) =	vmax.scan.msk.f32 $0xffff, v27;
	_ =	sdelay $0x4  }
0x15e: {  	v29, _, _ =	vpop @p0 (xrf0)  }
0x15f: {  	(v2sf) =	vpush @p0 v29, $0xF;
	v48, _, _ =	vpop (xrf0)  }
0x160: {  	(v2sf) =	vpush v48, $0xF;
	_ =	sdelay $0xd  }
0x161: {  	s15 =	spop @p0 (v2sf)  }
0x162: {  	s14 =	smov.u32 @p0 s15;
	s19 =	spop (v2sf)  }
0x163: {  	p1 =	sgt.f32 s19, s14;
	_ =	sdelay $0x1  }
0x164: {  	v29 =	vlaneseq.u32 @p1  }
0x165: {  	(xrf1) =	vsort.dscd.msk.f32 @p1 $0xffff, v27, v29;
	_ =	sdelay $0xb  }
0x166: {  	v27 =	vld [tilespmem:$0x360];
	_ =	sdelay $0x1  }
0x167: {  	v26 =	vpsel p0, v28, v26;
	v28, _, _ =	vpop @p1 (xrf1)  }
0x168: {  	v28 =	vmax.f32 @p1 v26, v28  }
0x169: {  	(xrf0) =	vmin.scan.msk.f32 @p1 $0xffff, v28  }
0x16a: {  	(xrf0) =	vmax.scan.msk.f32 $0xffff, v27;
	_ =	sdelay $0x4  }
0x16b: {  	v29, _, _ =	vpop @p1 (xrf0)  }
0x16c: {  	(v2sf) =	vpush @p1 v29, $0xF;
	v49, _, _ =	vpop (xrf0)  }
0x16d: {  	(v2sf) =	vpush v49, $0xF;
	_ =	sdelay $0xd  }
0x16e: {  	s15 =	spop @p1 (v2sf)  }
0x16f: {  	s14 =	smov.u32 @p1 s15;
	s20 =	spop (v2sf)  }
0x170: {  	p0 =	sgt.f32 s20, s14;
	_ =	sdelay $0x1  }
0x171: {  	(xrf1) =	vsort.ascd.msk.f32 @p1 $0xffff, v28, v28;
	v28 =	vlaneseq.u32 @p0  }
0x172: {  	(xrf1) =	vsort.dscd.msk.f32 @p0 $0xffff, v27, v28;
	_ =	sdelay $0xb  }
0x173: {  	v27 =	vld [tilespmem:$0x370]  }
0x174: {  	v28, _, _ =	vpop @p1 (xrf1)  }
0x175: {  	v26 =	vpsel p1, v28, v26;
	v28, _, _ =	vpop @p0 (xrf1)  }
0x176: {  	v28 =	vmax.f32 @p0 v26, v28  }
0x177: {  	(xrf0) =	vmin.scan.msk.f32 @p0 $0xffff, v28  }
0x178: {  	(xrf0) =	vmax.scan.msk.f32 $0xffff, v27;
	_ =	sdelay $0x4  }
0x179: {  	v29, _, _ =	vpop @p0 (xrf0)  }
0x17a: {  	(v2sf) =	vpush @p0 v29, $0xF;
	v50, _, _ =	vpop (xrf0)  }
0x17b: {  	(v2sf) =	vpush v50, $0xF;
	_ =	sdelay $0xd  }
0x17c: {  	s15 =	spop @p0 (v2sf)  }
0x17d: {  	s14 =	smov.u32 @p0 s15;
	s21 =	spop (v2sf)  }
0x17e: {  	p1 =	sgt.f32 s21, s14;
	_ =	sdelay $0x1  }
0x17f: {  	(xrf1) =	vsort.ascd.msk.f32 @p0 $0xffff, v28, v28;
	v28 =	vlaneseq.u32 @p1  }
0x180: {  	(xrf1) =	vsort.dscd.msk.f32 @p1 $0xffff, v27, v28;
	_ =	sdelay $0xb  }
0x181: {  	v27 =	vld [tilespmem:$0x380]  }
0x182: {  	v28, _, _ =	vpop @p0 (xrf1)  }
0x183: {  	v26 =	vpsel p0, v28, v26;
	v28, _, _ =	vpop @p1 (xrf1)  }
0x184: {  	v28 =	vmax.f32 @p1 v26, v28  }
0x185: {  	(xrf0) =	vmin.scan.msk.f32 @p1 $0xffff, v28  }
0x186: {  	(xrf0) =	vmax.scan.msk.f32 $0xffff, v27;
	_ =	sdelay $0x4  }
0x187: {  	v29, _, _ =	vpop @p1 (xrf0)  }
0x188: {  	(v2sf) =	vpush @p1 v29, $0xF;
	v51, _, _ =	vpop (xrf0)  }
0x189: {  	(v2sf) =	vpush v51, $0xF;
	_ =	sdelay $0xd  }
0x18a: {  	s15 =	spop @p1 (v2sf)  }
0x18b: {  	s14 =	smov.u32 @p1 s15;
	s22 =	spop (v2sf)  }
0x18c: {  	p0 =	sgt.f32 s22, s14;
	_ =	sdelay $0x1  }
0x18d: {  	(xrf1) =	vsort.ascd.msk.f32 @p1 $0xffff, v28, v28;
	v28 =	vlaneseq.u32 @p0  }
0x18e: {  	(xrf1) =	vsort.dscd.msk.f32 @p0 $0xffff, v27, v28;
	_ =	sdelay $0xb  }
0x18f: {  	v27 =	vld [tilespmem:$0x390]  }
0x190: {  	v28, _, _ =	vpop @p1 (xrf1)  }
0x191: {  	v26 =	vpsel p1, v28, v26;
	v28, _, _ =	vpop @p0 (xrf1)  }
0x192: {  	v28 =	vmax.f32 @p0 v26, v28  }
0x193: {  	(xrf0) =	vmin.scan.msk.f32 @p0 $0xffff, v28  }
0x194: {  	(xrf0) =	vmax.scan.msk.f32 $0xffff, v27;
	_ =	sdelay $0x4  }
0x195: {  	v29, _, _ =	vpop @p0 (xrf0)  }
0x196: {  	(v2sf) =	vpush @p0 v29, $0xF;
	v52, _, _ =	vpop (xrf0)  }
0x197: {  	(v2sf) =	vpush v52, $0xF;
	_ =	sdelay $0xd  }
0x198: {  	s15 =	spop @p0 (v2sf)  }
0x199: {  	s14 =	smov.u32 @p0 s15;
	s23 =	spop (v2sf)  }
0x19a: {  	p1 =	sgt.f32 s23, s14;
	_ =	sdelay $0x1  }
0x19b: {  	(xrf1) =	vsort.ascd.msk.f32 @p0 $0xffff, v28, v28;
	v28 =	vlaneseq.u32 @p1  }
0x19c: {  	(xrf1) =	vsort.dscd.msk.f32 @p1 $0xffff, v27, v28;
	_ =	sdelay $0xb  }
0x19d: {  	v27 =	vld [tilespmem:$0x3A0]  }
0x19e: {  	v28, _, _ =	vpop @p0 (xrf1)  }
0x19f: {  	v26 =	vpsel p0, v28, v26;
	v28, _, _ =	vpop @p1 (xrf1)  }
0x1a0: {  	v28 =	vmax.f32 @p1 v26, v28  }
0x1a1: {  	(xrf0) =	vmin.scan.msk.f32 @p1 $0xffff, v28  }
0x1a2: {  	(xrf0) =	vmax.scan.msk.f32 $0xffff, v27;
	_ =	sdelay $0x4  }
0x1a3: {  	v29, _, _ =	vpop @p1 (xrf0)  }
0x1a4: {  	(v2sf) =	vpush @p1 v29, $0xF;
	v53, _, _ =	vpop (xrf0)  }
0x1a5: {  	(v2sf) =	vpush v53, $0xF;
	_ =	sdelay $0xd  }
0x1a6: {  	s15 =	spop @p1 (v2sf)  }
0x1a7: {  	s14 =	smov.u32 @p1 s15;
	s24 =	spop (v2sf)  }
0x1a8: {  	p0 =	sgt.f32 s24, s14;
	_ =	sdelay $0x1  }
0x1a9: {  	(xrf1) =	vsort.ascd.msk.f32 @p1 $0xffff, v28, v28;
	v28 =	vlaneseq.u32 @p0  }
0x1aa: {  	(xrf1) =	vsort.dscd.msk.f32 @p0 $0xffff, v27, v28;
	_ =	sdelay $0xb  }
0x1ab: {  	v27 =	vld [tilespmem:$0x3B0]  }
0x1ac: {  	v28, _, _ =	vpop @p1 (xrf1)  }
0x1ad: {  	v26 =	vpsel p1, v28, v26;
	v28, _, _ =	vpop @p0 (xrf1)  }
0x1ae: {  	v28 =	vmax.f32 @p0 v26, v28  }
0x1af: {  	(xrf0) =	vmin.scan.msk.f32 @p0 $0xffff, v28  }
0x1b0: {  	(xrf0) =	vmax.scan.msk.f32 $0xffff, v27;
	_ =	sdelay $0x4  }
0x1b1: {  	v29, _, _ =	vpop @p0 (xrf0)  }
0x1b2: {  	(v2sf) =	vpush @p0 v29, $0xF;
	v54, _, _ =	vpop (xrf0)  }
0x1b3: {  	(v2sf) =	vpush v54, $0xF;
	_ =	sdelay $0xd  }
0x1b4: {  	s15 =	spop @p0 (v2sf)  }
0x1b5: {  	s14 =	smov.u32 @p0 s15;
	s25 =	spop (v2sf)  }
0x1b6: {  	p1 =	sgt.f32 s25, s14;
	_ =	sdelay $0x1  }
0x1b7: {  	(xrf1) =	vsort.ascd.msk.f32 @p0 $0xffff, v28, v28;
	v28 =	vlaneseq.u32 @p1  }
0x1b8: {  	(xrf1) =	vsort.dscd.msk.f32 @p1 $0xffff, v27, v28;
	_ =	sdelay $0xb  }
0x1b9: {  	v27 =	vld [tilespmem:$0x3C0]  }
0x1ba: {  	v28, _, _ =	vpop @p0 (xrf1)  }
0x1bb: {  	v26 =	vpsel p0, v28, v26;
	v28, _, _ =	vpop @p1 (xrf1)  }
0x1bc: {  	v28 =	vmax.f32 @p1 v26, v28  }
0x1bd: {  	(xrf0) =	vmin.scan.msk.f32 @p1 $0xffff, v28  }
0x1be: {  	(xrf0) =	vmax.scan.msk.f32 $0xffff, v27;
	_ =	sdelay $0x4  }
0x1bf: {  	v29, _, _ =	vpop @p1 (xrf0)  }
0x1c0: {  	(v2sf) =	vpush @p1 v29, $0xF;
	v55, _, _ =	vpop (xrf0)  }
0x1c1: {  	(v2sf) =	vpush v55, $0xF;
	_ =	sdelay $0xd  }
0x1c2: {  	s15 =	spop @p1 (v2sf)  }
0x1c3: {  	s14 =	smov.u32 @p1 s15;
	s26 =	spop (v2sf)  }
0x1c4: {  	p0 =	sgt.f32 s26, s14;
	_ =	sdelay $0x1  }
0x1c5: {  	(xrf1) =	vsort.ascd.msk.f32 @p1 $0xffff, v28, v28;
	v28 =	vlaneseq.u32 @p0  }
0x1c6: {  	(xrf1) =	vsort.dscd.msk.f32 @p0 $0xffff, v27, v28;
	_ =	sdelay $0xb  }
0x1c7: {  	v27 =	vld [tilespmem:$0x3D0]  }
0x1c8: {  	v28, _, _ =	vpop @p1 (xrf1)  }
0x1c9: {  	v26 =	vpsel p1, v28, v26;
	v28, _, _ =	vpop @p0 (xrf1)  }
0x1ca: {  	v28 =	vmax.f32 @p0 v26, v28  }
0x1cb: {  	(xrf0) =	vmin.scan.msk.f32 @p0 $0xffff, v28  }
0x1cc: {  	(xrf0) =	vmax.scan.msk.f32 $0xffff, v27;
	_ =	sdelay $0x4  }
0x1cd: {  	v29, _, _ =	vpop @p0 (xrf0)  }
0x1ce: {  	(v2sf) =	vpush @p0 v29, $0xF;
	v56, _, _ =	vpop (xrf0)  }
0x1cf: {  	(v2sf) =	vpush v56, $0xF;
	_ =	sdelay $0xd  }
0x1d0: {  	s15 =	spop @p0 (v2sf)  }
0x1d1: {  	s14 =	smov.u32 @p0 s15;
	s28 =	spop (v2sf)  }
0x1d2: {  	p1 =	sgt.f32 s28, s14;
	_ =	sdelay $0x1  }
0x1d3: {  	(xrf1) =	vsort.ascd.msk.f32 @p0 $0xffff, v28, v28;
	v28 =	vlaneseq.u32 @p1  }
0x1d4: {  	(xrf1) =	vsort.dscd.msk.f32 @p1 $0xffff, v27, v28;
	_ =	sdelay $0xb  }
0x1d5: {  	v27 =	vld [tilespmem:$0x3E0]  }
0x1d6: {  	v28, _, _ =	vpop @p0 (xrf1)  }
0x1d7: {  	v26 =	vpsel p0, v28, v26;
	v28, _, _ =	vpop @p1 (xrf1)  }
0x1d8: {  	v28 =	vmax.f32 @p1 v26, v28  }
0x1d9: {  	(xrf0) =	vmin.scan.msk.f32 @p1 $0xffff, v28  }
0x1da: {  	(xrf0) =	vmax.scan.msk.f32 $0xffff, v27;
	_ =	sdelay $0x4  }
0x1db: {  	v29, _, _ =	vpop @p1 (xrf0)  }
0x1dc: {  	(v2sf) =	vpush @p1 v29, $0xF;
	v57, _, _ =	vpop (xrf0)  }
0x1dd: {  	(v2sf) =	vpush v57, $0xF;
	_ =	sdelay $0xd  }
0x1de: {  	s15 =	spop @p1 (v2sf)  }
0x1df: {  	s14 =	smov.u32 @p1 s15;
	s29 =	spop (v2sf)  }
0x1e0: {  	p0 =	sgt.f32 s29, s14;
	_ =	sdelay $0x1  }
0x1e1: {  	(xrf1) =	vsort.ascd.msk.f32 @p1 $0xffff, v28, v28;
	v28 =	vlaneseq.u32 @p0  }
0x1e2: {  	(xrf1) =	vsort.dscd.msk.f32 @p0 $0xffff, v27, v28;
	_ =	sdelay $0xb  }
0x1e3: {  	v27 =	vld [tilespmem:$0x3F0]  }
0x1e4: {  	v28, _, _ =	vpop @p1 (xrf1)  }
0x1e5: {  	v26 =	vpsel p1, v28, v26;
	v28, _, _ =	vpop @p0 (xrf1)  }
0x1e6: {  	v28 =	vmax.f32 @p0 v26, v28  }
0x1e7: {  	(xrf0) =	vmin.scan.msk.f32 @p0 $0xffff, v28  }
0x1e8: {  	(xrf0) =	vmax.scan.msk.f32 $0xffff, v27;
	_ =	sdelay $0x4  }
0x1e9: {  	v29, _, _ =	vpop @p0 (xrf0)  }
0x1ea: {  	(v2sf) =	vpush @p0 v29, $0xF;
	v58, _, _ =	vpop (xrf0)  }
0x1eb: {  	(v2sf) =	vpush v58, $0xF;
	_ =	sdelay $0xd  }
0x1ec: {  	s15 =	spop @p0 (v2sf)  }
0x1ed: {  	s14 =	smov.u32 @p0 s15;
	s30 =	spop (v2sf)  }
0x1ee: {  	p1 =	sgt.f32 s30, s14;
	_ =	sdelay $0x1  }
0x1ef: {  	(xrf1) =	vsort.ascd.msk.f32 @p0 $0xffff, v28, v28;
	v28 =	vlaneseq.u32 @p1  }
0x1f0: {  	(xrf1) =	vsort.dscd.msk.f32 @p1 $0xffff, v27, v28;
	_ =	sdelay $0xb  }
0x1f1: {  	v27 =	vld [tilespmem:$0x400]  }
0x1f2: {  	v28, _, _ =	vpop @p0 (xrf1)  }
0x1f3: {  	v26 =	vpsel p0, v28, v26;
	v28, _, _ =	vpop @p1 (xrf1)  }
0x1f4: {  	v28 =	vmax.f32 @p1 v26, v28  }
0x1f5: {  	(xrf0) =	vmin.scan.msk.f32 @p1 $0xffff, v28  }
0x1f6: {  	(xrf0) =	vmax.scan.msk.f32 $0xffff, v27;
	_ =	sdelay $0x4  }
0x1f7: {  	v29, _, _ =	vpop @p1 (xrf0)  }
0x1f8: {  	(v2sf) =	vpush @p1 v29, $0xF;
	v59, _, _ =	vpop (xrf0)  }
0x1f9: {  	(v2sf) =	vpush v59, $0xF;
	_ =	sdelay $0xd  }
0x1fa: {  	s15 =	spop @p1 (v2sf)  }
0x1fb: {  	s14 =	smov.u32 @p1 s15;
	s31 =	spop (v2sf)  }
0x1fc: {  	p0 =	sgt.f32 s31, s14;
	_ =	sdelay $0x1  }
0x1fd: {  	(xrf1) =	vsort.ascd.msk.f32 @p1 $0xffff, v28, v28;
	v28 =	vlaneseq.u32 @p0  }
0x1fe: {  	(xrf1) =	vsort.dscd.msk.f32 @p0 $0xffff, v27, v28;
	_ =	sdelay $0xb  }
0x1ff: {  	v27 =	vld [tilespmem:$0x410]  }
0x200: {  	v28, _, _ =	vpop @p1 (xrf1)  }
0x201: {  	v26 =	vpsel p1, v28, v26;
	v28, _, _ =	vpop @p0 (xrf1)  }
0x202: {  	v28 =	vmax.f32 @p0 v26, v28  }
0x203: {  	(xrf0) =	vmin.scan.msk.f32 @p0 $0xffff, v28  }
0x204: {  	(xrf0) =	vmax.scan.msk.f32 $0xffff, v27;
	_ =	sdelay $0x4  }
0x205: {  	v29, _, _ =	vpop @p0 (xrf0)  }
0x206: {  	(v2sf) =	vpush @p0 v29, $0xF;
	v60, _, _ =	vpop (xrf0)  }
0x207: {  	(v2sf) =	vpush v60, $0xF;
	_ =	sdelay $0xd  }
0x208: {  	s15 =	spop @p0 (v2sf)  }
0x209: {  	s14 =	smov.u32 @p0 s15;
	s16 =	spop (v2sf)  }
0x20a: {  	p1 =	sgt.f32 s16, s14;
	_ =	sdelay $0x1  }
0x20b: {  	(xrf1) =	vsort.ascd.msk.f32 @p0 $0xffff, v28, v28;
	v28 =	vlaneseq.u32 @p1  }
0x20c: {  	(xrf1) =	vsort.dscd.msk.f32 @p1 $0xffff, v27, v28;
	_ =	sdelay $0xb  }
0x20d: {  	v27 =	vld [tilespmem:$0x420]  }
0x20e: {  	v28, _, _ =	vpop @p0 (xrf1)  }
0x20f: {  	v26 =	vpsel p0, v28, v26;
	v28, _, _ =	vpop @p1 (xrf1)  }
0x210: {  	v28 =	vmax.f32 @p1 v26, v28  }
0x211: {  	(xrf0) =	vmin.scan.msk.f32 @p1 $0xffff, v28  }
0x212: {  	(xrf0) =	vmax.scan.msk.f32 $0xffff, v27;
	_ =	sdelay $0x4  }
0x213: {  	v29, _, _ =	vpop @p1 (xrf0)  }
0x214: {  	(v2sf) =	vpush @p1 v29, $0xF;
	v61, _, _ =	vpop (xrf0)  }
0x215: {  	(v2sf) =	vpush v61, $0xF;
	_ =	sdelay $0xd  }
0x216: {  	s15 =	spop @p1 (v2sf)  }
0x217: {  	s14 =	smov.u32 @p1 s15;
	s17 =	spop (v2sf)  }
0x218: {  	p0 =	sgt.f32 s17, s14;
	_ =	sdelay $0x1  }
0x219: {  	(xrf1) =	vsort.ascd.msk.f32 @p1 $0xffff, v28, v28;
	v28 =	vlaneseq.u32 @p0  }
0x21a: {  	(xrf1) =	vsort.dscd.msk.f32 @p0 $0xffff, v27, v28;
	_ =	sdelay $0xb  }
0x21b: {  	v27 =	vld [tilespmem:$0x430]  }
0x21c: {  	v28, _, _ =	vpop @p1 (xrf1)  }
0x21d: {  	v26 =	vpsel p1, v28, v26;
	v28, _, _ =	vpop @p0 (xrf1)  }
0x21e: {  	v28 =	vmax.f32 @p0 v26, v28  }
0x21f: {  	(xrf0) =	vmin.scan.msk.f32 @p0 $0xffff, v28  }
0x220: {  	(xrf0) =	vmax.scan.msk.f32 $0xffff, v27;
	_ =	sdelay $0x4  }
0x221: {  	v29, _, _ =	vpop @p0 (xrf0)  }
0x222: {  	(v2sf) =	vpush @p0 v29, $0xF;
	v62, _, _ =	vpop (xrf0)  }
0x223: {  	(v2sf) =	vpush v62, $0xF;
	_ =	sdelay $0xd  }
0x224: {  	s15 =	spop @p0 (v2sf)  }
0x225: {  	s14 =	smov.u32 @p0 s15;
	s18 =	spop (v2sf)  }
0x226: {  	p1 =	sgt.f32 s18, s14;
	_ =	sdelay $0x1  }
0x227: {  	(xrf1) =	vsort.ascd.msk.f32 @p0 $0xffff, v28, v28;
	v28 =	vlaneseq.u32 @p1  }
0x228: {  	(xrf1) =	vsort.dscd.msk.f32 @p1 $0xffff, v27, v28;
	_ =	sdelay $0xb  }
0x229: {  	v27 =	vld [tilespmem:$0x440]  }
0x22a: {  	v28, _, _ =	vpop @p0 (xrf1)  }
0x22b: {  	v26 =	vpsel p0, v28, v26;
	v28, _, _ =	vpop @p1 (xrf1)  }
0x22c: {  	v28 =	vmax.f32 @p1 v26, v28  }
0x22d: {  	(xrf0) =	vmin.scan.msk.f32 @p1 $0xffff, v28  }
0x22e: {  	(xrf0) =	vmax.scan.msk.f32 $0xffff, v27;
	_ =	sdelay $0x4  }
0x22f: {  	v29, _, _ =	vpop @p1 (xrf0)  }
0x230: {  	(v2sf) =	vpush @p1 v29, $0xF;
	v63, _, _ =	vpop (xrf0)  }
0x231: {  	(v2sf) =	vpush v63, $0xF;
	_ =	sdelay $0xd  }
0x232: {  	s15 =	spop @p1 (v2sf)  }
0x233: {  	s14 =	smov.u32 @p1 s15;
	s19 =	spop (v2sf)  }
0x234: {  	p0 =	sgt.f32 s19, s14;
	_ =	sdelay $0x1  }
0x235: {  	(xrf1) =	vsort.ascd.msk.f32 @p1 $0xffff, v28, v28;
	v28 =	vlaneseq.u32 @p0  }
0x236: {  	(xrf1) =	vsort.dscd.msk.f32 @p0 $0xffff, v27, v28;
	_ =	sdelay $0xb  }
0x237: {  	v27 =	vld [tilespmem:$0x450]  }
0x238: {  	v28, _, _ =	vpop @p1 (xrf1)  }
0x239: {  	v26 =	vpsel p1, v28, v26;
	v28, _, _ =	vpop @p0 (xrf1)  }
0x23a: {  	v28 =	vmax.f32 @p0 v26, v28  }
0x23b: {  	(xrf0) =	vmin.scan.msk.f32 @p0 $0xffff, v28  }
0x23c: {  	(xrf0) =	vmax.scan.msk.f32 $0xffff, v27;
	_ =	sdelay $0x4  }
0x23d: {  	v29, _, _ =	vpop @p0 (xrf0)  }
0x23e: {  	(v2sf) =	vpush @p0 v29, $0xF;
	v32, _, _ =	vpop (xrf0)  }
0x23f: {  	(v2sf) =	vpush v32, $0xF;
	_ =	sdelay $0xd  }
0x240: {  	s15 =	spop @p0 (v2sf)  }
0x241: {  	s14 =	smov.u32 @p0 s15;
	s20 =	spop (v2sf)  }
0x242: {  	p1 =	sgt.f32 s20, s14;
	_ =	sdelay $0x1  }
0x243: {  	(xrf1) =	vsort.ascd.msk.f32 @p0 $0xffff, v28, v28;
	v28 =	vlaneseq.u32 @p1  }
0x244: {  	(xrf1) =	vsort.dscd.msk.f32 @p1 $0xffff, v27, v28;
	_ =	sdelay $0xb  }
0x245: {  	v27 =	vld [tilespmem:$0x460]  }
0x246: {  	v28, _, _ =	vpop @p0 (xrf1)  }
0x247: {  	v26 =	vpsel p0, v28, v26;
	v28, _, _ =	vpop @p1 (xrf1)  }
0x248: {  	v28 =	vmax.f32 @p1 v26, v28  }
0x249: {  	(xrf0) =	vmin.scan.msk.f32 @p1 $0xffff, v28  }
0x24a: {  	(xrf0) =	vmax.scan.msk.f32 $0xffff, v27;
	_ =	sdelay $0x4  }
0x24b: {  	v29, _, _ =	vpop @p1 (xrf0)  }
0x24c: {  	(v2sf) =	vpush @p1 v29, $0xF;
	v33, _, _ =	vpop (xrf0)  }
0x24d: {  	(v2sf) =	vpush v33, $0xF;
	_ =	sdelay $0xd  }
0x24e: {  	s15 =	spop @p1 (v2sf)  }
0x24f: {  	s14 =	smov.u32 @p1 s15;
	s21 =	spop (v2sf)  }
0x250: {  	p0 =	sgt.f32 s21, s14;
	_ =	sdelay $0x1  }
0x251: {  	(xrf1) =	vsort.ascd.msk.f32 @p1 $0xffff, v28, v28;
	v28 =	vlaneseq.u32 @p0  }
0x252: {  	(xrf1) =	vsort.dscd.msk.f32 @p0 $0xffff, v27, v28;
	_ =	sdelay $0xb  }
0x253: {  	v27 =	vld [tilespmem:$0x470]  }
0x254: {  	v28, _, _ =	vpop @p1 (xrf1)  }
0x255: {  	v26 =	vpsel p1, v28, v26;
	v28, _, _ =	vpop @p0 (xrf1)  }
0x256: {  	v28 =	vmax.f32 @p0 v26, v28  }
0x257: {  	(xrf0) =	vmin.scan.msk.f32 @p0 $0xffff, v28  }
0x258: {  	(xrf0) =	vmax.scan.msk.f32 $0xffff, v27;
	_ =	sdelay $0x4  }
0x259: {  	v29, _, _ =	vpop @p0 (xrf0)  }
0x25a: {  	(v2sf) =	vpush @p0 v29, $0xF;
	v34, _, _ =	vpop (xrf0)  }
0x25b: {  	(v2sf) =	vpush v34, $0xF;
	_ =	sdelay $0xd  }
0x25c: {  	s15 =	spop @p0 (v2sf)  }
0x25d: {  	s14 =	smov.u32 @p0 s15;
	s22 =	spop (v2sf)  }
0x25e: {  	p1 =	sgt.f32 s22, s14;
	_ =	sdelay $0x1  }
0x25f: {  	(xrf1) =	vsort.ascd.msk.f32 @p0 $0xffff, v28, v28;
	v28 =	vlaneseq.u32 @p1  }
0x260: {  	(xrf1) =	vsort.dscd.msk.f32 @p1 $0xffff, v27, v28;
	_ =	sdelay $0xb  }
0x261: {  	v27 =	vld [tilespmem:$0x480]  }
0x262: {  	v28, _, _ =	vpop @p0 (xrf1)  }
0x263: {  	v26 =	vpsel p0, v28, v26;
	v28, _, _ =	vpop @p1 (xrf1)  }
0x264: {  	v28 =	vmax.f32 @p1 v26, v28  }
0x265: {  	(xrf0) =	vmin.scan.msk.f32 @p1 $0xffff, v28  }
0x266: {  	(xrf0) =	vmax.scan.msk.f32 $0xffff, v27;
	_ =	sdelay $0x4  }
0x267: {  	v29, _, _ =	vpop @p1 (xrf0)  }
0x268: {  	(v2sf) =	vpush @p1 v29, $0xF;
	v35, _, _ =	vpop (xrf0)  }
0x269: {  	(v2sf) =	vpush v35, $0xF;
	_ =	sdelay $0xd  }
0x26a: {  	s15 =	spop @p1 (v2sf)  }
0x26b: {  	s14 =	smov.u32 @p1 s15;
	s23 =	spop (v2sf)  }
0x26c: {  	p0 =	sgt.f32 s23, s14;
	_ =	sdelay $0x1  }
0x26d: {  	(xrf1) =	vsort.ascd.msk.f32 @p1 $0xffff, v28, v28;
	v28 =	vlaneseq.u32 @p0  }
0x26e: {  	(xrf1) =	vsort.dscd.msk.f32 @p0 $0xffff, v27, v28;
	_ =	sdelay $0xb  }
0x26f: {  	v27 =	vld [tilespmem:$0x490]  }
0x270: {  	v28, _, _ =	vpop @p1 (xrf1)  }
0x271: {  	v26 =	vpsel p1, v28, v26;
	v28, _, _ =	vpop @p0 (xrf1)  }
0x272: {  	v28 =	vmax.f32 @p0 v26, v28  }
0x273: {  	(xrf0) =	vmin.scan.msk.f32 @p0 $0xffff, v28  }
0x274: {  	(xrf0) =	vmax.scan.msk.f32 $0xffff, v27;
	_ =	sdelay $0x4  }
0x275: {  	v29, _, _ =	vpop @p0 (xrf0)  }
0x276: {  	(v2sf) =	vpush @p0 v29, $0xF;
	v36, _, _ =	vpop (xrf0)  }
0x277: {  	(v2sf) =	vpush v36, $0xF;
	_ =	sdelay $0xd  }
0x278: {  	s15 =	spop @p0 (v2sf)  }
0x279: {  	s14 =	smov.u32 @p0 s15;
	s24 =	spop (v2sf)  }
0x27a: {  	p1 =	sgt.f32 s24, s14;
	_ =	sdelay $0x1  }
0x27b: {  	(xrf1) =	vsort.ascd.msk.f32 @p0 $0xffff, v28, v28;
	v28 =	vlaneseq.u32 @p1  }
0x27c: {  	(xrf1) =	vsort.dscd.msk.f32 @p1 $0xffff, v27, v28;
	_ =	sdelay $0xb  }
0x27d: {  	v27 =	vld [tilespmem:$0x4A0]  }
0x27e: {  	v28, _, _ =	vpop @p0 (xrf1)  }
0x27f: {  	v26 =	vpsel p0, v28, v26;
	v28, _, _ =	vpop @p1 (xrf1)  }
0x280: {  	v28 =	vmax.f32 @p1 v26, v28  }
0x281: {  	(xrf0) =	vmin.scan.msk.f32 @p1 $0xffff, v28  }
0x282: {  	(xrf0) =	vmax.scan.msk.f32 $0xffff, v27;
	_ =	sdelay $0x4  }
0x283: {  	v29, _, _ =	vpop @p1 (xrf0)  }
0x284: {  	(v2sf) =	vpush @p1 v29, $0xF;
	v37, _, _ =	vpop (xrf0)  }
0x285: {  	(v2sf) =	vpush v37, $0xF;
	_ =	sdelay $0xd  }
0x286: {  	s15 =	spop @p1 (v2sf)  }
0x287: {  	s14 =	smov.u32 @p1 s15;
	s25 =	spop (v2sf)  }
0x288: {  	p0 =	sgt.f32 s25, s14;
	_ =	sdelay $0x1  }
0x289: {  	(xrf1) =	vsort.ascd.msk.f32 @p1 $0xffff, v28, v28;
	v28 =	vlaneseq.u32 @p0  }
0x28a: {  	(xrf1) =	vsort.dscd.msk.f32 @p0 $0xffff, v27, v28;
	_ =	sdelay $0xb  }
0x28b: {  	v27 =	vld [tilespmem:$0x4B0]  }
0x28c: {  	v28, _, _ =	vpop @p1 (xrf1)  }
0x28d: {  	v26 =	vpsel p1, v28, v26;
	v28, _, _ =	vpop @p0 (xrf1)  }
0x28e: {  	v28 =	vmax.f32 @p0 v26, v28  }
0x28f: {  	(xrf0) =	vmin.scan.msk.f32 @p0 $0xffff, v28  }
0x290: {  	(xrf0) =	vmax.scan.msk.f32 $0xffff, v27;
	_ =	sdelay $0x4  }
0x291: {  	v29, _, _ =	vpop @p0 (xrf0)  }
0x292: {  	(v2sf) =	vpush @p0 v29, $0xF;
	v38, _, _ =	vpop (xrf0)  }
0x293: {  	(v2sf) =	vpush v38, $0xF;
	_ =	sdelay $0xd  }
0x294: {  	s15 =	spop @p0 (v2sf)  }
0x295: {  	s14 =	smov.u32 @p0 s15;
	s26 =	spop (v2sf)  }
0x296: {  	p1 =	sgt.f32 s26, s14;
	_ =	sdelay $0x1  }
0x297: {  	(xrf1) =	vsort.ascd.msk.f32 @p0 $0xffff, v28, v28;
	v28 =	vlaneseq.u32 @p1  }
0x298: {  	(xrf1) =	vsort.dscd.msk.f32 @p1 $0xffff, v27, v28;
	_ =	sdelay $0xb  }
0x299: {  	v27 =	vld [tilespmem:$0x4C0]  }
0x29a: {  	v28, _, _ =	vpop @p0 (xrf1)  }
0x29b: {  	v26 =	vpsel p0, v28, v26;
	v28, _, _ =	vpop @p1 (xrf1)  }
0x29c: {  	v28 =	vmax.f32 @p1 v26, v28  }
0x29d: {  	(xrf0) =	vmin.scan.msk.f32 @p1 $0xffff, v28  }
0x29e: {  	(xrf0) =	vmax.scan.msk.f32 $0xffff, v27;
	_ =	sdelay $0x4  }
0x29f: {  	v29, _, _ =	vpop @p1 (xrf0)  }
0x2a0: {  	(v2sf) =	vpush @p1 v29, $0xF;
	v39, _, _ =	vpop (xrf0)  }
0x2a1: {  	(v2sf) =	vpush v39, $0xF;
	_ =	sdelay $0xd  }
0x2a2: {  	s15 =	spop @p1 (v2sf)  }
0x2a3: {  	s14 =	smov.u32 @p1 s15;
	s28 =	spop (v2sf)  }
0x2a4: {  	p0 =	sgt.f32 s28, s14;
	_ =	sdelay $0x1  }
0x2a5: {  	(xrf1) =	vsort.ascd.msk.f32 @p1 $0xffff, v28, v28;
	v28 =	vlaneseq.u32 @p0  }
0x2a6: {  	(xrf1) =	vsort.dscd.msk.f32 @p0 $0xffff, v27, v28;
	_ =	sdelay $0xb  }
0x2a7: {  	v27 =	vld [tilespmem:$0x4D0]  }
0x2a8: {  	v28, _, _ =	vpop @p1 (xrf1)  }
0x2a9: {  	v26 =	vpsel p1, v28, v26;
	v28, _, _ =	vpop @p0 (xrf1)  }
0x2aa: {  	v28 =	vmax.f32 @p0 v26, v28  }
0x2ab: {  	(xrf0) =	vmin.scan.msk.f32 @p0 $0xffff, v28  }
0x2ac: {  	(xrf0) =	vmax.scan.msk.f32 $0xffff, v27;
	_ =	sdelay $0x4  }
0x2ad: {  	v29, _, _ =	vpop @p0 (xrf0)  }
0x2ae: {  	(v2sf) =	vpush @p0 v29, $0xF;
	v40, _, _ =	vpop (xrf0)  }
0x2af: {  	(v2sf) =	vpush v40, $0xF;
	_ =	sdelay $0xd  }
0x2b0: {  	s15 =	spop @p0 (v2sf)  }
0x2b1: {  	s14 =	smov.u32 @p0 s15;
	s29 =	spop (v2sf)  }
0x2b2: {  	p1 =	sgt.f32 s29, s14;
	_ =	sdelay $0x1  }
0x2b3: {  	(xrf1) =	vsort.ascd.msk.f32 @p0 $0xffff, v28, v28;
	v28 =	vlaneseq.u32 @p1  }
0x2b4: {  	(xrf1) =	vsort.dscd.msk.f32 @p1 $0xffff, v27, v28;
	_ =	sdelay $0xb  }
0x2b5: {  	v27 =	vld [tilespmem:$0x4E0]  }
0x2b6: {  	v28, _, _ =	vpop @p0 (xrf1)  }
0x2b7: {  	v26 =	vpsel p0, v28, v26;
	v28, _, _ =	vpop @p1 (xrf1)  }
0x2b8: {  	v28 =	vmax.f32 @p1 v26, v28  }
0x2b9: {  	(xrf0) =	vmin.scan.msk.f32 @p1 $0xffff, v28  }
0x2ba: {  	(xrf0) =	vmax.scan.msk.f32 $0xffff, v27;
	_ =	sdelay $0x4  }
0x2bb: {  	v29, _, _ =	vpop @p1 (xrf0)  }
0x2bc: {  	(v2sf) =	vpush @p1 v29, $0xF;
	v41, _, _ =	vpop (xrf0)  }
0x2bd: {  	(v2sf) =	vpush v41, $0xF;
	_ =	sdelay $0xd  }
0x2be: {  	s15 =	spop @p1 (v2sf)  }
0x2bf: {  	s14 =	smov.u32 @p1 s15;
	s30 =	spop (v2sf)  }
0x2c0: {  	p0 =	sgt.f32 s30, s14;
	_ =	sdelay $0x1  }
0x2c1: {  	(xrf1) =	vsort.ascd.msk.f32 @p1 $0xffff, v28, v28;
	v28 =	vlaneseq.u32 @p0  }
0x2c2: {  	(xrf1) =	vsort.dscd.msk.f32 @p0 $0xffff, v27, v28;
	_ =	sdelay $0xb  }
0x2c3: {  	v27 =	vld [tilespmem:$0x4F0]  }
0x2c4: {  	v28, _, _ =	vpop @p1 (xrf1)  }
0x2c5: {  	v26 =	vpsel p1, v28, v26;
	v28, _, _ =	vpop @p0 (xrf1)  }
0x2c6: {  	v28 =	vmax.f32 @p0 v26, v28  }
0x2c7: {  	(xrf0) =	vmin.scan.msk.f32 @p0 $0xffff, v28  }
0x2c8: {  	(xrf0) =	vmax.scan.msk.f32 $0xffff, v27;
	_ =	sdelay $0x4  }
0x2c9: {  	v29, _, _ =	vpop @p0 (xrf0)  }
0x2ca: {  	(v2sf) =	vpush @p0 v29, $0xF;
	v42, _, _ =	vpop (xrf0)  }
0x2cb: {  	(v2sf) =	vpush v42, $0xF;
	_ =	sdelay $0xd  }
0x2cc: {  	s15 =	spop @p0 (v2sf)  }
0x2cd: {  	s14 =	smov.u32 @p0 s15;
	s31 =	spop (v2sf)  }
0x2ce: {  	p1 =	sgt.f32 s31, s14;
	_ =	sdelay $0x1  }
0x2cf: {  	(xrf1) =	vsort.ascd.msk.f32 @p0 $0xffff, v28, v28;
	v28 =	vlaneseq.u32 @p1  }
0x2d0: {  	(xrf1) =	vsort.dscd.msk.f32 @p1 $0xffff, v27, v28;
	_ =	sdelay $0xb  }
0x2d1: {  	v27 =	vld [tilespmem:$0x500]  }
0x2d2: {  	v28, _, _ =	vpop @p0 (xrf1)  }
0x2d3: {  	v26 =	vpsel p0, v28, v26;
	v28, _, _ =	vpop @p1 (xrf1)  }
0x2d4: {  	v28 =	vmax.f32 @p1 v26, v28  }
0x2d5: {  	(xrf0) =	vmin.scan.msk.f32 @p1 $0xffff, v28  }
0x2d6: {  	(xrf0) =	vmax.scan.msk.f32 $0xffff, v27;
	_ =	sdelay $0x4  }
0x2d7: {  	v29, _, _ =	vpop @p1 (xrf0)  }
0x2d8: {  	(v2sf) =	vpush @p1 v29, $0xF;
	v43, _, _ =	vpop (xrf0)  }
0x2d9: {  	(v2sf) =	vpush v43, $0xF;
	_ =	sdelay $0xd  }
0x2da: {  	s15 =	spop @p1 (v2sf)  }
0x2db: {  	s14 =	smov.u32 @p1 s15;
	s16 =	spop (v2sf)  }
0x2dc: {  	p0 =	sgt.f32 s16, s14;
	_ =	sdelay $0x1  }
0x2dd: {  	(xrf1) =	vsort.ascd.msk.f32 @p1 $0xffff, v28, v28;
	v28 =	vlaneseq.u32 @p0  }
0x2de: {  	(xrf1) =	vsort.dscd.msk.f32 @p0 $0xffff, v27, v28;
	_ =	sdelay $0xb  }
0x2df: {  	v27 =	vld [tilespmem:$0x510]  }
0x2e0: {  	v28, _, _ =	vpop @p1 (xrf1)  }
0x2e1: {  	v26 =	vpsel p1, v28, v26;
	v28, _, _ =	vpop @p0 (xrf1)  }
0x2e2: {  	v28 =	vmax.f32 @p0 v26, v28  }
0x2e3: {  	(xrf0) =	vmin.scan.msk.f32 @p0 $0xffff, v28  }
0x2e4: {  	(xrf0) =	vmax.scan.msk.f32 $0xffff, v27;
	_ =	sdelay $0x4  }
0x2e5: {  	v29, _, _ =	vpop @p0 (xrf0)  }
0x2e6: {  	(v2sf) =	vpush @p0 v29, $0xF;
	v44, _, _ =	vpop (xrf0)  }
0x2e7: {  	(v2sf) =	vpush v44, $0xF;
	_ =	sdelay $0xd  }
0x2e8: {  	s15 =	spop @p0 (v2sf)  }
0x2e9: {  	s14 =	smov.u32 @p0 s15;
	s17 =	spop (v2sf)  }
0x2ea: {  	p1 =	sgt.f32 s17, s14;
	_ =	sdelay $0x1  }
0x2eb: {  	(xrf1) =	vsort.ascd.msk.f32 @p0 $0xffff, v28, v28;
	v28 =	vlaneseq.u32 @p1  }
0x2ec: {  	(xrf1) =	vsort.dscd.msk.f32 @p1 $0xffff, v27, v28;
	_ =	sdelay $0xb  }
0x2ed: {  	v27 =	vld [tilespmem:$0x520]  }
0x2ee: {  	v28, _, _ =	vpop @p0 (xrf1)  }
0x2ef: {  	v26 =	vpsel p0, v28, v26;
	v28, _, _ =	vpop @p1 (xrf1)  }
0x2f0: {  	v28 =	vmax.f32 @p1 v26, v28  }
0x2f1: {  	(xrf0) =	vmin.scan.msk.f32 @p1 $0xffff, v28  }
0x2f2: {  	(xrf0) =	vmax.scan.msk.f32 $0xffff, v27;
	_ =	sdelay $0x4  }
0x2f3: {  	v29, _, _ =	vpop @p1 (xrf0)  }
0x2f4: {  	(v2sf) =	vpush @p1 v29, $0xF;
	v45, _, _ =	vpop (xrf0)  }
0x2f5: {  	(v2sf) =	vpush v45, $0xF;
	_ =	sdelay $0xd  }
0x2f6: {  	s15 =	spop @p1 (v2sf)  }
0x2f7: {  	s14 =	smov.u32 @p1 s15;
	s18 =	spop (v2sf)  }
0x2f8: {  	p0 =	sgt.f32 s18, s14;
	_ =	sdelay $0x1  }
0x2f9: {  	(xrf1) =	vsort.ascd.msk.f32 @p1 $0xffff, v28, v28;
	v28 =	vlaneseq.u32 @p0  }
0x2fa: {  	(xrf1) =	vsort.dscd.msk.f32 @p0 $0xffff, v27, v28;
	_ =	sdelay $0xb  }
0x2fb: {  	v27 =	vld [tilespmem:$0x530]  }
0x2fc: {  	v28, _, _ =	vpop @p1 (xrf1)  }
0x2fd: {  	v26 =	vpsel p1, v28, v26;
	v28, _, _ =	vpop @p0 (xrf1)  }
0x2fe: {  	v28 =	vmax.f32 @p0 v26, v28  }
0x2ff: {  	(xrf0) =	vmin.scan.msk.f32 @p0 $0xffff, v28  }
0x300: {  	(xrf0) =	vmax.scan.msk.f32 $0xffff, v27;
	_ =	sdelay $0x4  }
0x301: {  	v29, _, _ =	vpop @p0 (xrf0)  }
0x302: {  	(v2sf) =	vpush @p0 v29, $0xF;
	v46, _, _ =	vpop (xrf0)  }
0x303: {  	(v2sf) =	vpush v46, $0xF;
	_ =	sdelay $0xd  }
0x304: {  	s15 =	spop @p0 (v2sf)  }
0x305: {  	s14 =	smov.u32 @p0 s15;
	s19 =	spop (v2sf)  }
0x306: {  	p1 =	sgt.f32 s19, s14;
	_ =	sdelay $0x1  }
0x307: {  	(xrf1) =	vsort.ascd.msk.f32 @p0 $0xffff, v28, v28;
	v28 =	vlaneseq.u32 @p1  }
0x308: {  	(xrf1) =	vsort.dscd.msk.f32 @p1 $0xffff, v27, v28;
	_ =	sdelay $0xb  }
0x309: {  	v27 =	vld [tilespmem:$0x540]  }
0x30a: {  	v28, _, _ =	vpop @p0 (xrf1)  }
0x30b: {  	v26 =	vpsel p0, v28, v26;
	v28, _, _ =	vpop @p1 (xrf1)  }
0x30c: {  	v28 =	vmax.f32 @p1 v26, v28  }
0x30d: {  	(xrf0) =	vmin.scan.msk.f32 @p1 $0xffff, v28  }
0x30e: {  	(xrf0) =	vmax.scan.msk.f32 $0xffff, v27;
	_ =	sdelay $0x4  }
0x30f: {  	v29, _, _ =	vpop @p1 (xrf0)  }
0x310: {  	(v2sf) =	vpush @p1 v29, $0xF;
	v47, _, _ =	vpop (xrf0)  }
0x311: {  	(v2sf) =	vpush v47, $0xF;
	_ =	sdelay $0xd  }
0x312: {  	s15 =	spop @p1 (v2sf)  }
0x313: {  	s14 =	smov.u32 @p1 s15;
	s20 =	spop (v2sf)  }
0x314: {  	p0 =	sgt.f32 s20, s14;
	_ =	sdelay $0x1  }
0x315: {  	(xrf1) =	vsort.ascd.msk.f32 @p1 $0xffff, v28, v28;
	v28 =	vlaneseq.u32 @p0  }
0x316: {  	(xrf1) =	vsort.dscd.msk.f32 @p0 $0xffff, v27, v28;
	_ =	sdelay $0xb  }
0x317: {  	v27 =	vld [tilespmem:$0x550]  }
0x318: {  	v28, _, _ =	vpop @p1 (xrf1)  }
0x319: {  	v26 =	vpsel p1, v28, v26;
	v28, _, _ =	vpop @p0 (xrf1)  }
0x31a: {  	v28 =	vmax.f32 @p0 v26, v28  }
0x31b: {  	(xrf0) =	vmin.scan.msk.f32 @p0 $0xffff, v28  }
0x31c: {  	(xrf0) =	vmax.scan.msk.f32 $0xffff, v27;
	_ =	sdelay $0x4  }
0x31d: {  	v29, _, _ =	vpop @p0 (xrf0)  }
0x31e: {  	(v2sf) =	vpush @p0 v29, $0xF;
	v48, _, _ =	vpop (xrf0)  }
0x31f: {  	(v2sf) =	vpush v48, $0xF;
	_ =	sdelay $0xd  }
0x320: {  	s15 =	spop @p0 (v2sf)  }
0x321: {  	s14 =	smov.u32 @p0 s15;
	s21 =	spop (v2sf)  }
0x322: {  	p1 =	sgt.f32 s21, s14;
	_ =	sdelay $0x1  }
0x323: {  	(xrf1) =	vsort.ascd.msk.f32 @p0 $0xffff, v28, v28;
	v28 =	vlaneseq.u32 @p1  }
0x324: {  	(xrf1) =	vsort.dscd.msk.f32 @p1 $0xffff, v27, v28;
	_ =	sdelay $0xb  }
0x325: {  	v27 =	vld [tilespmem:$0x560]  }
0x326: {  	v28, _, _ =	vpop @p0 (xrf1)  }
0x327: {  	v26 =	vpsel p0, v28, v26;
	v28, _, _ =	vpop @p1 (xrf1)  }
0x328: {  	v28 =	vmax.f32 @p1 v26, v28  }
0x329: {  	(xrf0) =	vmin.scan.msk.f32 @p1 $0xffff, v28  }
0x32a: {  	(xrf0) =	vmax.scan.msk.f32 $0xffff, v27;
	_ =	sdelay $0x4  }
0x32b: {  	v29, _, _ =	vpop @p1 (xrf0)  }
0x32c: {  	(v2sf) =	vpush @p1 v29, $0xF;
	v49, _, _ =	vpop (xrf0)  }
0x32d: {  	(v2sf) =	vpush v49, $0xF;
	_ =	sdelay $0xd  }
0x32e: {  	s15 =	spop @p1 (v2sf)  }
0x32f: {  	s14 =	smov.u32 @p1 s15;
	s22 =	spop (v2sf)  }
0x330: {  	p0 =	sgt.f32 s22, s14;
	_ =	sdelay $0x1  }
0x331: {  	(xrf1) =	vsort.ascd.msk.f32 @p1 $0xffff, v28, v28;
	v28 =	vlaneseq.u32 @p0  }
0x332: {  	(xrf1) =	vsort.dscd.msk.f32 @p0 $0xffff, v27, v28;
	_ =	sdelay $0xb  }
0x333: {  	v27 =	vld [tilespmem:$0x570]  }
0x334: {  	v28, _, _ =	vpop @p1 (xrf1)  }
0x335: {  	v26 =	vpsel p1, v28, v26;
	v28, _, _ =	vpop @p0 (xrf1)  }
0x336: {  	v28 =	vmax.f32 @p0 v26, v28  }
0x337: {  	(xrf0) =	vmin.scan.msk.f32 @p0 $0xffff, v28  }
0x338: {  	(xrf0) =	vmax.scan.msk.f32 $0xffff, v27;
	_ =	sdelay $0x4  }
0x339: {  	v29, _, _ =	vpop @p0 (xrf0)  }
0x33a: {  	(v2sf) =	vpush @p0 v29, $0xF;
	v50, _, _ =	vpop (xrf0)  }
0x33b: {  	(v2sf) =	vpush v50, $0xF;
	_ =	sdelay $0xd  }
0x33c: {  	s15 =	spop @p0 (v2sf)  }
0x33d: {  	s14 =	smov.u32 @p0 s15;
	s23 =	spop (v2sf)  }
0x33e: {  	p1 =	sgt.f32 s23, s14;
	_ =	sdelay $0x1  }
0x33f: {  	(xrf1) =	vsort.ascd.msk.f32 @p0 $0xffff, v28, v28;
	v28 =	vlaneseq.u32 @p1  }
0x340: {  	(xrf1) =	vsort.dscd.msk.f32 @p1 $0xffff, v27, v28;
	_ =	sdelay $0xb  }
0x341: {  	v27 =	vld [tilespmem:$0x580]  }
0x342: {  	v28, _, _ =	vpop @p0 (xrf1)  }
0x343: {  	v26 =	vpsel p0, v28, v26;
	v28, _, _ =	vpop @p1 (xrf1)  }
0x344: {  	v28 =	vmax.f32 @p1 v26, v28  }
0x345: {  	(xrf0) =	vmin.scan.msk.f32 @p1 $0xffff, v28  }
0x346: {  	(xrf0) =	vmax.scan.msk.f32 $0xffff, v27;
	_ =	sdelay $0x4  }
0x347: {  	v29, _, _ =	vpop @p1 (xrf0)  }
0x348: {  	(v2sf) =	vpush @p1 v29, $0xF;
	v51, _, _ =	vpop (xrf0)  }
0x349: {  	(v2sf) =	vpush v51, $0xF;
	_ =	sdelay $0xd  }
0x34a: {  	s15 =	spop @p1 (v2sf)  }
0x34b: {  	s14 =	smov.u32 @p1 s15;
	s24 =	spop (v2sf)  }
0x34c: {  	p0 =	sgt.f32 s24, s14;
	_ =	sdelay $0x1  }
0x34d: {  	(xrf1) =	vsort.ascd.msk.f32 @p1 $0xffff, v28, v28;
	v28 =	vlaneseq.u32 @p0  }
0x34e: {  	(xrf1) =	vsort.dscd.msk.f32 @p0 $0xffff, v27, v28;
	_ =	sdelay $0xb  }
0x34f: {  	v27 =	vld [tilespmem:$0x590]  }
0x350: {  	v28, _, _ =	vpop @p1 (xrf1)  }
0x351: {  	v26 =	vpsel p1, v28, v26;
	v28, _, _ =	vpop @p0 (xrf1)  }
0x352: {  	v28 =	vmax.f32 @p0 v26, v28  }
0x353: {  	(xrf0) =	vmin.scan.msk.f32 @p0 $0xffff, v28  }
0x354: {  	(xrf0) =	vmax.scan.msk.f32 $0xffff, v27;
	_ =	sdelay $0x4  }
0x355: {  	v29, _, _ =	vpop @p0 (xrf0)  }
0x356: {  	(v2sf) =	vpush @p0 v29, $0xF;
	v52, _, _ =	vpop (xrf0)  }
0x357: {  	(v2sf) =	vpush v52, $0xF;
	_ =	sdelay $0xd  }
0x358: {  	s15 =	spop @p0 (v2sf)  }
0x359: {  	s14 =	smov.u32 @p0 s15;
	s25 =	spop (v2sf)  }
0x35a: {  	p1 =	sgt.f32 s25, s14;
	_ =	sdelay $0x1  }
0x35b: {  	(xrf1) =	vsort.ascd.msk.f32 @p0 $0xffff, v28, v28;
	v28 =	vlaneseq.u32 @p1  }
0x35c: {  	(xrf1) =	vsort.dscd.msk.f32 @p1 $0xffff, v27, v28;
	_ =	sdelay $0xb  }
0x35d: {  	v27 =	vld [tilespmem:$0x5A0]  }
0x35e: {  	v28, _, _ =	vpop @p0 (xrf1)  }
0x35f: {  	v26 =	vpsel p0, v28, v26;
	v28, _, _ =	vpop @p1 (xrf1)  }
0x360: {  	v28 =	vmax.f32 @p1 v26, v28  }
0x361: {  	(xrf0) =	vmin.scan.msk.f32 @p1 $0xffff, v28  }
0x362: {  	(xrf0) =	vmax.scan.msk.f32 $0xffff, v27;
	_ =	sdelay $0x4  }
0x363: {  	v29, _, _ =	vpop @p1 (xrf0)  }
0x364: {  	(v2sf) =	vpush @p1 v29, $0xF;
	v53, _, _ =	vpop (xrf0)  }
0x365: {  	(v2sf) =	vpush v53, $0xF;
	_ =	sdelay $0xd  }
0x366: {  	s15 =	spop @p1 (v2sf)  }
0x367: {  	s14 =	smov.u32 @p1 s15;
	s26 =	spop (v2sf)  }
0x368: {  	p0 =	sgt.f32 s26, s14;
	_ =	sdelay $0x1  }
0x369: {  	(xrf1) =	vsort.ascd.msk.f32 @p1 $0xffff, v28, v28;
	v28 =	vlaneseq.u32 @p0  }
0x36a: {  	(xrf1) =	vsort.dscd.msk.f32 @p0 $0xffff, v27, v28;
	_ =	sdelay $0xc  }
0x36b: {  	v27, _, _ =	vpop @p1 (xrf1)  }
0x36c: {  	v26 =	vpsel p1, v27, v26;
	v27, _, _ =	vpop @p0 (xrf1)  }
0x36d: {  	v27 =	vmax.f32 @p0 v26, v27  }
0x36e: {  	(xrf0) =	vmin.scan.msk.f32 @p0 $0xffff, v27;
	_ =	sdelay $0x5  }
0x36f: {  	v28, _, _ =	vpop @p0 (xrf0)  }
0x370: {  	(v2sf) =	vpush @p0 v28, $0xF  }
0x371: {  	(xrf1) =	vsort.ascd.msk.f32 @p0 $0xffff, v27, v27;
	_ =	sdelay $0x3  }
0x372: {  	v27 =	vld [tilespmem:$0x5B0];
	_ =	sdelay $0x4  }
0x373: {  	(xrf0) =	vmax.scan.msk.f32 $0xffff, v27;
	_ =	sdelay $0x4  }
0x374: {  	v28, _, _ =	vpop @p0 (xrf1);
	s15 =	spop @p0 (v2sf)  }
0x375: {  	v29, _, _ =	vpop (xrf0)  }
0x376: {  	(v2sf) =	vpush v29, $0xF;
	_ =	sdelay $0xe  }
0x377: {  	s14 =	smov.u32 @p0 s15;
	s28 =	spop (v2sf)  }
0x378: {  	p1 =	sgt.f32 s28, s14;
	_ =	sdelay $0x1  }
0x379: {  	v29 =	vlaneseq.u32 @p1  }
0x37a: {  	(xrf1) =	vsort.dscd.msk.f32 @p1 $0xffff, v27, v29;
	_ =	sdelay $0xb  }
0x37b: {  	v27 =	vld [tilespmem:$0x5C0];
	_ =	sdelay $0x1  }
0x37c: {  	v26 =	vpsel p0, v28, v26;
	v28, _, _ =	vpop @p1 (xrf1)  }
0x37d: {  	v28 =	vmax.f32 @p1 v26, v28  }
0x37e: {  	(xrf0) =	vmin.scan.msk.f32 @p1 $0xffff, v28  }
0x37f: {  	(xrf0) =	vmax.scan.msk.f32 $0xffff, v27;
	_ =	sdelay $0x4  }
0x380: {  	v29, _, _ =	vpop @p1 (xrf0)  }
0x381: {  	(v2sf) =	vpush @p1 v29, $0xF;
	v54, _, _ =	vpop (xrf0)  }
0x382: {  	(v2sf) =	vpush v54, $0xF;
	_ =	sdelay $0xd  }
0x383: {  	s15 =	spop @p1 (v2sf)  }
0x384: {  	s14 =	smov.u32 @p1 s15;
	s29 =	spop (v2sf)  }
0x385: {  	p0 =	sgt.f32 s29, s14;
	_ =	sdelay $0x1  }
0x386: {  	(xrf1) =	vsort.ascd.msk.f32 @p1 $0xffff, v28, v28;
	v28 =	vlaneseq.u32 @p0  }
0x387: {  	(xrf1) =	vsort.dscd.msk.f32 @p0 $0xffff, v27, v28;
	_ =	sdelay $0xb  }
0x388: {  	v27 =	vld [tilespmem:$0x5D0]  }
0x389: {  	v28, _, _ =	vpop @p1 (xrf1)  }
0x38a: {  	v26 =	vpsel p1, v28, v26;
	v28, _, _ =	vpop @p0 (xrf1)  }
0x38b: {  	v28 =	vmax.f32 @p0 v26, v28  }
0x38c: {  	(xrf0) =	vmin.scan.msk.f32 @p0 $0xffff, v28  }
0x38d: {  	(xrf0) =	vmax.scan.msk.f32 $0xffff, v27;
	_ =	sdelay $0x4  }
0x38e: {  	v29, _, _ =	vpop @p0 (xrf0)  }
0x38f: {  	(v2sf) =	vpush @p0 v29, $0xF;
	v55, _, _ =	vpop (xrf0)  }
0x390: {  	(v2sf) =	vpush v55, $0xF;
	_ =	sdelay $0xd  }
0x391: {  	s15 =	spop @p0 (v2sf)  }
0x392: {  	s14 =	smov.u32 @p0 s15;
	s30 =	spop (v2sf)  }
0x393: {  	p1 =	sgt.f32 s30, s14;
	_ =	sdelay $0x1  }
0x394: {  	(xrf1) =	vsort.ascd.msk.f32 @p0 $0xffff, v28, v28;
	v28 =	vlaneseq.u32 @p1  }
0x395: {  	(xrf1) =	vsort.dscd.msk.f32 @p1 $0xffff, v27, v28;
	_ =	sdelay $0xb  }
0x396: {  	v27 =	vld [tilespmem:$0x5E0]  }
0x397: {  	v28, _, _ =	vpop @p0 (xrf1)  }
0x398: {  	v26 =	vpsel p0, v28, v26;
	v28, _, _ =	vpop @p1 (xrf1)  }
0x399: {  	v28 =	vmax.f32 @p1 v26, v28  }
0x39a: {  	(xrf0) =	vmin.scan.msk.f32 @p1 $0xffff, v28  }
0x39b: {  	(xrf0) =	vmax.scan.msk.f32 $0xffff, v27;
	_ =	sdelay $0x4  }
0x39c: {  	v29, _, _ =	vpop @p1 (xrf0)  }
0x39d: {  	(v2sf) =	vpush @p1 v29, $0xF;
	v56, _, _ =	vpop (xrf0)  }
0x39e: {  	(v2sf) =	vpush v56, $0xF;
	_ =	sdelay $0xd  }
0x39f: {  	s15 =	spop @p1 (v2sf)  }
0x3a0: {  	s14 =	smov.u32 @p1 s15;
	s31 =	spop (v2sf)  }
0x3a1: {  	p0 =	sgt.f32 s31, s14;
	_ =	sdelay $0x1  }
0x3a2: {  	(xrf1) =	vsort.ascd.msk.f32 @p1 $0xffff, v28, v28;
	v28 =	vlaneseq.u32 @p0  }
0x3a3: {  	(xrf1) =	vsort.dscd.msk.f32 @p0 $0xffff, v27, v28;
	_ =	sdelay $0xb  }
0x3a4: {  	v27 =	vld [tilespmem:$0x5F0]  }
0x3a5: {  	v28, _, _ =	vpop @p1 (xrf1)  }
0x3a6: {  	v26 =	vpsel p1, v28, v26;
	v28, _, _ =	vpop @p0 (xrf1)  }
0x3a7: {  	v28 =	vmax.f32 @p0 v26, v28  }
0x3a8: {  	(xrf0) =	vmin.scan.msk.f32 @p0 $0xffff, v28  }
0x3a9: {  	(xrf0) =	vmax.scan.msk.f32 $0xffff, v27;
	_ =	sdelay $0x4  }
0x3aa: {  	v29, _, _ =	vpop @p0 (xrf0)  }
0x3ab: {  	(v2sf) =	vpush @p0 v29, $0xF;
	v57, _, _ =	vpop (xrf0)  }
0x3ac: {  	(v2sf) =	vpush v57, $0xF;
	_ =	sdelay $0xd  }
0x3ad: {  	s15 =	spop @p0 (v2sf)  }
0x3ae: {  	s14 =	smov.u32 @p0 s15;
	s16 =	spop (v2sf)  }
0x3af: {  	p1 =	sgt.f32 s16, s14;
	_ =	sdelay $0x1  }
0x3b0: {  	(xrf1) =	vsort.ascd.msk.f32 @p0 $0xffff, v28, v28;
	v28 =	vlaneseq.u32 @p1  }
0x3b1: {  	(xrf1) =	vsort.dscd.msk.f32 @p1 $0xffff, v27, v28;
	_ =	sdelay $0xb  }
0x3b2: {  	v27 =	vld [tilespmem:$0x600]  }
0x3b3: {  	v28, _, _ =	vpop @p0 (xrf1)  }
0x3b4: {  	v26 =	vpsel p0, v28, v26;
	v28, _, _ =	vpop @p1 (xrf1)  }
0x3b5: {  	v28 =	vmax.f32 @p1 v26, v28  }
0x3b6: {  	(xrf0) =	vmin.scan.msk.f32 @p1 $0xffff, v28  }
0x3b7: {  	(xrf0) =	vmax.scan.msk.f32 $0xffff, v27;
	_ =	sdelay $0x4  }
0x3b8: {  	v29, _, _ =	vpop @p1 (xrf0)  }
0x3b9: {  	(v2sf) =	vpush @p1 v29, $0xF;
	v58, _, _ =	vpop (xrf0)  }
0x3ba: {  	(v2sf) =	vpush v58, $0xF;
	_ =	sdelay $0xd  }
0x3bb: {  	s15 =	spop @p1 (v2sf)  }
0x3bc: {  	s14 =	smov.u32 @p1 s15;
	s17 =	spop (v2sf)  }
0x3bd: {  	p0 =	sgt.f32 s17, s14;
	_ =	sdelay $0x1  }
0x3be: {  	(xrf1) =	vsort.ascd.msk.f32 @p1 $0xffff, v28, v28;
	v28 =	vlaneseq.u32 @p0  }
0x3bf: {  	(xrf1) =	vsort.dscd.msk.f32 @p0 $0xffff, v27, v28;
	_ =	sdelay $0xb  }
0x3c0: {  	v27 =	vld [tilespmem:$0x610]  }
0x3c1: {  	v28, _, _ =	vpop @p1 (xrf1)  }
0x3c2: {  	v26 =	vpsel p1, v28, v26;
	v28, _, _ =	vpop @p0 (xrf1)  }
0x3c3: {  	v28 =	vmax.f32 @p0 v26, v28  }
0x3c4: {  	(xrf0) =	vmin.scan.msk.f32 @p0 $0xffff, v28  }
0x3c5: {  	(xrf0) =	vmax.scan.msk.f32 $0xffff, v27;
	_ =	sdelay $0x4  }
0x3c6: {  	v29, _, _ =	vpop @p0 (xrf0)  }
0x3c7: {  	(v2sf) =	vpush @p0 v29, $0xF;
	v59, _, _ =	vpop (xrf0)  }
0x3c8: {  	(v2sf) =	vpush v59, $0xF;
	_ =	sdelay $0xd  }
0x3c9: {  	s15 =	spop @p0 (v2sf)  }
0x3ca: {  	s14 =	smov.u32 @p0 s15;
	s18 =	spop (v2sf)  }
0x3cb: {  	p1 =	sgt.f32 s18, s14;
	_ =	sdelay $0x1  }
0x3cc: {  	(xrf1) =	vsort.ascd.msk.f32 @p0 $0xffff, v28, v28;
	v28 =	vlaneseq.u32 @p1  }
0x3cd: {  	(xrf1) =	vsort.dscd.msk.f32 @p1 $0xffff, v27, v28;
	_ =	sdelay $0xb  }
0x3ce: {  	v27 =	vld [tilespmem:$0x620]  }
0x3cf: {  	v28, _, _ =	vpop @p0 (xrf1)  }
0x3d0: {  	v26 =	vpsel p0, v28, v26;
	v28, _, _ =	vpop @p1 (xrf1)  }
0x3d1: {  	v28 =	vmax.f32 @p1 v26, v28  }
0x3d2: {  	(xrf0) =	vmin.scan.msk.f32 @p1 $0xffff, v28  }
0x3d3: {  	(xrf0) =	vmax.scan.msk.f32 $0xffff, v27;
	_ =	sdelay $0x4  }
0x3d4: {  	v29, _, _ =	vpop @p1 (xrf0)  }
0x3d5: {  	(v2sf) =	vpush @p1 v29, $0xF;
	v60, _, _ =	vpop (xrf0)  }
0x3d6: {  	(v2sf) =	vpush v60, $0xF;
	_ =	sdelay $0xd  }
0x3d7: {  	s15 =	spop @p1 (v2sf)  }
0x3d8: {  	s14 =	smov.u32 @p1 s15;
	s19 =	spop (v2sf)  }
0x3d9: {  	p0 =	sgt.f32 s19, s14;
	_ =	sdelay $0x1  }
0x3da: {  	(xrf1) =	vsort.ascd.msk.f32 @p1 $0xffff, v28, v28;
	v28 =	vlaneseq.u32 @p0  }
0x3db: {  	(xrf1) =	vsort.dscd.msk.f32 @p0 $0xffff, v27, v28;
	_ =	sdelay $0xb  }
0x3dc: {  	v27 =	vld [tilespmem:$0x630]  }
0x3dd: {  	v28, _, _ =	vpop @p1 (xrf1)  }
0x3de: {  	v26 =	vpsel p1, v28, v26;
	v28, _, _ =	vpop @p0 (xrf1)  }
0x3df: {  	v28 =	vmax.f32 @p0 v26, v28  }
0x3e0: {  	(xrf0) =	vmin.scan.msk.f32 @p0 $0xffff, v28  }
0x3e1: {  	(xrf0) =	vmax.scan.msk.f32 $0xffff, v27;
	_ =	sdelay $0x4  }
0x3e2: {  	v29, _, _ =	vpop @p0 (xrf0)  }
0x3e3: {  	(v2sf) =	vpush @p0 v29, $0xF;
	v61, _, _ =	vpop (xrf0)  }
0x3e4: {  	(v2sf) =	vpush v61, $0xF;
	_ =	sdelay $0xd  }
0x3e5: {  	s15 =	spop @p0 (v2sf)  }
0x3e6: {  	s14 =	smov.u32 @p0 s15;
	s20 =	spop (v2sf)  }
0x3e7: {  	p1 =	sgt.f32 s20, s14;
	_ =	sdelay $0x1  }
0x3e8: {  	(xrf1) =	vsort.ascd.msk.f32 @p0 $0xffff, v28, v28;
	v28 =	vlaneseq.u32 @p1  }
0x3e9: {  	(xrf1) =	vsort.dscd.msk.f32 @p1 $0xffff, v27, v28;
	_ =	sdelay $0xb  }
0x3ea: {  	v27 =	vld [tilespmem:$0x640]  }
0x3eb: {  	v28, _, _ =	vpop @p0 (xrf1)  }
0x3ec: {  	v26 =	vpsel p0, v28, v26;
	v28, _, _ =	vpop @p1 (xrf1)  }
0x3ed: {  	v28 =	vmax.f32 @p1 v26, v28  }
0x3ee: {  	(xrf0) =	vmin.scan.msk.f32 @p1 $0xffff, v28  }
0x3ef: {  	(xrf0) =	vmax.scan.msk.f32 $0xffff, v27;
	_ =	sdelay $0x4  }
0x3f0: {  	v29, _, _ =	vpop @p1 (xrf0)  }
0x3f1: {  	(v2sf) =	vpush @p1 v29, $0xF;
	v62, _, _ =	vpop (xrf0)  }
0x3f2: {  	(v2sf) =	vpush v62, $0xF;
	_ =	sdelay $0xd  }
0x3f3: {  	s15 =	spop @p1 (v2sf)  }
0x3f4: {  	s14 =	smov.u32 @p1 s15;
	s21 =	spop (v2sf)  }
0x3f5: {  	p0 =	sgt.f32 s21, s14;
	_ =	sdelay $0x1  }
0x3f6: {  	(xrf1) =	vsort.ascd.msk.f32 @p1 $0xffff, v28, v28;
	v28 =	vlaneseq.u32 @p0  }
0x3f7: {  	(xrf1) =	vsort.dscd.msk.f32 @p0 $0xffff, v27, v28;
	_ =	sdelay $0xb  }
0x3f8: {  	v27 =	vld [tilespmem:$0x650]  }
0x3f9: {  	v28, _, _ =	vpop @p1 (xrf1)  }
0x3fa: {  	v26 =	vpsel p1, v28, v26;
	v28, _, _ =	vpop @p0 (xrf1)  }
0x3fb: {  	v28 =	vmax.f32 @p0 v26, v28  }
0x3fc: {  	(xrf0) =	vmin.scan.msk.f32 @p0 $0xffff, v28  }
0x3fd: {  	(xrf0) =	vmax.scan.msk.f32 $0xffff, v27;
	_ =	sdelay $0x4  }
0x3fe: {  	v29, _, _ =	vpop @p0 (xrf0)  }
0x3ff: {  	(v2sf) =	vpush @p0 v29, $0xF;
	v63, _, _ =	vpop (xrf0)  }
0x400: {  	(v2sf) =	vpush v63, $0xF;
	_ =	sdelay $0xd  }
0x401: {  	s15 =	spop @p0 (v2sf)  }
0x402: {  	s14 =	smov.u32 @p0 s15;
	s22 =	spop (v2sf)  }
0x403: {  	p1 =	sgt.f32 s22, s14;
	_ =	sdelay $0x1  }
0x404: {  	(xrf1) =	vsort.ascd.msk.f32 @p0 $0xffff, v28, v28;
	v28 =	vlaneseq.u32 @p1  }
0x405: {  	(xrf1) =	vsort.dscd.msk.f32 @p1 $0xffff, v27, v28;
	_ =	sdelay $0xb  }
0x406: {  	v27 =	vld [tilespmem:$0x660]  }
0x407: {  	v28, _, _ =	vpop @p0 (xrf1)  }
0x408: {  	v26 =	vpsel p0, v28, v26;
	v28, _, _ =	vpop @p1 (xrf1)  }
0x409: {  	v28 =	vmax.f32 @p1 v26, v28  }
0x40a: {  	(xrf0) =	vmin.scan.msk.f32 @p1 $0xffff, v28  }
0x40b: {  	(xrf0) =	vmax.scan.msk.f32 $0xffff, v27;
	_ =	sdelay $0x4  }
0x40c: {  	v29, _, _ =	vpop @p1 (xrf0)  }
0x40d: {  	(v2sf) =	vpush @p1 v29, $0xF;
	v32, _, _ =	vpop (xrf0)  }
0x40e: {  	(v2sf) =	vpush v32, $0xF;
	_ =	sdelay $0xd  }
0x40f: {  	s15 =	spop @p1 (v2sf)  }
0x410: {  	s14 =	smov.u32 @p1 s15;
	s23 =	spop (v2sf)  }
0x411: {  	p0 =	sgt.f32 s23, s14;
	_ =	sdelay $0x1  }
0x412: {  	(xrf1) =	vsort.ascd.msk.f32 @p1 $0xffff, v28, v28;
	v28 =	vlaneseq.u32 @p0  }
0x413: {  	(xrf1) =	vsort.dscd.msk.f32 @p0 $0xffff, v27, v28;
	_ =	sdelay $0xb  }
0x414: {  	v27 =	vld [tilespmem:$0x670]  }
0x415: {  	v28, _, _ =	vpop @p1 (xrf1)  }
0x416: {  	v26 =	vpsel p1, v28, v26;
	v28, _, _ =	vpop @p0 (xrf1)  }
0x417: {  	v28 =	vmax.f32 @p0 v26, v28  }
0x418: {  	(xrf0) =	vmin.scan.msk.f32 @p0 $0xffff, v28  }
0x419: {  	(xrf0) =	vmax.scan.msk.f32 $0xffff, v27;
	_ =	sdelay $0x4  }
0x41a: {  	v29, _, _ =	vpop @p0 (xrf0)  }
0x41b: {  	(v2sf) =	vpush @p0 v29, $0xF;
	v33, _, _ =	vpop (xrf0)  }
0x41c: {  	(v2sf) =	vpush v33, $0xF;
	_ =	sdelay $0xd  }
0x41d: {  	s15 =	spop @p0 (v2sf)  }
0x41e: {  	s14 =	smov.u32 @p0 s15;
	s24 =	spop (v2sf)  }
0x41f: {  	p1 =	sgt.f32 s24, s14;
	_ =	sdelay $0x1  }
0x420: {  	(xrf1) =	vsort.ascd.msk.f32 @p0 $0xffff, v28, v28;
	v28 =	vlaneseq.u32 @p1  }
0x421: {  	(xrf1) =	vsort.dscd.msk.f32 @p1 $0xffff, v27, v28;
	_ =	sdelay $0xb  }
0x422: {  	v27 =	vld [tilespmem:$0x680]  }
0x423: {  	v28, _, _ =	vpop @p0 (xrf1)  }
0x424: {  	v26 =	vpsel p0, v28, v26;
	v28, _, _ =	vpop @p1 (xrf1)  }
0x425: {  	v28 =	vmax.f32 @p1 v26, v28  }
0x426: {  	(xrf0) =	vmin.scan.msk.f32 @p1 $0xffff, v28  }
0x427: {  	(xrf0) =	vmax.scan.msk.f32 $0xffff, v27;
	_ =	sdelay $0x4  }
0x428: {  	v29, _, _ =	vpop @p1 (xrf0)  }
0x429: {  	(v2sf) =	vpush @p1 v29, $0xF;
	v34, _, _ =	vpop (xrf0)  }
0x42a: {  	(v2sf) =	vpush v34, $0xF;
	_ =	sdelay $0xd  }
0x42b: {  	s15 =	spop @p1 (v2sf)  }
0x42c: {  	s14 =	smov.u32 @p1 s15;
	s25 =	spop (v2sf)  }
0x42d: {  	p0 =	sgt.f32 s25, s14;
	_ =	sdelay $0x1  }
0x42e: {  	(xrf1) =	vsort.ascd.msk.f32 @p1 $0xffff, v28, v28;
	v28 =	vlaneseq.u32 @p0  }
0x42f: {  	(xrf1) =	vsort.dscd.msk.f32 @p0 $0xffff, v27, v28;
	_ =	sdelay $0xb  }
0x430: {  	v27 =	vld [tilespmem:$0x690]  }
0x431: {  	v28, _, _ =	vpop @p1 (xrf1)  }
0x432: {  	v26 =	vpsel p1, v28, v26;
	v28, _, _ =	vpop @p0 (xrf1)  }
0x433: {  	v28 =	vmax.f32 @p0 v26, v28  }
0x434: {  	(xrf0) =	vmin.scan.msk.f32 @p0 $0xffff, v28  }
0x435: {  	(xrf0) =	vmax.scan.msk.f32 $0xffff, v27;
	_ =	sdelay $0x4  }
0x436: {  	v29, _, _ =	vpop @p0 (xrf0)  }
0x437: {  	(v2sf) =	vpush @p0 v29, $0xF;
	v35, _, _ =	vpop (xrf0)  }
0x438: {  	(v2sf) =	vpush v35, $0xF;
	_ =	sdelay $0xd  }
0x439: {  	s15 =	spop @p0 (v2sf)  }
0x43a: {  	s14 =	smov.u32 @p0 s15;
	s26 =	spop (v2sf)  }
0x43b: {  	p1 =	sgt.f32 s26, s14;
	_ =	sdelay $0x1  }
0x43c: {  	(xrf1) =	vsort.ascd.msk.f32 @p0 $0xffff, v28, v28;
	v28 =	vlaneseq.u32 @p1  }
0x43d: {  	(xrf1) =	vsort.dscd.msk.f32 @p1 $0xffff, v27, v28;
	_ =	sdelay $0xb  }
0x43e: {  	v27 =	vld [tilespmem:$0x6A0]  }
0x43f: {  	v28, _, _ =	vpop @p0 (xrf1)  }
0x440: {  	v26 =	vpsel p0, v28, v26;
	v28, _, _ =	vpop @p1 (xrf1)  }
0x441: {  	v28 =	vmax.f32 @p1 v26, v28  }
0x442: {  	(xrf0) =	vmin.scan.msk.f32 @p1 $0xffff, v28  }
0x443: {  	(xrf0) =	vmax.scan.msk.f32 $0xffff, v27;
	_ =	sdelay $0x4  }
0x444: {  	v29, _, _ =	vpop @p1 (xrf0)  }
0x445: {  	(v2sf) =	vpush @p1 v29, $0xF;
	v36, _, _ =	vpop (xrf0)  }
0x446: {  	(v2sf) =	vpush v36, $0xF;
	_ =	sdelay $0xd  }
0x447: {  	s15 =	spop @p1 (v2sf)  }
0x448: {  	s14 =	smov.u32 @p1 s15;
	s28 =	spop (v2sf)  }
0x449: {  	p0 =	sgt.f32 s28, s14;
	_ =	sdelay $0x1  }
0x44a: {  	(xrf1) =	vsort.ascd.msk.f32 @p1 $0xffff, v28, v28;
	v28 =	vlaneseq.u32 @p0  }
0x44b: {  	(xrf1) =	vsort.dscd.msk.f32 @p0 $0xffff, v27, v28;
	_ =	sdelay $0xb  }
0x44c: {  	v27 =	vld [tilespmem:$0x6B0]  }
0x44d: {  	v28, _, _ =	vpop @p1 (xrf1)  }
0x44e: {  	v26 =	vpsel p1, v28, v26;
	v28, _, _ =	vpop @p0 (xrf1)  }
0x44f: {  	v28 =	vmax.f32 @p0 v26, v28  }
0x450: {  	(xrf0) =	vmin.scan.msk.f32 @p0 $0xffff, v28  }
0x451: {  	(xrf0) =	vmax.scan.msk.f32 $0xffff, v27;
	_ =	sdelay $0x4  }
0x452: {  	v29, _, _ =	vpop @p0 (xrf0)  }
0x453: {  	(v2sf) =	vpush @p0 v29, $0xF;
	v37, _, _ =	vpop (xrf0)  }
0x454: {  	(v2sf) =	vpush v37, $0xF;
	_ =	sdelay $0xd  }
0x455: {  	s15 =	spop @p0 (v2sf)  }
0x456: {  	s14 =	smov.u32 @p0 s15;
	s29 =	spop (v2sf)  }
0x457: {  	p1 =	sgt.f32 s29, s14;
	_ =	sdelay $0x1  }
0x458: {  	(xrf1) =	vsort.ascd.msk.f32 @p0 $0xffff, v28, v28;
	v28 =	vlaneseq.u32 @p1  }
0x459: {  	(xrf1) =	vsort.dscd.msk.f32 @p1 $0xffff, v27, v28;
	_ =	sdelay $0xb  }
0x45a: {  	v27 =	vld [tilespmem:$0x6C0]  }
0x45b: {  	v28, _, _ =	vpop @p0 (xrf1)  }
0x45c: {  	v26 =	vpsel p0, v28, v26;
	v28, _, _ =	vpop @p1 (xrf1)  }
0x45d: {  	v28 =	vmax.f32 @p1 v26, v28  }
0x45e: {  	(xrf0) =	vmin.scan.msk.f32 @p1 $0xffff, v28  }
0x45f: {  	(xrf0) =	vmax.scan.msk.f32 $0xffff, v27;
	_ =	sdelay $0x4  }
0x460: {  	v29, _, _ =	vpop @p1 (xrf0)  }
0x461: {  	(v2sf) =	vpush @p1 v29, $0xF;
	v38, _, _ =	vpop (xrf0)  }
0x462: {  	(v2sf) =	vpush v38, $0xF;
	_ =	sdelay $0xd  }
0x463: {  	s15 =	spop @p1 (v2sf)  }
0x464: {  	s14 =	smov.u32 @p1 s15;
	s30 =	spop (v2sf)  }
0x465: {  	p0 =	sgt.f32 s30, s14;
	_ =	sdelay $0x1  }
0x466: {  	(xrf1) =	vsort.ascd.msk.f32 @p1 $0xffff, v28, v28;
	v28 =	vlaneseq.u32 @p0  }
0x467: {  	(xrf1) =	vsort.dscd.msk.f32 @p0 $0xffff, v27, v28;
	_ =	sdelay $0xb  }
0x468: {  	v27 =	vld [tilespmem:$0x6D0]  }
0x469: {  	v28, _, _ =	vpop @p1 (xrf1)  }
0x46a: {  	v26 =	vpsel p1, v28, v26;
	v28, _, _ =	vpop @p0 (xrf1)  }
0x46b: {  	v28 =	vmax.f32 @p0 v26, v28  }
0x46c: {  	(xrf0) =	vmin.scan.msk.f32 @p0 $0xffff, v28  }
0x46d: {  	(xrf0) =	vmax.scan.msk.f32 $0xffff, v27;
	_ =	sdelay $0x4  }
0x46e: {  	v29, _, _ =	vpop @p0 (xrf0)  }
0x46f: {  	(v2sf) =	vpush @p0 v29, $0xF;
	v39, _, _ =	vpop (xrf0)  }
0x470: {  	(v2sf) =	vpush v39, $0xF;
	_ =	sdelay $0xd  }
0x471: {  	s15 =	spop @p0 (v2sf)  }
0x472: {  	s14 =	smov.u32 @p0 s15;
	s31 =	spop (v2sf)  }
0x473: {  	p1 =	sgt.f32 s31, s14;
	_ =	sdelay $0x1  }
0x474: {  	(xrf1) =	vsort.ascd.msk.f32 @p0 $0xffff, v28, v28;
	v28 =	vlaneseq.u32 @p1  }
0x475: {  	(xrf1) =	vsort.dscd.msk.f32 @p1 $0xffff, v27, v28;
	_ =	sdelay $0xb  }
0x476: {  	v27 =	vld [tilespmem:$0x6E0]  }
0x477: {  	v28, _, _ =	vpop @p0 (xrf1)  }
0x478: {  	v26 =	vpsel p0, v28, v26;
	v28, _, _ =	vpop @p1 (xrf1)  }
0x479: {  	v28 =	vmax.f32 @p1 v26, v28  }
0x47a: {  	(xrf0) =	vmin.scan.msk.f32 @p1 $0xffff, v28  }
0x47b: {  	(xrf0) =	vmax.scan.msk.f32 $0xffff, v27;
	_ =	sdelay $0x4  }
0x47c: {  	v29, _, _ =	vpop @p1 (xrf0)  }
0x47d: {  	(v2sf) =	vpush @p1 v29, $0xF;
	v40, _, _ =	vpop (xrf0)  }
0x47e: {  	(v2sf) =	vpush v40, $0xF;
	_ =	sdelay $0xd  }
0x47f: {  	s15 =	spop @p1 (v2sf)  }
0x480: {  	s14 =	smov.u32 @p1 s15;
	s16 =	spop (v2sf)  }
0x481: {  	p0 =	sgt.f32 s16, s14;
	_ =	sdelay $0x1  }
0x482: {  	(xrf1) =	vsort.ascd.msk.f32 @p1 $0xffff, v28, v28;
	v28 =	vlaneseq.u32 @p0  }
0x483: {  	(xrf1) =	vsort.dscd.msk.f32 @p0 $0xffff, v27, v28;
	_ =	sdelay $0xb  }
0x484: {  	v27 =	vld [tilespmem:$0x6F0]  }
0x485: {  	v28, _, _ =	vpop @p1 (xrf1)  }
0x486: {  	v26 =	vpsel p1, v28, v26;
	v28, _, _ =	vpop @p0 (xrf1)  }
0x487: {  	v28 =	vmax.f32 @p0 v26, v28  }
0x488: {  	(xrf0) =	vmin.scan.msk.f32 @p0 $0xffff, v28  }
0x489: {  	(xrf0) =	vmax.scan.msk.f32 $0xffff, v27;
	_ =	sdelay $0x4  }
0x48a: {  	v29, _, _ =	vpop @p0 (xrf0)  }
0x48b: {  	(v2sf) =	vpush @p0 v29, $0xF;
	v41, _, _ =	vpop (xrf0)  }
0x48c: {  	(v2sf) =	vpush v41, $0xF;
	_ =	sdelay $0xd  }
0x48d: {  	s15 =	spop @p0 (v2sf)  }
0x48e: {  	s14 =	smov.u32 @p0 s15;
	s17 =	spop (v2sf)  }
0x48f: {  	p1 =	sgt.f32 s17, s14;
	_ =	sdelay $0x1  }
0x490: {  	(xrf1) =	vsort.ascd.msk.f32 @p0 $0xffff, v28, v28;
	v28 =	vlaneseq.u32 @p1  }
0x491: {  	(xrf1) =	vsort.dscd.msk.f32 @p1 $0xffff, v27, v28;
	_ =	sdelay $0xb  }
0x492: {  	v27 =	vld [tilespmem:$0x700]  }
0x493: {  	v28, _, _ =	vpop @p0 (xrf1)  }
0x494: {  	v26 =	vpsel p0, v28, v26;
	v28, _, _ =	vpop @p1 (xrf1)  }
0x495: {  	v28 =	vmax.f32 @p1 v26, v28  }
0x496: {  	(xrf0) =	vmin.scan.msk.f32 @p1 $0xffff, v28  }
0x497: {  	(xrf0) =	vmax.scan.msk.f32 $0xffff, v27;
	_ =	sdelay $0x4  }
0x498: {  	v29, _, _ =	vpop @p1 (xrf0)  }
0x499: {  	(v2sf) =	vpush @p1 v29, $0xF;
	v42, _, _ =	vpop (xrf0)  }
0x49a: {  	(v2sf) =	vpush v42, $0xF;
	_ =	sdelay $0xd  }
0x49b: {  	s15 =	spop @p1 (v2sf)  }
0x49c: {  	s14 =	smov.u32 @p1 s15;
	s18 =	spop (v2sf)  }
0x49d: {  	p0 =	sgt.f32 s18, s14;
	_ =	sdelay $0x1  }
0x49e: {  	(xrf1) =	vsort.ascd.msk.f32 @p1 $0xffff, v28, v28;
	v28 =	vlaneseq.u32 @p0  }
0x49f: {  	(xrf1) =	vsort.dscd.msk.f32 @p0 $0xffff, v27, v28;
	_ =	sdelay $0xb  }
0x4a0: {  	v27 =	vld [tilespmem:$0x710]  }
0x4a1: {  	v28, _, _ =	vpop @p1 (xrf1)  }
0x4a2: {  	v26 =	vpsel p1, v28, v26;
	v28, _, _ =	vpop @p0 (xrf1)  }
0x4a3: {  	v28 =	vmax.f32 @p0 v26, v28  }
0x4a4: {  	(xrf0) =	vmin.scan.msk.f32 @p0 $0xffff, v28  }
0x4a5: {  	(xrf0) =	vmax.scan.msk.f32 $0xffff, v27;
	_ =	sdelay $0x4  }
0x4a6: {  	v29, _, _ =	vpop @p0 (xrf0)  }
0x4a7: {  	(v2sf) =	vpush @p0 v29, $0xF;
	v43, _, _ =	vpop (xrf0)  }
0x4a8: {  	(v2sf) =	vpush v43, $0xF;
	_ =	sdelay $0xd  }
0x4a9: {  	s15 =	spop @p0 (v2sf)  }
0x4aa: {  	s14 =	smov.u32 @p0 s15;
	s19 =	spop (v2sf)  }
0x4ab: {  	p1 =	sgt.f32 s19, s14;
	_ =	sdelay $0x1  }
0x4ac: {  	(xrf1) =	vsort.ascd.msk.f32 @p0 $0xffff, v28, v28;
	v28 =	vlaneseq.u32 @p1  }
0x4ad: {  	(xrf1) =	vsort.dscd.msk.f32 @p1 $0xffff, v27, v28;
	_ =	sdelay $0xb  }
0x4ae: {  	v27 =	vld [tilespmem:$0x720]  }
0x4af: {  	v28, _, _ =	vpop @p0 (xrf1)  }
0x4b0: {  	v26 =	vpsel p0, v28, v26;
	v28, _, _ =	vpop @p1 (xrf1)  }
0x4b1: {  	v28 =	vmax.f32 @p1 v26, v28  }
0x4b2: {  	(xrf0) =	vmin.scan.msk.f32 @p1 $0xffff, v28  }
0x4b3: {  	(xrf0) =	vmax.scan.msk.f32 $0xffff, v27;
	_ =	sdelay $0x4  }
0x4b4: {  	v29, _, _ =	vpop @p1 (xrf0)  }
0x4b5: {  	(v2sf) =	vpush @p1 v29, $0xF;
	v44, _, _ =	vpop (xrf0)  }
0x4b6: {  	(v2sf) =	vpush v44, $0xF;
	_ =	sdelay $0xd  }
0x4b7: {  	s15 =	spop @p1 (v2sf)  }
0x4b8: {  	s14 =	smov.u32 @p1 s15;
	s20 =	spop (v2sf)  }
0x4b9: {  	p0 =	sgt.f32 s20, s14;
	_ =	sdelay $0x1  }
0x4ba: {  	(xrf1) =	vsort.ascd.msk.f32 @p1 $0xffff, v28, v28;
	v28 =	vlaneseq.u32 @p0  }
0x4bb: {  	(xrf1) =	vsort.dscd.msk.f32 @p0 $0xffff, v27, v28;
	_ =	sdelay $0xb  }
0x4bc: {  	v27 =	vld [tilespmem:$0x730]  }
0x4bd: {  	v28, _, _ =	vpop @p1 (xrf1)  }
0x4be: {  	v26 =	vpsel p1, v28, v26;
	v28, _, _ =	vpop @p0 (xrf1)  }
0x4bf: {  	v28 =	vmax.f32 @p0 v26, v28  }
0x4c0: {  	(xrf0) =	vmin.scan.msk.f32 @p0 $0xffff, v28  }
0x4c1: {  	(xrf0) =	vmax.scan.msk.f32 $0xffff, v27;
	_ =	sdelay $0x4  }
0x4c2: {  	v29, _, _ =	vpop @p0 (xrf0)  }
0x4c3: {  	(v2sf) =	vpush @p0 v29, $0xF;
	v45, _, _ =	vpop (xrf0)  }
0x4c4: {  	(v2sf) =	vpush v45, $0xF;
	_ =	sdelay $0xd  }
0x4c5: {  	s15 =	spop @p0 (v2sf)  }
0x4c6: {  	s14 =	smov.u32 @p0 s15;
	s21 =	spop (v2sf)  }
0x4c7: {  	p1 =	sgt.f32 s21, s14;
	_ =	sdelay $0x1  }
0x4c8: {  	(xrf1) =	vsort.ascd.msk.f32 @p0 $0xffff, v28, v28;
	v28 =	vlaneseq.u32 @p1  }
0x4c9: {  	(xrf1) =	vsort.dscd.msk.f32 @p1 $0xffff, v27, v28;
	_ =	sdelay $0xb  }
0x4ca: {  	v27 =	vld [tilespmem:$0x740]  }
0x4cb: {  	v28, _, _ =	vpop @p0 (xrf1)  }
0x4cc: {  	v26 =	vpsel p0, v28, v26;
	v28, _, _ =	vpop @p1 (xrf1)  }
0x4cd: {  	v28 =	vmax.f32 @p1 v26, v28  }
0x4ce: {  	(xrf0) =	vmin.scan.msk.f32 @p1 $0xffff, v28  }
0x4cf: {  	(xrf0) =	vmax.scan.msk.f32 $0xffff, v27;
	_ =	sdelay $0x4  }
0x4d0: {  	v29, _, _ =	vpop @p1 (xrf0)  }
0x4d1: {  	(v2sf) =	vpush @p1 v29, $0xF;
	v46, _, _ =	vpop (xrf0)  }
0x4d2: {  	(v2sf) =	vpush v46, $0xF;
	_ =	sdelay $0xd  }
0x4d3: {  	s15 =	spop @p1 (v2sf)  }
0x4d4: {  	s14 =	smov.u32 @p1 s15;
	s22 =	spop (v2sf)  }
0x4d5: {  	p0 =	sgt.f32 s22, s14;
	_ =	sdelay $0x1  }
0x4d6: {  	(xrf1) =	vsort.ascd.msk.f32 @p1 $0xffff, v28, v28;
	v28 =	vlaneseq.u32 @p0  }
0x4d7: {  	(xrf1) =	vsort.dscd.msk.f32 @p0 $0xffff, v27, v28;
	_ =	sdelay $0xb  }
0x4d8: {  	v27 =	vld [tilespmem:$0x750]  }
0x4d9: {  	v28, _, _ =	vpop @p1 (xrf1)  }
0x4da: {  	v26 =	vpsel p1, v28, v26;
	v28, _, _ =	vpop @p0 (xrf1)  }
0x4db: {  	v28 =	vmax.f32 @p0 v26, v28  }
0x4dc: {  	(xrf0) =	vmin.scan.msk.f32 @p0 $0xffff, v28  }
0x4dd: {  	(xrf0) =	vmax.scan.msk.f32 $0xffff, v27;
	_ =	sdelay $0x4  }
0x4de: {  	v29, _, _ =	vpop @p0 (xrf0)  }
0x4df: {  	(v2sf) =	vpush @p0 v29, $0xF;
	v47, _, _ =	vpop (xrf0)  }
0x4e0: {  	(v2sf) =	vpush v47, $0xF;
	_ =	sdelay $0xd  }
0x4e1: {  	s15 =	spop @p0 (v2sf)  }
0x4e2: {  	s14 =	smov.u32 @p0 s15;
	s23 =	spop (v2sf)  }
0x4e3: {  	p1 =	sgt.f32 s23, s14;
	_ =	sdelay $0x1  }
0x4e4: {  	(xrf1) =	vsort.ascd.msk.f32 @p0 $0xffff, v28, v28;
	v28 =	vlaneseq.u32 @p1  }
0x4e5: {  	(xrf1) =	vsort.dscd.msk.f32 @p1 $0xffff, v27, v28;
	_ =	sdelay $0xb  }
0x4e6: {  	v27 =	vld [tilespmem:$0x760]  }
0x4e7: {  	v28, _, _ =	vpop @p0 (xrf1)  }
0x4e8: {  	v26 =	vpsel p0, v28, v26;
	v28, _, _ =	vpop @p1 (xrf1)  }
0x4e9: {  	v28 =	vmax.f32 @p1 v26, v28  }
0x4ea: {  	(xrf0) =	vmin.scan.msk.f32 @p1 $0xffff, v28  }
0x4eb: {  	(xrf0) =	vmax.scan.msk.f32 $0xffff, v27;
	_ =	sdelay $0x4  }
0x4ec: {  	v29, _, _ =	vpop @p1 (xrf0)  }
0x4ed: {  	(v2sf) =	vpush @p1 v29, $0xF;
	v48, _, _ =	vpop (xrf0)  }
0x4ee: {  	(v2sf) =	vpush v48, $0xF;
	_ =	sdelay $0xd  }
0x4ef: {  	s15 =	spop @p1 (v2sf)  }
0x4f0: {  	s14 =	smov.u32 @p1 s15;
	s24 =	spop (v2sf)  }
0x4f1: {  	p0 =	sgt.f32 s24, s14;
	_ =	sdelay $0x1  }
0x4f2: {  	(xrf1) =	vsort.ascd.msk.f32 @p1 $0xffff, v28, v28;
	v28 =	vlaneseq.u32 @p0  }
0x4f3: {  	(xrf1) =	vsort.dscd.msk.f32 @p0 $0xffff, v27, v28;
	_ =	sdelay $0xb  }
0x4f4: {  	v27 =	vld [tilespmem:$0x770]  }
0x4f5: {  	v28, _, _ =	vpop @p1 (xrf1)  }
0x4f6: {  	v26 =	vpsel p1, v28, v26;
	v28, _, _ =	vpop @p0 (xrf1)  }
0x4f7: {  	v28 =	vmax.f32 @p0 v26, v28  }
0x4f8: {  	(xrf0) =	vmin.scan.msk.f32 @p0 $0xffff, v28  }
0x4f9: {  	(xrf0) =	vmax.scan.msk.f32 $0xffff, v27;
	_ =	sdelay $0x4  }
0x4fa: {  	v29, _, _ =	vpop @p0 (xrf0)  }
0x4fb: {  	(v2sf) =	vpush @p0 v29, $0xF;
	v49, _, _ =	vpop (xrf0)  }
0x4fc: {  	(v2sf) =	vpush v49, $0xF;
	_ =	sdelay $0xd  }
0x4fd: {  	s15 =	spop @p0 (v2sf)  }
0x4fe: {  	s14 =	smov.u32 @p0 s15;
	s25 =	spop (v2sf)  }
0x4ff: {  	p1 =	sgt.f32 s25, s14;
	_ =	sdelay $0x1  }
0x500: {  	(xrf1) =	vsort.ascd.msk.f32 @p0 $0xffff, v28, v28;
	v28 =	vlaneseq.u32 @p1  }
0x501: {  	(xrf1) =	vsort.dscd.msk.f32 @p1 $0xffff, v27, v28;
	_ =	sdelay $0xb  }
0x502: {  	v27 =	vld [tilespmem:$0x780]  }
0x503: {  	v28, _, _ =	vpop @p0 (xrf1)  }
0x504: {  	v26 =	vpsel p0, v28, v26;
	v28, _, _ =	vpop @p1 (xrf1)  }
0x505: {  	v28 =	vmax.f32 @p1 v26, v28  }
0x506: {  	(xrf0) =	vmin.scan.msk.f32 @p1 $0xffff, v28  }
0x507: {  	(xrf0) =	vmax.scan.msk.f32 $0xffff, v27;
	_ =	sdelay $0x4  }
0x508: {  	v29, _, _ =	vpop @p1 (xrf0)  }
0x509: {  	(v2sf) =	vpush @p1 v29, $0xF;
	v50, _, _ =	vpop (xrf0)  }
0x50a: {  	(v2sf) =	vpush v50, $0xF;
	_ =	sdelay $0xd  }
0x50b: {  	s15 =	spop @p1 (v2sf)  }
0x50c: {  	s14 =	smov.u32 @p1 s15;
	s26 =	spop (v2sf)  }
0x50d: {  	p0 =	sgt.f32 s26, s14;
	_ =	sdelay $0x1  }
0x50e: {  	(xrf1) =	vsort.ascd.msk.f32 @p1 $0xffff, v28, v28;
	v28 =	vlaneseq.u32 @p0  }
0x50f: {  	(xrf1) =	vsort.dscd.msk.f32 @p0 $0xffff, v27, v28;
	_ =	sdelay $0xb  }
0x510: {  	v27 =	vld [tilespmem:$0x790]  }
0x511: {  	v28, _, _ =	vpop @p1 (xrf1)  }
0x512: {  	v26 =	vpsel p1, v28, v26;
	v28, _, _ =	vpop @p0 (xrf1)  }
0x513: {  	v28 =	vmax.f32 @p0 v26, v28  }
0x514: {  	(xrf0) =	vmin.scan.msk.f32 @p0 $0xffff, v28  }
0x515: {  	(xrf0) =	vmax.scan.msk.f32 $0xffff, v27;
	_ =	sdelay $0x4  }
0x516: {  	v29, _, _ =	vpop @p0 (xrf0)  }
0x517: {  	(v2sf) =	vpush @p0 v29, $0xF;
	v51, _, _ =	vpop (xrf0)  }
0x518: {  	(v2sf) =	vpush v51, $0xF;
	_ =	sdelay $0xd  }
0x519: {  	s15 =	spop @p0 (v2sf)  }
0x51a: {  	s14 =	smov.u32 @p0 s15;
	s28 =	spop (v2sf)  }
0x51b: {  	p1 =	sgt.f32 s28, s14;
	_ =	sdelay $0x1  }
0x51c: {  	(xrf1) =	vsort.ascd.msk.f32 @p0 $0xffff, v28, v28;
	v28 =	vlaneseq.u32 @p1  }
0x51d: {  	(xrf1) =	vsort.dscd.msk.f32 @p1 $0xffff, v27, v28;
	_ =	sdelay $0xb  }
0x51e: {  	v27 =	vld [tilespmem:$0x7A0]  }
0x51f: {  	v28, _, _ =	vpop @p0 (xrf1)  }
0x520: {  	v26 =	vpsel p0, v28, v26;
	v28, _, _ =	vpop @p1 (xrf1)  }
0x521: {  	v28 =	vmax.f32 @p1 v26, v28  }
0x522: {  	(xrf0) =	vmin.scan.msk.f32 @p1 $0xffff, v28  }
0x523: {  	(xrf0) =	vmax.scan.msk.f32 $0xffff, v27;
	_ =	sdelay $0x4  }
0x524: {  	v29, _, _ =	vpop @p1 (xrf0)  }
0x525: {  	(v2sf) =	vpush @p1 v29, $0xF;
	v52, _, _ =	vpop (xrf0)  }
0x526: {  	(v2sf) =	vpush v52, $0xF;
	_ =	sdelay $0xd  }
0x527: {  	s15 =	spop @p1 (v2sf)  }
0x528: {  	s14 =	smov.u32 @p1 s15;
	s29 =	spop (v2sf)  }
0x529: {  	p0 =	sgt.f32 s29, s14;
	_ =	sdelay $0x1  }
0x52a: {  	(xrf1) =	vsort.ascd.msk.f32 @p1 $0xffff, v28, v28;
	v28 =	vlaneseq.u32 @p0  }
0x52b: {  	(xrf1) =	vsort.dscd.msk.f32 @p0 $0xffff, v27, v28;
	_ =	sdelay $0xb  }
0x52c: {  	v27 =	vld [tilespmem:$0x7B0]  }
0x52d: {  	v28, _, _ =	vpop @p1 (xrf1)  }
0x52e: {  	v26 =	vpsel p1, v28, v26;
	v28, _, _ =	vpop @p0 (xrf1)  }
0x52f: {  	v28 =	vmax.f32 @p0 v26, v28  }
0x530: {  	(xrf0) =	vmin.scan.msk.f32 @p0 $0xffff, v28  }
0x531: {  	(xrf0) =	vmax.scan.msk.f32 $0xffff, v27;
	_ =	sdelay $0x4  }
0x532: {  	v29, _, _ =	vpop @p0 (xrf0)  }
0x533: {  	(v2sf) =	vpush @p0 v29, $0xF;
	v53, _, _ =	vpop (xrf0)  }
0x534: {  	(v2sf) =	vpush v53, $0xF;
	_ =	sdelay $0xd  }
0x535: {  	s15 =	spop @p0 (v2sf)  }
0x536: {  	s14 =	smov.u32 @p0 s15;
	s30 =	spop (v2sf)  }
0x537: {  	p1 =	sgt.f32 s30, s14;
	_ =	sdelay $0x1  }
0x538: {  	(xrf1) =	vsort.ascd.msk.f32 @p0 $0xffff, v28, v28;
	v28 =	vlaneseq.u32 @p1  }
0x539: {  	(xrf1) =	vsort.dscd.msk.f32 @p1 $0xffff, v27, v28;
	_ =	sdelay $0xb  }
0x53a: {  	v27 =	vld [tilespmem:$0x7C0]  }
0x53b: {  	v28, _, _ =	vpop @p0 (xrf1)  }
0x53c: {  	v26 =	vpsel p0, v28, v26;
	v28, _, _ =	vpop @p1 (xrf1)  }
0x53d: {  	v28 =	vmax.f32 @p1 v26, v28  }
0x53e: {  	(xrf0) =	vmin.scan.msk.f32 @p1 $0xffff, v28  }
0x53f: {  	(xrf0) =	vmax.scan.msk.f32 $0xffff, v27;
	_ =	sdelay $0x4  }
0x540: {  	v29, _, _ =	vpop @p1 (xrf0)  }
0x541: {  	(v2sf) =	vpush @p1 v29, $0xF;
	v54, _, _ =	vpop (xrf0)  }
0x542: {  	(v2sf) =	vpush v54, $0xF;
	_ =	sdelay $0xd  }
0x543: {  	s15 =	spop @p1 (v2sf)  }
0x544: {  	s14 =	smov.u32 @p1 s15;
	s31 =	spop (v2sf)  }
0x545: {  	p0 =	sgt.f32 s31, s14;
	_ =	sdelay $0x1  }
0x546: {  	(xrf1) =	vsort.ascd.msk.f32 @p1 $0xffff, v28, v28;
	v28 =	vlaneseq.u32 @p0  }
0x547: {  	(xrf1) =	vsort.dscd.msk.f32 @p0 $0xffff, v27, v28;
	_ =	sdelay $0xb  }
0x548: {  	v27 =	vld [tilespmem:$0x7D0]  }
0x549: {  	v28, _, _ =	vpop @p1 (xrf1)  }
0x54a: {  	v26 =	vpsel p1, v28, v26;
	v28, _, _ =	vpop @p0 (xrf1)  }
0x54b: {  	v28 =	vmax.f32 @p0 v26, v28  }
0x54c: {  	(xrf0) =	vmin.scan.msk.f32 @p0 $0xffff, v28  }
0x54d: {  	(xrf0) =	vmax.scan.msk.f32 $0xffff, v27;
	_ =	sdelay $0x4  }
0x54e: {  	v29, _, _ =	vpop @p0 (xrf0)  }
0x54f: {  	(v2sf) =	vpush @p0 v29, $0xF;
	v55, _, _ =	vpop (xrf0)  }
0x550: {  	(v2sf) =	vpush v55, $0xF;
	_ =	sdelay $0xd  }
0x551: {  	s15 =	spop @p0 (v2sf)  }
0x552: {  	s14 =	smov.u32 @p0 s15;
	s16 =	spop (v2sf)  }
0x553: {  	p1 =	sgt.f32 s16, s14;
	_ =	sdelay $0x1  }
0x554: {  	(xrf1) =	vsort.ascd.msk.f32 @p0 $0xffff, v28, v28;
	v28 =	vlaneseq.u32 @p1  }
0x555: {  	(xrf1) =	vsort.dscd.msk.f32 @p1 $0xffff, v27, v28;
	_ =	sdelay $0xb  }
0x556: {  	v27 =	vld [tilespmem:$0x7E0]  }
0x557: {  	v28, _, _ =	vpop @p0 (xrf1)  }
0x558: {  	v26 =	vpsel p0, v28, v26;
	v28, _, _ =	vpop @p1 (xrf1)  }
0x559: {  	v28 =	vmax.f32 @p1 v26, v28  }
0x55a: {  	(xrf0) =	vmin.scan.msk.f32 @p1 $0xffff, v28  }
0x55b: {  	(xrf0) =	vmax.scan.msk.f32 $0xffff, v27;
	_ =	sdelay $0x4  }
0x55c: {  	v29, _, _ =	vpop @p1 (xrf0)  }
0x55d: {  	(v2sf) =	vpush @p1 v29, $0xF;
	v56, _, _ =	vpop (xrf0)  }
0x55e: {  	(v2sf) =	vpush v56, $0xF;
	_ =	sdelay $0xd  }
0x55f: {  	s15 =	spop @p1 (v2sf)  }
0x560: {  	s14 =	smov.u32 @p1 s15;
	s17 =	spop (v2sf)  }
0x561: {  	p0 =	sgt.f32 s17, s14;
	_ =	sdelay $0x1  }
0x562: {  	(xrf1) =	vsort.ascd.msk.f32 @p1 $0xffff, v28, v28;
	v28 =	vlaneseq.u32 @p0  }
0x563: {  	(xrf1) =	vsort.dscd.msk.f32 @p0 $0xffff, v27, v28;
	_ =	sdelay $0xb  }
0x564: {  	v27 =	vld [tilespmem:$0x7F0]  }
0x565: {  	v28, _, _ =	vpop @p1 (xrf1)  }
0x566: {  	v26 =	vpsel p1, v28, v26;
	v28, _, _ =	vpop @p0 (xrf1)  }
0x567: {  	v28 =	vmax.f32 @p0 v26, v28  }
0x568: {  	(xrf0) =	vmin.scan.msk.f32 @p0 $0xffff, v28  }
0x569: {  	(xrf0) =	vmax.scan.msk.f32 $0xffff, v27;
	_ =	sdelay $0x4  }
0x56a: {  	v29, _, _ =	vpop @p0 (xrf0)  }
0x56b: {  	(v2sf) =	vpush @p0 v29, $0xF;
	v57, _, _ =	vpop (xrf0)  }
0x56c: {  	(v2sf) =	vpush v57, $0xF;
	_ =	sdelay $0xd  }
0x56d: {  	s15 =	spop @p0 (v2sf)  }
0x56e: {  	s14 =	smov.u32 @p0 s15;
	s18 =	spop (v2sf)  }
0x56f: {  	p1 =	sgt.f32 s18, s14;
	_ =	sdelay $0x1  }
0x570: {  	(xrf1) =	vsort.ascd.msk.f32 @p0 $0xffff, v28, v28;
	v28 =	vlaneseq.u32 @p1  }
0x571: {  	(xrf1) =	vsort.dscd.msk.f32 @p1 $0xffff, v27, v28;
	_ =	sdelay $0xb  }
0x572: {  	v27 =	vld [tilespmem:$0x800]  }
0x573: {  	v28, _, _ =	vpop @p0 (xrf1)  }
0x574: {  	v26 =	vpsel p0, v28, v26;
	v28, _, _ =	vpop @p1 (xrf1)  }
0x575: {  	v28 =	vmax.f32 @p1 v26, v28  }
0x576: {  	(xrf0) =	vmin.scan.msk.f32 @p1 $0xffff, v28  }
0x577: {  	(xrf0) =	vmax.scan.msk.f32 $0xffff, v27;
	_ =	sdelay $0x4  }
0x578: {  	v29, _, _ =	vpop @p1 (xrf0)  }
0x579: {  	(v2sf) =	vpush @p1 v29, $0xF;
	v58, _, _ =	vpop (xrf0)  }
0x57a: {  	(v2sf) =	vpush v58, $0xF;
	_ =	sdelay $0xd  }
0x57b: {  	s15 =	spop @p1 (v2sf)  }
0x57c: {  	s14 =	smov.u32 @p1 s15;
	s19 =	spop (v2sf)  }
0x57d: {  	p2 =	sgt.f32 s19, s14;
	_ =	sdelay $0x1  }
0x57e: {  	(xrf1) =	vsort.ascd.msk.f32 @p1 $0xffff, v28, v28;
	v28 =	vlaneseq.u32 @p2  }
0x57f: {  	(xrf1) =	vsort.dscd.msk.f32 @p2 $0xffff, v27, v28;
	_ =	sdelay $0xb  }
0x580: {  	v27 =	vld [tilespmem:$0x810]  }
0x581: {  	v28, _, _ =	vpop @p1 (xrf1)  }
0x582: {  	v26 =	vpsel p1, v28, v26;
	v28, _, _ =	vpop @p2 (xrf1)  }
0x583: {  	v28 =	vmax.f32 @p2 v26, v28  }
0x584: {  	(xrf0) =	vmin.scan.msk.f32 @p2 $0xffff, v28  }
0x585: {  	(xrf0) =	vmax.scan.msk.f32 $0xffff, v27;
	_ =	sdelay $0x4  }
0x586: {  	v29, _, _ =	vpop @p2 (xrf0)  }
0x587: {  	(v2sf) =	vpush @p2 v29, $0xF;
	v59, _, _ =	vpop (xrf0)  }
0x588: {  	(v2sf) =	vpush v59, $0xF;
	_ =	sdelay $0xd  }
0x589: {  	s15 =	spop @p2 (v2sf)  }
0x58a: {  	s14 =	smov.u32 @p2 s15;
	s20 =	spop (v2sf)  }
0x58b: {  	p0 =	sgt.f32 s20, s14;
	_ =	sdelay $0x1  }
0x58c: {  	(xrf1) =	vsort.ascd.msk.f32 @p2 $0xffff, v28, v28;
	v28 =	vlaneseq.u32 @p0  }
0x58d: {  	(xrf1) =	vsort.dscd.msk.f32 @p0 $0xffff, v27, v28;
	_ =	sdelay $0xc  }
0x58e: {  	v27, _, _ =	vpop @p2 (xrf1)  }
0x58f: {  	v26 =	vpsel p2, v27, v26;
	v27, _, _ =	vpop @p0 (xrf1)  }
0x590: {  	v27 =	vmax.f32 @p0 v26, v27  }
0x591: {  	(xrf1) =	vsort.ascd.msk.f32 @p0 $0xffff, v27, v27;
	_ =	sdelay $0xd  }
0x592: {  	v28, _, _ =	vpop @p0 (xrf1)  }
0x593: {  	v29 =	vld [tilespmem:$0x820];
	_ =	sdelay $0x3  }
0x594: {  	(xrf0) =	vmin.scan.msk.f32 @p0 $0xffff, v27  }
0x595: {  	(xrf0) =	vmax.scan.msk.f32 $0xffff, v29;
	_ =	sdelay $0x4  }
0x596: {  	v27, _, _ =	vpop @p0 (xrf0)  }
0x597: {  	(v2sf) =	vpush @p0 v27, $0xF;
	v27, _, _ =	vpop (xrf0)  }
0x598: {  	(v2sf) =	vpush v27, $0xF;
	_ =	sdelay $0xd  }
0x599: {  	s15 =	spop @p0 (v2sf)  }
0x59a: {  	s14 =	smov.u32 @p0 s15;
	s21 =	spop (v2sf)  }
0x59b: {  	p1 =	sgt.f32 s21, s14;
	_ =	sdelay $0x1  }
0x59c: {  	v27 =	vlaneseq.u32 @p1  }
0x59d: {  	(xrf1) =	vsort.dscd.msk.f32 @p1 $0xffff, v29, v27;
	_ =	sdelay $0xb  }
0x59e: {  	v27 =	vld [tilespmem:$0x830];
	_ =	sdelay $0x1  }
0x59f: {  	v26 =	vpsel p0, v28, v26;
	v28, _, _ =	vpop @p1 (xrf1)  }
0x5a0: {  	v28 =	vmax.f32 @p1 v26, v28  }
0x5a1: {  	(xrf0) =	vmin.scan.msk.f32 @p1 $0xffff, v28  }
0x5a2: {  	(xrf0) =	vmax.scan.msk.f32 $0xffff, v27;
	_ =	sdelay $0x4  }
0x5a3: {  	v29, _, _ =	vpop @p1 (xrf0)  }
0x5a4: {  	(v2sf) =	vpush @p1 v29, $0xF;
	v60, _, _ =	vpop (xrf0)  }
0x5a5: {  	(v2sf) =	vpush v60, $0xF;
	_ =	sdelay $0xd  }
0x5a6: {  	s15 =	spop @p1 (v2sf)  }
0x5a7: {  	s14 =	smov.u32 @p1 s15;
	s22 =	spop (v2sf)  }
0x5a8: {  	p0 =	sgt.f32 s22, s14;
	_ =	sdelay $0x1  }
0x5a9: {  	(xrf1) =	vsort.ascd.msk.f32 @p1 $0xffff, v28, v28;
	v28 =	vlaneseq.u32 @p0  }
0x5aa: {  	(xrf1) =	vsort.dscd.msk.f32 @p0 $0xffff, v27, v28;
	_ =	sdelay $0xb  }
0x5ab: {  	v27 =	vld [tilespmem:$0x840]  }
0x5ac: {  	v28, _, _ =	vpop @p1 (xrf1)  }
0x5ad: {  	v26 =	vpsel p1, v28, v26;
	v28, _, _ =	vpop @p0 (xrf1)  }
0x5ae: {  	v28 =	vmax.f32 @p0 v26, v28  }
0x5af: {  	(xrf0) =	vmin.scan.msk.f32 @p0 $0xffff, v28  }
0x5b0: {  	(xrf0) =	vmax.scan.msk.f32 $0xffff, v27;
	_ =	sdelay $0x4  }
0x5b1: {  	v29, _, _ =	vpop @p0 (xrf0)  }
0x5b2: {  	(v2sf) =	vpush @p0 v29, $0xF;
	v61, _, _ =	vpop (xrf0)  }
0x5b3: {  	(v2sf) =	vpush v61, $0xF;
	_ =	sdelay $0xd  }
0x5b4: {  	s15 =	spop @p0 (v2sf)  }
0x5b5: {  	s14 =	smov.u32 @p0 s15;
	s23 =	spop (v2sf)  }
0x5b6: {  	p1 =	sgt.f32 s23, s14;
	_ =	sdelay $0x1  }
0x5b7: {  	(xrf1) =	vsort.ascd.msk.f32 @p0 $0xffff, v28, v28;
	v28 =	vlaneseq.u32 @p1  }
0x5b8: {  	(xrf1) =	vsort.dscd.msk.f32 @p1 $0xffff, v27, v28;
	_ =	sdelay $0xb  }
0x5b9: {  	v27 =	vld [tilespmem:$0x850]  }
0x5ba: {  	v28, _, _ =	vpop @p0 (xrf1)  }
0x5bb: {  	v26 =	vpsel p0, v28, v26;
	v28, _, _ =	vpop @p1 (xrf1)  }
0x5bc: {  	v28 =	vmax.f32 @p1 v26, v28  }
0x5bd: {  	(xrf0) =	vmin.scan.msk.f32 @p1 $0xffff, v28  }
0x5be: {  	(xrf0) =	vmax.scan.msk.f32 $0xffff, v27;
	_ =	sdelay $0x4  }
0x5bf: {  	v29, _, _ =	vpop @p1 (xrf0)  }
0x5c0: {  	(v2sf) =	vpush @p1 v29, $0xF;
	v62, _, _ =	vpop (xrf0)  }
0x5c1: {  	(v2sf) =	vpush v62, $0xF;
	_ =	sdelay $0xd  }
0x5c2: {  	s15 =	spop @p1 (v2sf)  }
0x5c3: {  	s14 =	smov.u32 @p1 s15;
	s24 =	spop (v2sf)  }
0x5c4: {  	p0 =	sgt.f32 s24, s14;
	_ =	sdelay $0x1  }
0x5c5: {  	(xrf1) =	vsort.ascd.msk.f32 @p1 $0xffff, v28, v28;
	v28 =	vlaneseq.u32 @p0  }
0x5c6: {  	(xrf1) =	vsort.dscd.msk.f32 @p0 $0xffff, v27, v28;
	_ =	sdelay $0xb  }
0x5c7: {  	v27 =	vld [tilespmem:$0x860]  }
0x5c8: {  	v28, _, _ =	vpop @p1 (xrf1)  }
0x5c9: {  	v26 =	vpsel p1, v28, v26;
	v28, _, _ =	vpop @p0 (xrf1)  }
0x5ca: {  	v28 =	vmax.f32 @p0 v26, v28  }
0x5cb: {  	(xrf0) =	vmin.scan.msk.f32 @p0 $0xffff, v28  }
0x5cc: {  	(xrf0) =	vmax.scan.msk.f32 $0xffff, v27;
	_ =	sdelay $0x4  }
0x5cd: {  	v29, _, _ =	vpop @p0 (xrf0)  }
0x5ce: {  	(v2sf) =	vpush @p0 v29, $0xF;
	v63, _, _ =	vpop (xrf0)  }
0x5cf: {  	(v2sf) =	vpush v63, $0xF;
	_ =	sdelay $0xd  }
0x5d0: {  	s15 =	spop @p0 (v2sf)  }
0x5d1: {  	s14 =	smov.u32 @p0 s15;
	s25 =	spop (v2sf)  }
0x5d2: {  	p1 =	sgt.f32 s25, s14;
	_ =	sdelay $0x1  }
0x5d3: {  	(xrf1) =	vsort.ascd.msk.f32 @p0 $0xffff, v28, v28;
	v28 =	vlaneseq.u32 @p1  }
0x5d4: {  	(xrf1) =	vsort.dscd.msk.f32 @p1 $0xffff, v27, v28;
	_ =	sdelay $0xb  }
0x5d5: {  	v27 =	vld [tilespmem:$0x870]  }
0x5d6: {  	v28, _, _ =	vpop @p0 (xrf1)  }
0x5d7: {  	v26 =	vpsel p0, v28, v26;
	v28, _, _ =	vpop @p1 (xrf1)  }
0x5d8: {  	v28 =	vmax.f32 @p1 v26, v28  }
0x5d9: {  	(xrf0) =	vmin.scan.msk.f32 @p1 $0xffff, v28  }
0x5da: {  	(xrf0) =	vmax.scan.msk.f32 $0xffff, v27;
	_ =	sdelay $0x4  }
0x5db: {  	v29, _, _ =	vpop @p1 (xrf0)  }
0x5dc: {  	(v2sf) =	vpush @p1 v29, $0xF;
	v32, _, _ =	vpop (xrf0)  }
0x5dd: {  	(v2sf) =	vpush v32, $0xF;
	_ =	sdelay $0xd  }
0x5de: {  	s15 =	spop @p1 (v2sf)  }
0x5df: {  	s14 =	smov.u32 @p1 s15;
	s26 =	spop (v2sf)  }
0x5e0: {  	p0 =	sgt.f32 s26, s14;
	_ =	sdelay $0x1  }
0x5e1: {  	(xrf1) =	vsort.ascd.msk.f32 @p1 $0xffff, v28, v28;
	v28 =	vlaneseq.u32 @p0  }
0x5e2: {  	(xrf1) =	vsort.dscd.msk.f32 @p0 $0xffff, v27, v28;
	_ =	sdelay $0xb  }
0x5e3: {  	v27 =	vld [tilespmem:$0x880]  }
0x5e4: {  	v28, _, _ =	vpop @p1 (xrf1)  }
0x5e5: {  	v26 =	vpsel p1, v28, v26;
	v28, _, _ =	vpop @p0 (xrf1)  }
0x5e6: {  	v28 =	vmax.f32 @p0 v26, v28  }
0x5e7: {  	(xrf0) =	vmin.scan.msk.f32 @p0 $0xffff, v28  }
0x5e8: {  	(xrf0) =	vmax.scan.msk.f32 $0xffff, v27;
	_ =	sdelay $0x4  }
0x5e9: {  	v29, _, _ =	vpop @p0 (xrf0)  }
0x5ea: {  	(v2sf) =	vpush @p0 v29, $0xF;
	v33, _, _ =	vpop (xrf0)  }
0x5eb: {  	(v2sf) =	vpush v33, $0xF;
	_ =	sdelay $0xd  }
0x5ec: {  	s15 =	spop @p0 (v2sf)  }
0x5ed: {  	s14 =	smov.u32 @p0 s15;
	s28 =	spop (v2sf)  }
0x5ee: {  	p1 =	sgt.f32 s28, s14;
	_ =	sdelay $0x1  }
0x5ef: {  	(xrf1) =	vsort.ascd.msk.f32 @p0 $0xffff, v28, v28;
	v28 =	vlaneseq.u32 @p1  }
0x5f0: {  	(xrf1) =	vsort.dscd.msk.f32 @p1 $0xffff, v27, v28;
	_ =	sdelay $0xb  }
0x5f1: {  	v27 =	vld [tilespmem:$0x890]  }
0x5f2: {  	v28, _, _ =	vpop @p0 (xrf1)  }
0x5f3: {  	v26 =	vpsel p0, v28, v26;
	v28, _, _ =	vpop @p1 (xrf1)  }
0x5f4: {  	v28 =	vmax.f32 @p1 v26, v28  }
0x5f5: {  	(xrf0) =	vmin.scan.msk.f32 @p1 $0xffff, v28  }
0x5f6: {  	(xrf0) =	vmax.scan.msk.f32 $0xffff, v27;
	_ =	sdelay $0x4  }
0x5f7: {  	v29, _, _ =	vpop @p1 (xrf0)  }
0x5f8: {  	(v2sf) =	vpush @p1 v29, $0xF;
	v34, _, _ =	vpop (xrf0)  }
0x5f9: {  	(v2sf) =	vpush v34, $0xF;
	_ =	sdelay $0xd  }
0x5fa: {  	s15 =	spop @p1 (v2sf)  }
0x5fb: {  	s14 =	smov.u32 @p1 s15;
	s29 =	spop (v2sf)  }
0x5fc: {  	p0 =	sgt.f32 s29, s14;
	_ =	sdelay $0x1  }
0x5fd: {  	(xrf1) =	vsort.ascd.msk.f32 @p1 $0xffff, v28, v28;
	v28 =	vlaneseq.u32 @p0  }
0x5fe: {  	(xrf1) =	vsort.dscd.msk.f32 @p0 $0xffff, v27, v28;
	_ =	sdelay $0xb  }
0x5ff: {  	v27 =	vld [tilespmem:$0x8A0]  }
0x600: {  	v28, _, _ =	vpop @p1 (xrf1)  }
0x601: {  	v26 =	vpsel p1, v28, v26;
	v28, _, _ =	vpop @p0 (xrf1)  }
0x602: {  	v28 =	vmax.f32 @p0 v26, v28  }
0x603: {  	(xrf0) =	vmin.scan.msk.f32 @p0 $0xffff, v28  }
0x604: {  	(xrf0) =	vmax.scan.msk.f32 $0xffff, v27;
	_ =	sdelay $0x4  }
0x605: {  	v29, _, _ =	vpop @p0 (xrf0)  }
0x606: {  	(v2sf) =	vpush @p0 v29, $0xF;
	v35, _, _ =	vpop (xrf0)  }
0x607: {  	(v2sf) =	vpush v35, $0xF;
	_ =	sdelay $0xd  }
0x608: {  	s15 =	spop @p0 (v2sf)  }
0x609: {  	s14 =	smov.u32 @p0 s15;
	s30 =	spop (v2sf)  }
0x60a: {  	p1 =	sgt.f32 s30, s14;
	_ =	sdelay $0x1  }
0x60b: {  	(xrf1) =	vsort.ascd.msk.f32 @p0 $0xffff, v28, v28;
	v28 =	vlaneseq.u32 @p1  }
0x60c: {  	(xrf1) =	vsort.dscd.msk.f32 @p1 $0xffff, v27, v28;
	_ =	sdelay $0xb  }
0x60d: {  	v27 =	vld [tilespmem:$0x8B0]  }
0x60e: {  	v28, _, _ =	vpop @p0 (xrf1)  }
0x60f: {  	v26 =	vpsel p0, v28, v26;
	v28, _, _ =	vpop @p1 (xrf1)  }
0x610: {  	v28 =	vmax.f32 @p1 v26, v28  }
0x611: {  	(xrf0) =	vmin.scan.msk.f32 @p1 $0xffff, v28  }
0x612: {  	(xrf0) =	vmax.scan.msk.f32 $0xffff, v27;
	_ =	sdelay $0x4  }
0x613: {  	v29, _, _ =	vpop @p1 (xrf0)  }
0x614: {  	(v2sf) =	vpush @p1 v29, $0xF;
	v36, _, _ =	vpop (xrf0)  }
0x615: {  	(v2sf) =	vpush v36, $0xF;
	_ =	sdelay $0xd  }
0x616: {  	s15 =	spop @p1 (v2sf)  }
0x617: {  	s14 =	smov.u32 @p1 s15;
	s31 =	spop (v2sf)  }
0x618: {  	p0 =	sgt.f32 s31, s14;
	_ =	sdelay $0x1  }
0x619: {  	(xrf1) =	vsort.ascd.msk.f32 @p1 $0xffff, v28, v28;
	v28 =	vlaneseq.u32 @p0  }
0x61a: {  	(xrf1) =	vsort.dscd.msk.f32 @p0 $0xffff, v27, v28;
	_ =	sdelay $0xb  }
0x61b: {  	v27 =	vld [tilespmem:$0x8C0]  }
0x61c: {  	v28, _, _ =	vpop @p1 (xrf1)  }
0x61d: {  	v26 =	vpsel p1, v28, v26;
	v28, _, _ =	vpop @p0 (xrf1)  }
0x61e: {  	v28 =	vmax.f32 @p0 v26, v28  }
0x61f: {  	(xrf0) =	vmin.scan.msk.f32 @p0 $0xffff, v28  }
0x620: {  	(xrf0) =	vmax.scan.msk.f32 $0xffff, v27;
	_ =	sdelay $0x4  }
0x621: {  	v29, _, _ =	vpop @p0 (xrf0)  }
0x622: {  	(v2sf) =	vpush @p0 v29, $0xF;
	v37, _, _ =	vpop (xrf0)  }
0x623: {  	(v2sf) =	vpush v37, $0xF;
	_ =	sdelay $0xd  }
0x624: {  	s15 =	spop @p0 (v2sf)  }
0x625: {  	s14 =	smov.u32 @p0 s15;
	s16 =	spop (v2sf)  }
0x626: {  	p1 =	sgt.f32 s16, s14;
	_ =	sdelay $0x1  }
0x627: {  	(xrf1) =	vsort.ascd.msk.f32 @p0 $0xffff, v28, v28;
	v28 =	vlaneseq.u32 @p1  }
0x628: {  	(xrf1) =	vsort.dscd.msk.f32 @p1 $0xffff, v27, v28;
	_ =	sdelay $0xb  }
0x629: {  	v27 =	vld [tilespmem:$0x8D0]  }
0x62a: {  	v28, _, _ =	vpop @p0 (xrf1)  }
0x62b: {  	v26 =	vpsel p0, v28, v26;
	v28, _, _ =	vpop @p1 (xrf1)  }
0x62c: {  	v28 =	vmax.f32 @p1 v26, v28  }
0x62d: {  	(xrf0) =	vmin.scan.msk.f32 @p1 $0xffff, v28  }
0x62e: {  	(xrf0) =	vmax.scan.msk.f32 $0xffff, v27;
	_ =	sdelay $0x4  }
0x62f: {  	v29, _, _ =	vpop @p1 (xrf0)  }
0x630: {  	(v2sf) =	vpush @p1 v29, $0xF;
	v38, _, _ =	vpop (xrf0)  }
0x631: {  	(v2sf) =	vpush v38, $0xF;
	_ =	sdelay $0xd  }
0x632: {  	s15 =	spop @p1 (v2sf)  }
0x633: {  	s14 =	smov.u32 @p1 s15;
	s17 =	spop (v2sf)  }
0x634: {  	p0 =	sgt.f32 s17, s14;
	_ =	sdelay $0x1  }
0x635: {  	(xrf1) =	vsort.ascd.msk.f32 @p1 $0xffff, v28, v28;
	v28 =	vlaneseq.u32 @p0  }
0x636: {  	(xrf1) =	vsort.dscd.msk.f32 @p0 $0xffff, v27, v28;
	_ =	sdelay $0xb  }
0x637: {  	v27 =	vld [tilespmem:$0x8E0]  }
0x638: {  	v28, _, _ =	vpop @p1 (xrf1)  }
0x639: {  	v26 =	vpsel p1, v28, v26;
	v28, _, _ =	vpop @p0 (xrf1)  }
0x63a: {  	v28 =	vmax.f32 @p0 v26, v28  }
0x63b: {  	(xrf0) =	vmin.scan.msk.f32 @p0 $0xffff, v28  }
0x63c: {  	(xrf0) =	vmax.scan.msk.f32 $0xffff, v27;
	_ =	sdelay $0x4  }
0x63d: {  	v29, _, _ =	vpop @p0 (xrf0)  }
0x63e: {  	(v2sf) =	vpush @p0 v29, $0xF;
	v39, _, _ =	vpop (xrf0)  }
0x63f: {  	(v2sf) =	vpush v39, $0xF;
	_ =	sdelay $0xd  }
0x640: {  	s15 =	spop @p0 (v2sf)  }
0x641: {  	s14 =	smov.u32 @p0 s15;
	s18 =	spop (v2sf)  }
0x642: {  	p1 =	sgt.f32 s18, s14;
	_ =	sdelay $0x1  }
0x643: {  	(xrf1) =	vsort.ascd.msk.f32 @p0 $0xffff, v28, v28;
	v28 =	vlaneseq.u32 @p1  }
0x644: {  	(xrf1) =	vsort.dscd.msk.f32 @p1 $0xffff, v27, v28;
	_ =	sdelay $0xb  }
0x645: {  	v27 =	vld [tilespmem:$0x8F0]  }
0x646: {  	v28, _, _ =	vpop @p0 (xrf1)  }
0x647: {  	v26 =	vpsel p0, v28, v26;
	v28, _, _ =	vpop @p1 (xrf1)  }
0x648: {  	v28 =	vmax.f32 @p1 v26, v28  }
0x649: {  	(xrf0) =	vmin.scan.msk.f32 @p1 $0xffff, v28  }
0x64a: {  	(xrf0) =	vmax.scan.msk.f32 $0xffff, v27;
	_ =	sdelay $0x4  }
0x64b: {  	v29, _, _ =	vpop @p1 (xrf0)  }
0x64c: {  	(v2sf) =	vpush @p1 v29, $0xF;
	v40, _, _ =	vpop (xrf0)  }
0x64d: {  	(v2sf) =	vpush v40, $0xF;
	_ =	sdelay $0xd  }
0x64e: {  	s15 =	spop @p1 (v2sf)  }
0x64f: {  	s14 =	smov.u32 @p1 s15;
	s19 =	spop (v2sf)  }
0x650: {  	p0 =	sgt.f32 s19, s14;
	_ =	sdelay $0x1  }
0x651: {  	(xrf1) =	vsort.ascd.msk.f32 @p1 $0xffff, v28, v28;
	v28 =	vlaneseq.u32 @p0  }
0x652: {  	(xrf1) =	vsort.dscd.msk.f32 @p0 $0xffff, v27, v28;
	_ =	sdelay $0xb  }
0x653: {  	v27 =	vld [tilespmem:$0x900]  }
0x654: {  	v28, _, _ =	vpop @p1 (xrf1)  }
0x655: {  	v26 =	vpsel p1, v28, v26;
	v28, _, _ =	vpop @p0 (xrf1)  }
0x656: {  	v28 =	vmax.f32 @p0 v26, v28  }
0x657: {  	(xrf0) =	vmin.scan.msk.f32 @p0 $0xffff, v28  }
0x658: {  	(xrf0) =	vmax.scan.msk.f32 $0xffff, v27;
	_ =	sdelay $0x4  }
0x659: {  	v29, _, _ =	vpop @p0 (xrf0)  }
0x65a: {  	(v2sf) =	vpush @p0 v29, $0xF;
	v41, _, _ =	vpop (xrf0)  }
0x65b: {  	(v2sf) =	vpush v41, $0xF;
	_ =	sdelay $0xd  }
0x65c: {  	s15 =	spop @p0 (v2sf)  }
0x65d: {  	s14 =	smov.u32 @p0 s15;
	s20 =	spop (v2sf)  }
0x65e: {  	p1 =	sgt.f32 s20, s14;
	_ =	sdelay $0x1  }
0x65f: {  	(xrf1) =	vsort.ascd.msk.f32 @p0 $0xffff, v28, v28;
	v28 =	vlaneseq.u32 @p1  }
0x660: {  	(xrf1) =	vsort.dscd.msk.f32 @p1 $0xffff, v27, v28;
	_ =	sdelay $0xb  }
0x661: {  	v27 =	vld [tilespmem:$0x910]  }
0x662: {  	v28, _, _ =	vpop @p0 (xrf1)  }
0x663: {  	v26 =	vpsel p0, v28, v26;
	v28, _, _ =	vpop @p1 (xrf1)  }
0x664: {  	v28 =	vmax.f32 @p1 v26, v28  }
0x665: {  	(xrf0) =	vmin.scan.msk.f32 @p1 $0xffff, v28  }
0x666: {  	(xrf0) =	vmax.scan.msk.f32 $0xffff, v27;
	_ =	sdelay $0x4  }
0x667: {  	v29, _, _ =	vpop @p1 (xrf0)  }
0x668: {  	(v2sf) =	vpush @p1 v29, $0xF;
	v42, _, _ =	vpop (xrf0)  }
0x669: {  	(v2sf) =	vpush v42, $0xF;
	_ =	sdelay $0xd  }
0x66a: {  	s15 =	spop @p1 (v2sf)  }
0x66b: {  	s14 =	smov.u32 @p1 s15;
	s21 =	spop (v2sf)  }
0x66c: {  	p0 =	sgt.f32 s21, s14;
	_ =	sdelay $0x1  }
0x66d: {  	(xrf1) =	vsort.ascd.msk.f32 @p1 $0xffff, v28, v28;
	v28 =	vlaneseq.u32 @p0  }
0x66e: {  	(xrf1) =	vsort.dscd.msk.f32 @p0 $0xffff, v27, v28;
	_ =	sdelay $0xb  }
0x66f: {  	v27 =	vld [tilespmem:$0x920]  }
0x670: {  	v28, _, _ =	vpop @p1 (xrf1)  }
0x671: {  	v26 =	vpsel p1, v28, v26;
	v28, _, _ =	vpop @p0 (xrf1)  }
0x672: {  	v28 =	vmax.f32 @p0 v26, v28  }
0x673: {  	(xrf0) =	vmin.scan.msk.f32 @p0 $0xffff, v28  }
0x674: {  	(xrf0) =	vmax.scan.msk.f32 $0xffff, v27;
	_ =	sdelay $0x4  }
0x675: {  	v29, _, _ =	vpop @p0 (xrf0)  }
0x676: {  	(v2sf) =	vpush @p0 v29, $0xF;
	v43, _, _ =	vpop (xrf0)  }
0x677: {  	(v2sf) =	vpush v43, $0xF;
	_ =	sdelay $0xd  }
0x678: {  	s15 =	spop @p0 (v2sf)  }
0x679: {  	s14 =	smov.u32 @p0 s15;
	s22 =	spop (v2sf)  }
0x67a: {  	p1 =	sgt.f32 s22, s14;
	_ =	sdelay $0x1  }
0x67b: {  	(xrf1) =	vsort.ascd.msk.f32 @p0 $0xffff, v28, v28;
	v28 =	vlaneseq.u32 @p1  }
0x67c: {  	(xrf1) =	vsort.dscd.msk.f32 @p1 $0xffff, v27, v28;
	_ =	sdelay $0xb  }
0x67d: {  	v27 =	vld [tilespmem:$0x930]  }
0x67e: {  	v28, _, _ =	vpop @p0 (xrf1)  }
0x67f: {  	v26 =	vpsel p0, v28, v26;
	v28, _, _ =	vpop @p1 (xrf1)  }
0x680: {  	v28 =	vmax.f32 @p1 v26, v28  }
0x681: {  	(xrf0) =	vmin.scan.msk.f32 @p1 $0xffff, v28  }
0x682: {  	(xrf0) =	vmax.scan.msk.f32 $0xffff, v27;
	_ =	sdelay $0x4  }
0x683: {  	v29, _, _ =	vpop @p1 (xrf0)  }
0x684: {  	(v2sf) =	vpush @p1 v29, $0xF;
	v44, _, _ =	vpop (xrf0)  }
0x685: {  	(v2sf) =	vpush v44, $0xF;
	_ =	sdelay $0xd  }
0x686: {  	s15 =	spop @p1 (v2sf)  }
0x687: {  	s14 =	smov.u32 @p1 s15;
	s23 =	spop (v2sf)  }
0x688: {  	p0 =	sgt.f32 s23, s14;
	_ =	sdelay $0x1  }
0x689: {  	(xrf1) =	vsort.ascd.msk.f32 @p1 $0xffff, v28, v28;
	v28 =	vlaneseq.u32 @p0  }
0x68a: {  	(xrf1) =	vsort.dscd.msk.f32 @p0 $0xffff, v27, v28;
	_ =	sdelay $0xb  }
0x68b: {  	v27 =	vld [tilespmem:$0x940]  }
0x68c: {  	v28, _, _ =	vpop @p1 (xrf1)  }
0x68d: {  	v26 =	vpsel p1, v28, v26;
	v28, _, _ =	vpop @p0 (xrf1)  }
0x68e: {  	v28 =	vmax.f32 @p0 v26, v28  }
0x68f: {  	(xrf0) =	vmin.scan.msk.f32 @p0 $0xffff, v28  }
0x690: {  	(xrf0) =	vmax.scan.msk.f32 $0xffff, v27;
	_ =	sdelay $0x4  }
0x691: {  	v29, _, _ =	vpop @p0 (xrf0)  }
0x692: {  	(v2sf) =	vpush @p0 v29, $0xF;
	v45, _, _ =	vpop (xrf0)  }
0x693: {  	(v2sf) =	vpush v45, $0xF;
	_ =	sdelay $0xd  }
0x694: {  	s15 =	spop @p0 (v2sf)  }
0x695: {  	s14 =	smov.u32 @p0 s15;
	s24 =	spop (v2sf)  }
0x696: {  	p1 =	sgt.f32 s24, s14;
	_ =	sdelay $0x1  }
0x697: {  	(xrf1) =	vsort.ascd.msk.f32 @p0 $0xffff, v28, v28;
	v28 =	vlaneseq.u32 @p1  }
0x698: {  	(xrf1) =	vsort.dscd.msk.f32 @p1 $0xffff, v27, v28;
	_ =	sdelay $0xb  }
0x699: {  	v27 =	vld [tilespmem:$0x950]  }
0x69a: {  	v28, _, _ =	vpop @p0 (xrf1)  }
0x69b: {  	v26 =	vpsel p0, v28, v26;
	v28, _, _ =	vpop @p1 (xrf1)  }
0x69c: {  	v28 =	vmax.f32 @p1 v26, v28  }
0x69d: {  	(xrf0) =	vmin.scan.msk.f32 @p1 $0xffff, v28  }
0x69e: {  	(xrf0) =	vmax.scan.msk.f32 $0xffff, v27;
	_ =	sdelay $0x4  }
0x69f: {  	v29, _, _ =	vpop @p1 (xrf0)  }
0x6a0: {  	(v2sf) =	vpush @p1 v29, $0xF;
	v46, _, _ =	vpop (xrf0)  }
0x6a1: {  	(v2sf) =	vpush v46, $0xF;
	_ =	sdelay $0xd  }
0x6a2: {  	s15 =	spop @p1 (v2sf)  }
0x6a3: {  	s14 =	smov.u32 @p1 s15;
	s25 =	spop (v2sf)  }
0x6a4: {  	p0 =	sgt.f32 s25, s14;
	_ =	sdelay $0x1  }
0x6a5: {  	(xrf1) =	vsort.ascd.msk.f32 @p1 $0xffff, v28, v28;
	v28 =	vlaneseq.u32 @p0  }
0x6a6: {  	(xrf1) =	vsort.dscd.msk.f32 @p0 $0xffff, v27, v28;
	_ =	sdelay $0xb  }
0x6a7: {  	v27 =	vld [tilespmem:$0x960]  }
0x6a8: {  	v28, _, _ =	vpop @p1 (xrf1)  }
0x6a9: {  	v26 =	vpsel p1, v28, v26;
	v28, _, _ =	vpop @p0 (xrf1)  }
0x6aa: {  	v28 =	vmax.f32 @p0 v26, v28  }
0x6ab: {  	(xrf0) =	vmin.scan.msk.f32 @p0 $0xffff, v28  }
0x6ac: {  	(xrf0) =	vmax.scan.msk.f32 $0xffff, v27;
	_ =	sdelay $0x4  }
0x6ad: {  	v29, _, _ =	vpop @p0 (xrf0)  }
0x6ae: {  	(v2sf) =	vpush @p0 v29, $0xF;
	v47, _, _ =	vpop (xrf0)  }
0x6af: {  	(v2sf) =	vpush v47, $0xF;
	_ =	sdelay $0xd  }
0x6b0: {  	s15 =	spop @p0 (v2sf)  }
0x6b1: {  	s14 =	smov.u32 @p0 s15;
	s26 =	spop (v2sf)  }
0x6b2: {  	p1 =	sgt.f32 s26, s14;
	_ =	sdelay $0x1  }
0x6b3: {  	(xrf1) =	vsort.ascd.msk.f32 @p0 $0xffff, v28, v28;
	v28 =	vlaneseq.u32 @p1  }
0x6b4: {  	(xrf1) =	vsort.dscd.msk.f32 @p1 $0xffff, v27, v28;
	_ =	sdelay $0xb  }
0x6b5: {  	v27 =	vld [tilespmem:$0x970]  }
0x6b6: {  	v28, _, _ =	vpop @p0 (xrf1)  }
0x6b7: {  	v26 =	vpsel p0, v28, v26;
	v28, _, _ =	vpop @p1 (xrf1)  }
0x6b8: {  	v28 =	vmax.f32 @p1 v26, v28  }
0x6b9: {  	(xrf0) =	vmin.scan.msk.f32 @p1 $0xffff, v28  }
0x6ba: {  	(xrf0) =	vmax.scan.msk.f32 $0xffff, v27;
	_ =	sdelay $0x4  }
0x6bb: {  	v29, _, _ =	vpop @p1 (xrf0)  }
0x6bc: {  	(v2sf) =	vpush @p1 v29, $0xF;
	v48, _, _ =	vpop (xrf0)  }
0x6bd: {  	(v2sf) =	vpush v48, $0xF;
	_ =	sdelay $0xd  }
0x6be: {  	s15 =	spop @p1 (v2sf)  }
0x6bf: {  	s14 =	smov.u32 @p1 s15;
	s28 =	spop (v2sf)  }
0x6c0: {  	p0 =	sgt.f32 s28, s14;
	_ =	sdelay $0x1  }
0x6c1: {  	(xrf1) =	vsort.ascd.msk.f32 @p1 $0xffff, v28, v28;
	v28 =	vlaneseq.u32 @p0  }
0x6c2: {  	(xrf1) =	vsort.dscd.msk.f32 @p0 $0xffff, v27, v28;
	_ =	sdelay $0xb  }
0x6c3: {  	v27 =	vld [tilespmem:$0x980]  }
0x6c4: {  	v28, _, _ =	vpop @p1 (xrf1)  }
0x6c5: {  	v26 =	vpsel p1, v28, v26;
	v28, _, _ =	vpop @p0 (xrf1)  }
0x6c6: {  	v28 =	vmax.f32 @p0 v26, v28  }
0x6c7: {  	(xrf0) =	vmin.scan.msk.f32 @p0 $0xffff, v28  }
0x6c8: {  	(xrf0) =	vmax.scan.msk.f32 $0xffff, v27;
	_ =	sdelay $0x4  }
0x6c9: {  	v29, _, _ =	vpop @p0 (xrf0)  }
0x6ca: {  	(v2sf) =	vpush @p0 v29, $0xF;
	v49, _, _ =	vpop (xrf0)  }
0x6cb: {  	(v2sf) =	vpush v49, $0xF;
	_ =	sdelay $0xd  }
0x6cc: {  	s15 =	spop @p0 (v2sf)  }
0x6cd: {  	s14 =	smov.u32 @p0 s15;
	s29 =	spop (v2sf)  }
0x6ce: {  	p1 =	sgt.f32 s29, s14;
	_ =	sdelay $0x1  }
0x6cf: {  	(xrf1) =	vsort.ascd.msk.f32 @p0 $0xffff, v28, v28;
	v28 =	vlaneseq.u32 @p1  }
0x6d0: {  	(xrf1) =	vsort.dscd.msk.f32 @p1 $0xffff, v27, v28;
	_ =	sdelay $0xb  }
0x6d1: {  	v27 =	vld [tilespmem:$0x990]  }
0x6d2: {  	v28, _, _ =	vpop @p0 (xrf1)  }
0x6d3: {  	v26 =	vpsel p0, v28, v26;
	v28, _, _ =	vpop @p1 (xrf1)  }
0x6d4: {  	v28 =	vmax.f32 @p1 v26, v28  }
0x6d5: {  	(xrf0) =	vmin.scan.msk.f32 @p1 $0xffff, v28  }
0x6d6: {  	(xrf0) =	vmax.scan.msk.f32 $0xffff, v27;
	_ =	sdelay $0x4  }
0x6d7: {  	v29, _, _ =	vpop @p1 (xrf0)  }
0x6d8: {  	(v2sf) =	vpush @p1 v29, $0xF;
	v50, _, _ =	vpop (xrf0)  }
0x6d9: {  	(v2sf) =	vpush v50, $0xF;
	_ =	sdelay $0xd  }
0x6da: {  	s15 =	spop @p1 (v2sf)  }
0x6db: {  	s14 =	smov.u32 @p1 s15;
	s30 =	spop (v2sf)  }
0x6dc: {  	p0 =	sgt.f32 s30, s14;
	_ =	sdelay $0x1  }
0x6dd: {  	(xrf1) =	vsort.ascd.msk.f32 @p1 $0xffff, v28, v28;
	v28 =	vlaneseq.u32 @p0  }
0x6de: {  	(xrf1) =	vsort.dscd.msk.f32 @p0 $0xffff, v27, v28;
	_ =	sdelay $0xb  }
0x6df: {  	v27 =	vld [tilespmem:$0x9A0]  }
0x6e0: {  	v28, _, _ =	vpop @p1 (xrf1)  }
0x6e1: {  	v26 =	vpsel p1, v28, v26;
	v28, _, _ =	vpop @p0 (xrf1)  }
0x6e2: {  	v28 =	vmax.f32 @p0 v26, v28  }
0x6e3: {  	(xrf0) =	vmin.scan.msk.f32 @p0 $0xffff, v28  }
0x6e4: {  	(xrf0) =	vmax.scan.msk.f32 $0xffff, v27;
	_ =	sdelay $0x4  }
0x6e5: {  	v29, _, _ =	vpop @p0 (xrf0)  }
0x6e6: {  	(v2sf) =	vpush @p0 v29, $0xF;
	v51, _, _ =	vpop (xrf0)  }
0x6e7: {  	(v2sf) =	vpush v51, $0xF;
	_ =	sdelay $0xd  }
0x6e8: {  	s15 =	spop @p0 (v2sf)  }
0x6e9: {  	s14 =	smov.u32 @p0 s15;
	s31 =	spop (v2sf)  }
0x6ea: {  	p1 =	sgt.f32 s31, s14;
	_ =	sdelay $0x1  }
0x6eb: {  	(xrf1) =	vsort.ascd.msk.f32 @p0 $0xffff, v28, v28;
	v28 =	vlaneseq.u32 @p1  }
0x6ec: {  	(xrf1) =	vsort.dscd.msk.f32 @p1 $0xffff, v27, v28;
	_ =	sdelay $0xb  }
0x6ed: {  	v27 =	vld [tilespmem:$0x9B0]  }
0x6ee: {  	v28, _, _ =	vpop @p0 (xrf1)  }
0x6ef: {  	v26 =	vpsel p0, v28, v26;
	v28, _, _ =	vpop @p1 (xrf1)  }
0x6f0: {  	v28 =	vmax.f32 @p1 v26, v28  }
0x6f1: {  	(xrf0) =	vmin.scan.msk.f32 @p1 $0xffff, v28  }
0x6f2: {  	(xrf0) =	vmax.scan.msk.f32 $0xffff, v27;
	_ =	sdelay $0x4  }
0x6f3: {  	v29, _, _ =	vpop @p1 (xrf0)  }
0x6f4: {  	(v2sf) =	vpush @p1 v29, $0xF;
	v52, _, _ =	vpop (xrf0)  }
0x6f5: {  	(v2sf) =	vpush v52, $0xF;
	_ =	sdelay $0xd  }
0x6f6: {  	s15 =	spop @p1 (v2sf)  }
0x6f7: {  	s14 =	smov.u32 @p1 s15;
	s16 =	spop (v2sf)  }
0x6f8: {  	p0 =	sgt.f32 s16, s14;
	_ =	sdelay $0x1  }
0x6f9: {  	(xrf1) =	vsort.ascd.msk.f32 @p1 $0xffff, v28, v28;
	v28 =	vlaneseq.u32 @p0  }
0x6fa: {  	(xrf1) =	vsort.dscd.msk.f32 @p0 $0xffff, v27, v28;
	_ =	sdelay $0xb  }
0x6fb: {  	v27 =	vld [tilespmem:$0x9C0]  }
0x6fc: {  	v28, _, _ =	vpop @p1 (xrf1)  }
0x6fd: {  	v26 =	vpsel p1, v28, v26;
	v28, _, _ =	vpop @p0 (xrf1)  }
0x6fe: {  	v28 =	vmax.f32 @p0 v26, v28  }
0x6ff: {  	(xrf0) =	vmin.scan.msk.f32 @p0 $0xffff, v28  }
0x700: {  	(xrf0) =	vmax.scan.msk.f32 $0xffff, v27;
	_ =	sdelay $0x4  }
0x701: {  	v29, _, _ =	vpop @p0 (xrf0)  }
0x702: {  	(v2sf) =	vpush @p0 v29, $0xF;
	v53, _, _ =	vpop (xrf0)  }
0x703: {  	(v2sf) =	vpush v53, $0xF;
	_ =	sdelay $0xd  }
0x704: {  	s15 =	spop @p0 (v2sf)  }
0x705: {  	s14 =	smov.u32 @p0 s15;
	s17 =	spop (v2sf)  }
0x706: {  	p1 =	sgt.f32 s17, s14;
	_ =	sdelay $0x1  }
0x707: {  	(xrf1) =	vsort.ascd.msk.f32 @p0 $0xffff, v28, v28;
	v28 =	vlaneseq.u32 @p1  }
0x708: {  	(xrf1) =	vsort.dscd.msk.f32 @p1 $0xffff, v27, v28;
	_ =	sdelay $0xb  }
0x709: {  	v27 =	vld [tilespmem:$0x9D0]  }
0x70a: {  	v28, _, _ =	vpop @p0 (xrf1)  }
0x70b: {  	v26 =	vpsel p0, v28, v26;
	v28, _, _ =	vpop @p1 (xrf1)  }
0x70c: {  	v28 =	vmax.f32 @p1 v26, v28  }
0x70d: {  	(xrf0) =	vmin.scan.msk.f32 @p1 $0xffff, v28  }
0x70e: {  	(xrf0) =	vmax.scan.msk.f32 $0xffff, v27;
	_ =	sdelay $0x4  }
0x70f: {  	v29, _, _ =	vpop @p1 (xrf0)  }
0x710: {  	(v2sf) =	vpush @p1 v29, $0xF;
	v54, _, _ =	vpop (xrf0)  }
0x711: {  	(v2sf) =	vpush v54, $0xF;
	_ =	sdelay $0xd  }
0x712: {  	s15 =	spop @p1 (v2sf)  }
0x713: {  	s14 =	smov.u32 @p1 s15;
	s18 =	spop (v2sf)  }
0x714: {  	p0 =	sgt.f32 s18, s14;
	_ =	sdelay $0x1  }
0x715: {  	(xrf1) =	vsort.ascd.msk.f32 @p1 $0xffff, v28, v28;
	v28 =	vlaneseq.u32 @p0  }
0x716: {  	(xrf1) =	vsort.dscd.msk.f32 @p0 $0xffff, v27, v28;
	_ =	sdelay $0xb  }
0x717: {  	v27 =	vld [tilespmem:$0x9E0]  }
0x718: {  	v28, _, _ =	vpop @p1 (xrf1)  }
0x719: {  	v26 =	vpsel p1, v28, v26;
	v28, _, _ =	vpop @p0 (xrf1)  }
0x71a: {  	v28 =	vmax.f32 @p0 v26, v28  }
0x71b: {  	(xrf0) =	vmin.scan.msk.f32 @p0 $0xffff, v28  }
0x71c: {  	(xrf0) =	vmax.scan.msk.f32 $0xffff, v27;
	_ =	sdelay $0x4  }
0x71d: {  	v29, _, _ =	vpop @p0 (xrf0)  }
0x71e: {  	(v2sf) =	vpush @p0 v29, $0xF;
	v55, _, _ =	vpop (xrf0)  }
0x71f: {  	(v2sf) =	vpush v55, $0xF;
	_ =	sdelay $0xd  }
0x720: {  	s15 =	spop @p0 (v2sf)  }
0x721: {  	s14 =	smov.u32 @p0 s15;
	s19 =	spop (v2sf)  }
0x722: {  	p1 =	sgt.f32 s19, s14;
	_ =	sdelay $0x1  }
0x723: {  	(xrf1) =	vsort.ascd.msk.f32 @p0 $0xffff, v28, v28;
	v28 =	vlaneseq.u32 @p1  }
0x724: {  	(xrf1) =	vsort.dscd.msk.f32 @p1 $0xffff, v27, v28;
	_ =	sdelay $0xb  }
0x725: {  	v27 =	vld [tilespmem:$0x9F0]  }
0x726: {  	v28, _, _ =	vpop @p0 (xrf1)  }
0x727: {  	v26 =	vpsel p0, v28, v26;
	v28, _, _ =	vpop @p1 (xrf1)  }
0x728: {  	v28 =	vmax.f32 @p1 v26, v28  }
0x729: {  	(xrf0) =	vmin.scan.msk.f32 @p1 $0xffff, v28  }
0x72a: {  	(xrf0) =	vmax.scan.msk.f32 $0xffff, v27;
	_ =	sdelay $0x4  }
0x72b: {  	v29, _, _ =	vpop @p1 (xrf0)  }
0x72c: {  	(v2sf) =	vpush @p1 v29, $0xF;
	v56, _, _ =	vpop (xrf0)  }
0x72d: {  	(v2sf) =	vpush v56, $0xF;
	_ =	sdelay $0xd  }
0x72e: {  	s15 =	spop @p1 (v2sf)  }
0x72f: {  	s14 =	smov.u32 @p1 s15;
	s20 =	spop (v2sf)  }
0x730: {  	p0 =	sgt.f32 s20, s14;
	_ =	sdelay $0x1  }
0x731: {  	(xrf1) =	vsort.ascd.msk.f32 @p1 $0xffff, v28, v28;
	v28 =	vlaneseq.u32 @p0  }
0x732: {  	(xrf1) =	vsort.dscd.msk.f32 @p0 $0xffff, v27, v28;
	_ =	sdelay $0xb  }
0x733: {  	v27 =	vld [tilespmem:$0xA00]  }
0x734: {  	v28, _, _ =	vpop @p1 (xrf1)  }
0x735: {  	v26 =	vpsel p1, v28, v26;
	v28, _, _ =	vpop @p0 (xrf1)  }
0x736: {  	v28 =	vmax.f32 @p0 v26, v28  }
0x737: {  	(xrf0) =	vmin.scan.msk.f32 @p0 $0xffff, v28  }
0x738: {  	(xrf0) =	vmax.scan.msk.f32 $0xffff, v27;
	_ =	sdelay $0x4  }
0x739: {  	v29, _, _ =	vpop @p0 (xrf0)  }
0x73a: {  	(v2sf) =	vpush @p0 v29, $0xF;
	v57, _, _ =	vpop (xrf0)  }
0x73b: {  	(v2sf) =	vpush v57, $0xF;
	_ =	sdelay $0xd  }
0x73c: {  	s15 =	spop @p0 (v2sf)  }
0x73d: {  	s14 =	smov.u32 @p0 s15;
	s21 =	spop (v2sf)  }
0x73e: {  	p1 =	sgt.f32 s21, s14;
	_ =	sdelay $0x1  }
0x73f: {  	(xrf1) =	vsort.ascd.msk.f32 @p0 $0xffff, v28, v28;
	v28 =	vlaneseq.u32 @p1  }
0x740: {  	(xrf1) =	vsort.dscd.msk.f32 @p1 $0xffff, v27, v28;
	_ =	sdelay $0xb  }
0x741: {  	v27 =	vld [tilespmem:$0xA10]  }
0x742: {  	v28, _, _ =	vpop @p0 (xrf1)  }
0x743: {  	v26 =	vpsel p0, v28, v26;
	v28, _, _ =	vpop @p1 (xrf1)  }
0x744: {  	v28 =	vmax.f32 @p1 v26, v28  }
0x745: {  	(xrf0) =	vmin.scan.msk.f32 @p1 $0xffff, v28  }
0x746: {  	(xrf0) =	vmax.scan.msk.f32 $0xffff, v27;
	_ =	sdelay $0x4  }
0x747: {  	v29, _, _ =	vpop @p1 (xrf0)  }
0x748: {  	(v2sf) =	vpush @p1 v29, $0xF;
	v58, _, _ =	vpop (xrf0)  }
0x749: {  	(v2sf) =	vpush v58, $0xF;
	_ =	sdelay $0xd  }
0x74a: {  	s15 =	spop @p1 (v2sf)  }
0x74b: {  	s14 =	smov.u32 @p1 s15;
	s22 =	spop (v2sf)  }
0x74c: {  	p0 =	sgt.f32 s22, s14;
	_ =	sdelay $0x1  }
0x74d: {  	(xrf1) =	vsort.ascd.msk.f32 @p1 $0xffff, v28, v28;
	v28 =	vlaneseq.u32 @p0  }
0x74e: {  	(xrf1) =	vsort.dscd.msk.f32 @p0 $0xffff, v27, v28;
	_ =	sdelay $0xb  }
0x74f: {  	v27 =	vld [tilespmem:$0xA20]  }
0x750: {  	v28, _, _ =	vpop @p1 (xrf1)  }
0x751: {  	v26 =	vpsel p1, v28, v26;
	v28, _, _ =	vpop @p0 (xrf1)  }
0x752: {  	v28 =	vmax.f32 @p0 v26, v28  }
0x753: {  	(xrf0) =	vmin.scan.msk.f32 @p0 $0xffff, v28  }
0x754: {  	(xrf0) =	vmax.scan.msk.f32 $0xffff, v27;
	_ =	sdelay $0x4  }
0x755: {  	v29, _, _ =	vpop @p0 (xrf0)  }
0x756: {  	(v2sf) =	vpush @p0 v29, $0xF;
	v59, _, _ =	vpop (xrf0)  }
0x757: {  	(v2sf) =	vpush v59, $0xF;
	_ =	sdelay $0xd  }
0x758: {  	s15 =	spop @p0 (v2sf)  }
0x759: {  	s14 =	smov.u32 @p0 s15;
	s23 =	spop (v2sf)  }
0x75a: {  	p1 =	sgt.f32 s23, s14;
	_ =	sdelay $0x1  }
0x75b: {  	(xrf1) =	vsort.ascd.msk.f32 @p0 $0xffff, v28, v28;
	v28 =	vlaneseq.u32 @p1  }
0x75c: {  	(xrf1) =	vsort.dscd.msk.f32 @p1 $0xffff, v27, v28;
	_ =	sdelay $0xb  }
0x75d: {  	v27 =	vld [tilespmem:$0xA30]  }
0x75e: {  	v28, _, _ =	vpop @p0 (xrf1)  }
0x75f: {  	v26 =	vpsel p0, v28, v26;
	v28, _, _ =	vpop @p1 (xrf1)  }
0x760: {  	v28 =	vmax.f32 @p1 v26, v28  }
0x761: {  	(xrf0) =	vmin.scan.msk.f32 @p1 $0xffff, v28  }
0x762: {  	(xrf0) =	vmax.scan.msk.f32 $0xffff, v27;
	_ =	sdelay $0x4  }
0x763: {  	v29, _, _ =	vpop @p1 (xrf0)  }
0x764: {  	(v2sf) =	vpush @p1 v29, $0xF;
	v60, _, _ =	vpop (xrf0)  }
0x765: {  	(v2sf) =	vpush v60, $0xF;
	_ =	sdelay $0xd  }
0x766: {  	s15 =	spop @p1 (v2sf)  }
0x767: {  	s14 =	smov.u32 @p1 s15;
	s24 =	spop (v2sf)  }
0x768: {  	p0 =	sgt.f32 s24, s14;
	_ =	sdelay $0x1  }
0x769: {  	(xrf1) =	vsort.ascd.msk.f32 @p1 $0xffff, v28, v28;
	v28 =	vlaneseq.u32 @p0  }
0x76a: {  	(xrf1) =	vsort.dscd.msk.f32 @p0 $0xffff, v27, v28;
	_ =	sdelay $0xb  }
0x76b: {  	v27 =	vld [tilespmem:$0xA40]  }
0x76c: {  	v28, _, _ =	vpop @p1 (xrf1)  }
0x76d: {  	v26 =	vpsel p1, v28, v26;
	v28, _, _ =	vpop @p0 (xrf1)  }
0x76e: {  	v28 =	vmax.f32 @p0 v26, v28  }
0x76f: {  	(xrf0) =	vmin.scan.msk.f32 @p0 $0xffff, v28  }
0x770: {  	(xrf0) =	vmax.scan.msk.f32 $0xffff, v27;
	_ =	sdelay $0x4  }
0x771: {  	v29, _, _ =	vpop @p0 (xrf0)  }
0x772: {  	(v2sf) =	vpush @p0 v29, $0xF;
	v61, _, _ =	vpop (xrf0)  }
0x773: {  	(v2sf) =	vpush v61, $0xF;
	_ =	sdelay $0xd  }
0x774: {  	s15 =	spop @p0 (v2sf)  }
0x775: {  	s14 =	smov.u32 @p0 s15;
	s25 =	spop (v2sf)  }
0x776: {  	p1 =	sgt.f32 s25, s14;
	_ =	sdelay $0x1  }
0x777: {  	(xrf1) =	vsort.ascd.msk.f32 @p0 $0xffff, v28, v28;
	v28 =	vlaneseq.u32 @p1  }
0x778: {  	(xrf1) =	vsort.dscd.msk.f32 @p1 $0xffff, v27, v28;
	_ =	sdelay $0xb  }
0x779: {  	v27 =	vld [tilespmem:$0xA50]  }
0x77a: {  	v28, _, _ =	vpop @p0 (xrf1)  }
0x77b: {  	v26 =	vpsel p0, v28, v26;
	v28, _, _ =	vpop @p1 (xrf1)  }
0x77c: {  	v28 =	vmax.f32 @p1 v26, v28  }
0x77d: {  	(xrf0) =	vmin.scan.msk.f32 @p1 $0xffff, v28  }
0x77e: {  	(xrf0) =	vmax.scan.msk.f32 $0xffff, v27;
	_ =	sdelay $0x4  }
0x77f: {  	v29, _, _ =	vpop @p1 (xrf0)  }
0x780: {  	(v2sf) =	vpush @p1 v29, $0xF;
	v62, _, _ =	vpop (xrf0)  }
0x781: {  	(v2sf) =	vpush v62, $0xF;
	_ =	sdelay $0xd  }
0x782: {  	s15 =	spop @p1 (v2sf)  }
0x783: {  	s14 =	smov.u32 @p1 s15;
	s26 =	spop (v2sf)  }
0x784: {  	p0 =	sgt.f32 s26, s14;
	_ =	sdelay $0x1  }
0x785: {  	(xrf1) =	vsort.ascd.msk.f32 @p1 $0xffff, v28, v28;
	v28 =	vlaneseq.u32 @p0  }
0x786: {  	(xrf1) =	vsort.dscd.msk.f32 @p0 $0xffff, v27, v28;
	_ =	sdelay $0xb  }
0x787: {  	v27 =	vld [tilespmem:$0xA60]  }
0x788: {  	v28, _, _ =	vpop @p1 (xrf1)  }
0x789: {  	v26 =	vpsel p1, v28, v26;
	v28, _, _ =	vpop @p0 (xrf1)  }
0x78a: {  	v28 =	vmax.f32 @p0 v26, v28  }
0x78b: {  	(xrf0) =	vmin.scan.msk.f32 @p0 $0xffff, v28  }
0x78c: {  	(xrf0) =	vmax.scan.msk.f32 $0xffff, v27;
	_ =	sdelay $0x4  }
0x78d: {  	v29, _, _ =	vpop @p0 (xrf0)  }
0x78e: {  	(v2sf) =	vpush @p0 v29, $0xF;
	v63, _, _ =	vpop (xrf0)  }
0x78f: {  	(v2sf) =	vpush v63, $0xF;
	_ =	sdelay $0xd  }
0x790: {  	s15 =	spop @p0 (v2sf)  }
0x791: {  	s14 =	smov.u32 @p0 s15;
	s28 =	spop (v2sf)  }
0x792: {  	p1 =	sgt.f32 s28, s14;
	_ =	sdelay $0x1  }
0x793: {  	(xrf1) =	vsort.ascd.msk.f32 @p0 $0xffff, v28, v28;
	v28 =	vlaneseq.u32 @p1  }
0x794: {  	(xrf1) =	vsort.dscd.msk.f32 @p1 $0xffff, v27, v28;
	_ =	sdelay $0xb  }
0x795: {  	v27 =	vld [tilespmem:$0xA70]  }
0x796: {  	v28, _, _ =	vpop @p0 (xrf1)  }
0x797: {  	v26 =	vpsel p0, v28, v26;
	v28, _, _ =	vpop @p1 (xrf1)  }
0x798: {  	v28 =	vmax.f32 @p1 v26, v28  }
0x799: {  	(xrf1) =	vsort.ascd.msk.f32 @p1 $0xffff, v28, v28  }
0x79a: {  	(xrf1) =	vsort.dscd.msk.f32 $0xffff, v27, v0;
	_ =	sdelay $0x4  }
0x79b: {  	(xrf0) =	vmin.scan.msk.f32 @p1 $0xffff, v28  }
0x79c: {  	(xrf0) =	vmax.scan.msk.f32 $0xffff, v27;
	_ =	sdelay $0x4  }
0x79d: {  	v27, _, _ =	vpop @p1 (xrf0)  }
0x79e: {  	(v2sf) =	vpush @p1 v27, $0xF;
	v27, _, _ =	vpop (xrf0)  }
0x79f: {  	(v2sf) =	vpush v27, $0xF;
	v28, _, _ =	vpop @p1 (xrf1)  }
0x7a0: {  	v26 =	vpsel p1, v28, v26;
	v27, _, _ =	vpop (xrf1)  }
0x7a1: {  	v27 =	vmax.f32 v26, v27  }
0x7a2: {  	(xrf1) =	vsort.ascd.msk.f32 $0xffff, v27, v27;
	_ =	sdelay $0xa  }
0x7a3: {  	s15 =	spop @p1 (v2sf)  }
0x7a4: {  	s14 =	smov.u32 @p1 s15;
	s29 =	spop (v2sf)  }
0x7a5: {  	p6 =	sgt.f32 s29, s14  }
0x7a6: {  	v27, _, _ =	vpop (xrf1)  }
0x7a7: {  	v26 =	vpsel p6, v27, v26  }
0x7a8: {  	(xrf2) =	vadd.scan.msk.f32 $0xffff, v26;
	_ =	sdelay $0x9  }
0x7a9: {  	v26, _, _ =	vpop (xrf2)  }
0x7aa: {  	(v2sf) =	vpush v26, $0xF;
	_ =	sdelay $0xc  }
0x7ab: {  	s31 =	sshra.s32 s13, $0x2;
	s13 =	sadd.s32 $0x200, s13  }
0x7ac: {  	p0 =	sne.s32 s13, $0x3000  }
.Ltmp0:
0x7ad: {  	s30 =	spop (v2sf);
	(pc) =	sbr.rel @p0 .LBB2_2-.Ltmp0, $3  }
0x7ae: {  	s14 =	smul.f32 $6.250000000e-02, s30;
	_ =	sdelay $0x1  }
0x7af: {  	v26 =	vmov s14  }
0x7b0: {  	s12 =	sadd.s32 $0x31, s12;
	s11 =	sadd.s32 $0x188, s11;
	[tilespmem:s31+$0xA80] =	vst v26  }
0x7b1: {  	s10 =	sadd.s32 $0x1, s10  }
0x7b2: {  	p0 =	sne.s32 s10, s5  }
.Ltmp1:
0x7b3: {  	_ = 	snop;
	(pc) =	sbr.rel @p0 .LBB2_1-.Ltmp1, $4  }
0x7b4: {  	[hbm4b:s4+s2] =	stream.linear.scatter [tilespmem:s9], [sflag:$0x2], $0xC00, $0x38;
	[tilespmem:$0x1680] =	vst v63  }
0x7b5: {  	_ =	swait.ge [sflag:s7], $0xC00  }
0x7b6: {  	[sflag:s7] =	ssyncset.done $0x0  }
0x7b7: {  	[sflag:s7] =	ssyncadd.s32 $0xFFFFF400  }
0x7b8: {  	_ =	sfence.sel $0x180000  }
0x7b9: {  	[bflag:$0x0] =	sbarrier.arrive $0xFFFF  }
0x7ba: {  	p0 =	sne.s32 s0, $0x0;
	_ =	strace $0x90000047  }
0x7bb: {  	s0 =	sadd.s32 @!p0 $0x100000, s1;
	[bflag:$0x2] =	sbarrier.arrive $0xFFFF  }
0x7bc: {  	[sflag:s0] =	ssyncadd.tile.s32 @!p0 $0x1;
	_ =	shalt  }
.Lfunc_end2:
_tile_overlayer_lowered:
.L_overlay_start_2:
0x7bd: {  	(tag) =	ssettag $0x2  }
0x7be: {  	s0 =	rddreg [dreg:$0x0];
	s2 =	stileid.u32  }
0x7bf: {  	s1 =	rddreg [dreg:$0x1];
	p0 =	sne.s32 s2, $0x0  }
0x7c0: {  	s3 =	rddreg [dreg:$0x2];
	[bflag:$0x3] =	sbarrier.arrive $0xFFFF;
	s2 =	simm.s32 @!p0 $0x1C02  }
0x7c1: {  	[timem:s3], [sflag:s2] =	dma.local @!p0 [hbm:s0], s1  }
0x7c2: {  	s0 =	simm.s32 @!p0 $0x2  }
0x7c3: {  	_ =	swait.ge @!p0 [sflag:s0], s1  }
0x7c4: {  	s1 =	ssub.s32 @!p0 $0x0, s1;
	[sflag:s0] =	ssyncset.done @!p0 $0x0  }
0x7c5: {  	[sflag:s0] =	ssyncadd.s32 @!p0 s1  }
0x7c6: {  	[bflag:$0x3] =	sbarrier.arrive $0xFFFF  }
0x7c7: {  	_ =	shalt  }

</sc_bundles>
